<compile_context>
chip_gen: v7x
topology: tpu7x:2x2x1
jax: 0.10.2.dev20260603
libtpu: 0.0.44.dev20260713+nightly
codegen_flags: <defaults>
</compile_context>

<pallas_src>
import math

import jax
import jax.numpy as jnp
from jax import lax
from jax.experimental import pallas as pl
from jax.experimental.pallas import tpu as pltpu
from jax.experimental.pallas import tpu_sc as plsc

_B, _T, _D = 32, 16, 4096
_N = 5
_BW = 2.0
_L = 16
_WIN = 64
_PAD = 128
_ACC = _D + 2 * _PAD
_NEG_INF = float("-inf")
_BIG_I32 = 0x7FFFFFFF
_U = 16
_CAND = _D + _L


def cand_buf_slice(cref, cnt):
    return cref.at[pl.ds(cnt, _L)]


def _sc_kernel(x_hbm, out_hbm, row_v, acc_v, cand_a, cand_b, sem):
    c = lax.axis_index("c")
    s = lax.axis_index("s")
    w = s * 2 + c
    t = w // 2
    b_base = (w % 2) * 16

    iota = lax.iota(jnp.int32, _L)
    zeros = jnp.zeros((_L,), jnp.float32)


    coef = jnp.float32(1.0 / (_BW * math.sqrt(2.0 * math.pi)))
    table = []
    for jv in range(_WIN // _L):
        o = (iota + (jv * _L - 31)).astype(jnp.float32)
        z = o * jnp.float32(1.0 / _BW)
        table.append(coef * jnp.exp(jnp.float32(-0.5) * z * z))

    def fire_pair(jj):
        for r in range(2):
            b = b_base + jj * 2 + r
            off = ((jj % 2) * 2 + r) * _D
            pltpu.make_async_copy(
                x_hbm.at[b, t], row_v.at[pl.ds(off, _D)], sem).start()

    def drain_pair(jj):
        for r in range(2):
            b = b_base + jj * 2 + r
            off = ((jj % 2) * 2 + r) * _D
            pltpu.make_async_copy(
                x_hbm.at[b, t], row_v.at[pl.ds(off, _D)], sem).wait()

    fire_pair(0)

    def zero_body(i, _):
        acc_v[pl.ds(i * _L, _L)] = zeros
        return 0
    lax.fori_loop(0, _ACC // _L, zero_body, 0)

    minf_v = jnp.full((_L,), _NEG_INF, jnp.float32)
    big_v = jnp.full((_L,), _BIG_I32, jnp.int32)
    iota_u = [iota + u * _L for u in range(_U)]

    def select_row(cref, kcnt, o):
        ms = [minf_v] * _N
        is_ = [big_v] * _N
        nst = (kcnt + (_L - 1)) // _L

        def body(q, carry):
            ms = list(carry[:_N])
            is_ = list(carry[_N:])
            pos = q * _L + iota
            valid = pos < kcnt
            idx_raw = cref[pl.ds(q * _L, _L)]
            idx_safe = jnp.where(valid, idx_raw, 0)
            x = plsc.load_gather(row_v, [o + idx_safe])
            x = jnp.where(valid, x, minf_v)
            xi = jnp.where(valid, idx_raw, big_v)
            for k in range(_N):
                bsel = x > ms[k]
                nm = jnp.where(bsel, x, ms[k])
                ni = jnp.where(bsel, xi, is_[k])
                x = jnp.where(bsel, ms[k], x)
                xi = jnp.where(bsel, is_[k], xi)
                ms[k] = nm
                is_[k] = ni
            return tuple(ms) + tuple(is_)

        return lax.fori_loop(0, nst, body, tuple(ms) + tuple(is_))

    def extract_accumulate(state):
        ms = list(state[:_N])
        is_ = list(state[_N:])
        for _k in range(_N):
            gmax = jnp.max(ms[0])
            pm = ms[0] == gmax
            ibest = jnp.min(jnp.where(pm, is_[0], _BIG_I32))
            base = ibest + (_PAD - 31)
            for jv in range(_WIN // _L):
                idxv = base + (jv * _L) + iota
                plsc.addupdate_scatter(acc_v, [idxv], table[jv])
            pop = is_[0] == ibest
            for k in range(_N - 1):
                ms[k] = jnp.where(pop, ms[k + 1], ms[k])
                is_[k] = jnp.where(pop, is_[k + 1], is_[k])
            ms[_N - 1] = jnp.where(pop, jnp.full((_L,), _NEG_INF, jnp.float32),
                                   ms[_N - 1])
            is_[_N - 1] = jnp.where(pop, jnp.full((_L,), _BIG_I32, jnp.int32),
                                    is_[_N - 1])

    def pair_body(jj, _):
        drain_pair(jj)

        @pl.when(jj < 7)
        def _prefetch():
            fire_pair(jj + 1)

        slot_off = (jj % 2) * (2 * _D)
        oa = slot_off
        ob = slot_off + _D

        def p1(st, carry):
            ma, mb = carry
            base = st * (_U * _L)
            for u in range(_U):
                ma = jnp.maximum(ma, row_v[pl.ds(oa + base + u * _L, _L)])
                mb = jnp.maximum(mb, row_v[pl.ds(ob + base + u * _L, _L)])
            return ma, mb

        ma, mb = lax.fori_loop(0, _D // (_U * _L), p1, (minf_v, minf_v))
        ska, _sva = plsc.sort_key_val(ma, ma)
        skb, _svb = plsc.sort_key_val(mb, mb)
        t0a = jnp.squeeze(lax.slice(ska, (11,), (12,)))
        t0b = jnp.squeeze(lax.slice(skb, (11,), (12,)))

        def p2(st, carry):
            ca, cb = carry
            base = st * (_U * _L)
            news = []
            for o, t0, cref, cnt in ((oa, t0a, cand_a, ca),
                                     (ob, t0b, cand_b, cb)):
                xs = [row_v[pl.ds(o + base + u * _L, _L)] for u in range(_U)]
                msks = [x >= t0 for x in xs]
                for u in range(_U):
                    xi = iota_u[u] + base
                    plsc.store_compressed(
                        cand_buf_slice(cref, cnt), xi, mask=msks[u])
                    pc = plsc.all_reduce_population_count(msks[u])
                    cnt = cnt + jnp.squeeze(lax.slice(pc, (0,), (1,)))
                news.append(cnt)
            return tuple(news)

        ka, kb = lax.fori_loop(0, _D // (_U * _L), p2,
                               (jnp.int32(0), jnp.int32(0)))

        sa = select_row(cand_a, ka, oa)
        sb = select_row(cand_b, kb, ob)
        extract_accumulate(sa)
        extract_accumulate(sb)
        return 0

    lax.fori_loop(0, 8, pair_body, 0)

    for cc in range(_D // 128):
        pltpu.make_async_copy(
            acc_v.at[pl.ds(_PAD + cc * 128, 128)],
            out_hbm.at[w, pl.ds(cc * 128, 128)], sem).start()
    for cc in range(_D // 128):
        pltpu.make_async_copy(
            acc_v.at[pl.ds(_PAD + cc * 128, 128)],
            out_hbm.at[w, pl.ds(cc * 128, 128)], sem).wait()


@jax.jit
def kernel(inputs):
    assert inputs.shape == (_B, _T, _D) and inputs.dtype == jnp.float32
    mesh = plsc.VectorSubcoreMesh(core_axis_name="c", subcore_axis_name="s")
    run = pl.kernel(
        _sc_kernel,
        out_type=jax.ShapeDtypeStruct((_B, _D), jnp.float32),
        mesh=mesh,
        scratch_types=[
            pltpu.VMEM((4 * _D,), jnp.float32),
            pltpu.VMEM((_ACC,), jnp.float32),
            pltpu.VMEM((_CAND,), jnp.int32),
            pltpu.VMEM((_CAND,), jnp.int32),
            pltpu.SemaphoreType.DMA,
        ],
        compiler_params=pltpu.CompilerParams(
            needs_layout_passes=False, use_tc_tiling_on_sc=True),
    )
    return run(inputs)

# --- scband reference (transcript-rebuilt; emitter-appended) ---
"""Pipeline reference for scband-prob-estimation-19232863552211 (READ-ONLY COPY).

The authoritative reference and input builder live on the scoring server;
editing this copy changes nothing except your own understanding.
"""

import jax, jax.numpy as jnp
import numpy as np

N_TOPS = 5
BW = 2.0


def setup_inputs(seed: int = 0) -> dict:
    key = jax.random.key(seed)
    inputs = jax.random.normal(key, (32, 16, 4096), dtype=jnp.float32)
    return {"inputs": inputs}


def reference(inputs):
    # inputs: [B, T, D]
    B, T, D = inputs.shape
    n = N_TOPS
    bw = BW
    # tf.map_fn over t in range(T): top_k(inputs[:, t, :], n).indices -> [B, n],
    # stacked over T gives tops of shape [T, B, n]
    _, idx = jax.lax.top_k(inputs, n)          # [B, T, n]
    tops = jnp.transpose(idx, (1, 0, 2))       # [T, B, n] (matches tf.map_fn stacking)
    # tf.reshape(tops, [B, -1]) flattens row-major [T, B, n] into [B, T*n]
    flat_tops = jnp.reshape(tops, (B, T * n))  # [B, T*n] (faithful to original reshape)
    centers = flat_tops.astype(jnp.float32)[:, :, None]                    # [B, T*n, 1]
    axis_vals = jnp.arange(D, dtype=jnp.float32)[None, None, :]            # [1, 1, D]
    batch_flat_tops_mat = jnp.ones((B, T * n, D), dtype=jnp.float32) * centers
    batch_ntime_axis = jnp.ones((B, T * n, D), dtype=jnp.float32) * axis_vals
    diff = batch_ntime_axis - batch_flat_tops_mat
    # Normal(0, bw).prob(diff)
    coef = 1.0 / (bw * jnp.sqrt(2.0 * jnp.pi))
    pdf = coef * jnp.exp(-0.5 * jnp.square(diff / bw))                     # [B, T*n, D]
    gaussian_mean = jnp.sum(pdf, axis=1)                                   # [B, D]
    return gaussian_mean

if __name__ == "__main__":
    import jax
    _d = setup_inputs()
    print(jax.jit(kernel)(*tuple(_d.values())))

</pallas_src>

<mosaic_0001>
#map = affine_map<(d0, d1) -> (0, 0, 0)>
#map1 = affine_map<(d0, d1) -> (0, 0)>
module attributes {stable_mosaic.version = 14 : i64} {
  func.func @_sc_kernel(%arg0: i32, %arg1: i32, %arg2: memref<32x16x4096xf32, #tpu.memory_space<hbm>>, %arg3: memref<32x4096xf32, #tpu.memory_space<hbm>>, %arg4: memref<16384xf32, #tpu.memory_space<vmem>>, %arg5: memref<4352xf32, #tpu.memory_space<vmem>>, %arg6: memref<4112xi32, #tpu.memory_space<vmem>>, %arg7: memref<4112xi32, #tpu.memory_space<vmem>>, %arg8: memref<!tpu.dma_semaphore, #tpu.memory_space<semaphore_mem>>) attributes {dimension_semantics = [#tpu.dimension_semantics<core_parallel>, #tpu.dimension_semantics<subcore_parallel>], iteration_bounds = array<i64: 2, 16>, scalar_prefetch = 0 : i64, scratch_operands = 5 : i64, tpu.core_type = #tpu.core_type<sc_vector_subcore>, window_params = [{transform_indices = #map}, {transform_indices = #map1}]} {
    %mul3A = arith.constant 2 : i32
    %mul3A_0 = arith.muli %arg1, %mul3A : i32
    %add3A = arith.addi %mul3A_0, %arg0 : i32
    %jit3A = arith.constant 2 : i32
    %div3A = arith.divsi %add3A, %jit3A : i32
    %sign3A = arith.constant 0 : i32
    %sign3A_1 = arith.cmpi sgt, %add3A, %sign3A : i32
    %sign3A_2 = arith.extui %sign3A_1 : i1 to i32
    %sign3A_3 = arith.constant 0 : i32
    %sign3A_4 = arith.cmpi slt, %add3A, %sign3A_3 : i32
    %sign3A_5 = arith.extui %sign3A_4 : i1 to i32
    %sign3A_6 = arith.subi %sign3A_2, %sign3A_5 : i32
    %sign3A_7 = arith.constant 0 : i32
    %sign3A_8 = arith.cmpi sgt, %jit3A, %sign3A_7 : i32
    %sign3A_9 = arith.extui %sign3A_8 : i1 to i32
    %sign3A_10 = arith.constant 0 : i32
    %sign3A_11 = arith.cmpi slt, %jit3A, %sign3A_10 : i32
    %sign3A_12 = arith.extui %sign3A_11 : i1 to i32
    %sign3A_13 = arith.subi %sign3A_9, %sign3A_12 : i32
    %ne3A = arith.cmpi ne, %sign3A_6, %sign3A_13 : i32
    %rem3A = arith.remsi %add3A, %jit3A : i32
    %ne3A_14 = arith.constant 0 : i32
    %ne3A_15 = arith.cmpi ne, %rem3A, %ne3A_14 : i32
    %and3A = arith.andi %ne3A, %ne3A_15 : i1
    %sub3A = arith.constant 1 : i32
    %sub3A_16 = arith.subi %div3A, %sub3A : i32
    %select_n3A = arith.select %and3A, %sub3A_16, %div3A : i32
    %jit3A_17 = arith.constant 2 : i32
    %eq3A = arith.constant 0 : i32
    %eq3A_18 = arith.cmpi eq, %jit3A_17, %eq3A : i32
    %jit3A_19 = arith.constant 1 : i32
    %select_n3A_20 = arith.select %eq3A_18, %jit3A_19, %jit3A_17 : i32
    %rem3A_21 = arith.remsi %add3A, %select_n3A_20 : i32
    %ne3A_22 = arith.constant 0 : i32
    %ne3A_23 = arith.cmpi ne, %rem3A_21, %ne3A_22 : i32
    %lt3A = arith.constant 0 : i32
    %lt3A_24 = arith.cmpi slt, %rem3A_21, %lt3A : i32
    %lt3A_25 = arith.constant 0 : i32
    %lt3A_26 = arith.cmpi slt, %select_n3A_20, %lt3A_25 : i32
    %ne3A_27 = arith.xori %lt3A_24, %lt3A_26 : i1
    %and3A_28 = arith.andi %ne3A_27, %ne3A_23 : i1
    %add3A_29 = arith.addi %rem3A_21, %select_n3A_20 : i32
    %select_n3A_30 = arith.select %and3A_28, %add3A_29, %rem3A_21 : i32
    %mul3A_31 = arith.constant 16 : i32
    %mul3A_32 = arith.muli %select_n3A_30, %mul3A_31 : i32
    %iota3A = tpu.iota {dimensions = array<i32: 0>} : vector<16xi32>
    %broadcast_in_dim3A = arith.constant 0.000000e+00 : f32
    %broadcast_in_dim3A_33 = vector.broadcast %broadcast_in_dim3A : f32 to vector<16xf32>
    %add3A_34 = arith.constant -31 : i32
    %add3A_35 = vector.broadcast %add3A_34 : i32 to vector<16xi32>
    %add3A_36 = arith.addi %iota3A, %add3A_35 : vector<16xi32>
    %convert_element_type3A = arith.sitofp %add3A_36 : vector<16xi32> to vector<16xf32>
    %mul3A_37 = arith.constant 5.000000e-01 : f32
    %mul3A_38 = vector.broadcast %mul3A_37 : f32 to vector<16xf32>
    %mul3A_39 = arith.mulf %convert_element_type3A, %mul3A_38 : vector<16xf32>
    %mul3A_40 = arith.constant -5.000000e-01 : f32
    %mul3A_41 = vector.broadcast %mul3A_40 : f32 to vector<16xf32>
    %mul3A_42 = arith.mulf %mul3A_41, %mul3A_39 : vector<16xf32>
    %mul3A_43 = arith.mulf %mul3A_42, %mul3A_39 : vector<16xf32>
    %exp3A = math.exp %mul3A_43 : vector<16xf32>
    %mul3A_44 = arith.constant 0.199471146 : f32
    %mul3A_45 = vector.broadcast %mul3A_44 : f32 to vector<16xf32>
    %mul3A_46 = arith.mulf %mul3A_45, %exp3A : vector<16xf32>
    %add3A_47 = arith.constant -15 : i32
    %add3A_48 = vector.broadcast %add3A_47 : i32 to vector<16xi32>
    %add3A_49 = arith.addi %iota3A, %add3A_48 : vector<16xi32>
    %convert_element_type3A_50 = arith.sitofp %add3A_49 : vector<16xi32> to vector<16xf32>
    %mul3A_51 = arith.constant 5.000000e-01 : f32
    %mul3A_52 = vector.broadcast %mul3A_51 : f32 to vector<16xf32>
    %mul3A_53 = arith.mulf %convert_element_type3A_50, %mul3A_52 : vector<16xf32>
    %mul3A_54 = arith.constant -5.000000e-01 : f32
    %mul3A_55 = vector.broadcast %mul3A_54 : f32 to vector<16xf32>
    %mul3A_56 = arith.mulf %mul3A_55, %mul3A_53 : vector<16xf32>
    %mul3A_57 = arith.mulf %mul3A_56, %mul3A_53 : vector<16xf32>
    %exp3A_58 = math.exp %mul3A_57 : vector<16xf32>
    %mul3A_59 = arith.constant 0.199471146 : f32
    %mul3A_60 = vector.broadcast %mul3A_59 : f32 to vector<16xf32>
    %mul3A_61 = arith.mulf %mul3A_60, %exp3A_58 : vector<16xf32>
    %add3A_62 = arith.constant 1 : i32
    %add3A_63 = vector.broadcast %add3A_62 : i32 to vector<16xi32>
    %add3A_64 = arith.addi %iota3A, %add3A_63 : vector<16xi32>
    %convert_element_type3A_65 = arith.sitofp %add3A_64 : vector<16xi32> to vector<16xf32>
    %mul3A_66 = arith.constant 5.000000e-01 : f32
    %mul3A_67 = vector.broadcast %mul3A_66 : f32 to vector<16xf32>
    %mul3A_68 = arith.mulf %convert_element_type3A_65, %mul3A_67 : vector<16xf32>
    %mul3A_69 = arith.constant -5.000000e-01 : f32
    %mul3A_70 = vector.broadcast %mul3A_69 : f32 to vector<16xf32>
    %mul3A_71 = arith.mulf %mul3A_70, %mul3A_68 : vector<16xf32>
    %mul3A_72 = arith.mulf %mul3A_71, %mul3A_68 : vector<16xf32>
    %exp3A_73 = math.exp %mul3A_72 : vector<16xf32>
    %mul3A_74 = arith.constant 0.199471146 : f32
    %mul3A_75 = vector.broadcast %mul3A_74 : f32 to vector<16xf32>
    %mul3A_76 = arith.mulf %mul3A_75, %exp3A_73 : vector<16xf32>
    %add3A_77 = arith.constant 17 : i32
    %add3A_78 = vector.broadcast %add3A_77 : i32 to vector<16xi32>
    %add3A_79 = arith.addi %iota3A, %add3A_78 : vector<16xi32>
    %convert_element_type3A_80 = arith.sitofp %add3A_79 : vector<16xi32> to vector<16xf32>
    %mul3A_81 = arith.constant 5.000000e-01 : f32
    %mul3A_82 = vector.broadcast %mul3A_81 : f32 to vector<16xf32>
    %mul3A_83 = arith.mulf %convert_element_type3A_80, %mul3A_82 : vector<16xf32>
    %mul3A_84 = arith.constant -5.000000e-01 : f32
    %mul3A_85 = vector.broadcast %mul3A_84 : f32 to vector<16xf32>
    %mul3A_86 = arith.mulf %mul3A_85, %mul3A_83 : vector<16xf32>
    %mul3A_87 = arith.mulf %mul3A_86, %mul3A_83 : vector<16xf32>
    %exp3A_88 = math.exp %mul3A_87 : vector<16xf32>
    %mul3A_89 = arith.constant 0.199471146 : f32
    %mul3A_90 = vector.broadcast %mul3A_89 : f32 to vector<16xf32>
    %mul3A_91 = arith.mulf %mul3A_90, %exp3A_88 : vector<16xf32>
    %add3A_92 = arith.constant 0 : i32
    %add3A_93 = arith.addi %mul3A_32, %add3A_92 : i32
    %add3A_94 = arith.constant 0 : i32
    %add3A_95 = arith.addi %add3A_93, %add3A_94 : i32
    %dma_start3A = arith.constant 0 : i32
    %dma_start3A_96 = tpu.memref_slice %arg4[%dma_start3A] : memref<16384xf32, #tpu.memory_space<vmem>> -> memref<4096xf32, #tpu.memory_space<vmem>>
    %dma_start3A_97 = arith.constant 0 : i32
    %dma_start3A_98 = tpu.memref_slice %arg2[%add3A_95, %select_n3A, %dma_start3A_97] : memref<32x16x4096xf32, #tpu.memory_space<hbm>> -> memref<1x1x4096xf32, #tpu.memory_space<hbm>>
    %dma_start3A_99 = tpu.memref_squeeze %dma_start3A_98 : memref<1x1x4096xf32, #tpu.memory_space<hbm>> -> memref<4096xf32, #tpu.memory_space<hbm>>
    %dma_start3A_100 = arith.constant 0 : i32
    %dma_start3A_101 = tpu.memref_slice %arg4[%dma_start3A_100] : memref<16384xf32, #tpu.memory_space<vmem>> -> memref<4096xf32, #tpu.memory_space<vmem>>
    %dma_start3A_102 = arith.constant 0 : i32
    %dma_start3A_103 = tpu.memref_slice %arg2[%add3A_95, %select_n3A, %dma_start3A_102] : memref<32x16x4096xf32, #tpu.memory_space<hbm>> -> memref<1x1x4096xf32, #tpu.memory_space<hbm>>
    %dma_start3A_104 = tpu.memref_squeeze %dma_start3A_103 : memref<1x1x4096xf32, #tpu.memory_space<hbm>> -> memref<4096xf32, #tpu.memory_space<hbm>>
    tpu.enqueue_dma source(%dma_start3A_104 : memref<4096xf32, #tpu.memory_space<hbm>>) target(%dma_start3A_101 : memref<4096xf32, #tpu.memory_space<vmem>>) target_semaphore(%arg8 : memref<!tpu.dma_semaphore, #tpu.memory_space<semaphore_mem>>)
    %add3A_105 = arith.constant 0 : i32
    %add3A_106 = arith.addi %mul3A_32, %add3A_105 : i32
    %add3A_107 = arith.constant 1 : i32
    %add3A_108 = arith.addi %add3A_106, %add3A_107 : i32
    %dma_start3A_109 = arith.constant 4096 : i32
    %dma_start3A_110 = tpu.memref_slice %arg4[%dma_start3A_109] : memref<16384xf32, #tpu.memory_space<vmem>> -> memref<4096xf32, #tpu.memory_space<vmem>>
    %dma_start3A_111 = arith.constant 0 : i32
    %dma_start3A_112 = tpu.memref_slice %arg2[%add3A_108, %select_n3A, %dma_start3A_111] : memref<32x16x4096xf32, #tpu.memory_space<hbm>> -> memref<1x1x4096xf32, #tpu.memory_space<hbm>>
    %dma_start3A_113 = tpu.memref_squeeze %dma_start3A_112 : memref<1x1x4096xf32, #tpu.memory_space<hbm>> -> memref<4096xf32, #tpu.memory_space<hbm>>
    %dma_start3A_114 = arith.constant 4096 : i32
    %dma_start3A_115 = tpu.memref_slice %arg4[%dma_start3A_114] : memref<16384xf32, #tpu.memory_space<vmem>> -> memref<4096xf32, #tpu.memory_space<vmem>>
    %dma_start3A_116 = arith.constant 0 : i32
    %dma_start3A_117 = tpu.memref_slice %arg2[%add3A_108, %select_n3A, %dma_start3A_116] : memref<32x16x4096xf32, #tpu.memory_space<hbm>> -> memref<1x1x4096xf32, #tpu.memory_space<hbm>>
    %dma_start3A_118 = tpu.memref_squeeze %dma_start3A_117 : memref<1x1x4096xf32, #tpu.memory_space<hbm>> -> memref<4096xf32, #tpu.memory_space<hbm>>
    tpu.enqueue_dma source(%dma_start3A_118 : memref<4096xf32, #tpu.memory_space<hbm>>) target(%dma_start3A_115 : memref<4096xf32, #tpu.memory_space<vmem>>) target_semaphore(%arg8 : memref<!tpu.dma_semaphore, #tpu.memory_space<semaphore_mem>>)
    %scan3A = arith.constant 0 : i32
    %scan3A_119 = arith.constant 0 : i32
    %scan3A_120 = arith.constant 272 : i32
    %scan3A_121 = arith.addi %scan3A_119, %scan3A_120 : i32
    %scan3A_122 = arith.constant 1 : i32
    %scan3A_123 = scf.for %scan3A_823 = %scan3A_119 to %scan3A_121 step %scan3A_122 iter_args(%scan3A_824 = %scan3A) -> (i32)  : i32 {
      %mul3A_825 = arith.constant 16 : i32
      %mul3A_826 = arith.muli %scan3A_823, %mul3A_825 : i32
      %swap3A = arith.index_cast %mul3A_826 : i32 to index
      %swap3A_827 = tpu.vector_load %arg5[%swap3A] {strides = array<i32>} : memref<4352xf32, #tpu.memory_space<vmem>>, vector<16xf32>,
      tpu.vector_store %arg5[%swap3A], %broadcast_in_dim3A_33 {strides = array<i32>} : memref<4352xf32, #tpu.memory_space<vmem>>, vector<16xf32>,
      %scan3A_828 = arith.constant 0 : i32
      scf.yield %scan3A_828 : i32
    }
    %scan3A_124 = arith.constant 272 : i32
    %broadcast_in_dim3A_125 = arith.constant 0xFF800000 : f32
    %broadcast_in_dim3A_126 = vector.broadcast %broadcast_in_dim3A_125 : f32 to vector<16xf32>
    %broadcast_in_dim3A_127 = arith.constant 2147483647 : i32
    %broadcast_in_dim3A_128 = vector.broadcast %broadcast_in_dim3A_127 : i32 to vector<16xi32>
    %add3A_129 = arith.constant 0 : i32
    %add3A_130 = vector.broadcast %add3A_129 : i32 to vector<16xi32>
    %add3A_131 = arith.addi %iota3A, %add3A_130 : vector<16xi32>
    %add3A_132 = arith.constant 16 : i32
    %add3A_133 = vector.broadcast %add3A_132 : i32 to vector<16xi32>
    %add3A_134 = arith.addi %iota3A, %add3A_133 : vector<16xi32>
    %add3A_135 = arith.constant 32 : i32
    %add3A_136 = vector.broadcast %add3A_135 : i32 to vector<16xi32>
    %add3A_137 = arith.addi %iota3A, %add3A_136 : vector<16xi32>
    %add3A_138 = arith.constant 48 : i32
    %add3A_139 = vector.broadcast %add3A_138 : i32 to vector<16xi32>
    %add3A_140 = arith.addi %iota3A, %add3A_139 : vector<16xi32>
    %add3A_141 = arith.constant 64 : i32
    %add3A_142 = vector.broadcast %add3A_141 : i32 to vector<16xi32>
    %add3A_143 = arith.addi %iota3A, %add3A_142 : vector<16xi32>
    %add3A_144 = arith.constant 80 : i32
    %add3A_145 = vector.broadcast %add3A_144 : i32 to vector<16xi32>
    %add3A_146 = arith.addi %iota3A, %add3A_145 : vector<16xi32>
    %add3A_147 = arith.constant 96 : i32
    %add3A_148 = vector.broadcast %add3A_147 : i32 to vector<16xi32>
    %add3A_149 = arith.addi %iota3A, %add3A_148 : vector<16xi32>
    %add3A_150 = arith.constant 112 : i32
    %add3A_151 = vector.broadcast %add3A_150 : i32 to vector<16xi32>
    %add3A_152 = arith.addi %iota3A, %add3A_151 : vector<16xi32>
    %add3A_153 = arith.constant 128 : i32
    %add3A_154 = vector.broadcast %add3A_153 : i32 to vector<16xi32>
    %add3A_155 = arith.addi %iota3A, %add3A_154 : vector<16xi32>
    %add3A_156 = arith.constant 144 : i32
    %add3A_157 = vector.broadcast %add3A_156 : i32 to vector<16xi32>
    %add3A_158 = arith.addi %iota3A, %add3A_157 : vector<16xi32>
    %add3A_159 = arith.constant 160 : i32
    %add3A_160 = vector.broadcast %add3A_159 : i32 to vector<16xi32>
    %add3A_161 = arith.addi %iota3A, %add3A_160 : vector<16xi32>
    %add3A_162 = arith.constant 176 : i32
    %add3A_163 = vector.broadcast %add3A_162 : i32 to vector<16xi32>
    %add3A_164 = arith.addi %iota3A, %add3A_163 : vector<16xi32>
    %add3A_165 = arith.constant 192 : i32
    %add3A_166 = vector.broadcast %add3A_165 : i32 to vector<16xi32>
    %add3A_167 = arith.addi %iota3A, %add3A_166 : vector<16xi32>
    %add3A_168 = arith.constant 208 : i32
    %add3A_169 = vector.broadcast %add3A_168 : i32 to vector<16xi32>
    %add3A_170 = arith.addi %iota3A, %add3A_169 : vector<16xi32>
    %add3A_171 = arith.constant 224 : i32
    %add3A_172 = vector.broadcast %add3A_171 : i32 to vector<16xi32>
    %add3A_173 = arith.addi %iota3A, %add3A_172 : vector<16xi32>
    %add3A_174 = arith.constant 240 : i32
    %add3A_175 = vector.broadcast %add3A_174 : i32 to vector<16xi32>
    %add3A_176 = arith.addi %iota3A, %add3A_175 : vector<16xi32>
    %scan3A_177 = arith.constant 0 : i32
    %scan3A_178 = arith.constant 0 : i32
    %scan3A_179 = arith.constant 8 : i32
    %scan3A_180 = arith.addi %scan3A_178, %scan3A_179 : i32
    %scan3A_181 = arith.constant 1 : i32
    %scan3A_182 = scf.for %scan3A_823 = %scan3A_178 to %scan3A_180 step %scan3A_181 iter_args(%scan3A_824 = %scan3A_177) -> (i32)  : i32 {
      %mul3A_825 = arith.constant 2 : i32
      %mul3A_826 = arith.muli %scan3A_823, %mul3A_825 : i32
      %add3A_827 = arith.addi %mul3A_32, %mul3A_826 : i32
      %add3A_828 = arith.constant 0 : i32
      %add3A_829 = arith.addi %add3A_827, %add3A_828 : i32
      %jit3A_830 = arith.constant 2 : i32
      %eq3A_831 = arith.constant 0 : i32
      %eq3A_832 = arith.cmpi eq, %jit3A_830, %eq3A_831 : i32
      %jit3A_833 = arith.constant 1 : i32
      %select_n3A_834 = arith.select %eq3A_832, %jit3A_833, %jit3A_830 : i32
      %rem3A_835 = arith.remsi %scan3A_823, %select_n3A_834 : i32
      %ne3A_836 = arith.constant 0 : i32
      %ne3A_837 = arith.cmpi ne, %rem3A_835, %ne3A_836 : i32
      %lt3A_838 = arith.constant 0 : i32
      %lt3A_839 = arith.cmpi slt, %rem3A_835, %lt3A_838 : i32
      %lt3A_840 = arith.constant 0 : i32
      %lt3A_841 = arith.cmpi slt, %select_n3A_834, %lt3A_840 : i32
      %ne3A_842 = arith.xori %lt3A_839, %lt3A_841 : i1
      %and3A_843 = arith.andi %ne3A_842, %ne3A_837 : i1
      %add3A_844 = arith.addi %rem3A_835, %select_n3A_834 : i32
      %select_n3A_845 = arith.select %and3A_843, %add3A_844, %rem3A_835 : i32
      %mul3A_846 = arith.constant 2 : i32
      %mul3A_847 = arith.muli %select_n3A_845, %mul3A_846 : i32
      %add3A_848 = arith.constant 0 : i32
      %add3A_849 = arith.addi %mul3A_847, %add3A_848 : i32
      %mul3A_850 = arith.constant 4096 : i32
      %mul3A_851 = arith.muli %add3A_849, %mul3A_850 : i32
      %dma_wait3A_852 = tpu.memref_slice %arg4[%mul3A_851] : memref<16384xf32, #tpu.memory_space<vmem>> -> memref<4096xf32, #tpu.memory_space<vmem>>
      %dma_wait3A_853 = arith.constant 0 : i32
      %dma_wait3A_854 = tpu.memref_slice %arg2[%add3A_829, %select_n3A, %dma_wait3A_853] : memref<32x16x4096xf32, #tpu.memory_space<hbm>> -> memref<1x1x4096xf32, #tpu.memory_space<hbm>>
      %dma_wait3A_855 = tpu.memref_squeeze %dma_wait3A_854 : memref<1x1x4096xf32, #tpu.memory_space<hbm>> -> memref<4096xf32, #tpu.memory_space<hbm>>
      %dma_wait3A_856 = tpu.memref_slice %arg4[%mul3A_851] : memref<16384xf32, #tpu.memory_space<vmem>> -> memref<4096xf32, #tpu.memory_space<vmem>>
      %dma_wait3A_857 = arith.constant 0 : i32
      %dma_wait3A_858 = tpu.memref_slice %arg2[%add3A_829, %select_n3A, %dma_wait3A_857] : memref<32x16x4096xf32, #tpu.memory_space<hbm>> -> memref<1x1x4096xf32, #tpu.memory_space<hbm>>
      %dma_wait3A_859 = tpu.memref_squeeze %dma_wait3A_858 : memref<1x1x4096xf32, #tpu.memory_space<hbm>> -> memref<4096xf32, #tpu.memory_space<hbm>>
      tpu.wait_dma2 semaphore(%arg8 : memref<!tpu.dma_semaphore, #tpu.memory_space<semaphore_mem>>) src(%dma_wait3A_859 : memref<4096xf32, #tpu.memory_space<hbm>>) dst(%dma_wait3A_856 : memref<4096xf32, #tpu.memory_space<vmem>>)
      %mul3A_860 = arith.constant 2 : i32
      %mul3A_861 = arith.muli %scan3A_823, %mul3A_860 : i32
      %add3A_862 = arith.addi %mul3A_32, %mul3A_861 : i32
      %add3A_863 = arith.constant 1 : i32
      %add3A_864 = arith.addi %add3A_862, %add3A_863 : i32
      %jit3A_865 = arith.constant 2 : i32
      %eq3A_866 = arith.constant 0 : i32
      %eq3A_867 = arith.cmpi eq, %jit3A_865, %eq3A_866 : i32
      %jit3A_868 = arith.constant 1 : i32
      %select_n3A_869 = arith.select %eq3A_867, %jit3A_868, %jit3A_865 : i32
      %rem3A_870 = arith.remsi %scan3A_823, %select_n3A_869 : i32
      %ne3A_871 = arith.constant 0 : i32
      %ne3A_872 = arith.cmpi ne, %rem3A_870, %ne3A_871 : i32
      %lt3A_873 = arith.constant 0 : i32
      %lt3A_874 = arith.cmpi slt, %rem3A_870, %lt3A_873 : i32
      %lt3A_875 = arith.constant 0 : i32
      %lt3A_876 = arith.cmpi slt, %select_n3A_869, %lt3A_875 : i32
      %ne3A_877 = arith.xori %lt3A_874, %lt3A_876 : i1
      %and3A_878 = arith.andi %ne3A_877, %ne3A_872 : i1
      %add3A_879 = arith.addi %rem3A_870, %select_n3A_869 : i32
      %select_n3A_880 = arith.select %and3A_878, %add3A_879, %rem3A_870 : i32
      %mul3A_881 = arith.constant 2 : i32
      %mul3A_882 = arith.muli %select_n3A_880, %mul3A_881 : i32
      %add3A_883 = arith.constant 1 : i32
      %add3A_884 = arith.addi %mul3A_882, %add3A_883 : i32
      %mul3A_885 = arith.constant 4096 : i32
      %mul3A_886 = arith.muli %add3A_884, %mul3A_885 : i32
      %dma_wait3A_887 = tpu.memref_slice %arg4[%mul3A_886] : memref<16384xf32, #tpu.memory_space<vmem>> -> memref<4096xf32, #tpu.memory_space<vmem>>
      %dma_wait3A_888 = arith.constant 0 : i32
      %dma_wait3A_889 = tpu.memref_slice %arg2[%add3A_864, %select_n3A, %dma_wait3A_888] : memref<32x16x4096xf32, #tpu.memory_space<hbm>> -> memref<1x1x4096xf32, #tpu.memory_space<hbm>>
      %dma_wait3A_890 = tpu.memref_squeeze %dma_wait3A_889 : memref<1x1x4096xf32, #tpu.memory_space<hbm>> -> memref<4096xf32, #tpu.memory_space<hbm>>
      %dma_wait3A_891 = tpu.memref_slice %arg4[%mul3A_886] : memref<16384xf32, #tpu.memory_space<vmem>> -> memref<4096xf32, #tpu.memory_space<vmem>>
      %dma_wait3A_892 = arith.constant 0 : i32
      %dma_wait3A_893 = tpu.memref_slice %arg2[%add3A_864, %select_n3A, %dma_wait3A_892] : memref<32x16x4096xf32, #tpu.memory_space<hbm>> -> memref<1x1x4096xf32, #tpu.memory_space<hbm>>
      %dma_wait3A_894 = tpu.memref_squeeze %dma_wait3A_893 : memref<1x1x4096xf32, #tpu.memory_space<hbm>> -> memref<4096xf32, #tpu.memory_space<hbm>>
      tpu.wait_dma2 semaphore(%arg8 : memref<!tpu.dma_semaphore, #tpu.memory_space<semaphore_mem>>) src(%dma_wait3A_894 : memref<4096xf32, #tpu.memory_space<hbm>>) dst(%dma_wait3A_891 : memref<4096xf32, #tpu.memory_space<vmem>>)
      %lt3A_895 = arith.constant 7 : i32
      %lt3A_896 = arith.cmpi slt, %scan3A_823, %lt3A_895 : i32
      %convert_element_type3A_897 = arith.extui %lt3A_896 : i1 to i32
      %cond3A = arith.constant 0 : i32
      %cond3A_898 = arith.cmpi ne, %convert_element_type3A_897, %cond3A : i32
      scf.if %cond3A_898 {
        %add3A_1524 = arith.constant 1 : i32
        %add3A_1525 = arith.addi %scan3A_823, %add3A_1524 : i32
        %mul3A_1526 = arith.constant 2 : i32
        %mul3A_1527 = arith.muli %add3A_1525, %mul3A_1526 : i32
        %add3A_1528 = arith.addi %mul3A_32, %mul3A_1527 : i32
        %add3A_1529 = arith.constant 0 : i32
        %add3A_1530 = arith.addi %add3A_1528, %add3A_1529 : i32
        %jit3A_1531 = arith.constant 2 : i32
        %eq3A_1532 = arith.constant 0 : i32
        %eq3A_1533 = arith.cmpi eq, %jit3A_1531, %eq3A_1532 : i32
        %jit3A_1534 = arith.constant 1 : i32
        %select_n3A_1535 = arith.select %eq3A_1533, %jit3A_1534, %jit3A_1531 : i32
        %rem3A_1536 = arith.remsi %add3A_1525, %select_n3A_1535 : i32
        %ne3A_1537 = arith.constant 0 : i32
        %ne3A_1538 = arith.cmpi ne, %rem3A_1536, %ne3A_1537 : i32
        %lt3A_1539 = arith.constant 0 : i32
        %lt3A_1540 = arith.cmpi slt, %rem3A_1536, %lt3A_1539 : i32
        %lt3A_1541 = arith.constant 0 : i32
        %lt3A_1542 = arith.cmpi slt, %select_n3A_1535, %lt3A_1541 : i32
        %ne3A_1543 = arith.xori %lt3A_1540, %lt3A_1542 : i1
        %and3A_1544 = arith.andi %ne3A_1543, %ne3A_1538 : i1
        %add3A_1545 = arith.addi %rem3A_1536, %select_n3A_1535 : i32
        %select_n3A_1546 = arith.select %and3A_1544, %add3A_1545, %rem3A_1536 : i32
        %mul3A_1547 = arith.constant 2 : i32
        %mul3A_1548 = arith.muli %select_n3A_1546, %mul3A_1547 : i32
        %add3A_1549 = arith.constant 0 : i32
        %add3A_1550 = arith.addi %mul3A_1548, %add3A_1549 : i32
        %mul3A_1551 = arith.constant 4096 : i32
        %mul3A_1552 = arith.muli %add3A_1550, %mul3A_1551 : i32
        %dma_start3A_1553 = tpu.memref_slice %arg4[%mul3A_1552] : memref<16384xf32, #tpu.memory_space<vmem>> -> memref<4096xf32, #tpu.memory_space<vmem>>
        %dma_start3A_1554 = arith.constant 0 : i32
        %dma_start3A_1555 = tpu.memref_slice %arg2[%add3A_1530, %select_n3A, %dma_start3A_1554] : memref<32x16x4096xf32, #tpu.memory_space<hbm>> -> memref<1x1x4096xf32, #tpu.memory_space<hbm>>
        %dma_start3A_1556 = tpu.memref_squeeze %dma_start3A_1555 : memref<1x1x4096xf32, #tpu.memory_space<hbm>> -> memref<4096xf32, #tpu.memory_space<hbm>>
        %dma_start3A_1557 = tpu.memref_slice %arg4[%mul3A_1552] : memref<16384xf32, #tpu.memory_space<vmem>> -> memref<4096xf32, #tpu.memory_space<vmem>>
        %dma_start3A_1558 = arith.constant 0 : i32
        %dma_start3A_1559 = tpu.memref_slice %arg2[%add3A_1530, %select_n3A, %dma_start3A_1558] : memref<32x16x4096xf32, #tpu.memory_space<hbm>> -> memref<1x1x4096xf32, #tpu.memory_space<hbm>>
        %dma_start3A_1560 = tpu.memref_squeeze %dma_start3A_1559 : memref<1x1x4096xf32, #tpu.memory_space<hbm>> -> memref<4096xf32, #tpu.memory_space<hbm>>
        tpu.enqueue_dma source(%dma_start3A_1560 : memref<4096xf32, #tpu.memory_space<hbm>>) target(%dma_start3A_1557 : memref<4096xf32, #tpu.memory_space<vmem>>) target_semaphore(%arg8 : memref<!tpu.dma_semaphore, #tpu.memory_space<semaphore_mem>>)
        %mul3A_1561 = arith.constant 2 : i32
        %mul3A_1562 = arith.muli %add3A_1525, %mul3A_1561 : i32
        %add3A_1563 = arith.addi %mul3A_32, %mul3A_1562 : i32
        %add3A_1564 = arith.constant 1 : i32
        %add3A_1565 = arith.addi %add3A_1563, %add3A_1564 : i32
        %jit3A_1566 = arith.constant 2 : i32
        %eq3A_1567 = arith.constant 0 : i32
        %eq3A_1568 = arith.cmpi eq, %jit3A_1566, %eq3A_1567 : i32
        %jit3A_1569 = arith.constant 1 : i32
        %select_n3A_1570 = arith.select %eq3A_1568, %jit3A_1569, %jit3A_1566 : i32
        %rem3A_1571 = arith.remsi %add3A_1525, %select_n3A_1570 : i32
        %ne3A_1572 = arith.constant 0 : i32
        %ne3A_1573 = arith.cmpi ne, %rem3A_1571, %ne3A_1572 : i32
        %lt3A_1574 = arith.constant 0 : i32
        %lt3A_1575 = arith.cmpi slt, %rem3A_1571, %lt3A_1574 : i32
        %lt3A_1576 = arith.constant 0 : i32
        %lt3A_1577 = arith.cmpi slt, %select_n3A_1570, %lt3A_1576 : i32
        %ne3A_1578 = arith.xori %lt3A_1575, %lt3A_1577 : i1
        %and3A_1579 = arith.andi %ne3A_1578, %ne3A_1573 : i1
        %add3A_1580 = arith.addi %rem3A_1571, %select_n3A_1570 : i32
        %select_n3A_1581 = arith.select %and3A_1579, %add3A_1580, %rem3A_1571 : i32
        %mul3A_1582 = arith.constant 2 : i32
        %mul3A_1583 = arith.muli %select_n3A_1581, %mul3A_1582 : i32
        %add3A_1584 = arith.constant 1 : i32
        %add3A_1585 = arith.addi %mul3A_1583, %add3A_1584 : i32
        %mul3A_1586 = arith.constant 4096 : i32
        %mul3A_1587 = arith.muli %add3A_1585, %mul3A_1586 : i32
        %dma_start3A_1588 = tpu.memref_slice %arg4[%mul3A_1587] : memref<16384xf32, #tpu.memory_space<vmem>> -> memref<4096xf32, #tpu.memory_space<vmem>>
        %dma_start3A_1589 = arith.constant 0 : i32
        %dma_start3A_1590 = tpu.memref_slice %arg2[%add3A_1565, %select_n3A, %dma_start3A_1589] : memref<32x16x4096xf32, #tpu.memory_space<hbm>> -> memref<1x1x4096xf32, #tpu.memory_space<hbm>>
        %dma_start3A_1591 = tpu.memref_squeeze %dma_start3A_1590 : memref<1x1x4096xf32, #tpu.memory_space<hbm>> -> memref<4096xf32, #tpu.memory_space<hbm>>
        %dma_start3A_1592 = tpu.memref_slice %arg4[%mul3A_1587] : memref<16384xf32, #tpu.memory_space<vmem>> -> memref<4096xf32, #tpu.memory_space<vmem>>
        %dma_start3A_1593 = arith.constant 0 : i32
        %dma_start3A_1594 = tpu.memref_slice %arg2[%add3A_1565, %select_n3A, %dma_start3A_1593] : memref<32x16x4096xf32, #tpu.memory_space<hbm>> -> memref<1x1x4096xf32, #tpu.memory_space<hbm>>
        %dma_start3A_1595 = tpu.memref_squeeze %dma_start3A_1594 : memref<1x1x4096xf32, #tpu.memory_space<hbm>> -> memref<4096xf32, #tpu.memory_space<hbm>>
        tpu.enqueue_dma source(%dma_start3A_1595 : memref<4096xf32, #tpu.memory_space<hbm>>) target(%dma_start3A_1592 : memref<4096xf32, #tpu.memory_space<vmem>>) target_semaphore(%arg8 : memref<!tpu.dma_semaphore, #tpu.memory_space<semaphore_mem>>)
      } else {
      }
      %jit3A_899 = arith.constant 2 : i32
      %eq3A_900 = arith.constant 0 : i32
      %eq3A_901 = arith.cmpi eq, %jit3A_899, %eq3A_900 : i32
      %jit3A_902 = arith.constant 1 : i32
      %select_n3A_903 = arith.select %eq3A_901, %jit3A_902, %jit3A_899 : i32
      %rem3A_904 = arith.remsi %scan3A_823, %select_n3A_903 : i32
      %ne3A_905 = arith.constant 0 : i32
      %ne3A_906 = arith.cmpi ne, %rem3A_904, %ne3A_905 : i32
      %lt3A_907 = arith.constant 0 : i32
      %lt3A_908 = arith.cmpi slt, %rem3A_904, %lt3A_907 : i32
      %lt3A_909 = arith.constant 0 : i32
      %lt3A_910 = arith.cmpi slt, %select_n3A_903, %lt3A_909 : i32
      %ne3A_911 = arith.xori %lt3A_908, %lt3A_910 : i1
      %and3A_912 = arith.andi %ne3A_911, %ne3A_906 : i1
      %add3A_913 = arith.addi %rem3A_904, %select_n3A_903 : i32
      %select_n3A_914 = arith.select %and3A_912, %add3A_913, %rem3A_904 : i32
      %mul3A_915 = arith.constant 8192 : i32
      %mul3A_916 = arith.muli %select_n3A_914, %mul3A_915 : i32
      %add3A_917 = arith.constant 4096 : i32
      %add3A_918 = arith.addi %mul3A_916, %add3A_917 : i32
      %scan3A_919 = arith.constant 0 : i32
      %scan3A_920 = arith.constant 16 : i32
      %scan3A_921 = arith.addi %scan3A_919, %scan3A_920 : i32
      %scan3A_922 = arith.constant 1 : i32
      %scan3A_923:2 = scf.for %scan3A_1524 = %scan3A_919 to %scan3A_921 step %scan3A_922 iter_args(%scan3A_1525 = %broadcast_in_dim3A_126, %scan3A_1526 = %broadcast_in_dim3A_126) -> (vector<16xf32>, vector<16xf32>)  : i32 {
        %mul3A_1527 = arith.constant 256 : i32
        %mul3A_1528 = arith.muli %scan3A_1524, %mul3A_1527 : i32
        %add3A_1529 = arith.addi %mul3A_916, %mul3A_1528 : i32
        %add3A_1530 = arith.constant 0 : i32
        %add3A_1531 = arith.addi %add3A_1529, %add3A_1530 : i32
        %get3A = arith.index_cast %add3A_1531 : i32 to index
        %get3A_1532 = tpu.vector_load %arg4[%get3A] {strides = array<i32>} : memref<16384xf32, #tpu.memory_space<vmem>>, vector<16xf32>,
        %max3A = arith.maximumf %scan3A_1525, %get3A_1532 : vector<16xf32>
        %add3A_1533 = arith.addi %add3A_918, %mul3A_1528 : i32
        %add3A_1534 = arith.constant 0 : i32
        %add3A_1535 = arith.addi %add3A_1533, %add3A_1534 : i32
        %get3A_1536 = arith.index_cast %add3A_1535 : i32 to index
        %get3A_1537 = tpu.vector_load %arg4[%get3A_1536] {strides = array<i32>} : memref<16384xf32, #tpu.memory_space<vmem>>, vector<16xf32>,
        %max3A_1538 = arith.maximumf %scan3A_1526, %get3A_1537 : vector<16xf32>
        %add3A_1539 = arith.addi %mul3A_916, %mul3A_1528 : i32
        %add3A_1540 = arith.constant 16 : i32
        %add3A_1541 = arith.addi %add3A_1539, %add3A_1540 : i32
        %get3A_1542 = arith.index_cast %add3A_1541 : i32 to index
        %get3A_1543 = tpu.vector_load %arg4[%get3A_1542] {strides = array<i32>} : memref<16384xf32, #tpu.memory_space<vmem>>, vector<16xf32>,
        %max3A_1544 = arith.maximumf %max3A, %get3A_1543 : vector<16xf32>
        %add3A_1545 = arith.addi %add3A_918, %mul3A_1528 : i32
        %add3A_1546 = arith.constant 16 : i32
        %add3A_1547 = arith.addi %add3A_1545, %add3A_1546 : i32
        %get3A_1548 = arith.index_cast %add3A_1547 : i32 to index
        %get3A_1549 = tpu.vector_load %arg4[%get3A_1548] {strides = array<i32>} : memref<16384xf32, #tpu.memory_space<vmem>>, vector<16xf32>,
        %max3A_1550 = arith.maximumf %max3A_1538, %get3A_1549 : vector<16xf32>
        %add3A_1551 = arith.addi %mul3A_916, %mul3A_1528 : i32
        %add3A_1552 = arith.constant 32 : i32
        %add3A_1553 = arith.addi %add3A_1551, %add3A_1552 : i32
        %get3A_1554 = arith.index_cast %add3A_1553 : i32 to index
        %get3A_1555 = tpu.vector_load %arg4[%get3A_1554] {strides = array<i32>} : memref<16384xf32, #tpu.memory_space<vmem>>, vector<16xf32>,
        %max3A_1556 = arith.maximumf %max3A_1544, %get3A_1555 : vector<16xf32>
        %add3A_1557 = arith.addi %add3A_918, %mul3A_1528 : i32
        %add3A_1558 = arith.constant 32 : i32
        %add3A_1559 = arith.addi %add3A_1557, %add3A_1558 : i32
        %get3A_1560 = arith.index_cast %add3A_1559 : i32 to index
        %get3A_1561 = tpu.vector_load %arg4[%get3A_1560] {strides = array<i32>} : memref<16384xf32, #tpu.memory_space<vmem>>, vector<16xf32>,
        %max3A_1562 = arith.maximumf %max3A_1550, %get3A_1561 : vector<16xf32>
        %add3A_1563 = arith.addi %mul3A_916, %mul3A_1528 : i32
        %add3A_1564 = arith.constant 48 : i32
        %add3A_1565 = arith.addi %add3A_1563, %add3A_1564 : i32
        %get3A_1566 = arith.index_cast %add3A_1565 : i32 to index
        %get3A_1567 = tpu.vector_load %arg4[%get3A_1566] {strides = array<i32>} : memref<16384xf32, #tpu.memory_space<vmem>>, vector<16xf32>,
        %max3A_1568 = arith.maximumf %max3A_1556, %get3A_1567 : vector<16xf32>
        %add3A_1569 = arith.addi %add3A_918, %mul3A_1528 : i32
        %add3A_1570 = arith.constant 48 : i32
        %add3A_1571 = arith.addi %add3A_1569, %add3A_1570 : i32
        %get3A_1572 = arith.index_cast %add3A_1571 : i32 to index
        %get3A_1573 = tpu.vector_load %arg4[%get3A_1572] {strides = array<i32>} : memref<16384xf32, #tpu.memory_space<vmem>>, vector<16xf32>,
        %max3A_1574 = arith.maximumf %max3A_1562, %get3A_1573 : vector<16xf32>
        %add3A_1575 = arith.addi %mul3A_916, %mul3A_1528 : i32
        %add3A_1576 = arith.constant 64 : i32
        %add3A_1577 = arith.addi %add3A_1575, %add3A_1576 : i32
        %get3A_1578 = arith.index_cast %add3A_1577 : i32 to index
        %get3A_1579 = tpu.vector_load %arg4[%get3A_1578] {strides = array<i32>} : memref<16384xf32, #tpu.memory_space<vmem>>, vector<16xf32>,
        %max3A_1580 = arith.maximumf %max3A_1568, %get3A_1579 : vector<16xf32>
        %add3A_1581 = arith.addi %add3A_918, %mul3A_1528 : i32
        %add3A_1582 = arith.constant 64 : i32
        %add3A_1583 = arith.addi %add3A_1581, %add3A_1582 : i32
        %get3A_1584 = arith.index_cast %add3A_1583 : i32 to index
        %get3A_1585 = tpu.vector_load %arg4[%get3A_1584] {strides = array<i32>} : memref<16384xf32, #tpu.memory_space<vmem>>, vector<16xf32>,
        %max3A_1586 = arith.maximumf %max3A_1574, %get3A_1585 : vector<16xf32>
        %add3A_1587 = arith.addi %mul3A_916, %mul3A_1528 : i32
        %add3A_1588 = arith.constant 80 : i32
        %add3A_1589 = arith.addi %add3A_1587, %add3A_1588 : i32
        %get3A_1590 = arith.index_cast %add3A_1589 : i32 to index
        %get3A_1591 = tpu.vector_load %arg4[%get3A_1590] {strides = array<i32>} : memref<16384xf32, #tpu.memory_space<vmem>>, vector<16xf32>,
        %max3A_1592 = arith.maximumf %max3A_1580, %get3A_1591 : vector<16xf32>
        %add3A_1593 = arith.addi %add3A_918, %mul3A_1528 : i32
        %add3A_1594 = arith.constant 80 : i32
        %add3A_1595 = arith.addi %add3A_1593, %add3A_1594 : i32
        %get3A_1596 = arith.index_cast %add3A_1595 : i32 to index
        %get3A_1597 = tpu.vector_load %arg4[%get3A_1596] {strides = array<i32>} : memref<16384xf32, #tpu.memory_space<vmem>>, vector<16xf32>,
        %max3A_1598 = arith.maximumf %max3A_1586, %get3A_1597 : vector<16xf32>
        %add3A_1599 = arith.addi %mul3A_916, %mul3A_1528 : i32
        %add3A_1600 = arith.constant 96 : i32
        %add3A_1601 = arith.addi %add3A_1599, %add3A_1600 : i32
        %get3A_1602 = arith.index_cast %add3A_1601 : i32 to index
        %get3A_1603 = tpu.vector_load %arg4[%get3A_1602] {strides = array<i32>} : memref<16384xf32, #tpu.memory_space<vmem>>, vector<16xf32>,
        %max3A_1604 = arith.maximumf %max3A_1592, %get3A_1603 : vector<16xf32>
        %add3A_1605 = arith.addi %add3A_918, %mul3A_1528 : i32
        %add3A_1606 = arith.constant 96 : i32
        %add3A_1607 = arith.addi %add3A_1605, %add3A_1606 : i32
        %get3A_1608 = arith.index_cast %add3A_1607 : i32 to index
        %get3A_1609 = tpu.vector_load %arg4[%get3A_1608] {strides = array<i32>} : memref<16384xf32, #tpu.memory_space<vmem>>, vector<16xf32>,
        %max3A_1610 = arith.maximumf %max3A_1598, %get3A_1609 : vector<16xf32>
        %add3A_1611 = arith.addi %mul3A_916, %mul3A_1528 : i32
        %add3A_1612 = arith.constant 112 : i32
        %add3A_1613 = arith.addi %add3A_1611, %add3A_1612 : i32
        %get3A_1614 = arith.index_cast %add3A_1613 : i32 to index
        %get3A_1615 = tpu.vector_load %arg4[%get3A_1614] {strides = array<i32>} : memref<16384xf32, #tpu.memory_space<vmem>>, vector<16xf32>,
        %max3A_1616 = arith.maximumf %max3A_1604, %get3A_1615 : vector<16xf32>
        %add3A_1617 = arith.addi %add3A_918, %mul3A_1528 : i32
        %add3A_1618 = arith.constant 112 : i32
        %add3A_1619 = arith.addi %add3A_1617, %add3A_1618 : i32
        %get3A_1620 = arith.index_cast %add3A_1619 : i32 to index
        %get3A_1621 = tpu.vector_load %arg4[%get3A_1620] {strides = array<i32>} : memref<16384xf32, #tpu.memory_space<vmem>>, vector<16xf32>,
        %max3A_1622 = arith.maximumf %max3A_1610, %get3A_1621 : vector<16xf32>
        %add3A_1623 = arith.addi %mul3A_916, %mul3A_1528 : i32
        %add3A_1624 = arith.constant 128 : i32
        %add3A_1625 = arith.addi %add3A_1623, %add3A_1624 : i32
        %get3A_1626 = arith.index_cast %add3A_1625 : i32 to index
        %get3A_1627 = tpu.vector_load %arg4[%get3A_1626] {strides = array<i32>} : memref<16384xf32, #tpu.memory_space<vmem>>, vector<16xf32>,
        %max3A_1628 = arith.maximumf %max3A_1616, %get3A_1627 : vector<16xf32>
        %add3A_1629 = arith.addi %add3A_918, %mul3A_1528 : i32
        %add3A_1630 = arith.constant 128 : i32
        %add3A_1631 = arith.addi %add3A_1629, %add3A_1630 : i32
        %get3A_1632 = arith.index_cast %add3A_1631 : i32 to index
        %get3A_1633 = tpu.vector_load %arg4[%get3A_1632] {strides = array<i32>} : memref<16384xf32, #tpu.memory_space<vmem>>, vector<16xf32>,
        %max3A_1634 = arith.maximumf %max3A_1622, %get3A_1633 : vector<16xf32>
        %add3A_1635 = arith.addi %mul3A_916, %mul3A_1528 : i32
        %add3A_1636 = arith.constant 144 : i32
        %add3A_1637 = arith.addi %add3A_1635, %add3A_1636 : i32
        %get3A_1638 = arith.index_cast %add3A_1637 : i32 to index
        %get3A_1639 = tpu.vector_load %arg4[%get3A_1638] {strides = array<i32>} : memref<16384xf32, #tpu.memory_space<vmem>>, vector<16xf32>,
        %max3A_1640 = arith.maximumf %max3A_1628, %get3A_1639 : vector<16xf32>
        %add3A_1641 = arith.addi %add3A_918, %mul3A_1528 : i32
        %add3A_1642 = arith.constant 144 : i32
        %add3A_1643 = arith.addi %add3A_1641, %add3A_1642 : i32
        %get3A_1644 = arith.index_cast %add3A_1643 : i32 to index
        %get3A_1645 = tpu.vector_load %arg4[%get3A_1644] {strides = array<i32>} : memref<16384xf32, #tpu.memory_space<vmem>>, vector<16xf32>,
        %max3A_1646 = arith.maximumf %max3A_1634, %get3A_1645 : vector<16xf32>
        %add3A_1647 = arith.addi %mul3A_916, %mul3A_1528 : i32
        %add3A_1648 = arith.constant 160 : i32
        %add3A_1649 = arith.addi %add3A_1647, %add3A_1648 : i32
        %get3A_1650 = arith.index_cast %add3A_1649 : i32 to index
        %get3A_1651 = tpu.vector_load %arg4[%get3A_1650] {strides = array<i32>} : memref<16384xf32, #tpu.memory_space<vmem>>, vector<16xf32>,
        %max3A_1652 = arith.maximumf %max3A_1640, %get3A_1651 : vector<16xf32>
        %add3A_1653 = arith.addi %add3A_918, %mul3A_1528 : i32
        %add3A_1654 = arith.constant 160 : i32
        %add3A_1655 = arith.addi %add3A_1653, %add3A_1654 : i32
        %get3A_1656 = arith.index_cast %add3A_1655 : i32 to index
        %get3A_1657 = tpu.vector_load %arg4[%get3A_1656] {strides = array<i32>} : memref<16384xf32, #tpu.memory_space<vmem>>, vector<16xf32>,
        %max3A_1658 = arith.maximumf %max3A_1646, %get3A_1657 : vector<16xf32>
        %add3A_1659 = arith.addi %mul3A_916, %mul3A_1528 : i32
        %add3A_1660 = arith.constant 176 : i32
        %add3A_1661 = arith.addi %add3A_1659, %add3A_1660 : i32
        %get3A_1662 = arith.index_cast %add3A_1661 : i32 to index
        %get3A_1663 = tpu.vector_load %arg4[%get3A_1662] {strides = array<i32>} : memref<16384xf32, #tpu.memory_space<vmem>>, vector<16xf32>,
        %max3A_1664 = arith.maximumf %max3A_1652, %get3A_1663 : vector<16xf32>
        %add3A_1665 = arith.addi %add3A_918, %mul3A_1528 : i32
        %add3A_1666 = arith.constant 176 : i32
        %add3A_1667 = arith.addi %add3A_1665, %add3A_1666 : i32
        %get3A_1668 = arith.index_cast %add3A_1667 : i32 to index
        %get3A_1669 = tpu.vector_load %arg4[%get3A_1668] {strides = array<i32>} : memref<16384xf32, #tpu.memory_space<vmem>>, vector<16xf32>,
        %max3A_1670 = arith.maximumf %max3A_1658, %get3A_1669 : vector<16xf32>
        %add3A_1671 = arith.addi %mul3A_916, %mul3A_1528 : i32
        %add3A_1672 = arith.constant 192 : i32
        %add3A_1673 = arith.addi %add3A_1671, %add3A_1672 : i32
        %get3A_1674 = arith.index_cast %add3A_1673 : i32 to index
        %get3A_1675 = tpu.vector_load %arg4[%get3A_1674] {strides = array<i32>} : memref<16384xf32, #tpu.memory_space<vmem>>, vector<16xf32>,
        %max3A_1676 = arith.maximumf %max3A_1664, %get3A_1675 : vector<16xf32>
        %add3A_1677 = arith.addi %add3A_918, %mul3A_1528 : i32
        %add3A_1678 = arith.constant 192 : i32
        %add3A_1679 = arith.addi %add3A_1677, %add3A_1678 : i32
        %get3A_1680 = arith.index_cast %add3A_1679 : i32 to index
        %get3A_1681 = tpu.vector_load %arg4[%get3A_1680] {strides = array<i32>} : memref<16384xf32, #tpu.memory_space<vmem>>, vector<16xf32>,
        %max3A_1682 = arith.maximumf %max3A_1670, %get3A_1681 : vector<16xf32>
        %add3A_1683 = arith.addi %mul3A_916, %mul3A_1528 : i32
        %add3A_1684 = arith.constant 208 : i32
        %add3A_1685 = arith.addi %add3A_1683, %add3A_1684 : i32
        %get3A_1686 = arith.index_cast %add3A_1685 : i32 to index
        %get3A_1687 = tpu.vector_load %arg4[%get3A_1686] {strides = array<i32>} : memref<16384xf32, #tpu.memory_space<vmem>>, vector<16xf32>,
        %max3A_1688 = arith.maximumf %max3A_1676, %get3A_1687 : vector<16xf32>
        %add3A_1689 = arith.addi %add3A_918, %mul3A_1528 : i32
        %add3A_1690 = arith.constant 208 : i32
        %add3A_1691 = arith.addi %add3A_1689, %add3A_1690 : i32
        %get3A_1692 = arith.index_cast %add3A_1691 : i32 to index
        %get3A_1693 = tpu.vector_load %arg4[%get3A_1692] {strides = array<i32>} : memref<16384xf32, #tpu.memory_space<vmem>>, vector<16xf32>,
        %max3A_1694 = arith.maximumf %max3A_1682, %get3A_1693 : vector<16xf32>
        %add3A_1695 = arith.addi %mul3A_916, %mul3A_1528 : i32
        %add3A_1696 = arith.constant 224 : i32
        %add3A_1697 = arith.addi %add3A_1695, %add3A_1696 : i32
        %get3A_1698 = arith.index_cast %add3A_1697 : i32 to index
        %get3A_1699 = tpu.vector_load %arg4[%get3A_1698] {strides = array<i32>} : memref<16384xf32, #tpu.memory_space<vmem>>, vector<16xf32>,
        %max3A_1700 = arith.maximumf %max3A_1688, %get3A_1699 : vector<16xf32>
        %add3A_1701 = arith.addi %add3A_918, %mul3A_1528 : i32
        %add3A_1702 = arith.constant 224 : i32
        %add3A_1703 = arith.addi %add3A_1701, %add3A_1702 : i32
        %get3A_1704 = arith.index_cast %add3A_1703 : i32 to index
        %get3A_1705 = tpu.vector_load %arg4[%get3A_1704] {strides = array<i32>} : memref<16384xf32, #tpu.memory_space<vmem>>, vector<16xf32>,
        %max3A_1706 = arith.maximumf %max3A_1694, %get3A_1705 : vector<16xf32>
        %add3A_1707 = arith.addi %mul3A_916, %mul3A_1528 : i32
        %add3A_1708 = arith.constant 240 : i32
        %add3A_1709 = arith.addi %add3A_1707, %add3A_1708 : i32
        %get3A_1710 = arith.index_cast %add3A_1709 : i32 to index
        %get3A_1711 = tpu.vector_load %arg4[%get3A_1710] {strides = array<i32>} : memref<16384xf32, #tpu.memory_space<vmem>>, vector<16xf32>,
        %max3A_1712 = arith.maximumf %max3A_1700, %get3A_1711 : vector<16xf32>
        %add3A_1713 = arith.addi %add3A_918, %mul3A_1528 : i32
        %add3A_1714 = arith.constant 240 : i32
        %add3A_1715 = arith.addi %add3A_1713, %add3A_1714 : i32
        %get3A_1716 = arith.index_cast %add3A_1715 : i32 to index
        %get3A_1717 = tpu.vector_load %arg4[%get3A_1716] {strides = array<i32>} : memref<16384xf32, #tpu.memory_space<vmem>>, vector<16xf32>,
        %max3A_1718 = arith.maximumf %max3A_1706, %get3A_1717 : vector<16xf32>
        scf.yield %max3A_1712, %max3A_1718 : vector<16xf32>, vector<16xf32>
      }
      %scan3A_924 = arith.constant 16 : i32
      %masked_sort3A = arith.constant dense<true> : vector<16xi1>
      %masked_sort3A_925, %masked_sort3A_926, %masked_sort3A_927 = tpu.sort %scan3A_923#0, %scan3A_923#0 masked %masked_sort3A : (vector<16xf32>, vector<16xf32>, vector<16xi1>) -> (vector<16xi1>, vector<16xf32>, vector<16xf32>)
      %masked_sort3A_928 = arith.constant dense<true> : vector<16xi1>
      %masked_sort3A_929, %masked_sort3A_930, %masked_sort3A_931 = tpu.sort %scan3A_923#1, %scan3A_923#1 masked %masked_sort3A_928 : (vector<16xf32>, vector<16xf32>, vector<16xi1>) -> (vector<16xi1>, vector<16xf32>, vector<16xf32>)
      %slice3A = vector.extract_strided_slice %masked_sort3A_926 {offsets = [11], sizes = [1], strides = [1]} : vector<16xf32> to vector<1xf32>
      %squeeze3A = vector.extract %slice3A[0] : f32 from vector<1xf32>
      %slice3A_932 = vector.extract_strided_slice %masked_sort3A_930 {offsets = [11], sizes = [1], strides = [1]} : vector<16xf32> to vector<1xf32>
      %squeeze3A_933 = vector.extract %slice3A_932[0] : f32 from vector<1xf32>
      %scan3A_934 = arith.constant 0 : i32
      %scan3A_935 = arith.constant 0 : i32
      %scan3A_936 = arith.constant 0 : i32
      %scan3A_937 = arith.constant 16 : i32
      %scan3A_938 = arith.addi %scan3A_936, %scan3A_937 : i32
      %scan3A_939 = arith.constant 1 : i32
      %scan3A_940:2 = scf.for %scan3A_1524 = %scan3A_936 to %scan3A_938 step %scan3A_939 iter_args(%scan3A_1525 = %scan3A_934, %scan3A_1526 = %scan3A_935) -> (i32, i32)  : i32 {
        %mul3A_1527 = arith.constant 256 : i32
        %mul3A_1528 = arith.muli %scan3A_1524, %mul3A_1527 : i32
        %add3A_1529 = arith.addi %mul3A_916, %mul3A_1528 : i32
        %add3A_1530 = arith.constant 0 : i32
        %add3A_1531 = arith.addi %add3A_1529, %add3A_1530 : i32
        %get3A = arith.index_cast %add3A_1531 : i32 to index
        %get3A_1532 = tpu.vector_load %arg4[%get3A] {strides = array<i32>} : memref<16384xf32, #tpu.memory_space<vmem>>, vector<16xf32>,
        %add3A_1533 = arith.addi %mul3A_916, %mul3A_1528 : i32
        %add3A_1534 = arith.constant 16 : i32
        %add3A_1535 = arith.addi %add3A_1533, %add3A_1534 : i32
        %get3A_1536 = arith.index_cast %add3A_1535 : i32 to index
        %get3A_1537 = tpu.vector_load %arg4[%get3A_1536] {strides = array<i32>} : memref<16384xf32, #tpu.memory_space<vmem>>, vector<16xf32>,
        %add3A_1538 = arith.addi %mul3A_916, %mul3A_1528 : i32
        %add3A_1539 = arith.constant 32 : i32
        %add3A_1540 = arith.addi %add3A_1538, %add3A_1539 : i32
        %get3A_1541 = arith.index_cast %add3A_1540 : i32 to index
        %get3A_1542 = tpu.vector_load %arg4[%get3A_1541] {strides = array<i32>} : memref<16384xf32, #tpu.memory_space<vmem>>, vector<16xf32>,
        %add3A_1543 = arith.addi %mul3A_916, %mul3A_1528 : i32
        %add3A_1544 = arith.constant 48 : i32
        %add3A_1545 = arith.addi %add3A_1543, %add3A_1544 : i32
        %get3A_1546 = arith.index_cast %add3A_1545 : i32 to index
        %get3A_1547 = tpu.vector_load %arg4[%get3A_1546] {strides = array<i32>} : memref<16384xf32, #tpu.memory_space<vmem>>, vector<16xf32>,
        %add3A_1548 = arith.addi %mul3A_916, %mul3A_1528 : i32
        %add3A_1549 = arith.constant 64 : i32
        %add3A_1550 = arith.addi %add3A_1548, %add3A_1549 : i32
        %get3A_1551 = arith.index_cast %add3A_1550 : i32 to index
        %get3A_1552 = tpu.vector_load %arg4[%get3A_1551] {strides = array<i32>} : memref<16384xf32, #tpu.memory_space<vmem>>, vector<16xf32>,
        %add3A_1553 = arith.addi %mul3A_916, %mul3A_1528 : i32
        %add3A_1554 = arith.constant 80 : i32
        %add3A_1555 = arith.addi %add3A_1553, %add3A_1554 : i32
        %get3A_1556 = arith.index_cast %add3A_1555 : i32 to index
        %get3A_1557 = tpu.vector_load %arg4[%get3A_1556] {strides = array<i32>} : memref<16384xf32, #tpu.memory_space<vmem>>, vector<16xf32>,
        %add3A_1558 = arith.addi %mul3A_916, %mul3A_1528 : i32
        %add3A_1559 = arith.constant 96 : i32
        %add3A_1560 = arith.addi %add3A_1558, %add3A_1559 : i32
        %get3A_1561 = arith.index_cast %add3A_1560 : i32 to index
        %get3A_1562 = tpu.vector_load %arg4[%get3A_1561] {strides = array<i32>} : memref<16384xf32, #tpu.memory_space<vmem>>, vector<16xf32>,
        %add3A_1563 = arith.addi %mul3A_916, %mul3A_1528 : i32
        %add3A_1564 = arith.constant 112 : i32
        %add3A_1565 = arith.addi %add3A_1563, %add3A_1564 : i32
        %get3A_1566 = arith.index_cast %add3A_1565 : i32 to index
        %get3A_1567 = tpu.vector_load %arg4[%get3A_1566] {strides = array<i32>} : memref<16384xf32, #tpu.memory_space<vmem>>, vector<16xf32>,
        %add3A_1568 = arith.addi %mul3A_916, %mul3A_1528 : i32
        %add3A_1569 = arith.constant 128 : i32
        %add3A_1570 = arith.addi %add3A_1568, %add3A_1569 : i32
        %get3A_1571 = arith.index_cast %add3A_1570 : i32 to index
        %get3A_1572 = tpu.vector_load %arg4[%get3A_1571] {strides = array<i32>} : memref<16384xf32, #tpu.memory_space<vmem>>, vector<16xf32>,
        %add3A_1573 = arith.addi %mul3A_916, %mul3A_1528 : i32
        %add3A_1574 = arith.constant 144 : i32
        %add3A_1575 = arith.addi %add3A_1573, %add3A_1574 : i32
        %get3A_1576 = arith.index_cast %add3A_1575 : i32 to index
        %get3A_1577 = tpu.vector_load %arg4[%get3A_1576] {strides = array<i32>} : memref<16384xf32, #tpu.memory_space<vmem>>, vector<16xf32>,
        %add3A_1578 = arith.addi %mul3A_916, %mul3A_1528 : i32
        %add3A_1579 = arith.constant 160 : i32
        %add3A_1580 = arith.addi %add3A_1578, %add3A_1579 : i32
        %get3A_1581 = arith.index_cast %add3A_1580 : i32 to index
        %get3A_1582 = tpu.vector_load %arg4[%get3A_1581] {strides = array<i32>} : memref<16384xf32, #tpu.memory_space<vmem>>, vector<16xf32>,
        %add3A_1583 = arith.addi %mul3A_916, %mul3A_1528 : i32
        %add3A_1584 = arith.constant 176 : i32
        %add3A_1585 = arith.addi %add3A_1583, %add3A_1584 : i32
        %get3A_1586 = arith.index_cast %add3A_1585 : i32 to index
        %get3A_1587 = tpu.vector_load %arg4[%get3A_1586] {strides = array<i32>} : memref<16384xf32, #tpu.memory_space<vmem>>, vector<16xf32>,
        %add3A_1588 = arith.addi %mul3A_916, %mul3A_1528 : i32
        %add3A_1589 = arith.constant 192 : i32
        %add3A_1590 = arith.addi %add3A_1588, %add3A_1589 : i32
        %get3A_1591 = arith.index_cast %add3A_1590 : i32 to index
        %get3A_1592 = tpu.vector_load %arg4[%get3A_1591] {strides = array<i32>} : memref<16384xf32, #tpu.memory_space<vmem>>, vector<16xf32>,
        %add3A_1593 = arith.addi %mul3A_916, %mul3A_1528 : i32
        %add3A_1594 = arith.constant 208 : i32
        %add3A_1595 = arith.addi %add3A_1593, %add3A_1594 : i32
        %get3A_1596 = arith.index_cast %add3A_1595 : i32 to index
        %get3A_1597 = tpu.vector_load %arg4[%get3A_1596] {strides = array<i32>} : memref<16384xf32, #tpu.memory_space<vmem>>, vector<16xf32>,
        %add3A_1598 = arith.addi %mul3A_916, %mul3A_1528 : i32
        %add3A_1599 = arith.constant 224 : i32
        %add3A_1600 = arith.addi %add3A_1598, %add3A_1599 : i32
        %get3A_1601 = arith.index_cast %add3A_1600 : i32 to index
        %get3A_1602 = tpu.vector_load %arg4[%get3A_1601] {strides = array<i32>} : memref<16384xf32, #tpu.memory_space<vmem>>, vector<16xf32>,
        %add3A_1603 = arith.addi %mul3A_916, %mul3A_1528 : i32
        %add3A_1604 = arith.constant 240 : i32
        %add3A_1605 = arith.addi %add3A_1603, %add3A_1604 : i32
        %get3A_1606 = arith.index_cast %add3A_1605 : i32 to index
        %get3A_1607 = tpu.vector_load %arg4[%get3A_1606] {strides = array<i32>} : memref<16384xf32, #tpu.memory_space<vmem>>, vector<16xf32>,
        %ge3A = vector.broadcast %squeeze3A : f32 to vector<16xf32>
        %ge3A_1608 = arith.cmpf oge, %get3A_1532, %ge3A : vector<16xf32>
        %ge3A_1609 = vector.broadcast %squeeze3A : f32 to vector<16xf32>
        %ge3A_1610 = arith.cmpf oge, %get3A_1537, %ge3A_1609 : vector<16xf32>
        %ge3A_1611 = vector.broadcast %squeeze3A : f32 to vector<16xf32>
        %ge3A_1612 = arith.cmpf oge, %get3A_1542, %ge3A_1611 : vector<16xf32>
        %ge3A_1613 = vector.broadcast %squeeze3A : f32 to vector<16xf32>
        %ge3A_1614 = arith.cmpf oge, %get3A_1547, %ge3A_1613 : vector<16xf32>
        %ge3A_1615 = vector.broadcast %squeeze3A : f32 to vector<16xf32>
        %ge3A_1616 = arith.cmpf oge, %get3A_1552, %ge3A_1615 : vector<16xf32>
        %ge3A_1617 = vector.broadcast %squeeze3A : f32 to vector<16xf32>
        %ge3A_1618 = arith.cmpf oge, %get3A_1557, %ge3A_1617 : vector<16xf32>
        %ge3A_1619 = vector.broadcast %squeeze3A : f32 to vector<16xf32>
        %ge3A_1620 = arith.cmpf oge, %get3A_1562, %ge3A_1619 : vector<16xf32>
        %ge3A_1621 = vector.broadcast %squeeze3A : f32 to vector<16xf32>
        %ge3A_1622 = arith.cmpf oge, %get3A_1567, %ge3A_1621 : vector<16xf32>
        %ge3A_1623 = vector.broadcast %squeeze3A : f32 to vector<16xf32>
        %ge3A_1624 = arith.cmpf oge, %get3A_1572, %ge3A_1623 : vector<16xf32>
        %ge3A_1625 = vector.broadcast %squeeze3A : f32 to vector<16xf32>
        %ge3A_1626 = arith.cmpf oge, %get3A_1577, %ge3A_1625 : vector<16xf32>
        %ge3A_1627 = vector.broadcast %squeeze3A : f32 to vector<16xf32>
        %ge3A_1628 = arith.cmpf oge, %get3A_1582, %ge3A_1627 : vector<16xf32>
        %ge3A_1629 = vector.broadcast %squeeze3A : f32 to vector<16xf32>
        %ge3A_1630 = arith.cmpf oge, %get3A_1587, %ge3A_1629 : vector<16xf32>
        %ge3A_1631 = vector.broadcast %squeeze3A : f32 to vector<16xf32>
        %ge3A_1632 = arith.cmpf oge, %get3A_1592, %ge3A_1631 : vector<16xf32>
        %ge3A_1633 = vector.broadcast %squeeze3A : f32 to vector<16xf32>
        %ge3A_1634 = arith.cmpf oge, %get3A_1597, %ge3A_1633 : vector<16xf32>
        %ge3A_1635 = vector.broadcast %squeeze3A : f32 to vector<16xf32>
        %ge3A_1636 = arith.cmpf oge, %get3A_1602, %ge3A_1635 : vector<16xf32>
        %ge3A_1637 = vector.broadcast %squeeze3A : f32 to vector<16xf32>
        %ge3A_1638 = arith.cmpf oge, %get3A_1607, %ge3A_1637 : vector<16xf32>
        %add3A_1639 = vector.broadcast %mul3A_1528 : i32 to vector<16xi32>
        %add3A_1640 = arith.addi %add3A_131, %add3A_1639 : vector<16xi32>
        %swap3A = arith.index_cast %scan3A_1525 : i32 to index
        %swap3A_1641 = tpu.vector_load %arg6[%swap3A] masked %ge3A_1608 {strides = array<i32>} : memref<4112xi32, #tpu.memory_space<vmem>>, vector<16xi32>, vector<16xi1>
        tpu.vector_store %arg6[%swap3A], %add3A_1640 masked %ge3A_1608 {strides = array<i32>} : memref<4112xi32, #tpu.memory_space<vmem>>, vector<16xi32>, vector<16xi1>
        %all_reduce_population_count3A = tpu.all_reduce %ge3A_1608 {dim = 0 : i64, kind = #tpu.reduction_kind<sum>} : vector<16xi1> -> vector<16xi32>
        %slice3A_1642 = vector.extract_strided_slice %all_reduce_population_count3A {offsets = [0], sizes = [1], strides = [1]} : vector<16xi32> to vector<1xi32>
        %squeeze3A_1643 = vector.extract %slice3A_1642[0] : i32 from vector<1xi32>
        %add3A_1644 = arith.addi %scan3A_1525, %squeeze3A_1643 : i32
        %add3A_1645 = vector.broadcast %mul3A_1528 : i32 to vector<16xi32>
        %add3A_1646 = arith.addi %add3A_134, %add3A_1645 : vector<16xi32>
        %swap3A_1647 = arith.index_cast %add3A_1644 : i32 to index
        %swap3A_1648 = tpu.vector_load %arg6[%swap3A_1647] masked %ge3A_1610 {strides = array<i32>} : memref<4112xi32, #tpu.memory_space<vmem>>, vector<16xi32>, vector<16xi1>
        tpu.vector_store %arg6[%swap3A_1647], %add3A_1646 masked %ge3A_1610 {strides = array<i32>} : memref<4112xi32, #tpu.memory_space<vmem>>, vector<16xi32>, vector<16xi1>
        %all_reduce_population_count3A_1649 = tpu.all_reduce %ge3A_1610 {dim = 0 : i64, kind = #tpu.reduction_kind<sum>} : vector<16xi1> -> vector<16xi32>
        %slice3A_1650 = vector.extract_strided_slice %all_reduce_population_count3A_1649 {offsets = [0], sizes = [1], strides = [1]} : vector<16xi32> to vector<1xi32>
        %squeeze3A_1651 = vector.extract %slice3A_1650[0] : i32 from vector<1xi32>
        %add3A_1652 = arith.addi %add3A_1644, %squeeze3A_1651 : i32
        %add3A_1653 = vector.broadcast %mul3A_1528 : i32 to vector<16xi32>
        %add3A_1654 = arith.addi %add3A_137, %add3A_1653 : vector<16xi32>
        %swap3A_1655 = arith.index_cast %add3A_1652 : i32 to index
        %swap3A_1656 = tpu.vector_load %arg6[%swap3A_1655] masked %ge3A_1612 {strides = array<i32>} : memref<4112xi32, #tpu.memory_space<vmem>>, vector<16xi32>, vector<16xi1>
        tpu.vector_store %arg6[%swap3A_1655], %add3A_1654 masked %ge3A_1612 {strides = array<i32>} : memref<4112xi32, #tpu.memory_space<vmem>>, vector<16xi32>, vector<16xi1>
        %all_reduce_population_count3A_1657 = tpu.all_reduce %ge3A_1612 {dim = 0 : i64, kind = #tpu.reduction_kind<sum>} : vector<16xi1> -> vector<16xi32>
        %slice3A_1658 = vector.extract_strided_slice %all_reduce_population_count3A_1657 {offsets = [0], sizes = [1], strides = [1]} : vector<16xi32> to vector<1xi32>
        %squeeze3A_1659 = vector.extract %slice3A_1658[0] : i32 from vector<1xi32>
        %add3A_1660 = arith.addi %add3A_1652, %squeeze3A_1659 : i32
        %add3A_1661 = vector.broadcast %mul3A_1528 : i32 to vector<16xi32>
        %add3A_1662 = arith.addi %add3A_140, %add3A_1661 : vector<16xi32>
        %swap3A_1663 = arith.index_cast %add3A_1660 : i32 to index
        %swap3A_1664 = tpu.vector_load %arg6[%swap3A_1663] masked %ge3A_1614 {strides = array<i32>} : memref<4112xi32, #tpu.memory_space<vmem>>, vector<16xi32>, vector<16xi1>
        tpu.vector_store %arg6[%swap3A_1663], %add3A_1662 masked %ge3A_1614 {strides = array<i32>} : memref<4112xi32, #tpu.memory_space<vmem>>, vector<16xi32>, vector<16xi1>
        %all_reduce_population_count3A_1665 = tpu.all_reduce %ge3A_1614 {dim = 0 : i64, kind = #tpu.reduction_kind<sum>} : vector<16xi1> -> vector<16xi32>
        %slice3A_1666 = vector.extract_strided_slice %all_reduce_population_count3A_1665 {offsets = [0], sizes = [1], strides = [1]} : vector<16xi32> to vector<1xi32>
        %squeeze3A_1667 = vector.extract %slice3A_1666[0] : i32 from vector<1xi32>
        %add3A_1668 = arith.addi %add3A_1660, %squeeze3A_1667 : i32
        %add3A_1669 = vector.broadcast %mul3A_1528 : i32 to vector<16xi32>
        %add3A_1670 = arith.addi %add3A_143, %add3A_1669 : vector<16xi32>
        %swap3A_1671 = arith.index_cast %add3A_1668 : i32 to index
        %swap3A_1672 = tpu.vector_load %arg6[%swap3A_1671] masked %ge3A_1616 {strides = array<i32>} : memref<4112xi32, #tpu.memory_space<vmem>>, vector<16xi32>, vector<16xi1>
        tpu.vector_store %arg6[%swap3A_1671], %add3A_1670 masked %ge3A_1616 {strides = array<i32>} : memref<4112xi32, #tpu.memory_space<vmem>>, vector<16xi32>, vector<16xi1>
        %all_reduce_population_count3A_1673 = tpu.all_reduce %ge3A_1616 {dim = 0 : i64, kind = #tpu.reduction_kind<sum>} : vector<16xi1> -> vector<16xi32>
        %slice3A_1674 = vector.extract_strided_slice %all_reduce_population_count3A_1673 {offsets = [0], sizes = [1], strides = [1]} : vector<16xi32> to vector<1xi32>
        %squeeze3A_1675 = vector.extract %slice3A_1674[0] : i32 from vector<1xi32>
        %add3A_1676 = arith.addi %add3A_1668, %squeeze3A_1675 : i32
        %add3A_1677 = vector.broadcast %mul3A_1528 : i32 to vector<16xi32>
        %add3A_1678 = arith.addi %add3A_146, %add3A_1677 : vector<16xi32>
        %swap3A_1679 = arith.index_cast %add3A_1676 : i32 to index
        %swap3A_1680 = tpu.vector_load %arg6[%swap3A_1679] masked %ge3A_1618 {strides = array<i32>} : memref<4112xi32, #tpu.memory_space<vmem>>, vector<16xi32>, vector<16xi1>
        tpu.vector_store %arg6[%swap3A_1679], %add3A_1678 masked %ge3A_1618 {strides = array<i32>} : memref<4112xi32, #tpu.memory_space<vmem>>, vector<16xi32>, vector<16xi1>
        %all_reduce_population_count3A_1681 = tpu.all_reduce %ge3A_1618 {dim = 0 : i64, kind = #tpu.reduction_kind<sum>} : vector<16xi1> -> vector<16xi32>
        %slice3A_1682 = vector.extract_strided_slice %all_reduce_population_count3A_1681 {offsets = [0], sizes = [1], strides = [1]} : vector<16xi32> to vector<1xi32>
        %squeeze3A_1683 = vector.extract %slice3A_1682[0] : i32 from vector<1xi32>
        %add3A_1684 = arith.addi %add3A_1676, %squeeze3A_1683 : i32
        %add3A_1685 = vector.broadcast %mul3A_1528 : i32 to vector<16xi32>
        %add3A_1686 = arith.addi %add3A_149, %add3A_1685 : vector<16xi32>
        %swap3A_1687 = arith.index_cast %add3A_1684 : i32 to index
        %swap3A_1688 = tpu.vector_load %arg6[%swap3A_1687] masked %ge3A_1620 {strides = array<i32>} : memref<4112xi32, #tpu.memory_space<vmem>>, vector<16xi32>, vector<16xi1>
        tpu.vector_store %arg6[%swap3A_1687], %add3A_1686 masked %ge3A_1620 {strides = array<i32>} : memref<4112xi32, #tpu.memory_space<vmem>>, vector<16xi32>, vector<16xi1>
        %all_reduce_population_count3A_1689 = tpu.all_reduce %ge3A_1620 {dim = 0 : i64, kind = #tpu.reduction_kind<sum>} : vector<16xi1> -> vector<16xi32>
        %slice3A_1690 = vector.extract_strided_slice %all_reduce_population_count3A_1689 {offsets = [0], sizes = [1], strides = [1]} : vector<16xi32> to vector<1xi32>
        %squeeze3A_1691 = vector.extract %slice3A_1690[0] : i32 from vector<1xi32>
        %add3A_1692 = arith.addi %add3A_1684, %squeeze3A_1691 : i32
        %add3A_1693 = vector.broadcast %mul3A_1528 : i32 to vector<16xi32>
        %add3A_1694 = arith.addi %add3A_152, %add3A_1693 : vector<16xi32>
        %swap3A_1695 = arith.index_cast %add3A_1692 : i32 to index
        %swap3A_1696 = tpu.vector_load %arg6[%swap3A_1695] masked %ge3A_1622 {strides = array<i32>} : memref<4112xi32, #tpu.memory_space<vmem>>, vector<16xi32>, vector<16xi1>
        tpu.vector_store %arg6[%swap3A_1695], %add3A_1694 masked %ge3A_1622 {strides = array<i32>} : memref<4112xi32, #tpu.memory_space<vmem>>, vector<16xi32>, vector<16xi1>
        %all_reduce_population_count3A_1697 = tpu.all_reduce %ge3A_1622 {dim = 0 : i64, kind = #tpu.reduction_kind<sum>} : vector<16xi1> -> vector<16xi32>
        %slice3A_1698 = vector.extract_strided_slice %all_reduce_population_count3A_1697 {offsets = [0], sizes = [1], strides = [1]} : vector<16xi32> to vector<1xi32>
        %squeeze3A_1699 = vector.extract %slice3A_1698[0] : i32 from vector<1xi32>
        %add3A_1700 = arith.addi %add3A_1692, %squeeze3A_1699 : i32
        %add3A_1701 = vector.broadcast %mul3A_1528 : i32 to vector<16xi32>
        %add3A_1702 = arith.addi %add3A_155, %add3A_1701 : vector<16xi32>
        %swap3A_1703 = arith.index_cast %add3A_1700 : i32 to index
        %swap3A_1704 = tpu.vector_load %arg6[%swap3A_1703] masked %ge3A_1624 {strides = array<i32>} : memref<4112xi32, #tpu.memory_space<vmem>>, vector<16xi32>, vector<16xi1>
        tpu.vector_store %arg6[%swap3A_1703], %add3A_1702 masked %ge3A_1624 {strides = array<i32>} : memref<4112xi32, #tpu.memory_space<vmem>>, vector<16xi32>, vector<16xi1>
        %all_reduce_population_count3A_1705 = tpu.all_reduce %ge3A_1624 {dim = 0 : i64, kind = #tpu.reduction_kind<sum>} : vector<16xi1> -> vector<16xi32>
        %slice3A_1706 = vector.extract_strided_slice %all_reduce_population_count3A_1705 {offsets = [0], sizes = [1], strides = [1]} : vector<16xi32> to vector<1xi32>
        %squeeze3A_1707 = vector.extract %slice3A_1706[0] : i32 from vector<1xi32>
        %add3A_1708 = arith.addi %add3A_1700, %squeeze3A_1707 : i32
        %add3A_1709 = vector.broadcast %mul3A_1528 : i32 to vector<16xi32>
        %add3A_1710 = arith.addi %add3A_158, %add3A_1709 : vector<16xi32>
        %swap3A_1711 = arith.index_cast %add3A_1708 : i32 to index
        %swap3A_1712 = tpu.vector_load %arg6[%swap3A_1711] masked %ge3A_1626 {strides = array<i32>} : memref<4112xi32, #tpu.memory_space<vmem>>, vector<16xi32>, vector<16xi1>
        tpu.vector_store %arg6[%swap3A_1711], %add3A_1710 masked %ge3A_1626 {strides = array<i32>} : memref<4112xi32, #tpu.memory_space<vmem>>, vector<16xi32>, vector<16xi1>
        %all_reduce_population_count3A_1713 = tpu.all_reduce %ge3A_1626 {dim = 0 : i64, kind = #tpu.reduction_kind<sum>} : vector<16xi1> -> vector<16xi32>
        %slice3A_1714 = vector.extract_strided_slice %all_reduce_population_count3A_1713 {offsets = [0], sizes = [1], strides = [1]} : vector<16xi32> to vector<1xi32>
        %squeeze3A_1715 = vector.extract %slice3A_1714[0] : i32 from vector<1xi32>
        %add3A_1716 = arith.addi %add3A_1708, %squeeze3A_1715 : i32
        %add3A_1717 = vector.broadcast %mul3A_1528 : i32 to vector<16xi32>
        %add3A_1718 = arith.addi %add3A_161, %add3A_1717 : vector<16xi32>
        %swap3A_1719 = arith.index_cast %add3A_1716 : i32 to index
        %swap3A_1720 = tpu.vector_load %arg6[%swap3A_1719] masked %ge3A_1628 {strides = array<i32>} : memref<4112xi32, #tpu.memory_space<vmem>>, vector<16xi32>, vector<16xi1>
        tpu.vector_store %arg6[%swap3A_1719], %add3A_1718 masked %ge3A_1628 {strides = array<i32>} : memref<4112xi32, #tpu.memory_space<vmem>>, vector<16xi32>, vector<16xi1>
        %all_reduce_population_count3A_1721 = tpu.all_reduce %ge3A_1628 {dim = 0 : i64, kind = #tpu.reduction_kind<sum>} : vector<16xi1> -> vector<16xi32>
        %slice3A_1722 = vector.extract_strided_slice %all_reduce_population_count3A_1721 {offsets = [0], sizes = [1], strides = [1]} : vector<16xi32> to vector<1xi32>
        %squeeze3A_1723 = vector.extract %slice3A_1722[0] : i32 from vector<1xi32>
        %add3A_1724 = arith.addi %add3A_1716, %squeeze3A_1723 : i32
        %add3A_1725 = vector.broadcast %mul3A_1528 : i32 to vector<16xi32>
        %add3A_1726 = arith.addi %add3A_164, %add3A_1725 : vector<16xi32>
        %swap3A_1727 = arith.index_cast %add3A_1724 : i32 to index
        %swap3A_1728 = tpu.vector_load %arg6[%swap3A_1727] masked %ge3A_1630 {strides = array<i32>} : memref<4112xi32, #tpu.memory_space<vmem>>, vector<16xi32>, vector<16xi1>
        tpu.vector_store %arg6[%swap3A_1727], %add3A_1726 masked %ge3A_1630 {strides = array<i32>} : memref<4112xi32, #tpu.memory_space<vmem>>, vector<16xi32>, vector<16xi1>
        %all_reduce_population_count3A_1729 = tpu.all_reduce %ge3A_1630 {dim = 0 : i64, kind = #tpu.reduction_kind<sum>} : vector<16xi1> -> vector<16xi32>
        %slice3A_1730 = vector.extract_strided_slice %all_reduce_population_count3A_1729 {offsets = [0], sizes = [1], strides = [1]} : vector<16xi32> to vector<1xi32>
        %squeeze3A_1731 = vector.extract %slice3A_1730[0] : i32 from vector<1xi32>
        %add3A_1732 = arith.addi %add3A_1724, %squeeze3A_1731 : i32
        %add3A_1733 = vector.broadcast %mul3A_1528 : i32 to vector<16xi32>
        %add3A_1734 = arith.addi %add3A_167, %add3A_1733 : vector<16xi32>
        %swap3A_1735 = arith.index_cast %add3A_1732 : i32 to index
        %swap3A_1736 = tpu.vector_load %arg6[%swap3A_1735] masked %ge3A_1632 {strides = array<i32>} : memref<4112xi32, #tpu.memory_space<vmem>>, vector<16xi32>, vector<16xi1>
        tpu.vector_store %arg6[%swap3A_1735], %add3A_1734 masked %ge3A_1632 {strides = array<i32>} : memref<4112xi32, #tpu.memory_space<vmem>>, vector<16xi32>, vector<16xi1>
        %all_reduce_population_count3A_1737 = tpu.all_reduce %ge3A_1632 {dim = 0 : i64, kind = #tpu.reduction_kind<sum>} : vector<16xi1> -> vector<16xi32>
        %slice3A_1738 = vector.extract_strided_slice %all_reduce_population_count3A_1737 {offsets = [0], sizes = [1], strides = [1]} : vector<16xi32> to vector<1xi32>
        %squeeze3A_1739 = vector.extract %slice3A_1738[0] : i32 from vector<1xi32>
        %add3A_1740 = arith.addi %add3A_1732, %squeeze3A_1739 : i32
        %add3A_1741 = vector.broadcast %mul3A_1528 : i32 to vector<16xi32>
        %add3A_1742 = arith.addi %add3A_170, %add3A_1741 : vector<16xi32>
        %swap3A_1743 = arith.index_cast %add3A_1740 : i32 to index
        %swap3A_1744 = tpu.vector_load %arg6[%swap3A_1743] masked %ge3A_1634 {strides = array<i32>} : memref<4112xi32, #tpu.memory_space<vmem>>, vector<16xi32>, vector<16xi1>
        tpu.vector_store %arg6[%swap3A_1743], %add3A_1742 masked %ge3A_1634 {strides = array<i32>} : memref<4112xi32, #tpu.memory_space<vmem>>, vector<16xi32>, vector<16xi1>
        %all_reduce_population_count3A_1745 = tpu.all_reduce %ge3A_1634 {dim = 0 : i64, kind = #tpu.reduction_kind<sum>} : vector<16xi1> -> vector<16xi32>
        %slice3A_1746 = vector.extract_strided_slice %all_reduce_population_count3A_1745 {offsets = [0], sizes = [1], strides = [1]} : vector<16xi32> to vector<1xi32>
        %squeeze3A_1747 = vector.extract %slice3A_1746[0] : i32 from vector<1xi32>
        %add3A_1748 = arith.addi %add3A_1740, %squeeze3A_1747 : i32
        %add3A_1749 = vector.broadcast %mul3A_1528 : i32 to vector<16xi32>
        %add3A_1750 = arith.addi %add3A_173, %add3A_1749 : vector<16xi32>
        %swap3A_1751 = arith.index_cast %add3A_1748 : i32 to index
        %swap3A_1752 = tpu.vector_load %arg6[%swap3A_1751] masked %ge3A_1636 {strides = array<i32>} : memref<4112xi32, #tpu.memory_space<vmem>>, vector<16xi32>, vector<16xi1>
        tpu.vector_store %arg6[%swap3A_1751], %add3A_1750 masked %ge3A_1636 {strides = array<i32>} : memref<4112xi32, #tpu.memory_space<vmem>>, vector<16xi32>, vector<16xi1>
        %all_reduce_population_count3A_1753 = tpu.all_reduce %ge3A_1636 {dim = 0 : i64, kind = #tpu.reduction_kind<sum>} : vector<16xi1> -> vector<16xi32>
        %slice3A_1754 = vector.extract_strided_slice %all_reduce_population_count3A_1753 {offsets = [0], sizes = [1], strides = [1]} : vector<16xi32> to vector<1xi32>
        %squeeze3A_1755 = vector.extract %slice3A_1754[0] : i32 from vector<1xi32>
        %add3A_1756 = arith.addi %add3A_1748, %squeeze3A_1755 : i32
        %add3A_1757 = vector.broadcast %mul3A_1528 : i32 to vector<16xi32>
        %add3A_1758 = arith.addi %add3A_176, %add3A_1757 : vector<16xi32>
        %swap3A_1759 = arith.index_cast %add3A_1756 : i32 to index
        %swap3A_1760 = tpu.vector_load %arg6[%swap3A_1759] masked %ge3A_1638 {strides = array<i32>} : memref<4112xi32, #tpu.memory_space<vmem>>, vector<16xi32>, vector<16xi1>
        tpu.vector_store %arg6[%swap3A_1759], %add3A_1758 masked %ge3A_1638 {strides = array<i32>} : memref<4112xi32, #tpu.memory_space<vmem>>, vector<16xi32>, vector<16xi1>
        %all_reduce_population_count3A_1761 = tpu.all_reduce %ge3A_1638 {dim = 0 : i64, kind = #tpu.reduction_kind<sum>} : vector<16xi1> -> vector<16xi32>
        %slice3A_1762 = vector.extract_strided_slice %all_reduce_population_count3A_1761 {offsets = [0], sizes = [1], strides = [1]} : vector<16xi32> to vector<1xi32>
        %squeeze3A_1763 = vector.extract %slice3A_1762[0] : i32 from vector<1xi32>
        %add3A_1764 = arith.addi %add3A_1756, %squeeze3A_1763 : i32
        %add3A_1765 = arith.addi %add3A_918, %mul3A_1528 : i32
        %add3A_1766 = arith.constant 0 : i32
        %add3A_1767 = arith.addi %add3A_1765, %add3A_1766 : i32
        %get3A_1768 = arith.index_cast %add3A_1767 : i32 to index
        %get3A_1769 = tpu.vector_load %arg4[%get3A_1768] {strides = array<i32>} : memref<16384xf32, #tpu.memory_space<vmem>>, vector<16xf32>,
        %add3A_1770 = arith.addi %add3A_918, %mul3A_1528 : i32
        %add3A_1771 = arith.constant 16 : i32
        %add3A_1772 = arith.addi %add3A_1770, %add3A_1771 : i32
        %get3A_1773 = arith.index_cast %add3A_1772 : i32 to index
        %get3A_1774 = tpu.vector_load %arg4[%get3A_1773] {strides = array<i32>} : memref<16384xf32, #tpu.memory_space<vmem>>, vector<16xf32>,
        %add3A_1775 = arith.addi %add3A_918, %mul3A_1528 : i32
        %add3A_1776 = arith.constant 32 : i32
        %add3A_1777 = arith.addi %add3A_1775, %add3A_1776 : i32
        %get3A_1778 = arith.index_cast %add3A_1777 : i32 to index
        %get3A_1779 = tpu.vector_load %arg4[%get3A_1778] {strides = array<i32>} : memref<16384xf32, #tpu.memory_space<vmem>>, vector<16xf32>,
        %add3A_1780 = arith.addi %add3A_918, %mul3A_1528 : i32
        %add3A_1781 = arith.constant 48 : i32
        %add3A_1782 = arith.addi %add3A_1780, %add3A_1781 : i32
        %get3A_1783 = arith.index_cast %add3A_1782 : i32 to index
        %get3A_1784 = tpu.vector_load %arg4[%get3A_1783] {strides = array<i32>} : memref<16384xf32, #tpu.memory_space<vmem>>, vector<16xf32>,
        %add3A_1785 = arith.addi %add3A_918, %mul3A_1528 : i32
        %add3A_1786 = arith.constant 64 : i32
        %add3A_1787 = arith.addi %add3A_1785, %add3A_1786 : i32
        %get3A_1788 = arith.index_cast %add3A_1787 : i32 to index
        %get3A_1789 = tpu.vector_load %arg4[%get3A_1788] {strides = array<i32>} : memref<16384xf32, #tpu.memory_space<vmem>>, vector<16xf32>,
        %add3A_1790 = arith.addi %add3A_918, %mul3A_1528 : i32
        %add3A_1791 = arith.constant 80 : i32
        %add3A_1792 = arith.addi %add3A_1790, %add3A_1791 : i32
        %get3A_1793 = arith.index_cast %add3A_1792 : i32 to index
        %get3A_1794 = tpu.vector_load %arg4[%get3A_1793] {strides = array<i32>} : memref<16384xf32, #tpu.memory_space<vmem>>, vector<16xf32>,
        %add3A_1795 = arith.addi %add3A_918, %mul3A_1528 : i32
        %add3A_1796 = arith.constant 96 : i32
        %add3A_1797 = arith.addi %add3A_1795, %add3A_1796 : i32
        %get3A_1798 = arith.index_cast %add3A_1797 : i32 to index
        %get3A_1799 = tpu.vector_load %arg4[%get3A_1798] {strides = array<i32>} : memref<16384xf32, #tpu.memory_space<vmem>>, vector<16xf32>,
        %add3A_1800 = arith.addi %add3A_918, %mul3A_1528 : i32
        %add3A_1801 = arith.constant 112 : i32
        %add3A_1802 = arith.addi %add3A_1800, %add3A_1801 : i32
        %get3A_1803 = arith.index_cast %add3A_1802 : i32 to index
        %get3A_1804 = tpu.vector_load %arg4[%get3A_1803] {strides = array<i32>} : memref<16384xf32, #tpu.memory_space<vmem>>, vector<16xf32>,
        %add3A_1805 = arith.addi %add3A_918, %mul3A_1528 : i32
        %add3A_1806 = arith.constant 128 : i32
        %add3A_1807 = arith.addi %add3A_1805, %add3A_1806 : i32
        %get3A_1808 = arith.index_cast %add3A_1807 : i32 to index
        %get3A_1809 = tpu.vector_load %arg4[%get3A_1808] {strides = array<i32>} : memref<16384xf32, #tpu.memory_space<vmem>>, vector<16xf32>,
        %add3A_1810 = arith.addi %add3A_918, %mul3A_1528 : i32
        %add3A_1811 = arith.constant 144 : i32
        %add3A_1812 = arith.addi %add3A_1810, %add3A_1811 : i32
        %get3A_1813 = arith.index_cast %add3A_1812 : i32 to index
        %get3A_1814 = tpu.vector_load %arg4[%get3A_1813] {strides = array<i32>} : memref<16384xf32, #tpu.memory_space<vmem>>, vector<16xf32>,
        %add3A_1815 = arith.addi %add3A_918, %mul3A_1528 : i32
        %add3A_1816 = arith.constant 160 : i32
        %add3A_1817 = arith.addi %add3A_1815, %add3A_1816 : i32
        %get3A_1818 = arith.index_cast %add3A_1817 : i32 to index
        %get3A_1819 = tpu.vector_load %arg4[%get3A_1818] {strides = array<i32>} : memref<16384xf32, #tpu.memory_space<vmem>>, vector<16xf32>,
        %add3A_1820 = arith.addi %add3A_918, %mul3A_1528 : i32
        %add3A_1821 = arith.constant 176 : i32
        %add3A_1822 = arith.addi %add3A_1820, %add3A_1821 : i32
        %get3A_1823 = arith.index_cast %add3A_1822 : i32 to index
        %get3A_1824 = tpu.vector_load %arg4[%get3A_1823] {strides = array<i32>} : memref<16384xf32, #tpu.memory_space<vmem>>, vector<16xf32>,
        %add3A_1825 = arith.addi %add3A_918, %mul3A_1528 : i32
        %add3A_1826 = arith.constant 192 : i32
        %add3A_1827 = arith.addi %add3A_1825, %add3A_1826 : i32
        %get3A_1828 = arith.index_cast %add3A_1827 : i32 to index
        %get3A_1829 = tpu.vector_load %arg4[%get3A_1828] {strides = array<i32>} : memref<16384xf32, #tpu.memory_space<vmem>>, vector<16xf32>,
        %add3A_1830 = arith.addi %add3A_918, %mul3A_1528 : i32
        %add3A_1831 = arith.constant 208 : i32
        %add3A_1832 = arith.addi %add3A_1830, %add3A_1831 : i32
        %get3A_1833 = arith.index_cast %add3A_1832 : i32 to index
        %get3A_1834 = tpu.vector_load %arg4[%get3A_1833] {strides = array<i32>} : memref<16384xf32, #tpu.memory_space<vmem>>, vector<16xf32>,
        %add3A_1835 = arith.addi %add3A_918, %mul3A_1528 : i32
        %add3A_1836 = arith.constant 224 : i32
        %add3A_1837 = arith.addi %add3A_1835, %add3A_1836 : i32
        %get3A_1838 = arith.index_cast %add3A_1837 : i32 to index
        %get3A_1839 = tpu.vector_load %arg4[%get3A_1838] {strides = array<i32>} : memref<16384xf32, #tpu.memory_space<vmem>>, vector<16xf32>,
        %add3A_1840 = arith.addi %add3A_918, %mul3A_1528 : i32
        %add3A_1841 = arith.constant 240 : i32
        %add3A_1842 = arith.addi %add3A_1840, %add3A_1841 : i32
        %get3A_1843 = arith.index_cast %add3A_1842 : i32 to index
        %get3A_1844 = tpu.vector_load %arg4[%get3A_1843] {strides = array<i32>} : memref<16384xf32, #tpu.memory_space<vmem>>, vector<16xf32>,
        %ge3A_1845 = vector.broadcast %squeeze3A_933 : f32 to vector<16xf32>
        %ge3A_1846 = arith.cmpf oge, %get3A_1769, %ge3A_1845 : vector<16xf32>
        %ge3A_1847 = vector.broadcast %squeeze3A_933 : f32 to vector<16xf32>
        %ge3A_1848 = arith.cmpf oge, %get3A_1774, %ge3A_1847 : vector<16xf32>
        %ge3A_1849 = vector.broadcast %squeeze3A_933 : f32 to vector<16xf32>
        %ge3A_1850 = arith.cmpf oge, %get3A_1779, %ge3A_1849 : vector<16xf32>
        %ge3A_1851 = vector.broadcast %squeeze3A_933 : f32 to vector<16xf32>
        %ge3A_1852 = arith.cmpf oge, %get3A_1784, %ge3A_1851 : vector<16xf32>
        %ge3A_1853 = vector.broadcast %squeeze3A_933 : f32 to vector<16xf32>
        %ge3A_1854 = arith.cmpf oge, %get3A_1789, %ge3A_1853 : vector<16xf32>
        %ge3A_1855 = vector.broadcast %squeeze3A_933 : f32 to vector<16xf32>
        %ge3A_1856 = arith.cmpf oge, %get3A_1794, %ge3A_1855 : vector<16xf32>
        %ge3A_1857 = vector.broadcast %squeeze3A_933 : f32 to vector<16xf32>
        %ge3A_1858 = arith.cmpf oge, %get3A_1799, %ge3A_1857 : vector<16xf32>
        %ge3A_1859 = vector.broadcast %squeeze3A_933 : f32 to vector<16xf32>
        %ge3A_1860 = arith.cmpf oge, %get3A_1804, %ge3A_1859 : vector<16xf32>
        %ge3A_1861 = vector.broadcast %squeeze3A_933 : f32 to vector<16xf32>
        %ge3A_1862 = arith.cmpf oge, %get3A_1809, %ge3A_1861 : vector<16xf32>
        %ge3A_1863 = vector.broadcast %squeeze3A_933 : f32 to vector<16xf32>
        %ge3A_1864 = arith.cmpf oge, %get3A_1814, %ge3A_1863 : vector<16xf32>
        %ge3A_1865 = vector.broadcast %squeeze3A_933 : f32 to vector<16xf32>
        %ge3A_1866 = arith.cmpf oge, %get3A_1819, %ge3A_1865 : vector<16xf32>
        %ge3A_1867 = vector.broadcast %squeeze3A_933 : f32 to vector<16xf32>
        %ge3A_1868 = arith.cmpf oge, %get3A_1824, %ge3A_1867 : vector<16xf32>
        %ge3A_1869 = vector.broadcast %squeeze3A_933 : f32 to vector<16xf32>
        %ge3A_1870 = arith.cmpf oge, %get3A_1829, %ge3A_1869 : vector<16xf32>
        %ge3A_1871 = vector.broadcast %squeeze3A_933 : f32 to vector<16xf32>
        %ge3A_1872 = arith.cmpf oge, %get3A_1834, %ge3A_1871 : vector<16xf32>
        %ge3A_1873 = vector.broadcast %squeeze3A_933 : f32 to vector<16xf32>
        %ge3A_1874 = arith.cmpf oge, %get3A_1839, %ge3A_1873 : vector<16xf32>
        %ge3A_1875 = vector.broadcast %squeeze3A_933 : f32 to vector<16xf32>
        %ge3A_1876 = arith.cmpf oge, %get3A_1844, %ge3A_1875 : vector<16xf32>
        %add3A_1877 = vector.broadcast %mul3A_1528 : i32 to vector<16xi32>
        %add3A_1878 = arith.addi %add3A_131, %add3A_1877 : vector<16xi32>
        %swap3A_1879 = arith.index_cast %scan3A_1526 : i32 to index
        %swap3A_1880 = tpu.vector_load %arg7[%swap3A_1879] masked %ge3A_1846 {strides = array<i32>} : memref<4112xi32, #tpu.memory_space<vmem>>, vector<16xi32>, vector<16xi1>
        tpu.vector_store %arg7[%swap3A_1879], %add3A_1878 masked %ge3A_1846 {strides = array<i32>} : memref<4112xi32, #tpu.memory_space<vmem>>, vector<16xi32>, vector<16xi1>
        %all_reduce_population_count3A_1881 = tpu.all_reduce %ge3A_1846 {dim = 0 : i64, kind = #tpu.reduction_kind<sum>} : vector<16xi1> -> vector<16xi32>
        %slice3A_1882 = vector.extract_strided_slice %all_reduce_population_count3A_1881 {offsets = [0], sizes = [1], strides = [1]} : vector<16xi32> to vector<1xi32>
        %squeeze3A_1883 = vector.extract %slice3A_1882[0] : i32 from vector<1xi32>
        %add3A_1884 = arith.addi %scan3A_1526, %squeeze3A_1883 : i32
        %add3A_1885 = vector.broadcast %mul3A_1528 : i32 to vector<16xi32>
        %add3A_1886 = arith.addi %add3A_134, %add3A_1885 : vector<16xi32>
        %swap3A_1887 = arith.index_cast %add3A_1884 : i32 to index
        %swap3A_1888 = tpu.vector_load %arg7[%swap3A_1887] masked %ge3A_1848 {strides = array<i32>} : memref<4112xi32, #tpu.memory_space<vmem>>, vector<16xi32>, vector<16xi1>
        tpu.vector_store %arg7[%swap3A_1887], %add3A_1886 masked %ge3A_1848 {strides = array<i32>} : memref<4112xi32, #tpu.memory_space<vmem>>, vector<16xi32>, vector<16xi1>
        %all_reduce_population_count3A_1889 = tpu.all_reduce %ge3A_1848 {dim = 0 : i64, kind = #tpu.reduction_kind<sum>} : vector<16xi1> -> vector<16xi32>
        %slice3A_1890 = vector.extract_strided_slice %all_reduce_population_count3A_1889 {offsets = [0], sizes = [1], strides = [1]} : vector<16xi32> to vector<1xi32>
        %squeeze3A_1891 = vector.extract %slice3A_1890[0] : i32 from vector<1xi32>
        %add3A_1892 = arith.addi %add3A_1884, %squeeze3A_1891 : i32
        %add3A_1893 = vector.broadcast %mul3A_1528 : i32 to vector<16xi32>
        %add3A_1894 = arith.addi %add3A_137, %add3A_1893 : vector<16xi32>
        %swap3A_1895 = arith.index_cast %add3A_1892 : i32 to index
        %swap3A_1896 = tpu.vector_load %arg7[%swap3A_1895] masked %ge3A_1850 {strides = array<i32>} : memref<4112xi32, #tpu.memory_space<vmem>>, vector<16xi32>, vector<16xi1>
        tpu.vector_store %arg7[%swap3A_1895], %add3A_1894 masked %ge3A_1850 {strides = array<i32>} : memref<4112xi32, #tpu.memory_space<vmem>>, vector<16xi32>, vector<16xi1>
        %all_reduce_population_count3A_1897 = tpu.all_reduce %ge3A_1850 {dim = 0 : i64, kind = #tpu.reduction_kind<sum>} : vector<16xi1> -> vector<16xi32>
        %slice3A_1898 = vector.extract_strided_slice %all_reduce_population_count3A_1897 {offsets = [0], sizes = [1], strides = [1]} : vector<16xi32> to vector<1xi32>
        %squeeze3A_1899 = vector.extract %slice3A_1898[0] : i32 from vector<1xi32>
        %add3A_1900 = arith.addi %add3A_1892, %squeeze3A_1899 : i32
        %add3A_1901 = vector.broadcast %mul3A_1528 : i32 to vector<16xi32>
        %add3A_1902 = arith.addi %add3A_140, %add3A_1901 : vector<16xi32>
        %swap3A_1903 = arith.index_cast %add3A_1900 : i32 to index
        %swap3A_1904 = tpu.vector_load %arg7[%swap3A_1903] masked %ge3A_1852 {strides = array<i32>} : memref<4112xi32, #tpu.memory_space<vmem>>, vector<16xi32>, vector<16xi1>
        tpu.vector_store %arg7[%swap3A_1903], %add3A_1902 masked %ge3A_1852 {strides = array<i32>} : memref<4112xi32, #tpu.memory_space<vmem>>, vector<16xi32>, vector<16xi1>
        %all_reduce_population_count3A_1905 = tpu.all_reduce %ge3A_1852 {dim = 0 : i64, kind = #tpu.reduction_kind<sum>} : vector<16xi1> -> vector<16xi32>
        %slice3A_1906 = vector.extract_strided_slice %all_reduce_population_count3A_1905 {offsets = [0], sizes = [1], strides = [1]} : vector<16xi32> to vector<1xi32>
        %squeeze3A_1907 = vector.extract %slice3A_1906[0] : i32 from vector<1xi32>
        %add3A_1908 = arith.addi %add3A_1900, %squeeze3A_1907 : i32
        %add3A_1909 = vector.broadcast %mul3A_1528 : i32 to vector<16xi32>
        %add3A_1910 = arith.addi %add3A_143, %add3A_1909 : vector<16xi32>
        %swap3A_1911 = arith.index_cast %add3A_1908 : i32 to index
        %swap3A_1912 = tpu.vector_load %arg7[%swap3A_1911] masked %ge3A_1854 {strides = array<i32>} : memref<4112xi32, #tpu.memory_space<vmem>>, vector<16xi32>, vector<16xi1>
        tpu.vector_store %arg7[%swap3A_1911], %add3A_1910 masked %ge3A_1854 {strides = array<i32>} : memref<4112xi32, #tpu.memory_space<vmem>>, vector<16xi32>, vector<16xi1>
        %all_reduce_population_count3A_1913 = tpu.all_reduce %ge3A_1854 {dim = 0 : i64, kind = #tpu.reduction_kind<sum>} : vector<16xi1> -> vector<16xi32>
        %slice3A_1914 = vector.extract_strided_slice %all_reduce_population_count3A_1913 {offsets = [0], sizes = [1], strides = [1]} : vector<16xi32> to vector<1xi32>
        %squeeze3A_1915 = vector.extract %slice3A_1914[0] : i32 from vector<1xi32>
        %add3A_1916 = arith.addi %add3A_1908, %squeeze3A_1915 : i32
        %add3A_1917 = vector.broadcast %mul3A_1528 : i32 to vector<16xi32>
        %add3A_1918 = arith.addi %add3A_146, %add3A_1917 : vector<16xi32>
        %swap3A_1919 = arith.index_cast %add3A_1916 : i32 to index
        %swap3A_1920 = tpu.vector_load %arg7[%swap3A_1919] masked %ge3A_1856 {strides = array<i32>} : memref<4112xi32, #tpu.memory_space<vmem>>, vector<16xi32>, vector<16xi1>
        tpu.vector_store %arg7[%swap3A_1919], %add3A_1918 masked %ge3A_1856 {strides = array<i32>} : memref<4112xi32, #tpu.memory_space<vmem>>, vector<16xi32>, vector<16xi1>
        %all_reduce_population_count3A_1921 = tpu.all_reduce %ge3A_1856 {dim = 0 : i64, kind = #tpu.reduction_kind<sum>} : vector<16xi1> -> vector<16xi32>
        %slice3A_1922 = vector.extract_strided_slice %all_reduce_population_count3A_1921 {offsets = [0], sizes = [1], strides = [1]} : vector<16xi32> to vector<1xi32>
        %squeeze3A_1923 = vector.extract %slice3A_1922[0] : i32 from vector<1xi32>
        %add3A_1924 = arith.addi %add3A_1916, %squeeze3A_1923 : i32
        %add3A_1925 = vector.broadcast %mul3A_1528 : i32 to vector<16xi32>
        %add3A_1926 = arith.addi %add3A_149, %add3A_1925 : vector<16xi32>
        %swap3A_1927 = arith.index_cast %add3A_1924 : i32 to index
        %swap3A_1928 = tpu.vector_load %arg7[%swap3A_1927] masked %ge3A_1858 {strides = array<i32>} : memref<4112xi32, #tpu.memory_space<vmem>>, vector<16xi32>, vector<16xi1>
        tpu.vector_store %arg7[%swap3A_1927], %add3A_1926 masked %ge3A_1858 {strides = array<i32>} : memref<4112xi32, #tpu.memory_space<vmem>>, vector<16xi32>, vector<16xi1>
        %all_reduce_population_count3A_1929 = tpu.all_reduce %ge3A_1858 {dim = 0 : i64, kind = #tpu.reduction_kind<sum>} : vector<16xi1> -> vector<16xi32>
        %slice3A_1930 = vector.extract_strided_slice %all_reduce_population_count3A_1929 {offsets = [0], sizes = [1], strides = [1]} : vector<16xi32> to vector<1xi32>
        %squeeze3A_1931 = vector.extract %slice3A_1930[0] : i32 from vector<1xi32>
        %add3A_1932 = arith.addi %add3A_1924, %squeeze3A_1931 : i32
        %add3A_1933 = vector.broadcast %mul3A_1528 : i32 to vector<16xi32>
        %add3A_1934 = arith.addi %add3A_152, %add3A_1933 : vector<16xi32>
        %swap3A_1935 = arith.index_cast %add3A_1932 : i32 to index
        %swap3A_1936 = tpu.vector_load %arg7[%swap3A_1935] masked %ge3A_1860 {strides = array<i32>} : memref<4112xi32, #tpu.memory_space<vmem>>, vector<16xi32>, vector<16xi1>
        tpu.vector_store %arg7[%swap3A_1935], %add3A_1934 masked %ge3A_1860 {strides = array<i32>} : memref<4112xi32, #tpu.memory_space<vmem>>, vector<16xi32>, vector<16xi1>
        %all_reduce_population_count3A_1937 = tpu.all_reduce %ge3A_1860 {dim = 0 : i64, kind = #tpu.reduction_kind<sum>} : vector<16xi1> -> vector<16xi32>
        %slice3A_1938 = vector.extract_strided_slice %all_reduce_population_count3A_1937 {offsets = [0], sizes = [1], strides = [1]} : vector<16xi32> to vector<1xi32>
        %squeeze3A_1939 = vector.extract %slice3A_1938[0] : i32 from vector<1xi32>
        %add3A_1940 = arith.addi %add3A_1932, %squeeze3A_1939 : i32
        %add3A_1941 = vector.broadcast %mul3A_1528 : i32 to vector<16xi32>
        %add3A_1942 = arith.addi %add3A_155, %add3A_1941 : vector<16xi32>
        %swap3A_1943 = arith.index_cast %add3A_1940 : i32 to index
        %swap3A_1944 = tpu.vector_load %arg7[%swap3A_1943] masked %ge3A_1862 {strides = array<i32>} : memref<4112xi32, #tpu.memory_space<vmem>>, vector<16xi32>, vector<16xi1>
        tpu.vector_store %arg7[%swap3A_1943], %add3A_1942 masked %ge3A_1862 {strides = array<i32>} : memref<4112xi32, #tpu.memory_space<vmem>>, vector<16xi32>, vector<16xi1>
        %all_reduce_population_count3A_1945 = tpu.all_reduce %ge3A_1862 {dim = 0 : i64, kind = #tpu.reduction_kind<sum>} : vector<16xi1> -> vector<16xi32>
        %slice3A_1946 = vector.extract_strided_slice %all_reduce_population_count3A_1945 {offsets = [0], sizes = [1], strides = [1]} : vector<16xi32> to vector<1xi32>
        %squeeze3A_1947 = vector.extract %slice3A_1946[0] : i32 from vector<1xi32>
        %add3A_1948 = arith.addi %add3A_1940, %squeeze3A_1947 : i32
        %add3A_1949 = vector.broadcast %mul3A_1528 : i32 to vector<16xi32>
        %add3A_1950 = arith.addi %add3A_158, %add3A_1949 : vector<16xi32>
        %swap3A_1951 = arith.index_cast %add3A_1948 : i32 to index
        %swap3A_1952 = tpu.vector_load %arg7[%swap3A_1951] masked %ge3A_1864 {strides = array<i32>} : memref<4112xi32, #tpu.memory_space<vmem>>, vector<16xi32>, vector<16xi1>
        tpu.vector_store %arg7[%swap3A_1951], %add3A_1950 masked %ge3A_1864 {strides = array<i32>} : memref<4112xi32, #tpu.memory_space<vmem>>, vector<16xi32>, vector<16xi1>
        %all_reduce_population_count3A_1953 = tpu.all_reduce %ge3A_1864 {dim = 0 : i64, kind = #tpu.reduction_kind<sum>} : vector<16xi1> -> vector<16xi32>
        %slice3A_1954 = vector.extract_strided_slice %all_reduce_population_count3A_1953 {offsets = [0], sizes = [1], strides = [1]} : vector<16xi32> to vector<1xi32>
        %squeeze3A_1955 = vector.extract %slice3A_1954[0] : i32 from vector<1xi32>
        %add3A_1956 = arith.addi %add3A_1948, %squeeze3A_1955 : i32
        %add3A_1957 = vector.broadcast %mul3A_1528 : i32 to vector<16xi32>
        %add3A_1958 = arith.addi %add3A_161, %add3A_1957 : vector<16xi32>
        %swap3A_1959 = arith.index_cast %add3A_1956 : i32 to index
        %swap3A_1960 = tpu.vector_load %arg7[%swap3A_1959] masked %ge3A_1866 {strides = array<i32>} : memref<4112xi32, #tpu.memory_space<vmem>>, vector<16xi32>, vector<16xi1>
        tpu.vector_store %arg7[%swap3A_1959], %add3A_1958 masked %ge3A_1866 {strides = array<i32>} : memref<4112xi32, #tpu.memory_space<vmem>>, vector<16xi32>, vector<16xi1>
        %all_reduce_population_count3A_1961 = tpu.all_reduce %ge3A_1866 {dim = 0 : i64, kind = #tpu.reduction_kind<sum>} : vector<16xi1> -> vector<16xi32>
        %slice3A_1962 = vector.extract_strided_slice %all_reduce_population_count3A_1961 {offsets = [0], sizes = [1], strides = [1]} : vector<16xi32> to vector<1xi32>
        %squeeze3A_1963 = vector.extract %slice3A_1962[0] : i32 from vector<1xi32>
        %add3A_1964 = arith.addi %add3A_1956, %squeeze3A_1963 : i32
        %add3A_1965 = vector.broadcast %mul3A_1528 : i32 to vector<16xi32>
        %add3A_1966 = arith.addi %add3A_164, %add3A_1965 : vector<16xi32>
        %swap3A_1967 = arith.index_cast %add3A_1964 : i32 to index
        %swap3A_1968 = tpu.vector_load %arg7[%swap3A_1967] masked %ge3A_1868 {strides = array<i32>} : memref<4112xi32, #tpu.memory_space<vmem>>, vector<16xi32>, vector<16xi1>
        tpu.vector_store %arg7[%swap3A_1967], %add3A_1966 masked %ge3A_1868 {strides = array<i32>} : memref<4112xi32, #tpu.memory_space<vmem>>, vector<16xi32>, vector<16xi1>
        %all_reduce_population_count3A_1969 = tpu.all_reduce %ge3A_1868 {dim = 0 : i64, kind = #tpu.reduction_kind<sum>} : vector<16xi1> -> vector<16xi32>
        %slice3A_1970 = vector.extract_strided_slice %all_reduce_population_count3A_1969 {offsets = [0], sizes = [1], strides = [1]} : vector<16xi32> to vector<1xi32>
        %squeeze3A_1971 = vector.extract %slice3A_1970[0] : i32 from vector<1xi32>
        %add3A_1972 = arith.addi %add3A_1964, %squeeze3A_1971 : i32
        %add3A_1973 = vector.broadcast %mul3A_1528 : i32 to vector<16xi32>
        %add3A_1974 = arith.addi %add3A_167, %add3A_1973 : vector<16xi32>
        %swap3A_1975 = arith.index_cast %add3A_1972 : i32 to index
        %swap3A_1976 = tpu.vector_load %arg7[%swap3A_1975] masked %ge3A_1870 {strides = array<i32>} : memref<4112xi32, #tpu.memory_space<vmem>>, vector<16xi32>, vector<16xi1>
        tpu.vector_store %arg7[%swap3A_1975], %add3A_1974 masked %ge3A_1870 {strides = array<i32>} : memref<4112xi32, #tpu.memory_space<vmem>>, vector<16xi32>, vector<16xi1>
        %all_reduce_population_count3A_1977 = tpu.all_reduce %ge3A_1870 {dim = 0 : i64, kind = #tpu.reduction_kind<sum>} : vector<16xi1> -> vector<16xi32>
        %slice3A_1978 = vector.extract_strided_slice %all_reduce_population_count3A_1977 {offsets = [0], sizes = [1], strides = [1]} : vector<16xi32> to vector<1xi32>
        %squeeze3A_1979 = vector.extract %slice3A_1978[0] : i32 from vector<1xi32>
        %add3A_1980 = arith.addi %add3A_1972, %squeeze3A_1979 : i32
        %add3A_1981 = vector.broadcast %mul3A_1528 : i32 to vector<16xi32>
        %add3A_1982 = arith.addi %add3A_170, %add3A_1981 : vector<16xi32>
        %swap3A_1983 = arith.index_cast %add3A_1980 : i32 to index
        %swap3A_1984 = tpu.vector_load %arg7[%swap3A_1983] masked %ge3A_1872 {strides = array<i32>} : memref<4112xi32, #tpu.memory_space<vmem>>, vector<16xi32>, vector<16xi1>
        tpu.vector_store %arg7[%swap3A_1983], %add3A_1982 masked %ge3A_1872 {strides = array<i32>} : memref<4112xi32, #tpu.memory_space<vmem>>, vector<16xi32>, vector<16xi1>
        %all_reduce_population_count3A_1985 = tpu.all_reduce %ge3A_1872 {dim = 0 : i64, kind = #tpu.reduction_kind<sum>} : vector<16xi1> -> vector<16xi32>
        %slice3A_1986 = vector.extract_strided_slice %all_reduce_population_count3A_1985 {offsets = [0], sizes = [1], strides = [1]} : vector<16xi32> to vector<1xi32>
        %squeeze3A_1987 = vector.extract %slice3A_1986[0] : i32 from vector<1xi32>
        %add3A_1988 = arith.addi %add3A_1980, %squeeze3A_1987 : i32
        %add3A_1989 = vector.broadcast %mul3A_1528 : i32 to vector<16xi32>
        %add3A_1990 = arith.addi %add3A_173, %add3A_1989 : vector<16xi32>
        %swap3A_1991 = arith.index_cast %add3A_1988 : i32 to index
        %swap3A_1992 = tpu.vector_load %arg7[%swap3A_1991] masked %ge3A_1874 {strides = array<i32>} : memref<4112xi32, #tpu.memory_space<vmem>>, vector<16xi32>, vector<16xi1>
        tpu.vector_store %arg7[%swap3A_1991], %add3A_1990 masked %ge3A_1874 {strides = array<i32>} : memref<4112xi32, #tpu.memory_space<vmem>>, vector<16xi32>, vector<16xi1>
        %all_reduce_population_count3A_1993 = tpu.all_reduce %ge3A_1874 {dim = 0 : i64, kind = #tpu.reduction_kind<sum>} : vector<16xi1> -> vector<16xi32>
        %slice3A_1994 = vector.extract_strided_slice %all_reduce_population_count3A_1993 {offsets = [0], sizes = [1], strides = [1]} : vector<16xi32> to vector<1xi32>
        %squeeze3A_1995 = vector.extract %slice3A_1994[0] : i32 from vector<1xi32>
        %add3A_1996 = arith.addi %add3A_1988, %squeeze3A_1995 : i32
        %add3A_1997 = vector.broadcast %mul3A_1528 : i32 to vector<16xi32>
        %add3A_1998 = arith.addi %add3A_176, %add3A_1997 : vector<16xi32>
        %swap3A_1999 = arith.index_cast %add3A_1996 : i32 to index
        %swap3A_2000 = tpu.vector_load %arg7[%swap3A_1999] masked %ge3A_1876 {strides = array<i32>} : memref<4112xi32, #tpu.memory_space<vmem>>, vector<16xi32>, vector<16xi1>
        tpu.vector_store %arg7[%swap3A_1999], %add3A_1998 masked %ge3A_1876 {strides = array<i32>} : memref<4112xi32, #tpu.memory_space<vmem>>, vector<16xi32>, vector<16xi1>
        %all_reduce_population_count3A_2001 = tpu.all_reduce %ge3A_1876 {dim = 0 : i64, kind = #tpu.reduction_kind<sum>} : vector<16xi1> -> vector<16xi32>
        %slice3A_2002 = vector.extract_strided_slice %all_reduce_population_count3A_2001 {offsets = [0], sizes = [1], strides = [1]} : vector<16xi32> to vector<1xi32>
        %squeeze3A_2003 = vector.extract %slice3A_2002[0] : i32 from vector<1xi32>
        %add3A_2004 = arith.addi %add3A_1996, %squeeze3A_2003 : i32
        scf.yield %add3A_1764, %add3A_2004 : i32, i32
      }
      %scan3A_941 = arith.constant 16 : i32
      %add3A_942 = arith.constant 15 : i32
      %add3A_943 = arith.addi %scan3A_940#0, %add3A_942 : i32
      %jit3A_944 = arith.constant 16 : i32
      %div3A_945 = arith.divsi %add3A_943, %jit3A_944 : i32
      %sign3A_946 = arith.constant 0 : i32
      %sign3A_947 = arith.cmpi sgt, %add3A_943, %sign3A_946 : i32
      %sign3A_948 = arith.extui %sign3A_947 : i1 to i32
      %sign3A_949 = arith.constant 0 : i32
      %sign3A_950 = arith.cmpi slt, %add3A_943, %sign3A_949 : i32
      %sign3A_951 = arith.extui %sign3A_950 : i1 to i32
      %sign3A_952 = arith.subi %sign3A_948, %sign3A_951 : i32
      %sign3A_953 = arith.constant 0 : i32
      %sign3A_954 = arith.cmpi sgt, %jit3A_944, %sign3A_953 : i32
      %sign3A_955 = arith.extui %sign3A_954 : i1 to i32
      %sign3A_956 = arith.constant 0 : i32
      %sign3A_957 = arith.cmpi slt, %jit3A_944, %sign3A_956 : i32
      %sign3A_958 = arith.extui %sign3A_957 : i1 to i32
      %sign3A_959 = arith.subi %sign3A_955, %sign3A_958 : i32
      %ne3A_960 = arith.cmpi ne, %sign3A_952, %sign3A_959 : i32
      %rem3A_961 = arith.remsi %add3A_943, %jit3A_944 : i32
      %ne3A_962 = arith.constant 0 : i32
      %ne3A_963 = arith.cmpi ne, %rem3A_961, %ne3A_962 : i32
      %and3A_964 = arith.andi %ne3A_960, %ne3A_963 : i1
      %sub3A_965 = arith.constant 1 : i32
      %sub3A_966 = arith.subi %div3A_945, %sub3A_965 : i32
      %select_n3A_967 = arith.select %and3A_964, %sub3A_966, %div3A_945 : i32
      %while3A = arith.constant 0 : i32
      %while3A_968 = arith.subi %select_n3A_967, %while3A : i32
      %while3A_969 = arith.addi %while3A, %while3A_968 : i32
      %while3A_970 = arith.constant 1 : i32
      %while3A_971 = arith.divsi %while3A_968, %while3A_970 : i32
      %while3A_972 = arith.muli %while3A_971, %while3A_970 : i32
      %while3A_973 = arith.addi %while3A, %while3A_972 : i32
      %while3A_974 = arith.constant 1 : i32
      %while3A_975:10 = scf.for %while3A_1524 = %while3A to %while3A_973 step %while3A_974 iter_args(%while3A_1525 = %broadcast_in_dim3A_126, %while3A_1526 = %broadcast_in_dim3A_126, %while3A_1527 = %broadcast_in_dim3A_126, %while3A_1528 = %broadcast_in_dim3A_126, %while3A_1529 = %broadcast_in_dim3A_126, %while3A_1530 = %broadcast_in_dim3A_128, %while3A_1531 = %broadcast_in_dim3A_128, %while3A_1532 = %broadcast_in_dim3A_128, %while3A_1533 = %broadcast_in_dim3A_128, %while3A_1534 = %broadcast_in_dim3A_128) -> (vector<16xf32>, vector<16xf32>, vector<16xf32>, vector<16xf32>, vector<16xf32>, vector<16xi32>, vector<16xi32>, vector<16xi32>, vector<16xi32>, vector<16xi32>)  : i32 {
        %mul3A_1535 = arith.constant 16 : i32
        %mul3A_1536 = arith.muli %while3A_1524, %mul3A_1535 : i32
        %add3A_1537 = vector.broadcast %mul3A_1536 : i32 to vector<16xi32>
        %add3A_1538 = arith.addi %add3A_1537, %iota3A : vector<16xi32>
        %lt3A_1539 = vector.broadcast %scan3A_940#0 : i32 to vector<16xi32>
        %lt3A_1540 = arith.cmpi slt, %add3A_1538, %lt3A_1539 : vector<16xi32>
        %mul3A_1541 = arith.constant 16 : i32
        %mul3A_1542 = arith.muli %while3A_1524, %mul3A_1541 : i32
        %get3A = arith.index_cast %mul3A_1542 : i32 to index
        %get3A_1543 = tpu.vector_load %arg6[%get3A] {strides = array<i32>} : memref<4112xi32, #tpu.memory_space<vmem>>, vector<16xi32>,
        %jit3A_1544 = arith.constant 0 : i32
        %broadcast_in_dim3A_1545 = vector.broadcast %jit3A_1544 : i32 to vector<16xi32>
        %select_n3A_1546 = arith.select %lt3A_1540, %get3A_1543, %broadcast_in_dim3A_1545 : vector<16xi1>, vector<16xi32>
        %add3A_1547 = vector.broadcast %mul3A_916 : i32 to vector<16xi32>
        %add3A_1548 = arith.addi %add3A_1547, %select_n3A_1546 : vector<16xi32>
        %gather3A = tpu.vector_load_idx %arg4[%add3A_1548] : memref<16384xf32, #tpu.memory_space<vmem>>[vector<16xi32>], vector<16xf32>,
        %select_n3A_1549 = arith.select %lt3A_1540, %gather3A, %broadcast_in_dim3A_126 : vector<16xi1>, vector<16xf32>
        %select_n3A_1550 = arith.select %lt3A_1540, %get3A_1543, %broadcast_in_dim3A_128 : vector<16xi1>, vector<16xi32>
        %gt3A = arith.cmpf ogt, %select_n3A_1549, %while3A_1525 : vector<16xf32>
        %select_n3A_1551 = arith.select %gt3A, %select_n3A_1549, %while3A_1525 : vector<16xi1>, vector<16xf32>
        %select_n3A_1552 = arith.select %gt3A, %select_n3A_1550, %while3A_1530 : vector<16xi1>, vector<16xi32>
        %select_n3A_1553 = arith.select %gt3A, %while3A_1525, %select_n3A_1549 : vector<16xi1>, vector<16xf32>
        %select_n3A_1554 = arith.select %gt3A, %while3A_1530, %select_n3A_1550 : vector<16xi1>, vector<16xi32>
        %gt3A_1555 = arith.cmpf ogt, %select_n3A_1553, %while3A_1526 : vector<16xf32>
        %select_n3A_1556 = arith.select %gt3A_1555, %select_n3A_1553, %while3A_1526 : vector<16xi1>, vector<16xf32>
        %select_n3A_1557 = arith.select %gt3A_1555, %select_n3A_1554, %while3A_1531 : vector<16xi1>, vector<16xi32>
        %select_n3A_1558 = arith.select %gt3A_1555, %while3A_1526, %select_n3A_1553 : vector<16xi1>, vector<16xf32>
        %select_n3A_1559 = arith.select %gt3A_1555, %while3A_1531, %select_n3A_1554 : vector<16xi1>, vector<16xi32>
        %gt3A_1560 = arith.cmpf ogt, %select_n3A_1558, %while3A_1527 : vector<16xf32>
        %select_n3A_1561 = arith.select %gt3A_1560, %select_n3A_1558, %while3A_1527 : vector<16xi1>, vector<16xf32>
        %select_n3A_1562 = arith.select %gt3A_1560, %select_n3A_1559, %while3A_1532 : vector<16xi1>, vector<16xi32>
        %select_n3A_1563 = arith.select %gt3A_1560, %while3A_1527, %select_n3A_1558 : vector<16xi1>, vector<16xf32>
        %select_n3A_1564 = arith.select %gt3A_1560, %while3A_1532, %select_n3A_1559 : vector<16xi1>, vector<16xi32>
        %gt3A_1565 = arith.cmpf ogt, %select_n3A_1563, %while3A_1528 : vector<16xf32>
        %select_n3A_1566 = arith.select %gt3A_1565, %select_n3A_1563, %while3A_1528 : vector<16xi1>, vector<16xf32>
        %select_n3A_1567 = arith.select %gt3A_1565, %select_n3A_1564, %while3A_1533 : vector<16xi1>, vector<16xi32>
        %select_n3A_1568 = arith.select %gt3A_1565, %while3A_1528, %select_n3A_1563 : vector<16xi1>, vector<16xf32>
        %select_n3A_1569 = arith.select %gt3A_1565, %while3A_1533, %select_n3A_1564 : vector<16xi1>, vector<16xi32>
        %gt3A_1570 = arith.cmpf ogt, %select_n3A_1568, %while3A_1529 : vector<16xf32>
        %select_n3A_1571 = arith.select %gt3A_1570, %select_n3A_1568, %while3A_1529 : vector<16xi1>, vector<16xf32>
        %select_n3A_1572 = arith.select %gt3A_1570, %select_n3A_1569, %while3A_1534 : vector<16xi1>, vector<16xi32>
        %select_n3A_1573 = arith.select %gt3A_1570, %while3A_1529, %select_n3A_1568 : vector<16xi1>, vector<16xf32>
        %select_n3A_1574 = arith.select %gt3A_1570, %while3A_1534, %select_n3A_1569 : vector<16xi1>, vector<16xi32>
        scf.yield %select_n3A_1551, %select_n3A_1556, %select_n3A_1561, %select_n3A_1566, %select_n3A_1571, %select_n3A_1552, %select_n3A_1557, %select_n3A_1562, %select_n3A_1567, %select_n3A_1572 : vector<16xf32>, vector<16xf32>, vector<16xf32>, vector<16xf32>, vector<16xf32>, vector<16xi32>, vector<16xi32>, vector<16xi32>, vector<16xi32>, vector<16xi32>
      }
      %while3A_976 = arith.constant 1 : i32
      %while3A_977:10 = scf.for %while3A_1524 = %while3A_973 to %while3A_969 step %while3A_976 iter_args(%while3A_1525 = %while3A_975#0, %while3A_1526 = %while3A_975#1, %while3A_1527 = %while3A_975#2, %while3A_1528 = %while3A_975#3, %while3A_1529 = %while3A_975#4, %while3A_1530 = %while3A_975#5, %while3A_1531 = %while3A_975#6, %while3A_1532 = %while3A_975#7, %while3A_1533 = %while3A_975#8, %while3A_1534 = %while3A_975#9) -> (vector<16xf32>, vector<16xf32>, vector<16xf32>, vector<16xf32>, vector<16xf32>, vector<16xi32>, vector<16xi32>, vector<16xi32>, vector<16xi32>, vector<16xi32>)  : i32 {
        %mul3A_1535 = arith.constant 16 : i32
        %mul3A_1536 = arith.muli %while3A_1524, %mul3A_1535 : i32
        %add3A_1537 = vector.broadcast %mul3A_1536 : i32 to vector<16xi32>
        %add3A_1538 = arith.addi %add3A_1537, %iota3A : vector<16xi32>
        %lt3A_1539 = vector.broadcast %scan3A_940#0 : i32 to vector<16xi32>
        %lt3A_1540 = arith.cmpi slt, %add3A_1538, %lt3A_1539 : vector<16xi32>
        %mul3A_1541 = arith.constant 16 : i32
        %mul3A_1542 = arith.muli %while3A_1524, %mul3A_1541 : i32
        %get3A = arith.index_cast %mul3A_1542 : i32 to index
        %get3A_1543 = tpu.vector_load %arg6[%get3A] {strides = array<i32>} : memref<4112xi32, #tpu.memory_space<vmem>>, vector<16xi32>,
        %jit3A_1544 = arith.constant 0 : i32
        %broadcast_in_dim3A_1545 = vector.broadcast %jit3A_1544 : i32 to vector<16xi32>
        %select_n3A_1546 = arith.select %lt3A_1540, %get3A_1543, %broadcast_in_dim3A_1545 : vector<16xi1>, vector<16xi32>
        %add3A_1547 = vector.broadcast %mul3A_916 : i32 to vector<16xi32>
        %add3A_1548 = arith.addi %add3A_1547, %select_n3A_1546 : vector<16xi32>
        %gather3A = tpu.vector_load_idx %arg4[%add3A_1548] : memref<16384xf32, #tpu.memory_space<vmem>>[vector<16xi32>], vector<16xf32>,
        %select_n3A_1549 = arith.select %lt3A_1540, %gather3A, %broadcast_in_dim3A_126 : vector<16xi1>, vector<16xf32>
        %select_n3A_1550 = arith.select %lt3A_1540, %get3A_1543, %broadcast_in_dim3A_128 : vector<16xi1>, vector<16xi32>
        %gt3A = arith.cmpf ogt, %select_n3A_1549, %while3A_1525 : vector<16xf32>
        %select_n3A_1551 = arith.select %gt3A, %select_n3A_1549, %while3A_1525 : vector<16xi1>, vector<16xf32>
        %select_n3A_1552 = arith.select %gt3A, %select_n3A_1550, %while3A_1530 : vector<16xi1>, vector<16xi32>
        %select_n3A_1553 = arith.select %gt3A, %while3A_1525, %select_n3A_1549 : vector<16xi1>, vector<16xf32>
        %select_n3A_1554 = arith.select %gt3A, %while3A_1530, %select_n3A_1550 : vector<16xi1>, vector<16xi32>
        %gt3A_1555 = arith.cmpf ogt, %select_n3A_1553, %while3A_1526 : vector<16xf32>
        %select_n3A_1556 = arith.select %gt3A_1555, %select_n3A_1553, %while3A_1526 : vector<16xi1>, vector<16xf32>
        %select_n3A_1557 = arith.select %gt3A_1555, %select_n3A_1554, %while3A_1531 : vector<16xi1>, vector<16xi32>
        %select_n3A_1558 = arith.select %gt3A_1555, %while3A_1526, %select_n3A_1553 : vector<16xi1>, vector<16xf32>
        %select_n3A_1559 = arith.select %gt3A_1555, %while3A_1531, %select_n3A_1554 : vector<16xi1>, vector<16xi32>
        %gt3A_1560 = arith.cmpf ogt, %select_n3A_1558, %while3A_1527 : vector<16xf32>
        %select_n3A_1561 = arith.select %gt3A_1560, %select_n3A_1558, %while3A_1527 : vector<16xi1>, vector<16xf32>
        %select_n3A_1562 = arith.select %gt3A_1560, %select_n3A_1559, %while3A_1532 : vector<16xi1>, vector<16xi32>
        %select_n3A_1563 = arith.select %gt3A_1560, %while3A_1527, %select_n3A_1558 : vector<16xi1>, vector<16xf32>
        %select_n3A_1564 = arith.select %gt3A_1560, %while3A_1532, %select_n3A_1559 : vector<16xi1>, vector<16xi32>
        %gt3A_1565 = arith.cmpf ogt, %select_n3A_1563, %while3A_1528 : vector<16xf32>
        %select_n3A_1566 = arith.select %gt3A_1565, %select_n3A_1563, %while3A_1528 : vector<16xi1>, vector<16xf32>
        %select_n3A_1567 = arith.select %gt3A_1565, %select_n3A_1564, %while3A_1533 : vector<16xi1>, vector<16xi32>
        %select_n3A_1568 = arith.select %gt3A_1565, %while3A_1528, %select_n3A_1563 : vector<16xi1>, vector<16xf32>
        %select_n3A_1569 = arith.select %gt3A_1565, %while3A_1533, %select_n3A_1564 : vector<16xi1>, vector<16xi32>
        %gt3A_1570 = arith.cmpf ogt, %select_n3A_1568, %while3A_1529 : vector<16xf32>
        %select_n3A_1571 = arith.select %gt3A_1570, %select_n3A_1568, %while3A_1529 : vector<16xi1>, vector<16xf32>
        %select_n3A_1572 = arith.select %gt3A_1570, %select_n3A_1569, %while3A_1534 : vector<16xi1>, vector<16xi32>
        %select_n3A_1573 = arith.select %gt3A_1570, %while3A_1529, %select_n3A_1568 : vector<16xi1>, vector<16xf32>
        %select_n3A_1574 = arith.select %gt3A_1570, %while3A_1534, %select_n3A_1569 : vector<16xi1>, vector<16xi32>
        scf.yield %select_n3A_1551, %select_n3A_1556, %select_n3A_1561, %select_n3A_1566, %select_n3A_1571, %select_n3A_1552, %select_n3A_1557, %select_n3A_1562, %select_n3A_1567, %select_n3A_1572 : vector<16xf32>, vector<16xf32>, vector<16xf32>, vector<16xf32>, vector<16xf32>, vector<16xi32>, vector<16xi32>, vector<16xi32>, vector<16xi32>, vector<16xi32>
      }
      %add3A_978 = arith.constant 15 : i32
      %add3A_979 = arith.addi %scan3A_940#1, %add3A_978 : i32
      %jit3A_980 = arith.constant 16 : i32
      %div3A_981 = arith.divsi %add3A_979, %jit3A_980 : i32
      %sign3A_982 = arith.constant 0 : i32
      %sign3A_983 = arith.cmpi sgt, %add3A_979, %sign3A_982 : i32
      %sign3A_984 = arith.extui %sign3A_983 : i1 to i32
      %sign3A_985 = arith.constant 0 : i32
      %sign3A_986 = arith.cmpi slt, %add3A_979, %sign3A_985 : i32
      %sign3A_987 = arith.extui %sign3A_986 : i1 to i32
      %sign3A_988 = arith.subi %sign3A_984, %sign3A_987 : i32
      %sign3A_989 = arith.constant 0 : i32
      %sign3A_990 = arith.cmpi sgt, %jit3A_980, %sign3A_989 : i32
      %sign3A_991 = arith.extui %sign3A_990 : i1 to i32
      %sign3A_992 = arith.constant 0 : i32
      %sign3A_993 = arith.cmpi slt, %jit3A_980, %sign3A_992 : i32
      %sign3A_994 = arith.extui %sign3A_993 : i1 to i32
      %sign3A_995 = arith.subi %sign3A_991, %sign3A_994 : i32
      %ne3A_996 = arith.cmpi ne, %sign3A_988, %sign3A_995 : i32
      %rem3A_997 = arith.remsi %add3A_979, %jit3A_980 : i32
      %ne3A_998 = arith.constant 0 : i32
      %ne3A_999 = arith.cmpi ne, %rem3A_997, %ne3A_998 : i32
      %and3A_1000 = arith.andi %ne3A_996, %ne3A_999 : i1
      %sub3A_1001 = arith.constant 1 : i32
      %sub3A_1002 = arith.subi %div3A_981, %sub3A_1001 : i32
      %select_n3A_1003 = arith.select %and3A_1000, %sub3A_1002, %div3A_981 : i32
      %while3A_1004 = arith.constant 0 : i32
      %while3A_1005 = arith.subi %select_n3A_1003, %while3A_1004 : i32
      %while3A_1006 = arith.addi %while3A_1004, %while3A_1005 : i32
      %while3A_1007 = arith.constant 1 : i32
      %while3A_1008 = arith.divsi %while3A_1005, %while3A_1007 : i32
      %while3A_1009 = arith.muli %while3A_1008, %while3A_1007 : i32
      %while3A_1010 = arith.addi %while3A_1004, %while3A_1009 : i32
      %while3A_1011 = arith.constant 1 : i32
      %while3A_1012:10 = scf.for %while3A_1524 = %while3A_1004 to %while3A_1010 step %while3A_1011 iter_args(%while3A_1525 = %broadcast_in_dim3A_126, %while3A_1526 = %broadcast_in_dim3A_126, %while3A_1527 = %broadcast_in_dim3A_126, %while3A_1528 = %broadcast_in_dim3A_126, %while3A_1529 = %broadcast_in_dim3A_126, %while3A_1530 = %broadcast_in_dim3A_128, %while3A_1531 = %broadcast_in_dim3A_128, %while3A_1532 = %broadcast_in_dim3A_128, %while3A_1533 = %broadcast_in_dim3A_128, %while3A_1534 = %broadcast_in_dim3A_128) -> (vector<16xf32>, vector<16xf32>, vector<16xf32>, vector<16xf32>, vector<16xf32>, vector<16xi32>, vector<16xi32>, vector<16xi32>, vector<16xi32>, vector<16xi32>)  : i32 {
        %mul3A_1535 = arith.constant 16 : i32
        %mul3A_1536 = arith.muli %while3A_1524, %mul3A_1535 : i32
        %add3A_1537 = vector.broadcast %mul3A_1536 : i32 to vector<16xi32>
        %add3A_1538 = arith.addi %add3A_1537, %iota3A : vector<16xi32>
        %lt3A_1539 = vector.broadcast %scan3A_940#1 : i32 to vector<16xi32>
        %lt3A_1540 = arith.cmpi slt, %add3A_1538, %lt3A_1539 : vector<16xi32>
        %mul3A_1541 = arith.constant 16 : i32
        %mul3A_1542 = arith.muli %while3A_1524, %mul3A_1541 : i32
        %get3A = arith.index_cast %mul3A_1542 : i32 to index
        %get3A_1543 = tpu.vector_load %arg7[%get3A] {strides = array<i32>} : memref<4112xi32, #tpu.memory_space<vmem>>, vector<16xi32>,
        %jit3A_1544 = arith.constant 0 : i32
        %broadcast_in_dim3A_1545 = vector.broadcast %jit3A_1544 : i32 to vector<16xi32>
        %select_n3A_1546 = arith.select %lt3A_1540, %get3A_1543, %broadcast_in_dim3A_1545 : vector<16xi1>, vector<16xi32>
        %add3A_1547 = vector.broadcast %add3A_918 : i32 to vector<16xi32>
        %add3A_1548 = arith.addi %add3A_1547, %select_n3A_1546 : vector<16xi32>
        %gather3A = tpu.vector_load_idx %arg4[%add3A_1548] : memref<16384xf32, #tpu.memory_space<vmem>>[vector<16xi32>], vector<16xf32>,
        %select_n3A_1549 = arith.select %lt3A_1540, %gather3A, %broadcast_in_dim3A_126 : vector<16xi1>, vector<16xf32>
        %select_n3A_1550 = arith.select %lt3A_1540, %get3A_1543, %broadcast_in_dim3A_128 : vector<16xi1>, vector<16xi32>
        %gt3A = arith.cmpf ogt, %select_n3A_1549, %while3A_1525 : vector<16xf32>
        %select_n3A_1551 = arith.select %gt3A, %select_n3A_1549, %while3A_1525 : vector<16xi1>, vector<16xf32>
        %select_n3A_1552 = arith.select %gt3A, %select_n3A_1550, %while3A_1530 : vector<16xi1>, vector<16xi32>
        %select_n3A_1553 = arith.select %gt3A, %while3A_1525, %select_n3A_1549 : vector<16xi1>, vector<16xf32>
        %select_n3A_1554 = arith.select %gt3A, %while3A_1530, %select_n3A_1550 : vector<16xi1>, vector<16xi32>
        %gt3A_1555 = arith.cmpf ogt, %select_n3A_1553, %while3A_1526 : vector<16xf32>
        %select_n3A_1556 = arith.select %gt3A_1555, %select_n3A_1553, %while3A_1526 : vector<16xi1>, vector<16xf32>
        %select_n3A_1557 = arith.select %gt3A_1555, %select_n3A_1554, %while3A_1531 : vector<16xi1>, vector<16xi32>
        %select_n3A_1558 = arith.select %gt3A_1555, %while3A_1526, %select_n3A_1553 : vector<16xi1>, vector<16xf32>
        %select_n3A_1559 = arith.select %gt3A_1555, %while3A_1531, %select_n3A_1554 : vector<16xi1>, vector<16xi32>
        %gt3A_1560 = arith.cmpf ogt, %select_n3A_1558, %while3A_1527 : vector<16xf32>
        %select_n3A_1561 = arith.select %gt3A_1560, %select_n3A_1558, %while3A_1527 : vector<16xi1>, vector<16xf32>
        %select_n3A_1562 = arith.select %gt3A_1560, %select_n3A_1559, %while3A_1532 : vector<16xi1>, vector<16xi32>
        %select_n3A_1563 = arith.select %gt3A_1560, %while3A_1527, %select_n3A_1558 : vector<16xi1>, vector<16xf32>
        %select_n3A_1564 = arith.select %gt3A_1560, %while3A_1532, %select_n3A_1559 : vector<16xi1>, vector<16xi32>
        %gt3A_1565 = arith.cmpf ogt, %select_n3A_1563, %while3A_1528 : vector<16xf32>
        %select_n3A_1566 = arith.select %gt3A_1565, %select_n3A_1563, %while3A_1528 : vector<16xi1>, vector<16xf32>
        %select_n3A_1567 = arith.select %gt3A_1565, %select_n3A_1564, %while3A_1533 : vector<16xi1>, vector<16xi32>
        %select_n3A_1568 = arith.select %gt3A_1565, %while3A_1528, %select_n3A_1563 : vector<16xi1>, vector<16xf32>
        %select_n3A_1569 = arith.select %gt3A_1565, %while3A_1533, %select_n3A_1564 : vector<16xi1>, vector<16xi32>
        %gt3A_1570 = arith.cmpf ogt, %select_n3A_1568, %while3A_1529 : vector<16xf32>
        %select_n3A_1571 = arith.select %gt3A_1570, %select_n3A_1568, %while3A_1529 : vector<16xi1>, vector<16xf32>
        %select_n3A_1572 = arith.select %gt3A_1570, %select_n3A_1569, %while3A_1534 : vector<16xi1>, vector<16xi32>
        %select_n3A_1573 = arith.select %gt3A_1570, %while3A_1529, %select_n3A_1568 : vector<16xi1>, vector<16xf32>
        %select_n3A_1574 = arith.select %gt3A_1570, %while3A_1534, %select_n3A_1569 : vector<16xi1>, vector<16xi32>
        scf.yield %select_n3A_1551, %select_n3A_1556, %select_n3A_1561, %select_n3A_1566, %select_n3A_1571, %select_n3A_1552, %select_n3A_1557, %select_n3A_1562, %select_n3A_1567, %select_n3A_1572 : vector<16xf32>, vector<16xf32>, vector<16xf32>, vector<16xf32>, vector<16xf32>, vector<16xi32>, vector<16xi32>, vector<16xi32>, vector<16xi32>, vector<16xi32>
      }
      %while3A_1013 = arith.constant 1 : i32
      %while3A_1014:10 = scf.for %while3A_1524 = %while3A_1010 to %while3A_1006 step %while3A_1013 iter_args(%while3A_1525 = %while3A_1012#0, %while3A_1526 = %while3A_1012#1, %while3A_1527 = %while3A_1012#2, %while3A_1528 = %while3A_1012#3, %while3A_1529 = %while3A_1012#4, %while3A_1530 = %while3A_1012#5, %while3A_1531 = %while3A_1012#6, %while3A_1532 = %while3A_1012#7, %while3A_1533 = %while3A_1012#8, %while3A_1534 = %while3A_1012#9) -> (vector<16xf32>, vector<16xf32>, vector<16xf32>, vector<16xf32>, vector<16xf32>, vector<16xi32>, vector<16xi32>, vector<16xi32>, vector<16xi32>, vector<16xi32>)  : i32 {
        %mul3A_1535 = arith.constant 16 : i32
        %mul3A_1536 = arith.muli %while3A_1524, %mul3A_1535 : i32
        %add3A_1537 = vector.broadcast %mul3A_1536 : i32 to vector<16xi32>
        %add3A_1538 = arith.addi %add3A_1537, %iota3A : vector<16xi32>
        %lt3A_1539 = vector.broadcast %scan3A_940#1 : i32 to vector<16xi32>
        %lt3A_1540 = arith.cmpi slt, %add3A_1538, %lt3A_1539 : vector<16xi32>
        %mul3A_1541 = arith.constant 16 : i32
        %mul3A_1542 = arith.muli %while3A_1524, %mul3A_1541 : i32
        %get3A = arith.index_cast %mul3A_1542 : i32 to index
        %get3A_1543 = tpu.vector_load %arg7[%get3A] {strides = array<i32>} : memref<4112xi32, #tpu.memory_space<vmem>>, vector<16xi32>,
        %jit3A_1544 = arith.constant 0 : i32
        %broadcast_in_dim3A_1545 = vector.broadcast %jit3A_1544 : i32 to vector<16xi32>
        %select_n3A_1546 = arith.select %lt3A_1540, %get3A_1543, %broadcast_in_dim3A_1545 : vector<16xi1>, vector<16xi32>
        %add3A_1547 = vector.broadcast %add3A_918 : i32 to vector<16xi32>
        %add3A_1548 = arith.addi %add3A_1547, %select_n3A_1546 : vector<16xi32>
        %gather3A = tpu.vector_load_idx %arg4[%add3A_1548] : memref<16384xf32, #tpu.memory_space<vmem>>[vector<16xi32>], vector<16xf32>,
        %select_n3A_1549 = arith.select %lt3A_1540, %gather3A, %broadcast_in_dim3A_126 : vector<16xi1>, vector<16xf32>
        %select_n3A_1550 = arith.select %lt3A_1540, %get3A_1543, %broadcast_in_dim3A_128 : vector<16xi1>, vector<16xi32>
        %gt3A = arith.cmpf ogt, %select_n3A_1549, %while3A_1525 : vector<16xf32>
        %select_n3A_1551 = arith.select %gt3A, %select_n3A_1549, %while3A_1525 : vector<16xi1>, vector<16xf32>
        %select_n3A_1552 = arith.select %gt3A, %select_n3A_1550, %while3A_1530 : vector<16xi1>, vector<16xi32>
        %select_n3A_1553 = arith.select %gt3A, %while3A_1525, %select_n3A_1549 : vector<16xi1>, vector<16xf32>
        %select_n3A_1554 = arith.select %gt3A, %while3A_1530, %select_n3A_1550 : vector<16xi1>, vector<16xi32>
        %gt3A_1555 = arith.cmpf ogt, %select_n3A_1553, %while3A_1526 : vector<16xf32>
        %select_n3A_1556 = arith.select %gt3A_1555, %select_n3A_1553, %while3A_1526 : vector<16xi1>, vector<16xf32>
        %select_n3A_1557 = arith.select %gt3A_1555, %select_n3A_1554, %while3A_1531 : vector<16xi1>, vector<16xi32>
        %select_n3A_1558 = arith.select %gt3A_1555, %while3A_1526, %select_n3A_1553 : vector<16xi1>, vector<16xf32>
        %select_n3A_1559 = arith.select %gt3A_1555, %while3A_1531, %select_n3A_1554 : vector<16xi1>, vector<16xi32>
        %gt3A_1560 = arith.cmpf ogt, %select_n3A_1558, %while3A_1527 : vector<16xf32>
        %select_n3A_1561 = arith.select %gt3A_1560, %select_n3A_1558, %while3A_1527 : vector<16xi1>, vector<16xf32>
        %select_n3A_1562 = arith.select %gt3A_1560, %select_n3A_1559, %while3A_1532 : vector<16xi1>, vector<16xi32>
        %select_n3A_1563 = arith.select %gt3A_1560, %while3A_1527, %select_n3A_1558 : vector<16xi1>, vector<16xf32>
        %select_n3A_1564 = arith.select %gt3A_1560, %while3A_1532, %select_n3A_1559 : vector<16xi1>, vector<16xi32>
        %gt3A_1565 = arith.cmpf ogt, %select_n3A_1563, %while3A_1528 : vector<16xf32>
        %select_n3A_1566 = arith.select %gt3A_1565, %select_n3A_1563, %while3A_1528 : vector<16xi1>, vector<16xf32>
        %select_n3A_1567 = arith.select %gt3A_1565, %select_n3A_1564, %while3A_1533 : vector<16xi1>, vector<16xi32>
        %select_n3A_1568 = arith.select %gt3A_1565, %while3A_1528, %select_n3A_1563 : vector<16xi1>, vector<16xf32>
        %select_n3A_1569 = arith.select %gt3A_1565, %while3A_1533, %select_n3A_1564 : vector<16xi1>, vector<16xi32>
        %gt3A_1570 = arith.cmpf ogt, %select_n3A_1568, %while3A_1529 : vector<16xf32>
        %select_n3A_1571 = arith.select %gt3A_1570, %select_n3A_1568, %while3A_1529 : vector<16xi1>, vector<16xf32>
        %select_n3A_1572 = arith.select %gt3A_1570, %select_n3A_1569, %while3A_1534 : vector<16xi1>, vector<16xi32>
        %select_n3A_1573 = arith.select %gt3A_1570, %while3A_1529, %select_n3A_1568 : vector<16xi1>, vector<16xf32>
        %select_n3A_1574 = arith.select %gt3A_1570, %while3A_1534, %select_n3A_1569 : vector<16xi1>, vector<16xi32>
        scf.yield %select_n3A_1551, %select_n3A_1556, %select_n3A_1561, %select_n3A_1566, %select_n3A_1571, %select_n3A_1552, %select_n3A_1557, %select_n3A_1562, %select_n3A_1567, %select_n3A_1572 : vector<16xf32>, vector<16xf32>, vector<16xf32>, vector<16xf32>, vector<16xf32>, vector<16xi32>, vector<16xi32>, vector<16xi32>, vector<16xi32>, vector<16xi32>
      }
      %reduce_max3A = arith.constant true
      %reduce_max3A_1015 = vector.broadcast %reduce_max3A : i1 to vector<16xi1>
      %reduce_max3A_1016 = tpu.scan <max>, %while3A_977#0 masked %reduce_max3A_1015 : vector<16xf32>, vector<16xi1> -> vector<16xf32>
      %reduce_max3A_1017 = vector.extract %reduce_max3A_1016[15] : f32 from vector<16xf32>
      %eq3A_1018 = vector.broadcast %reduce_max3A_1017 : f32 to vector<16xf32>
      %eq3A_1019 = arith.cmpf oeq, %while3A_977#0, %eq3A_1018 : vector<16xf32>
      %jit3A_1020 = arith.constant 2147483647 : i32
      %broadcast_in_dim3A_1021 = vector.broadcast %jit3A_1020 : i32 to vector<16xi32>
      %select_n3A_1022 = arith.select %eq3A_1019, %while3A_977#5, %broadcast_in_dim3A_1021 : vector<16xi1>, vector<16xi32>
      %reduce_min3A = arith.constant true
      %reduce_min3A_1023 = vector.broadcast %reduce_min3A : i1 to vector<16xi1>
      %reduce_min3A_1024 = arith.constant -2147483648 : i32
      %reduce_min3A_1025 = vector.broadcast %reduce_min3A_1024 : i32 to vector<16xi32>
      %reduce_min3A_1026 = arith.xori %select_n3A_1022, %reduce_min3A_1025 : vector<16xi32>
      %reduce_min3A_1027 = tpu.scan <min>, %reduce_min3A_1026 masked %reduce_min3A_1023 : vector<16xi32>, vector<16xi1> -> vector<16xi32>
      %reduce_min3A_1028 = arith.xori %reduce_min3A_1027, %reduce_min3A_1025 : vector<16xi32>
      %reduce_min3A_1029 = vector.extract %reduce_min3A_1028[15] : i32 from vector<16xi32>
      %add3A_1030 = arith.constant 97 : i32
      %add3A_1031 = arith.addi %reduce_min3A_1029, %add3A_1030 : i32
      %add3A_1032 = arith.constant 0 : i32
      %add3A_1033 = arith.addi %add3A_1031, %add3A_1032 : i32
      %add3A_1034 = vector.broadcast %add3A_1033 : i32 to vector<16xi32>
      %add3A_1035 = arith.addi %add3A_1034, %iota3A : vector<16xi32>
      tpu.vector_store_idx %arg5[%add3A_1035], %mul3A_46 {add = true} : memref<4352xf32, #tpu.memory_space<vmem>>[vector<16xi32>], vector<16xf32>,
      %add3A_1036 = arith.constant 16 : i32
      %add3A_1037 = arith.addi %add3A_1031, %add3A_1036 : i32
      %add3A_1038 = vector.broadcast %add3A_1037 : i32 to vector<16xi32>
      %add3A_1039 = arith.addi %add3A_1038, %iota3A : vector<16xi32>
      tpu.vector_store_idx %arg5[%add3A_1039], %mul3A_61 {add = true} : memref<4352xf32, #tpu.memory_space<vmem>>[vector<16xi32>], vector<16xf32>,
      %add3A_1040 = arith.constant 32 : i32
      %add3A_1041 = arith.addi %add3A_1031, %add3A_1040 : i32
      %add3A_1042 = vector.broadcast %add3A_1041 : i32 to vector<16xi32>
      %add3A_1043 = arith.addi %add3A_1042, %iota3A : vector<16xi32>
      tpu.vector_store_idx %arg5[%add3A_1043], %mul3A_76 {add = true} : memref<4352xf32, #tpu.memory_space<vmem>>[vector<16xi32>], vector<16xf32>,
      %add3A_1044 = arith.constant 48 : i32
      %add3A_1045 = arith.addi %add3A_1031, %add3A_1044 : i32
      %add3A_1046 = vector.broadcast %add3A_1045 : i32 to vector<16xi32>
      %add3A_1047 = arith.addi %add3A_1046, %iota3A : vector<16xi32>
      tpu.vector_store_idx %arg5[%add3A_1047], %mul3A_91 {add = true} : memref<4352xf32, #tpu.memory_space<vmem>>[vector<16xi32>], vector<16xf32>,
      %eq3A_1048 = vector.broadcast %reduce_min3A_1029 : i32 to vector<16xi32>
      %eq3A_1049 = arith.cmpi eq, %while3A_977#5, %eq3A_1048 : vector<16xi32>
      %select_n3A_1050 = arith.select %eq3A_1049, %while3A_977#1, %while3A_977#0 : vector<16xi1>, vector<16xf32>
      %select_n3A_1051 = arith.select %eq3A_1049, %while3A_977#6, %while3A_977#5 : vector<16xi1>, vector<16xi32>
      %select_n3A_1052 = arith.select %eq3A_1049, %while3A_977#2, %while3A_977#1 : vector<16xi1>, vector<16xf32>
      %select_n3A_1053 = arith.select %eq3A_1049, %while3A_977#7, %while3A_977#6 : vector<16xi1>, vector<16xi32>
      %select_n3A_1054 = arith.select %eq3A_1049, %while3A_977#3, %while3A_977#2 : vector<16xi1>, vector<16xf32>
      %select_n3A_1055 = arith.select %eq3A_1049, %while3A_977#8, %while3A_977#7 : vector<16xi1>, vector<16xi32>
      %select_n3A_1056 = arith.select %eq3A_1049, %while3A_977#4, %while3A_977#3 : vector<16xi1>, vector<16xf32>
      %select_n3A_1057 = arith.select %eq3A_1049, %while3A_977#9, %while3A_977#8 : vector<16xi1>, vector<16xi32>
      %broadcast_in_dim3A_1058 = arith.constant 0xFF800000 : f32
      %broadcast_in_dim3A_1059 = vector.broadcast %broadcast_in_dim3A_1058 : f32 to vector<16xf32>
      %select_n3A_1060 = arith.select %eq3A_1049, %broadcast_in_dim3A_1059, %while3A_977#4 : vector<16xi1>, vector<16xf32>
      %broadcast_in_dim3A_1061 = arith.constant 2147483647 : i32
      %broadcast_in_dim3A_1062 = vector.broadcast %broadcast_in_dim3A_1061 : i32 to vector<16xi32>
      %select_n3A_1063 = arith.select %eq3A_1049, %broadcast_in_dim3A_1062, %while3A_977#9 : vector<16xi1>, vector<16xi32>
      %reduce_max3A_1064 = arith.constant true
      %reduce_max3A_1065 = vector.broadcast %reduce_max3A_1064 : i1 to vector<16xi1>
      %reduce_max3A_1066 = tpu.scan <max>, %select_n3A_1050 masked %reduce_max3A_1065 : vector<16xf32>, vector<16xi1> -> vector<16xf32>
      %reduce_max3A_1067 = vector.extract %reduce_max3A_1066[15] : f32 from vector<16xf32>
      %eq3A_1068 = vector.broadcast %reduce_max3A_1067 : f32 to vector<16xf32>
      %eq3A_1069 = arith.cmpf oeq, %select_n3A_1050, %eq3A_1068 : vector<16xf32>
      %jit3A_1070 = arith.constant 2147483647 : i32
      %broadcast_in_dim3A_1071 = vector.broadcast %jit3A_1070 : i32 to vector<16xi32>
      %select_n3A_1072 = arith.select %eq3A_1069, %select_n3A_1051, %broadcast_in_dim3A_1071 : vector<16xi1>, vector<16xi32>
      %reduce_min3A_1073 = arith.constant true
      %reduce_min3A_1074 = vector.broadcast %reduce_min3A_1073 : i1 to vector<16xi1>
      %reduce_min3A_1075 = arith.constant -2147483648 : i32
      %reduce_min3A_1076 = vector.broadcast %reduce_min3A_1075 : i32 to vector<16xi32>
      %reduce_min3A_1077 = arith.xori %select_n3A_1072, %reduce_min3A_1076 : vector<16xi32>
      %reduce_min3A_1078 = tpu.scan <min>, %reduce_min3A_1077 masked %reduce_min3A_1074 : vector<16xi32>, vector<16xi1> -> vector<16xi32>
      %reduce_min3A_1079 = arith.xori %reduce_min3A_1078, %reduce_min3A_1076 : vector<16xi32>
      %reduce_min3A_1080 = vector.extract %reduce_min3A_1079[15] : i32 from vector<16xi32>
      %add3A_1081 = arith.constant 97 : i32
      %add3A_1082 = arith.addi %reduce_min3A_1080, %add3A_1081 : i32
      %add3A_1083 = arith.constant 0 : i32
      %add3A_1084 = arith.addi %add3A_1082, %add3A_1083 : i32
      %add3A_1085 = vector.broadcast %add3A_1084 : i32 to vector<16xi32>
      %add3A_1086 = arith.addi %add3A_1085, %iota3A : vector<16xi32>
      tpu.vector_store_idx %arg5[%add3A_1086], %mul3A_46 {add = true} : memref<4352xf32, #tpu.memory_space<vmem>>[vector<16xi32>], vector<16xf32>,
      %add3A_1087 = arith.constant 16 : i32
      %add3A_1088 = arith.addi %add3A_1082, %add3A_1087 : i32
      %add3A_1089 = vector.broadcast %add3A_1088 : i32 to vector<16xi32>
      %add3A_1090 = arith.addi %add3A_1089, %iota3A : vector<16xi32>
      tpu.vector_store_idx %arg5[%add3A_1090], %mul3A_61 {add = true} : memref<4352xf32, #tpu.memory_space<vmem>>[vector<16xi32>], vector<16xf32>,
      %add3A_1091 = arith.constant 32 : i32
      %add3A_1092 = arith.addi %add3A_1082, %add3A_1091 : i32
      %add3A_1093 = vector.broadcast %add3A_1092 : i32 to vector<16xi32>
      %add3A_1094 = arith.addi %add3A_1093, %iota3A : vector<16xi32>
      tpu.vector_store_idx %arg5[%add3A_1094], %mul3A_76 {add = true} : memref<4352xf32, #tpu.memory_space<vmem>>[vector<16xi32>], vector<16xf32>,
      %add3A_1095 = arith.constant 48 : i32
      %add3A_1096 = arith.addi %add3A_1082, %add3A_1095 : i32
      %add3A_1097 = vector.broadcast %add3A_1096 : i32 to vector<16xi32>
      %add3A_1098 = arith.addi %add3A_1097, %iota3A : vector<16xi32>
      tpu.vector_store_idx %arg5[%add3A_1098], %mul3A_91 {add = true} : memref<4352xf32, #tpu.memory_space<vmem>>[vector<16xi32>], vector<16xf32>,
      %eq3A_1099 = vector.broadcast %reduce_min3A_1080 : i32 to vector<16xi32>
      %eq3A_1100 = arith.cmpi eq, %select_n3A_1051, %eq3A_1099 : vector<16xi32>
      %select_n3A_1101 = arith.select %eq3A_1100, %select_n3A_1052, %select_n3A_1050 : vector<16xi1>, vector<16xf32>
      %select_n3A_1102 = arith.select %eq3A_1100, %select_n3A_1053, %select_n3A_1051 : vector<16xi1>, vector<16xi32>
      %select_n3A_1103 = arith.select %eq3A_1100, %select_n3A_1054, %select_n3A_1052 : vector<16xi1>, vector<16xf32>
      %select_n3A_1104 = arith.select %eq3A_1100, %select_n3A_1055, %select_n3A_1053 : vector<16xi1>, vector<16xi32>
      %select_n3A_1105 = arith.select %eq3A_1100, %select_n3A_1056, %select_n3A_1054 : vector<16xi1>, vector<16xf32>
      %select_n3A_1106 = arith.select %eq3A_1100, %select_n3A_1057, %select_n3A_1055 : vector<16xi1>, vector<16xi32>
      %select_n3A_1107 = arith.select %eq3A_1100, %select_n3A_1060, %select_n3A_1056 : vector<16xi1>, vector<16xf32>
      %select_n3A_1108 = arith.select %eq3A_1100, %select_n3A_1063, %select_n3A_1057 : vector<16xi1>, vector<16xi32>
      %broadcast_in_dim3A_1109 = arith.constant 0xFF800000 : f32
      %broadcast_in_dim3A_1110 = vector.broadcast %broadcast_in_dim3A_1109 : f32 to vector<16xf32>
      %select_n3A_1111 = arith.select %eq3A_1100, %broadcast_in_dim3A_1110, %select_n3A_1060 : vector<16xi1>, vector<16xf32>
      %broadcast_in_dim3A_1112 = arith.constant 2147483647 : i32
      %broadcast_in_dim3A_1113 = vector.broadcast %broadcast_in_dim3A_1112 : i32 to vector<16xi32>
      %select_n3A_1114 = arith.select %eq3A_1100, %broadcast_in_dim3A_1113, %select_n3A_1063 : vector<16xi1>, vector<16xi32>
      %reduce_max3A_1115 = arith.constant true
      %reduce_max3A_1116 = vector.broadcast %reduce_max3A_1115 : i1 to vector<16xi1>
      %reduce_max3A_1117 = tpu.scan <max>, %select_n3A_1101 masked %reduce_max3A_1116 : vector<16xf32>, vector<16xi1> -> vector<16xf32>
      %reduce_max3A_1118 = vector.extract %reduce_max3A_1117[15] : f32 from vector<16xf32>
      %eq3A_1119 = vector.broadcast %reduce_max3A_1118 : f32 to vector<16xf32>
      %eq3A_1120 = arith.cmpf oeq, %select_n3A_1101, %eq3A_1119 : vector<16xf32>
      %jit3A_1121 = arith.constant 2147483647 : i32
      %broadcast_in_dim3A_1122 = vector.broadcast %jit3A_1121 : i32 to vector<16xi32>
      %select_n3A_1123 = arith.select %eq3A_1120, %select_n3A_1102, %broadcast_in_dim3A_1122 : vector<16xi1>, vector<16xi32>
      %reduce_min3A_1124 = arith.constant true
      %reduce_min3A_1125 = vector.broadcast %reduce_min3A_1124 : i1 to vector<16xi1>
      %reduce_min3A_1126 = arith.constant -2147483648 : i32
      %reduce_min3A_1127 = vector.broadcast %reduce_min3A_1126 : i32 to vector<16xi32>
      %reduce_min3A_1128 = arith.xori %select_n3A_1123, %reduce_min3A_1127 : vector<16xi32>
      %reduce_min3A_1129 = tpu.scan <min>, %reduce_min3A_1128 masked %reduce_min3A_1125 : vector<16xi32>, vector<16xi1> -> vector<16xi32>
      %reduce_min3A_1130 = arith.xori %reduce_min3A_1129, %reduce_min3A_1127 : vector<16xi32>
      %reduce_min3A_1131 = vector.extract %reduce_min3A_1130[15] : i32 from vector<16xi32>
      %add3A_1132 = arith.constant 97 : i32
      %add3A_1133 = arith.addi %reduce_min3A_1131, %add3A_1132 : i32
      %add3A_1134 = arith.constant 0 : i32
      %add3A_1135 = arith.addi %add3A_1133, %add3A_1134 : i32
      %add3A_1136 = vector.broadcast %add3A_1135 : i32 to vector<16xi32>
      %add3A_1137 = arith.addi %add3A_1136, %iota3A : vector<16xi32>
      tpu.vector_store_idx %arg5[%add3A_1137], %mul3A_46 {add = true} : memref<4352xf32, #tpu.memory_space<vmem>>[vector<16xi32>], vector<16xf32>,
      %add3A_1138 = arith.constant 16 : i32
      %add3A_1139 = arith.addi %add3A_1133, %add3A_1138 : i32
      %add3A_1140 = vector.broadcast %add3A_1139 : i32 to vector<16xi32>
      %add3A_1141 = arith.addi %add3A_1140, %iota3A : vector<16xi32>
      tpu.vector_store_idx %arg5[%add3A_1141], %mul3A_61 {add = true} : memref<4352xf32, #tpu.memory_space<vmem>>[vector<16xi32>], vector<16xf32>,
      %add3A_1142 = arith.constant 32 : i32
      %add3A_1143 = arith.addi %add3A_1133, %add3A_1142 : i32
      %add3A_1144 = vector.broadcast %add3A_1143 : i32 to vector<16xi32>
      %add3A_1145 = arith.addi %add3A_1144, %iota3A : vector<16xi32>
      tpu.vector_store_idx %arg5[%add3A_1145], %mul3A_76 {add = true} : memref<4352xf32, #tpu.memory_space<vmem>>[vector<16xi32>], vector<16xf32>,
      %add3A_1146 = arith.constant 48 : i32
      %add3A_1147 = arith.addi %add3A_1133, %add3A_1146 : i32
      %add3A_1148 = vector.broadcast %add3A_1147 : i32 to vector<16xi32>
      %add3A_1149 = arith.addi %add3A_1148, %iota3A : vector<16xi32>
      tpu.vector_store_idx %arg5[%add3A_1149], %mul3A_91 {add = true} : memref<4352xf32, #tpu.memory_space<vmem>>[vector<16xi32>], vector<16xf32>,
      %eq3A_1150 = vector.broadcast %reduce_min3A_1131 : i32 to vector<16xi32>
      %eq3A_1151 = arith.cmpi eq, %select_n3A_1102, %eq3A_1150 : vector<16xi32>
      %select_n3A_1152 = arith.select %eq3A_1151, %select_n3A_1103, %select_n3A_1101 : vector<16xi1>, vector<16xf32>
      %select_n3A_1153 = arith.select %eq3A_1151, %select_n3A_1104, %select_n3A_1102 : vector<16xi1>, vector<16xi32>
      %select_n3A_1154 = arith.select %eq3A_1151, %select_n3A_1105, %select_n3A_1103 : vector<16xi1>, vector<16xf32>
      %select_n3A_1155 = arith.select %eq3A_1151, %select_n3A_1106, %select_n3A_1104 : vector<16xi1>, vector<16xi32>
      %select_n3A_1156 = arith.select %eq3A_1151, %select_n3A_1107, %select_n3A_1105 : vector<16xi1>, vector<16xf32>
      %select_n3A_1157 = arith.select %eq3A_1151, %select_n3A_1108, %select_n3A_1106 : vector<16xi1>, vector<16xi32>
      %select_n3A_1158 = arith.select %eq3A_1151, %select_n3A_1111, %select_n3A_1107 : vector<16xi1>, vector<16xf32>
      %select_n3A_1159 = arith.select %eq3A_1151, %select_n3A_1114, %select_n3A_1108 : vector<16xi1>, vector<16xi32>
      %broadcast_in_dim3A_1160 = arith.constant 0xFF800000 : f32
      %broadcast_in_dim3A_1161 = vector.broadcast %broadcast_in_dim3A_1160 : f32 to vector<16xf32>
      %select_n3A_1162 = arith.select %eq3A_1151, %broadcast_in_dim3A_1161, %select_n3A_1111 : vector<16xi1>, vector<16xf32>
      %broadcast_in_dim3A_1163 = arith.constant 2147483647 : i32
      %broadcast_in_dim3A_1164 = vector.broadcast %broadcast_in_dim3A_1163 : i32 to vector<16xi32>
      %select_n3A_1165 = arith.select %eq3A_1151, %broadcast_in_dim3A_1164, %select_n3A_1114 : vector<16xi1>, vector<16xi32>
      %reduce_max3A_1166 = arith.constant true
      %reduce_max3A_1167 = vector.broadcast %reduce_max3A_1166 : i1 to vector<16xi1>
      %reduce_max3A_1168 = tpu.scan <max>, %select_n3A_1152 masked %reduce_max3A_1167 : vector<16xf32>, vector<16xi1> -> vector<16xf32>
      %reduce_max3A_1169 = vector.extract %reduce_max3A_1168[15] : f32 from vector<16xf32>
      %eq3A_1170 = vector.broadcast %reduce_max3A_1169 : f32 to vector<16xf32>
      %eq3A_1171 = arith.cmpf oeq, %select_n3A_1152, %eq3A_1170 : vector<16xf32>
      %jit3A_1172 = arith.constant 2147483647 : i32
      %broadcast_in_dim3A_1173 = vector.broadcast %jit3A_1172 : i32 to vector<16xi32>
      %select_n3A_1174 = arith.select %eq3A_1171, %select_n3A_1153, %broadcast_in_dim3A_1173 : vector<16xi1>, vector<16xi32>
      %reduce_min3A_1175 = arith.constant true
      %reduce_min3A_1176 = vector.broadcast %reduce_min3A_1175 : i1 to vector<16xi1>
      %reduce_min3A_1177 = arith.constant -2147483648 : i32
      %reduce_min3A_1178 = vector.broadcast %reduce_min3A_1177 : i32 to vector<16xi32>
      %reduce_min3A_1179 = arith.xori %select_n3A_1174, %reduce_min3A_1178 : vector<16xi32>
      %reduce_min3A_1180 = tpu.scan <min>, %reduce_min3A_1179 masked %reduce_min3A_1176 : vector<16xi32>, vector<16xi1> -> vector<16xi32>
      %reduce_min3A_1181 = arith.xori %reduce_min3A_1180, %reduce_min3A_1178 : vector<16xi32>
      %reduce_min3A_1182 = vector.extract %reduce_min3A_1181[15] : i32 from vector<16xi32>
      %add3A_1183 = arith.constant 97 : i32
      %add3A_1184 = arith.addi %reduce_min3A_1182, %add3A_1183 : i32
      %add3A_1185 = arith.constant 0 : i32
      %add3A_1186 = arith.addi %add3A_1184, %add3A_1185 : i32
      %add3A_1187 = vector.broadcast %add3A_1186 : i32 to vector<16xi32>
      %add3A_1188 = arith.addi %add3A_1187, %iota3A : vector<16xi32>
      tpu.vector_store_idx %arg5[%add3A_1188], %mul3A_46 {add = true} : memref<4352xf32, #tpu.memory_space<vmem>>[vector<16xi32>], vector<16xf32>,
      %add3A_1189 = arith.constant 16 : i32
      %add3A_1190 = arith.addi %add3A_1184, %add3A_1189 : i32
      %add3A_1191 = vector.broadcast %add3A_1190 : i32 to vector<16xi32>
      %add3A_1192 = arith.addi %add3A_1191, %iota3A : vector<16xi32>
      tpu.vector_store_idx %arg5[%add3A_1192], %mul3A_61 {add = true} : memref<4352xf32, #tpu.memory_space<vmem>>[vector<16xi32>], vector<16xf32>,
      %add3A_1193 = arith.constant 32 : i32
      %add3A_1194 = arith.addi %add3A_1184, %add3A_1193 : i32
      %add3A_1195 = vector.broadcast %add3A_1194 : i32 to vector<16xi32>
      %add3A_1196 = arith.addi %add3A_1195, %iota3A : vector<16xi32>
      tpu.vector_store_idx %arg5[%add3A_1196], %mul3A_76 {add = true} : memref<4352xf32, #tpu.memory_space<vmem>>[vector<16xi32>], vector<16xf32>,
      %add3A_1197 = arith.constant 48 : i32
      %add3A_1198 = arith.addi %add3A_1184, %add3A_1197 : i32
      %add3A_1199 = vector.broadcast %add3A_1198 : i32 to vector<16xi32>
      %add3A_1200 = arith.addi %add3A_1199, %iota3A : vector<16xi32>
      tpu.vector_store_idx %arg5[%add3A_1200], %mul3A_91 {add = true} : memref<4352xf32, #tpu.memory_space<vmem>>[vector<16xi32>], vector<16xf32>,
      %eq3A_1201 = vector.broadcast %reduce_min3A_1182 : i32 to vector<16xi32>
      %eq3A_1202 = arith.cmpi eq, %select_n3A_1153, %eq3A_1201 : vector<16xi32>
      %select_n3A_1203 = arith.select %eq3A_1202, %select_n3A_1154, %select_n3A_1152 : vector<16xi1>, vector<16xf32>
      %select_n3A_1204 = arith.select %eq3A_1202, %select_n3A_1155, %select_n3A_1153 : vector<16xi1>, vector<16xi32>
      %select_n3A_1205 = arith.select %eq3A_1202, %select_n3A_1156, %select_n3A_1154 : vector<16xi1>, vector<16xf32>
      %select_n3A_1206 = arith.select %eq3A_1202, %select_n3A_1157, %select_n3A_1155 : vector<16xi1>, vector<16xi32>
      %select_n3A_1207 = arith.select %eq3A_1202, %select_n3A_1158, %select_n3A_1156 : vector<16xi1>, vector<16xf32>
      %select_n3A_1208 = arith.select %eq3A_1202, %select_n3A_1159, %select_n3A_1157 : vector<16xi1>, vector<16xi32>
      %select_n3A_1209 = arith.select %eq3A_1202, %select_n3A_1162, %select_n3A_1158 : vector<16xi1>, vector<16xf32>
      %select_n3A_1210 = arith.select %eq3A_1202, %select_n3A_1165, %select_n3A_1159 : vector<16xi1>, vector<16xi32>
      %broadcast_in_dim3A_1211 = arith.constant 0xFF800000 : f32
      %broadcast_in_dim3A_1212 = vector.broadcast %broadcast_in_dim3A_1211 : f32 to vector<16xf32>
      %select_n3A_1213 = arith.select %eq3A_1202, %broadcast_in_dim3A_1212, %select_n3A_1162 : vector<16xi1>, vector<16xf32>
      %broadcast_in_dim3A_1214 = arith.constant 2147483647 : i32
      %broadcast_in_dim3A_1215 = vector.broadcast %broadcast_in_dim3A_1214 : i32 to vector<16xi32>
      %select_n3A_1216 = arith.select %eq3A_1202, %broadcast_in_dim3A_1215, %select_n3A_1165 : vector<16xi1>, vector<16xi32>
      %reduce_max3A_1217 = arith.constant true
      %reduce_max3A_1218 = vector.broadcast %reduce_max3A_1217 : i1 to vector<16xi1>
      %reduce_max3A_1219 = tpu.scan <max>, %select_n3A_1203 masked %reduce_max3A_1218 : vector<16xf32>, vector<16xi1> -> vector<16xf32>
      %reduce_max3A_1220 = vector.extract %reduce_max3A_1219[15] : f32 from vector<16xf32>
      %eq3A_1221 = vector.broadcast %reduce_max3A_1220 : f32 to vector<16xf32>
      %eq3A_1222 = arith.cmpf oeq, %select_n3A_1203, %eq3A_1221 : vector<16xf32>
      %jit3A_1223 = arith.constant 2147483647 : i32
      %broadcast_in_dim3A_1224 = vector.broadcast %jit3A_1223 : i32 to vector<16xi32>
      %select_n3A_1225 = arith.select %eq3A_1222, %select_n3A_1204, %broadcast_in_dim3A_1224 : vector<16xi1>, vector<16xi32>
      %reduce_min3A_1226 = arith.constant true
      %reduce_min3A_1227 = vector.broadcast %reduce_min3A_1226 : i1 to vector<16xi1>
      %reduce_min3A_1228 = arith.constant -2147483648 : i32
      %reduce_min3A_1229 = vector.broadcast %reduce_min3A_1228 : i32 to vector<16xi32>
      %reduce_min3A_1230 = arith.xori %select_n3A_1225, %reduce_min3A_1229 : vector<16xi32>
      %reduce_min3A_1231 = tpu.scan <min>, %reduce_min3A_1230 masked %reduce_min3A_1227 : vector<16xi32>, vector<16xi1> -> vector<16xi32>
      %reduce_min3A_1232 = arith.xori %reduce_min3A_1231, %reduce_min3A_1229 : vector<16xi32>
      %reduce_min3A_1233 = vector.extract %reduce_min3A_1232[15] : i32 from vector<16xi32>
      %add3A_1234 = arith.constant 97 : i32
      %add3A_1235 = arith.addi %reduce_min3A_1233, %add3A_1234 : i32
      %add3A_1236 = arith.constant 0 : i32
      %add3A_1237 = arith.addi %add3A_1235, %add3A_1236 : i32
      %add3A_1238 = vector.broadcast %add3A_1237 : i32 to vector<16xi32>
      %add3A_1239 = arith.addi %add3A_1238, %iota3A : vector<16xi32>
      tpu.vector_store_idx %arg5[%add3A_1239], %mul3A_46 {add = true} : memref<4352xf32, #tpu.memory_space<vmem>>[vector<16xi32>], vector<16xf32>,
      %add3A_1240 = arith.constant 16 : i32
      %add3A_1241 = arith.addi %add3A_1235, %add3A_1240 : i32
      %add3A_1242 = vector.broadcast %add3A_1241 : i32 to vector<16xi32>
      %add3A_1243 = arith.addi %add3A_1242, %iota3A : vector<16xi32>
      tpu.vector_store_idx %arg5[%add3A_1243], %mul3A_61 {add = true} : memref<4352xf32, #tpu.memory_space<vmem>>[vector<16xi32>], vector<16xf32>,
      %add3A_1244 = arith.constant 32 : i32
      %add3A_1245 = arith.addi %add3A_1235, %add3A_1244 : i32
      %add3A_1246 = vector.broadcast %add3A_1245 : i32 to vector<16xi32>
      %add3A_1247 = arith.addi %add3A_1246, %iota3A : vector<16xi32>
      tpu.vector_store_idx %arg5[%add3A_1247], %mul3A_76 {add = true} : memref<4352xf32, #tpu.memory_space<vmem>>[vector<16xi32>], vector<16xf32>,
      %add3A_1248 = arith.constant 48 : i32
      %add3A_1249 = arith.addi %add3A_1235, %add3A_1248 : i32
      %add3A_1250 = vector.broadcast %add3A_1249 : i32 to vector<16xi32>
      %add3A_1251 = arith.addi %add3A_1250, %iota3A : vector<16xi32>
      tpu.vector_store_idx %arg5[%add3A_1251], %mul3A_91 {add = true} : memref<4352xf32, #tpu.memory_space<vmem>>[vector<16xi32>], vector<16xf32>,
      %eq3A_1252 = vector.broadcast %reduce_min3A_1233 : i32 to vector<16xi32>
      %eq3A_1253 = arith.cmpi eq, %select_n3A_1204, %eq3A_1252 : vector<16xi32>
      %select_n3A_1254 = arith.select %eq3A_1253, %select_n3A_1205, %select_n3A_1203 : vector<16xi1>, vector<16xf32>
      %select_n3A_1255 = arith.select %eq3A_1253, %select_n3A_1206, %select_n3A_1204 : vector<16xi1>, vector<16xi32>
      %select_n3A_1256 = arith.select %eq3A_1253, %select_n3A_1207, %select_n3A_1205 : vector<16xi1>, vector<16xf32>
      %select_n3A_1257 = arith.select %eq3A_1253, %select_n3A_1208, %select_n3A_1206 : vector<16xi1>, vector<16xi32>
      %select_n3A_1258 = arith.select %eq3A_1253, %select_n3A_1209, %select_n3A_1207 : vector<16xi1>, vector<16xf32>
      %select_n3A_1259 = arith.select %eq3A_1253, %select_n3A_1210, %select_n3A_1208 : vector<16xi1>, vector<16xi32>
      %select_n3A_1260 = arith.select %eq3A_1253, %select_n3A_1213, %select_n3A_1209 : vector<16xi1>, vector<16xf32>
      %select_n3A_1261 = arith.select %eq3A_1253, %select_n3A_1216, %select_n3A_1210 : vector<16xi1>, vector<16xi32>
      %broadcast_in_dim3A_1262 = arith.constant 0xFF800000 : f32
      %broadcast_in_dim3A_1263 = vector.broadcast %broadcast_in_dim3A_1262 : f32 to vector<16xf32>
      %select_n3A_1264 = arith.select %eq3A_1253, %broadcast_in_dim3A_1263, %select_n3A_1213 : vector<16xi1>, vector<16xf32>
      %broadcast_in_dim3A_1265 = arith.constant 2147483647 : i32
      %broadcast_in_dim3A_1266 = vector.broadcast %broadcast_in_dim3A_1265 : i32 to vector<16xi32>
      %select_n3A_1267 = arith.select %eq3A_1253, %broadcast_in_dim3A_1266, %select_n3A_1216 : vector<16xi1>, vector<16xi32>
      %reduce_max3A_1268 = arith.constant true
      %reduce_max3A_1269 = vector.broadcast %reduce_max3A_1268 : i1 to vector<16xi1>
      %reduce_max3A_1270 = tpu.scan <max>, %while3A_1014#0 masked %reduce_max3A_1269 : vector<16xf32>, vector<16xi1> -> vector<16xf32>
      %reduce_max3A_1271 = vector.extract %reduce_max3A_1270[15] : f32 from vector<16xf32>
      %eq3A_1272 = vector.broadcast %reduce_max3A_1271 : f32 to vector<16xf32>
      %eq3A_1273 = arith.cmpf oeq, %while3A_1014#0, %eq3A_1272 : vector<16xf32>
      %jit3A_1274 = arith.constant 2147483647 : i32
      %broadcast_in_dim3A_1275 = vector.broadcast %jit3A_1274 : i32 to vector<16xi32>
      %select_n3A_1276 = arith.select %eq3A_1273, %while3A_1014#5, %broadcast_in_dim3A_1275 : vector<16xi1>, vector<16xi32>
      %reduce_min3A_1277 = arith.constant true
      %reduce_min3A_1278 = vector.broadcast %reduce_min3A_1277 : i1 to vector<16xi1>
      %reduce_min3A_1279 = arith.constant -2147483648 : i32
      %reduce_min3A_1280 = vector.broadcast %reduce_min3A_1279 : i32 to vector<16xi32>
      %reduce_min3A_1281 = arith.xori %select_n3A_1276, %reduce_min3A_1280 : vector<16xi32>
      %reduce_min3A_1282 = tpu.scan <min>, %reduce_min3A_1281 masked %reduce_min3A_1278 : vector<16xi32>, vector<16xi1> -> vector<16xi32>
      %reduce_min3A_1283 = arith.xori %reduce_min3A_1282, %reduce_min3A_1280 : vector<16xi32>
      %reduce_min3A_1284 = vector.extract %reduce_min3A_1283[15] : i32 from vector<16xi32>
      %add3A_1285 = arith.constant 97 : i32
      %add3A_1286 = arith.addi %reduce_min3A_1284, %add3A_1285 : i32
      %add3A_1287 = arith.constant 0 : i32
      %add3A_1288 = arith.addi %add3A_1286, %add3A_1287 : i32
      %add3A_1289 = vector.broadcast %add3A_1288 : i32 to vector<16xi32>
      %add3A_1290 = arith.addi %add3A_1289, %iota3A : vector<16xi32>
      tpu.vector_store_idx %arg5[%add3A_1290], %mul3A_46 {add = true} : memref<4352xf32, #tpu.memory_space<vmem>>[vector<16xi32>], vector<16xf32>,
      %add3A_1291 = arith.constant 16 : i32
      %add3A_1292 = arith.addi %add3A_1286, %add3A_1291 : i32
      %add3A_1293 = vector.broadcast %add3A_1292 : i32 to vector<16xi32>
      %add3A_1294 = arith.addi %add3A_1293, %iota3A : vector<16xi32>
      tpu.vector_store_idx %arg5[%add3A_1294], %mul3A_61 {add = true} : memref<4352xf32, #tpu.memory_space<vmem>>[vector<16xi32>], vector<16xf32>,
      %add3A_1295 = arith.constant 32 : i32
      %add3A_1296 = arith.addi %add3A_1286, %add3A_1295 : i32
      %add3A_1297 = vector.broadcast %add3A_1296 : i32 to vector<16xi32>
      %add3A_1298 = arith.addi %add3A_1297, %iota3A : vector<16xi32>
      tpu.vector_store_idx %arg5[%add3A_1298], %mul3A_76 {add = true} : memref<4352xf32, #tpu.memory_space<vmem>>[vector<16xi32>], vector<16xf32>,
      %add3A_1299 = arith.constant 48 : i32
      %add3A_1300 = arith.addi %add3A_1286, %add3A_1299 : i32
      %add3A_1301 = vector.broadcast %add3A_1300 : i32 to vector<16xi32>
      %add3A_1302 = arith.addi %add3A_1301, %iota3A : vector<16xi32>
      tpu.vector_store_idx %arg5[%add3A_1302], %mul3A_91 {add = true} : memref<4352xf32, #tpu.memory_space<vmem>>[vector<16xi32>], vector<16xf32>,
      %eq3A_1303 = vector.broadcast %reduce_min3A_1284 : i32 to vector<16xi32>
      %eq3A_1304 = arith.cmpi eq, %while3A_1014#5, %eq3A_1303 : vector<16xi32>
      %select_n3A_1305 = arith.select %eq3A_1304, %while3A_1014#1, %while3A_1014#0 : vector<16xi1>, vector<16xf32>
      %select_n3A_1306 = arith.select %eq3A_1304, %while3A_1014#6, %while3A_1014#5 : vector<16xi1>, vector<16xi32>
      %select_n3A_1307 = arith.select %eq3A_1304, %while3A_1014#2, %while3A_1014#1 : vector<16xi1>, vector<16xf32>
      %select_n3A_1308 = arith.select %eq3A_1304, %while3A_1014#7, %while3A_1014#6 : vector<16xi1>, vector<16xi32>
      %select_n3A_1309 = arith.select %eq3A_1304, %while3A_1014#3, %while3A_1014#2 : vector<16xi1>, vector<16xf32>
      %select_n3A_1310 = arith.select %eq3A_1304, %while3A_1014#8, %while3A_1014#7 : vector<16xi1>, vector<16xi32>
      %select_n3A_1311 = arith.select %eq3A_1304, %while3A_1014#4, %while3A_1014#3 : vector<16xi1>, vector<16xf32>
      %select_n3A_1312 = arith.select %eq3A_1304, %while3A_1014#9, %while3A_1014#8 : vector<16xi1>, vector<16xi32>
      %broadcast_in_dim3A_1313 = arith.constant 0xFF800000 : f32
      %broadcast_in_dim3A_1314 = vector.broadcast %broadcast_in_dim3A_1313 : f32 to vector<16xf32>
      %select_n3A_1315 = arith.select %eq3A_1304, %broadcast_in_dim3A_1314, %while3A_1014#4 : vector<16xi1>, vector<16xf32>
      %broadcast_in_dim3A_1316 = arith.constant 2147483647 : i32
      %broadcast_in_dim3A_1317 = vector.broadcast %broadcast_in_dim3A_1316 : i32 to vector<16xi32>
      %select_n3A_1318 = arith.select %eq3A_1304, %broadcast_in_dim3A_1317, %while3A_1014#9 : vector<16xi1>, vector<16xi32>
      %reduce_max3A_1319 = arith.constant true
      %reduce_max3A_1320 = vector.broadcast %reduce_max3A_1319 : i1 to vector<16xi1>
      %reduce_max3A_1321 = tpu.scan <max>, %select_n3A_1305 masked %reduce_max3A_1320 : vector<16xf32>, vector<16xi1> -> vector<16xf32>
      %reduce_max3A_1322 = vector.extract %reduce_max3A_1321[15] : f32 from vector<16xf32>
      %eq3A_1323 = vector.broadcast %reduce_max3A_1322 : f32 to vector<16xf32>
      %eq3A_1324 = arith.cmpf oeq, %select_n3A_1305, %eq3A_1323 : vector<16xf32>
      %jit3A_1325 = arith.constant 2147483647 : i32
      %broadcast_in_dim3A_1326 = vector.broadcast %jit3A_1325 : i32 to vector<16xi32>
      %select_n3A_1327 = arith.select %eq3A_1324, %select_n3A_1306, %broadcast_in_dim3A_1326 : vector<16xi1>, vector<16xi32>
      %reduce_min3A_1328 = arith.constant true
      %reduce_min3A_1329 = vector.broadcast %reduce_min3A_1328 : i1 to vector<16xi1>
      %reduce_min3A_1330 = arith.constant -2147483648 : i32
      %reduce_min3A_1331 = vector.broadcast %reduce_min3A_1330 : i32 to vector<16xi32>
      %reduce_min3A_1332 = arith.xori %select_n3A_1327, %reduce_min3A_1331 : vector<16xi32>
      %reduce_min3A_1333 = tpu.scan <min>, %reduce_min3A_1332 masked %reduce_min3A_1329 : vector<16xi32>, vector<16xi1> -> vector<16xi32>
      %reduce_min3A_1334 = arith.xori %reduce_min3A_1333, %reduce_min3A_1331 : vector<16xi32>
      %reduce_min3A_1335 = vector.extract %reduce_min3A_1334[15] : i32 from vector<16xi32>
      %add3A_1336 = arith.constant 97 : i32
      %add3A_1337 = arith.addi %reduce_min3A_1335, %add3A_1336 : i32
      %add3A_1338 = arith.constant 0 : i32
      %add3A_1339 = arith.addi %add3A_1337, %add3A_1338 : i32
      %add3A_1340 = vector.broadcast %add3A_1339 : i32 to vector<16xi32>
      %add3A_1341 = arith.addi %add3A_1340, %iota3A : vector<16xi32>
      tpu.vector_store_idx %arg5[%add3A_1341], %mul3A_46 {add = true} : memref<4352xf32, #tpu.memory_space<vmem>>[vector<16xi32>], vector<16xf32>,
      %add3A_1342 = arith.constant 16 : i32
      %add3A_1343 = arith.addi %add3A_1337, %add3A_1342 : i32
      %add3A_1344 = vector.broadcast %add3A_1343 : i32 to vector<16xi32>
      %add3A_1345 = arith.addi %add3A_1344, %iota3A : vector<16xi32>
      tpu.vector_store_idx %arg5[%add3A_1345], %mul3A_61 {add = true} : memref<4352xf32, #tpu.memory_space<vmem>>[vector<16xi32>], vector<16xf32>,
      %add3A_1346 = arith.constant 32 : i32
      %add3A_1347 = arith.addi %add3A_1337, %add3A_1346 : i32
      %add3A_1348 = vector.broadcast %add3A_1347 : i32 to vector<16xi32>
      %add3A_1349 = arith.addi %add3A_1348, %iota3A : vector<16xi32>
      tpu.vector_store_idx %arg5[%add3A_1349], %mul3A_76 {add = true} : memref<4352xf32, #tpu.memory_space<vmem>>[vector<16xi32>], vector<16xf32>,
      %add3A_1350 = arith.constant 48 : i32
      %add3A_1351 = arith.addi %add3A_1337, %add3A_1350 : i32
      %add3A_1352 = vector.broadcast %add3A_1351 : i32 to vector<16xi32>
      %add3A_1353 = arith.addi %add3A_1352, %iota3A : vector<16xi32>
      tpu.vector_store_idx %arg5[%add3A_1353], %mul3A_91 {add = true} : memref<4352xf32, #tpu.memory_space<vmem>>[vector<16xi32>], vector<16xf32>,
      %eq3A_1354 = vector.broadcast %reduce_min3A_1335 : i32 to vector<16xi32>
      %eq3A_1355 = arith.cmpi eq, %select_n3A_1306, %eq3A_1354 : vector<16xi32>
      %select_n3A_1356 = arith.select %eq3A_1355, %select_n3A_1307, %select_n3A_1305 : vector<16xi1>, vector<16xf32>
      %select_n3A_1357 = arith.select %eq3A_1355, %select_n3A_1308, %select_n3A_1306 : vector<16xi1>, vector<16xi32>
      %select_n3A_1358 = arith.select %eq3A_1355, %select_n3A_1309, %select_n3A_1307 : vector<16xi1>, vector<16xf32>
      %select_n3A_1359 = arith.select %eq3A_1355, %select_n3A_1310, %select_n3A_1308 : vector<16xi1>, vector<16xi32>
      %select_n3A_1360 = arith.select %eq3A_1355, %select_n3A_1311, %select_n3A_1309 : vector<16xi1>, vector<16xf32>
      %select_n3A_1361 = arith.select %eq3A_1355, %select_n3A_1312, %select_n3A_1310 : vector<16xi1>, vector<16xi32>
      %select_n3A_1362 = arith.select %eq3A_1355, %select_n3A_1315, %select_n3A_1311 : vector<16xi1>, vector<16xf32>
      %select_n3A_1363 = arith.select %eq3A_1355, %select_n3A_1318, %select_n3A_1312 : vector<16xi1>, vector<16xi32>
      %broadcast_in_dim3A_1364 = arith.constant 0xFF800000 : f32
      %broadcast_in_dim3A_1365 = vector.broadcast %broadcast_in_dim3A_1364 : f32 to vector<16xf32>
      %select_n3A_1366 = arith.select %eq3A_1355, %broadcast_in_dim3A_1365, %select_n3A_1315 : vector<16xi1>, vector<16xf32>
      %broadcast_in_dim3A_1367 = arith.constant 2147483647 : i32
      %broadcast_in_dim3A_1368 = vector.broadcast %broadcast_in_dim3A_1367 : i32 to vector<16xi32>
      %select_n3A_1369 = arith.select %eq3A_1355, %broadcast_in_dim3A_1368, %select_n3A_1318 : vector<16xi1>, vector<16xi32>
      %reduce_max3A_1370 = arith.constant true
      %reduce_max3A_1371 = vector.broadcast %reduce_max3A_1370 : i1 to vector<16xi1>
      %reduce_max3A_1372 = tpu.scan <max>, %select_n3A_1356 masked %reduce_max3A_1371 : vector<16xf32>, vector<16xi1> -> vector<16xf32>
      %reduce_max3A_1373 = vector.extract %reduce_max3A_1372[15] : f32 from vector<16xf32>
      %eq3A_1374 = vector.broadcast %reduce_max3A_1373 : f32 to vector<16xf32>
      %eq3A_1375 = arith.cmpf oeq, %select_n3A_1356, %eq3A_1374 : vector<16xf32>
      %jit3A_1376 = arith.constant 2147483647 : i32
      %broadcast_in_dim3A_1377 = vector.broadcast %jit3A_1376 : i32 to vector<16xi32>
      %select_n3A_1378 = arith.select %eq3A_1375, %select_n3A_1357, %broadcast_in_dim3A_1377 : vector<16xi1>, vector<16xi32>
      %reduce_min3A_1379 = arith.constant true
      %reduce_min3A_1380 = vector.broadcast %reduce_min3A_1379 : i1 to vector<16xi1>
      %reduce_min3A_1381 = arith.constant -2147483648 : i32
      %reduce_min3A_1382 = vector.broadcast %reduce_min3A_1381 : i32 to vector<16xi32>
      %reduce_min3A_1383 = arith.xori %select_n3A_1378, %reduce_min3A_1382 : vector<16xi32>
      %reduce_min3A_1384 = tpu.scan <min>, %reduce_min3A_1383 masked %reduce_min3A_1380 : vector<16xi32>, vector<16xi1> -> vector<16xi32>
      %reduce_min3A_1385 = arith.xori %reduce_min3A_1384, %reduce_min3A_1382 : vector<16xi32>
      %reduce_min3A_1386 = vector.extract %reduce_min3A_1385[15] : i32 from vector<16xi32>
      %add3A_1387 = arith.constant 97 : i32
      %add3A_1388 = arith.addi %reduce_min3A_1386, %add3A_1387 : i32
      %add3A_1389 = arith.constant 0 : i32
      %add3A_1390 = arith.addi %add3A_1388, %add3A_1389 : i32
      %add3A_1391 = vector.broadcast %add3A_1390 : i32 to vector<16xi32>
      %add3A_1392 = arith.addi %add3A_1391, %iota3A : vector<16xi32>
      tpu.vector_store_idx %arg5[%add3A_1392], %mul3A_46 {add = true} : memref<4352xf32, #tpu.memory_space<vmem>>[vector<16xi32>], vector<16xf32>,
      %add3A_1393 = arith.constant 16 : i32
      %add3A_1394 = arith.addi %add3A_1388, %add3A_1393 : i32
      %add3A_1395 = vector.broadcast %add3A_1394 : i32 to vector<16xi32>
      %add3A_1396 = arith.addi %add3A_1395, %iota3A : vector<16xi32>
      tpu.vector_store_idx %arg5[%add3A_1396], %mul3A_61 {add = true} : memref<4352xf32, #tpu.memory_space<vmem>>[vector<16xi32>], vector<16xf32>,
      %add3A_1397 = arith.constant 32 : i32
      %add3A_1398 = arith.addi %add3A_1388, %add3A_1397 : i32
      %add3A_1399 = vector.broadcast %add3A_1398 : i32 to vector<16xi32>
      %add3A_1400 = arith.addi %add3A_1399, %iota3A : vector<16xi32>
      tpu.vector_store_idx %arg5[%add3A_1400], %mul3A_76 {add = true} : memref<4352xf32, #tpu.memory_space<vmem>>[vector<16xi32>], vector<16xf32>,
      %add3A_1401 = arith.constant 48 : i32
      %add3A_1402 = arith.addi %add3A_1388, %add3A_1401 : i32
      %add3A_1403 = vector.broadcast %add3A_1402 : i32 to vector<16xi32>
      %add3A_1404 = arith.addi %add3A_1403, %iota3A : vector<16xi32>
      tpu.vector_store_idx %arg5[%add3A_1404], %mul3A_91 {add = true} : memref<4352xf32, #tpu.memory_space<vmem>>[vector<16xi32>], vector<16xf32>,
      %eq3A_1405 = vector.broadcast %reduce_min3A_1386 : i32 to vector<16xi32>
      %eq3A_1406 = arith.cmpi eq, %select_n3A_1357, %eq3A_1405 : vector<16xi32>
      %select_n3A_1407 = arith.select %eq3A_1406, %select_n3A_1358, %select_n3A_1356 : vector<16xi1>, vector<16xf32>
      %select_n3A_1408 = arith.select %eq3A_1406, %select_n3A_1359, %select_n3A_1357 : vector<16xi1>, vector<16xi32>
      %select_n3A_1409 = arith.select %eq3A_1406, %select_n3A_1360, %select_n3A_1358 : vector<16xi1>, vector<16xf32>
      %select_n3A_1410 = arith.select %eq3A_1406, %select_n3A_1361, %select_n3A_1359 : vector<16xi1>, vector<16xi32>
      %select_n3A_1411 = arith.select %eq3A_1406, %select_n3A_1362, %select_n3A_1360 : vector<16xi1>, vector<16xf32>
      %select_n3A_1412 = arith.select %eq3A_1406, %select_n3A_1363, %select_n3A_1361 : vector<16xi1>, vector<16xi32>
      %select_n3A_1413 = arith.select %eq3A_1406, %select_n3A_1366, %select_n3A_1362 : vector<16xi1>, vector<16xf32>
      %select_n3A_1414 = arith.select %eq3A_1406, %select_n3A_1369, %select_n3A_1363 : vector<16xi1>, vector<16xi32>
      %broadcast_in_dim3A_1415 = arith.constant 0xFF800000 : f32
      %broadcast_in_dim3A_1416 = vector.broadcast %broadcast_in_dim3A_1415 : f32 to vector<16xf32>
      %select_n3A_1417 = arith.select %eq3A_1406, %broadcast_in_dim3A_1416, %select_n3A_1366 : vector<16xi1>, vector<16xf32>
      %broadcast_in_dim3A_1418 = arith.constant 2147483647 : i32
      %broadcast_in_dim3A_1419 = vector.broadcast %broadcast_in_dim3A_1418 : i32 to vector<16xi32>
      %select_n3A_1420 = arith.select %eq3A_1406, %broadcast_in_dim3A_1419, %select_n3A_1369 : vector<16xi1>, vector<16xi32>
      %reduce_max3A_1421 = arith.constant true
      %reduce_max3A_1422 = vector.broadcast %reduce_max3A_1421 : i1 to vector<16xi1>
      %reduce_max3A_1423 = tpu.scan <max>, %select_n3A_1407 masked %reduce_max3A_1422 : vector<16xf32>, vector<16xi1> -> vector<16xf32>
      %reduce_max3A_1424 = vector.extract %reduce_max3A_1423[15] : f32 from vector<16xf32>
      %eq3A_1425 = vector.broadcast %reduce_max3A_1424 : f32 to vector<16xf32>
      %eq3A_1426 = arith.cmpf oeq, %select_n3A_1407, %eq3A_1425 : vector<16xf32>
      %jit3A_1427 = arith.constant 2147483647 : i32
      %broadcast_in_dim3A_1428 = vector.broadcast %jit3A_1427 : i32 to vector<16xi32>
      %select_n3A_1429 = arith.select %eq3A_1426, %select_n3A_1408, %broadcast_in_dim3A_1428 : vector<16xi1>, vector<16xi32>
      %reduce_min3A_1430 = arith.constant true
      %reduce_min3A_1431 = vector.broadcast %reduce_min3A_1430 : i1 to vector<16xi1>
      %reduce_min3A_1432 = arith.constant -2147483648 : i32
      %reduce_min3A_1433 = vector.broadcast %reduce_min3A_1432 : i32 to vector<16xi32>
      %reduce_min3A_1434 = arith.xori %select_n3A_1429, %reduce_min3A_1433 : vector<16xi32>
      %reduce_min3A_1435 = tpu.scan <min>, %reduce_min3A_1434 masked %reduce_min3A_1431 : vector<16xi32>, vector<16xi1> -> vector<16xi32>
      %reduce_min3A_1436 = arith.xori %reduce_min3A_1435, %reduce_min3A_1433 : vector<16xi32>
      %reduce_min3A_1437 = vector.extract %reduce_min3A_1436[15] : i32 from vector<16xi32>
      %add3A_1438 = arith.constant 97 : i32
      %add3A_1439 = arith.addi %reduce_min3A_1437, %add3A_1438 : i32
      %add3A_1440 = arith.constant 0 : i32
      %add3A_1441 = arith.addi %add3A_1439, %add3A_1440 : i32
      %add3A_1442 = vector.broadcast %add3A_1441 : i32 to vector<16xi32>
      %add3A_1443 = arith.addi %add3A_1442, %iota3A : vector<16xi32>
      tpu.vector_store_idx %arg5[%add3A_1443], %mul3A_46 {add = true} : memref<4352xf32, #tpu.memory_space<vmem>>[vector<16xi32>], vector<16xf32>,
      %add3A_1444 = arith.constant 16 : i32
      %add3A_1445 = arith.addi %add3A_1439, %add3A_1444 : i32
      %add3A_1446 = vector.broadcast %add3A_1445 : i32 to vector<16xi32>
      %add3A_1447 = arith.addi %add3A_1446, %iota3A : vector<16xi32>
      tpu.vector_store_idx %arg5[%add3A_1447], %mul3A_61 {add = true} : memref<4352xf32, #tpu.memory_space<vmem>>[vector<16xi32>], vector<16xf32>,
      %add3A_1448 = arith.constant 32 : i32
      %add3A_1449 = arith.addi %add3A_1439, %add3A_1448 : i32
      %add3A_1450 = vector.broadcast %add3A_1449 : i32 to vector<16xi32>
      %add3A_1451 = arith.addi %add3A_1450, %iota3A : vector<16xi32>
      tpu.vector_store_idx %arg5[%add3A_1451], %mul3A_76 {add = true} : memref<4352xf32, #tpu.memory_space<vmem>>[vector<16xi32>], vector<16xf32>,
      %add3A_1452 = arith.constant 48 : i32
      %add3A_1453 = arith.addi %add3A_1439, %add3A_1452 : i32
      %add3A_1454 = vector.broadcast %add3A_1453 : i32 to vector<16xi32>
      %add3A_1455 = arith.addi %add3A_1454, %iota3A : vector<16xi32>
      tpu.vector_store_idx %arg5[%add3A_1455], %mul3A_91 {add = true} : memref<4352xf32, #tpu.memory_space<vmem>>[vector<16xi32>], vector<16xf32>,
      %eq3A_1456 = vector.broadcast %reduce_min3A_1437 : i32 to vector<16xi32>
      %eq3A_1457 = arith.cmpi eq, %select_n3A_1408, %eq3A_1456 : vector<16xi32>
      %select_n3A_1458 = arith.select %eq3A_1457, %select_n3A_1409, %select_n3A_1407 : vector<16xi1>, vector<16xf32>
      %select_n3A_1459 = arith.select %eq3A_1457, %select_n3A_1410, %select_n3A_1408 : vector<16xi1>, vector<16xi32>
      %select_n3A_1460 = arith.select %eq3A_1457, %select_n3A_1411, %select_n3A_1409 : vector<16xi1>, vector<16xf32>
      %select_n3A_1461 = arith.select %eq3A_1457, %select_n3A_1412, %select_n3A_1410 : vector<16xi1>, vector<16xi32>
      %select_n3A_1462 = arith.select %eq3A_1457, %select_n3A_1413, %select_n3A_1411 : vector<16xi1>, vector<16xf32>
      %select_n3A_1463 = arith.select %eq3A_1457, %select_n3A_1414, %select_n3A_1412 : vector<16xi1>, vector<16xi32>
      %select_n3A_1464 = arith.select %eq3A_1457, %select_n3A_1417, %select_n3A_1413 : vector<16xi1>, vector<16xf32>
      %select_n3A_1465 = arith.select %eq3A_1457, %select_n3A_1420, %select_n3A_1414 : vector<16xi1>, vector<16xi32>
      %broadcast_in_dim3A_1466 = arith.constant 0xFF800000 : f32
      %broadcast_in_dim3A_1467 = vector.broadcast %broadcast_in_dim3A_1466 : f32 to vector<16xf32>
      %select_n3A_1468 = arith.select %eq3A_1457, %broadcast_in_dim3A_1467, %select_n3A_1417 : vector<16xi1>, vector<16xf32>
      %broadcast_in_dim3A_1469 = arith.constant 2147483647 : i32
      %broadcast_in_dim3A_1470 = vector.broadcast %broadcast_in_dim3A_1469 : i32 to vector<16xi32>
      %select_n3A_1471 = arith.select %eq3A_1457, %broadcast_in_dim3A_1470, %select_n3A_1420 : vector<16xi1>, vector<16xi32>
      %reduce_max3A_1472 = arith.constant true
      %reduce_max3A_1473 = vector.broadcast %reduce_max3A_1472 : i1 to vector<16xi1>
      %reduce_max3A_1474 = tpu.scan <max>, %select_n3A_1458 masked %reduce_max3A_1473 : vector<16xf32>, vector<16xi1> -> vector<16xf32>
      %reduce_max3A_1475 = vector.extract %reduce_max3A_1474[15] : f32 from vector<16xf32>
      %eq3A_1476 = vector.broadcast %reduce_max3A_1475 : f32 to vector<16xf32>
      %eq3A_1477 = arith.cmpf oeq, %select_n3A_1458, %eq3A_1476 : vector<16xf32>
      %jit3A_1478 = arith.constant 2147483647 : i32
      %broadcast_in_dim3A_1479 = vector.broadcast %jit3A_1478 : i32 to vector<16xi32>
      %select_n3A_1480 = arith.select %eq3A_1477, %select_n3A_1459, %broadcast_in_dim3A_1479 : vector<16xi1>, vector<16xi32>
      %reduce_min3A_1481 = arith.constant true
      %reduce_min3A_1482 = vector.broadcast %reduce_min3A_1481 : i1 to vector<16xi1>
      %reduce_min3A_1483 = arith.constant -2147483648 : i32
      %reduce_min3A_1484 = vector.broadcast %reduce_min3A_1483 : i32 to vector<16xi32>
      %reduce_min3A_1485 = arith.xori %select_n3A_1480, %reduce_min3A_1484 : vector<16xi32>
      %reduce_min3A_1486 = tpu.scan <min>, %reduce_min3A_1485 masked %reduce_min3A_1482 : vector<16xi32>, vector<16xi1> -> vector<16xi32>
      %reduce_min3A_1487 = arith.xori %reduce_min3A_1486, %reduce_min3A_1484 : vector<16xi32>
      %reduce_min3A_1488 = vector.extract %reduce_min3A_1487[15] : i32 from vector<16xi32>
      %add3A_1489 = arith.constant 97 : i32
      %add3A_1490 = arith.addi %reduce_min3A_1488, %add3A_1489 : i32
      %add3A_1491 = arith.constant 0 : i32
      %add3A_1492 = arith.addi %add3A_1490, %add3A_1491 : i32
      %add3A_1493 = vector.broadcast %add3A_1492 : i32 to vector<16xi32>
      %add3A_1494 = arith.addi %add3A_1493, %iota3A : vector<16xi32>
      tpu.vector_store_idx %arg5[%add3A_1494], %mul3A_46 {add = true} : memref<4352xf32, #tpu.memory_space<vmem>>[vector<16xi32>], vector<16xf32>,
      %add3A_1495 = arith.constant 16 : i32
      %add3A_1496 = arith.addi %add3A_1490, %add3A_1495 : i32
      %add3A_1497 = vector.broadcast %add3A_1496 : i32 to vector<16xi32>
      %add3A_1498 = arith.addi %add3A_1497, %iota3A : vector<16xi32>
      tpu.vector_store_idx %arg5[%add3A_1498], %mul3A_61 {add = true} : memref<4352xf32, #tpu.memory_space<vmem>>[vector<16xi32>], vector<16xf32>,
      %add3A_1499 = arith.constant 32 : i32
      %add3A_1500 = arith.addi %add3A_1490, %add3A_1499 : i32
      %add3A_1501 = vector.broadcast %add3A_1500 : i32 to vector<16xi32>
      %add3A_1502 = arith.addi %add3A_1501, %iota3A : vector<16xi32>
      tpu.vector_store_idx %arg5[%add3A_1502], %mul3A_76 {add = true} : memref<4352xf32, #tpu.memory_space<vmem>>[vector<16xi32>], vector<16xf32>,
      %add3A_1503 = arith.constant 48 : i32
      %add3A_1504 = arith.addi %add3A_1490, %add3A_1503 : i32
      %add3A_1505 = vector.broadcast %add3A_1504 : i32 to vector<16xi32>
      %add3A_1506 = arith.addi %add3A_1505, %iota3A : vector<16xi32>
      tpu.vector_store_idx %arg5[%add3A_1506], %mul3A_91 {add = true} : memref<4352xf32, #tpu.memory_space<vmem>>[vector<16xi32>], vector<16xf32>,
      %eq3A_1507 = vector.broadcast %reduce_min3A_1488 : i32 to vector<16xi32>
      %eq3A_1508 = arith.cmpi eq, %select_n3A_1459, %eq3A_1507 : vector<16xi32>
      %select_n3A_1509 = arith.select %eq3A_1508, %select_n3A_1460, %select_n3A_1458 : vector<16xi1>, vector<16xf32>
      %select_n3A_1510 = arith.select %eq3A_1508, %select_n3A_1461, %select_n3A_1459 : vector<16xi1>, vector<16xi32>
      %select_n3A_1511 = arith.select %eq3A_1508, %select_n3A_1462, %select_n3A_1460 : vector<16xi1>, vector<16xf32>
      %select_n3A_1512 = arith.select %eq3A_1508, %select_n3A_1463, %select_n3A_1461 : vector<16xi1>, vector<16xi32>
      %select_n3A_1513 = arith.select %eq3A_1508, %select_n3A_1464, %select_n3A_1462 : vector<16xi1>, vector<16xf32>
      %select_n3A_1514 = arith.select %eq3A_1508, %select_n3A_1465, %select_n3A_1463 : vector<16xi1>, vector<16xi32>
      %select_n3A_1515 = arith.select %eq3A_1508, %select_n3A_1468, %select_n3A_1464 : vector<16xi1>, vector<16xf32>
      %select_n3A_1516 = arith.select %eq3A_1508, %select_n3A_1471, %select_n3A_1465 : vector<16xi1>, vector<16xi32>
      %broadcast_in_dim3A_1517 = arith.constant 0xFF800000 : f32
      %broadcast_in_dim3A_1518 = vector.broadcast %broadcast_in_dim3A_1517 : f32 to vector<16xf32>
      %select_n3A_1519 = arith.select %eq3A_1508, %broadcast_in_dim3A_1518, %select_n3A_1468 : vector<16xi1>, vector<16xf32>
      %broadcast_in_dim3A_1520 = arith.constant 2147483647 : i32
      %broadcast_in_dim3A_1521 = vector.broadcast %broadcast_in_dim3A_1520 : i32 to vector<16xi32>
      %select_n3A_1522 = arith.select %eq3A_1508, %broadcast_in_dim3A_1521, %select_n3A_1471 : vector<16xi1>, vector<16xi32>
      %scan3A_1523 = arith.constant 0 : i32
      scf.yield %scan3A_1523 : i32
    }
    %scan3A_183 = arith.constant 8 : i32
    %dma_start3A_184 = arith.constant 128 : i32
    %dma_start3A_185 = tpu.memref_slice %arg5[%dma_start3A_184] : memref<4352xf32, #tpu.memory_space<vmem>> -> memref<128xf32, #tpu.memory_space<vmem>>
    %dma_start3A_186 = arith.constant 0 : i32
    %dma_start3A_187 = tpu.memref_slice %arg3[%add3A, %dma_start3A_186] : memref<32x4096xf32, #tpu.memory_space<hbm>> -> memref<1x128xf32, #tpu.memory_space<hbm>>
    %dma_start3A_188 = tpu.memref_squeeze %dma_start3A_187 : memref<1x128xf32, #tpu.memory_space<hbm>> -> memref<128xf32, #tpu.memory_space<hbm>>
    %dma_start3A_189 = arith.constant 0 : i32
    %dma_start3A_190 = tpu.memref_slice %arg3[%add3A, %dma_start3A_189] : memref<32x4096xf32, #tpu.memory_space<hbm>> -> memref<1x128xf32, #tpu.memory_space<hbm>>
    %dma_start3A_191 = tpu.memref_squeeze %dma_start3A_190 : memref<1x128xf32, #tpu.memory_space<hbm>> -> memref<128xf32, #tpu.memory_space<hbm>>
    %dma_start3A_192 = arith.constant 128 : i32
    %dma_start3A_193 = tpu.memref_slice %arg5[%dma_start3A_192] : memref<4352xf32, #tpu.memory_space<vmem>> -> memref<128xf32, #tpu.memory_space<vmem>>
    tpu.enqueue_dma source(%dma_start3A_193 : memref<128xf32, #tpu.memory_space<vmem>>) target(%dma_start3A_191 : memref<128xf32, #tpu.memory_space<hbm>>) target_semaphore(%arg8 : memref<!tpu.dma_semaphore, #tpu.memory_space<semaphore_mem>>)
    %dma_start3A_194 = arith.constant 256 : i32
    %dma_start3A_195 = tpu.memref_slice %arg5[%dma_start3A_194] : memref<4352xf32, #tpu.memory_space<vmem>> -> memref<128xf32, #tpu.memory_space<vmem>>
    %dma_start3A_196 = arith.constant 128 : i32
    %dma_start3A_197 = tpu.memref_slice %arg3[%add3A, %dma_start3A_196] : memref<32x4096xf32, #tpu.memory_space<hbm>> -> memref<1x128xf32, #tpu.memory_space<hbm>>
    %dma_start3A_198 = tpu.memref_squeeze %dma_start3A_197 : memref<1x128xf32, #tpu.memory_space<hbm>> -> memref<128xf32, #tpu.memory_space<hbm>>
    %dma_start3A_199 = arith.constant 128 : i32
    %dma_start3A_200 = tpu.memref_slice %arg3[%add3A, %dma_start3A_199] : memref<32x4096xf32, #tpu.memory_space<hbm>> -> memref<1x128xf32, #tpu.memory_space<hbm>>
    %dma_start3A_201 = tpu.memref_squeeze %dma_start3A_200 : memref<1x128xf32, #tpu.memory_space<hbm>> -> memref<128xf32, #tpu.memory_space<hbm>>
    %dma_start3A_202 = arith.constant 256 : i32
    %dma_start3A_203 = tpu.memref_slice %arg5[%dma_start3A_202] : memref<4352xf32, #tpu.memory_space<vmem>> -> memref<128xf32, #tpu.memory_space<vmem>>
    tpu.enqueue_dma source(%dma_start3A_203 : memref<128xf32, #tpu.memory_space<vmem>>) target(%dma_start3A_201 : memref<128xf32, #tpu.memory_space<hbm>>) target_semaphore(%arg8 : memref<!tpu.dma_semaphore, #tpu.memory_space<semaphore_mem>>)
    %dma_start3A_204 = arith.constant 384 : i32
    %dma_start3A_205 = tpu.memref_slice %arg5[%dma_start3A_204] : memref<4352xf32, #tpu.memory_space<vmem>> -> memref<128xf32, #tpu.memory_space<vmem>>
    %dma_start3A_206 = arith.constant 256 : i32
    %dma_start3A_207 = tpu.memref_slice %arg3[%add3A, %dma_start3A_206] : memref<32x4096xf32, #tpu.memory_space<hbm>> -> memref<1x128xf32, #tpu.memory_space<hbm>>
    %dma_start3A_208 = tpu.memref_squeeze %dma_start3A_207 : memref<1x128xf32, #tpu.memory_space<hbm>> -> memref<128xf32, #tpu.memory_space<hbm>>
    %dma_start3A_209 = arith.constant 256 : i32
    %dma_start3A_210 = tpu.memref_slice %arg3[%add3A, %dma_start3A_209] : memref<32x4096xf32, #tpu.memory_space<hbm>> -> memref<1x128xf32, #tpu.memory_space<hbm>>
    %dma_start3A_211 = tpu.memref_squeeze %dma_start3A_210 : memref<1x128xf32, #tpu.memory_space<hbm>> -> memref<128xf32, #tpu.memory_space<hbm>>
    %dma_start3A_212 = arith.constant 384 : i32
    %dma_start3A_213 = tpu.memref_slice %arg5[%dma_start3A_212] : memref<4352xf32, #tpu.memory_space<vmem>> -> memref<128xf32, #tpu.memory_space<vmem>>
    tpu.enqueue_dma source(%dma_start3A_213 : memref<128xf32, #tpu.memory_space<vmem>>) target(%dma_start3A_211 : memref<128xf32, #tpu.memory_space<hbm>>) target_semaphore(%arg8 : memref<!tpu.dma_semaphore, #tpu.memory_space<semaphore_mem>>)
    %dma_start3A_214 = arith.constant 512 : i32
    %dma_start3A_215 = tpu.memref_slice %arg5[%dma_start3A_214] : memref<4352xf32, #tpu.memory_space<vmem>> -> memref<128xf32, #tpu.memory_space<vmem>>
    %dma_start3A_216 = arith.constant 384 : i32
    %dma_start3A_217 = tpu.memref_slice %arg3[%add3A, %dma_start3A_216] : memref<32x4096xf32, #tpu.memory_space<hbm>> -> memref<1x128xf32, #tpu.memory_space<hbm>>
    %dma_start3A_218 = tpu.memref_squeeze %dma_start3A_217 : memref<1x128xf32, #tpu.memory_space<hbm>> -> memref<128xf32, #tpu.memory_space<hbm>>
    %dma_start3A_219 = arith.constant 384 : i32
    %dma_start3A_220 = tpu.memref_slice %arg3[%add3A, %dma_start3A_219] : memref<32x4096xf32, #tpu.memory_space<hbm>> -> memref<1x128xf32, #tpu.memory_space<hbm>>
    %dma_start3A_221 = tpu.memref_squeeze %dma_start3A_220 : memref<1x128xf32, #tpu.memory_space<hbm>> -> memref<128xf32, #tpu.memory_space<hbm>>
    %dma_start3A_222 = arith.constant 512 : i32
    %dma_start3A_223 = tpu.memref_slice %arg5[%dma_start3A_222] : memref<4352xf32, #tpu.memory_space<vmem>> -> memref<128xf32, #tpu.memory_space<vmem>>
    tpu.enqueue_dma source(%dma_start3A_223 : memref<128xf32, #tpu.memory_space<vmem>>) target(%dma_start3A_221 : memref<128xf32, #tpu.memory_space<hbm>>) target_semaphore(%arg8 : memref<!tpu.dma_semaphore, #tpu.memory_space<semaphore_mem>>)
    %dma_start3A_224 = arith.constant 640 : i32
    %dma_start3A_225 = tpu.memref_slice %arg5[%dma_start3A_224] : memref<4352xf32, #tpu.memory_space<vmem>> -> memref<128xf32, #tpu.memory_space<vmem>>
    %dma_start3A_226 = arith.constant 512 : i32
    %dma_start3A_227 = tpu.memref_slice %arg3[%add3A, %dma_start3A_226] : memref<32x4096xf32, #tpu.memory_space<hbm>> -> memref<1x128xf32, #tpu.memory_space<hbm>>
    %dma_start3A_228 = tpu.memref_squeeze %dma_start3A_227 : memref<1x128xf32, #tpu.memory_space<hbm>> -> memref<128xf32, #tpu.memory_space<hbm>>
    %dma_start3A_229 = arith.constant 512 : i32
    %dma_start3A_230 = tpu.memref_slice %arg3[%add3A, %dma_start3A_229] : memref<32x4096xf32, #tpu.memory_space<hbm>> -> memref<1x128xf32, #tpu.memory_space<hbm>>
    %dma_start3A_231 = tpu.memref_squeeze %dma_start3A_230 : memref<1x128xf32, #tpu.memory_space<hbm>> -> memref<128xf32, #tpu.memory_space<hbm>>
    %dma_start3A_232 = arith.constant 640 : i32
    %dma_start3A_233 = tpu.memref_slice %arg5[%dma_start3A_232] : memref<4352xf32, #tpu.memory_space<vmem>> -> memref<128xf32, #tpu.memory_space<vmem>>
    tpu.enqueue_dma source(%dma_start3A_233 : memref<128xf32, #tpu.memory_space<vmem>>) target(%dma_start3A_231 : memref<128xf32, #tpu.memory_space<hbm>>) target_semaphore(%arg8 : memref<!tpu.dma_semaphore, #tpu.memory_space<semaphore_mem>>)
    %dma_start3A_234 = arith.constant 768 : i32
    %dma_start3A_235 = tpu.memref_slice %arg5[%dma_start3A_234] : memref<4352xf32, #tpu.memory_space<vmem>> -> memref<128xf32, #tpu.memory_space<vmem>>
    %dma_start3A_236 = arith.constant 640 : i32
    %dma_start3A_237 = tpu.memref_slice %arg3[%add3A, %dma_start3A_236] : memref<32x4096xf32, #tpu.memory_space<hbm>> -> memref<1x128xf32, #tpu.memory_space<hbm>>
    %dma_start3A_238 = tpu.memref_squeeze %dma_start3A_237 : memref<1x128xf32, #tpu.memory_space<hbm>> -> memref<128xf32, #tpu.memory_space<hbm>>
    %dma_start3A_239 = arith.constant 640 : i32
    %dma_start3A_240 = tpu.memref_slice %arg3[%add3A, %dma_start3A_239] : memref<32x4096xf32, #tpu.memory_space<hbm>> -> memref<1x128xf32, #tpu.memory_space<hbm>>
    %dma_start3A_241 = tpu.memref_squeeze %dma_start3A_240 : memref<1x128xf32, #tpu.memory_space<hbm>> -> memref<128xf32, #tpu.memory_space<hbm>>
    %dma_start3A_242 = arith.constant 768 : i32
    %dma_start3A_243 = tpu.memref_slice %arg5[%dma_start3A_242] : memref<4352xf32, #tpu.memory_space<vmem>> -> memref<128xf32, #tpu.memory_space<vmem>>
    tpu.enqueue_dma source(%dma_start3A_243 : memref<128xf32, #tpu.memory_space<vmem>>) target(%dma_start3A_241 : memref<128xf32, #tpu.memory_space<hbm>>) target_semaphore(%arg8 : memref<!tpu.dma_semaphore, #tpu.memory_space<semaphore_mem>>)
    %dma_start3A_244 = arith.constant 896 : i32
    %dma_start3A_245 = tpu.memref_slice %arg5[%dma_start3A_244] : memref<4352xf32, #tpu.memory_space<vmem>> -> memref<128xf32, #tpu.memory_space<vmem>>
    %dma_start3A_246 = arith.constant 768 : i32
    %dma_start3A_247 = tpu.memref_slice %arg3[%add3A, %dma_start3A_246] : memref<32x4096xf32, #tpu.memory_space<hbm>> -> memref<1x128xf32, #tpu.memory_space<hbm>>
    %dma_start3A_248 = tpu.memref_squeeze %dma_start3A_247 : memref<1x128xf32, #tpu.memory_space<hbm>> -> memref<128xf32, #tpu.memory_space<hbm>>
    %dma_start3A_249 = arith.constant 768 : i32
    %dma_start3A_250 = tpu.memref_slice %arg3[%add3A, %dma_start3A_249] : memref<32x4096xf32, #tpu.memory_space<hbm>> -> memref<1x128xf32, #tpu.memory_space<hbm>>
    %dma_start3A_251 = tpu.memref_squeeze %dma_start3A_250 : memref<1x128xf32, #tpu.memory_space<hbm>> -> memref<128xf32, #tpu.memory_space<hbm>>
    %dma_start3A_252 = arith.constant 896 : i32
    %dma_start3A_253 = tpu.memref_slice %arg5[%dma_start3A_252] : memref<4352xf32, #tpu.memory_space<vmem>> -> memref<128xf32, #tpu.memory_space<vmem>>
    tpu.enqueue_dma source(%dma_start3A_253 : memref<128xf32, #tpu.memory_space<vmem>>) target(%dma_start3A_251 : memref<128xf32, #tpu.memory_space<hbm>>) target_semaphore(%arg8 : memref<!tpu.dma_semaphore, #tpu.memory_space<semaphore_mem>>)
    %dma_start3A_254 = arith.constant 1024 : i32
    %dma_start3A_255 = tpu.memref_slice %arg5[%dma_start3A_254] : memref<4352xf32, #tpu.memory_space<vmem>> -> memref<128xf32, #tpu.memory_space<vmem>>
    %dma_start3A_256 = arith.constant 896 : i32
    %dma_start3A_257 = tpu.memref_slice %arg3[%add3A, %dma_start3A_256] : memref<32x4096xf32, #tpu.memory_space<hbm>> -> memref<1x128xf32, #tpu.memory_space<hbm>>
    %dma_start3A_258 = tpu.memref_squeeze %dma_start3A_257 : memref<1x128xf32, #tpu.memory_space<hbm>> -> memref<128xf32, #tpu.memory_space<hbm>>
    %dma_start3A_259 = arith.constant 896 : i32
    %dma_start3A_260 = tpu.memref_slice %arg3[%add3A, %dma_start3A_259] : memref<32x4096xf32, #tpu.memory_space<hbm>> -> memref<1x128xf32, #tpu.memory_space<hbm>>
    %dma_start3A_261 = tpu.memref_squeeze %dma_start3A_260 : memref<1x128xf32, #tpu.memory_space<hbm>> -> memref<128xf32, #tpu.memory_space<hbm>>
    %dma_start3A_262 = arith.constant 1024 : i32
    %dma_start3A_263 = tpu.memref_slice %arg5[%dma_start3A_262] : memref<4352xf32, #tpu.memory_space<vmem>> -> memref<128xf32, #tpu.memory_space<vmem>>
    tpu.enqueue_dma source(%dma_start3A_263 : memref<128xf32, #tpu.memory_space<vmem>>) target(%dma_start3A_261 : memref<128xf32, #tpu.memory_space<hbm>>) target_semaphore(%arg8 : memref<!tpu.dma_semaphore, #tpu.memory_space<semaphore_mem>>)
    %dma_start3A_264 = arith.constant 1152 : i32
    %dma_start3A_265 = tpu.memref_slice %arg5[%dma_start3A_264] : memref<4352xf32, #tpu.memory_space<vmem>> -> memref<128xf32, #tpu.memory_space<vmem>>
    %dma_start3A_266 = arith.constant 1024 : i32
    %dma_start3A_267 = tpu.memref_slice %arg3[%add3A, %dma_start3A_266] : memref<32x4096xf32, #tpu.memory_space<hbm>> -> memref<1x128xf32, #tpu.memory_space<hbm>>
    %dma_start3A_268 = tpu.memref_squeeze %dma_start3A_267 : memref<1x128xf32, #tpu.memory_space<hbm>> -> memref<128xf32, #tpu.memory_space<hbm>>
    %dma_start3A_269 = arith.constant 1024 : i32
    %dma_start3A_270 = tpu.memref_slice %arg3[%add3A, %dma_start3A_269] : memref<32x4096xf32, #tpu.memory_space<hbm>> -> memref<1x128xf32, #tpu.memory_space<hbm>>
    %dma_start3A_271 = tpu.memref_squeeze %dma_start3A_270 : memref<1x128xf32, #tpu.memory_space<hbm>> -> memref<128xf32, #tpu.memory_space<hbm>>
    %dma_start3A_272 = arith.constant 1152 : i32
    %dma_start3A_273 = tpu.memref_slice %arg5[%dma_start3A_272] : memref<4352xf32, #tpu.memory_space<vmem>> -> memref<128xf32, #tpu.memory_space<vmem>>
    tpu.enqueue_dma source(%dma_start3A_273 : memref<128xf32, #tpu.memory_space<vmem>>) target(%dma_start3A_271 : memref<128xf32, #tpu.memory_space<hbm>>) target_semaphore(%arg8 : memref<!tpu.dma_semaphore, #tpu.memory_space<semaphore_mem>>)
    %dma_start3A_274 = arith.constant 1280 : i32
    %dma_start3A_275 = tpu.memref_slice %arg5[%dma_start3A_274] : memref<4352xf32, #tpu.memory_space<vmem>> -> memref<128xf32, #tpu.memory_space<vmem>>
    %dma_start3A_276 = arith.constant 1152 : i32
    %dma_start3A_277 = tpu.memref_slice %arg3[%add3A, %dma_start3A_276] : memref<32x4096xf32, #tpu.memory_space<hbm>> -> memref<1x128xf32, #tpu.memory_space<hbm>>
    %dma_start3A_278 = tpu.memref_squeeze %dma_start3A_277 : memref<1x128xf32, #tpu.memory_space<hbm>> -> memref<128xf32, #tpu.memory_space<hbm>>
    %dma_start3A_279 = arith.constant 1152 : i32
    %dma_start3A_280 = tpu.memref_slice %arg3[%add3A, %dma_start3A_279] : memref<32x4096xf32, #tpu.memory_space<hbm>> -> memref<1x128xf32, #tpu.memory_space<hbm>>
    %dma_start3A_281 = tpu.memref_squeeze %dma_start3A_280 : memref<1x128xf32, #tpu.memory_space<hbm>> -> memref<128xf32, #tpu.memory_space<hbm>>
    %dma_start3A_282 = arith.constant 1280 : i32
    %dma_start3A_283 = tpu.memref_slice %arg5[%dma_start3A_282] : memref<4352xf32, #tpu.memory_space<vmem>> -> memref<128xf32, #tpu.memory_space<vmem>>
    tpu.enqueue_dma source(%dma_start3A_283 : memref<128xf32, #tpu.memory_space<vmem>>) target(%dma_start3A_281 : memref<128xf32, #tpu.memory_space<hbm>>) target_semaphore(%arg8 : memref<!tpu.dma_semaphore, #tpu.memory_space<semaphore_mem>>)
    %dma_start3A_284 = arith.constant 1408 : i32
    %dma_start3A_285 = tpu.memref_slice %arg5[%dma_start3A_284] : memref<4352xf32, #tpu.memory_space<vmem>> -> memref<128xf32, #tpu.memory_space<vmem>>
    %dma_start3A_286 = arith.constant 1280 : i32
    %dma_start3A_287 = tpu.memref_slice %arg3[%add3A, %dma_start3A_286] : memref<32x4096xf32, #tpu.memory_space<hbm>> -> memref<1x128xf32, #tpu.memory_space<hbm>>
    %dma_start3A_288 = tpu.memref_squeeze %dma_start3A_287 : memref<1x128xf32, #tpu.memory_space<hbm>> -> memref<128xf32, #tpu.memory_space<hbm>>
    %dma_start3A_289 = arith.constant 1280 : i32
    %dma_start3A_290 = tpu.memref_slice %arg3[%add3A, %dma_start3A_289] : memref<32x4096xf32, #tpu.memory_space<hbm>> -> memref<1x128xf32, #tpu.memory_space<hbm>>
    %dma_start3A_291 = tpu.memref_squeeze %dma_start3A_290 : memref<1x128xf32, #tpu.memory_space<hbm>> -> memref<128xf32, #tpu.memory_space<hbm>>
    %dma_start3A_292 = arith.constant 1408 : i32
    %dma_start3A_293 = tpu.memref_slice %arg5[%dma_start3A_292] : memref<4352xf32, #tpu.memory_space<vmem>> -> memref<128xf32, #tpu.memory_space<vmem>>
    tpu.enqueue_dma source(%dma_start3A_293 : memref<128xf32, #tpu.memory_space<vmem>>) target(%dma_start3A_291 : memref<128xf32, #tpu.memory_space<hbm>>) target_semaphore(%arg8 : memref<!tpu.dma_semaphore, #tpu.memory_space<semaphore_mem>>)
    %dma_start3A_294 = arith.constant 1536 : i32
    %dma_start3A_295 = tpu.memref_slice %arg5[%dma_start3A_294] : memref<4352xf32, #tpu.memory_space<vmem>> -> memref<128xf32, #tpu.memory_space<vmem>>
    %dma_start3A_296 = arith.constant 1408 : i32
    %dma_start3A_297 = tpu.memref_slice %arg3[%add3A, %dma_start3A_296] : memref<32x4096xf32, #tpu.memory_space<hbm>> -> memref<1x128xf32, #tpu.memory_space<hbm>>
    %dma_start3A_298 = tpu.memref_squeeze %dma_start3A_297 : memref<1x128xf32, #tpu.memory_space<hbm>> -> memref<128xf32, #tpu.memory_space<hbm>>
    %dma_start3A_299 = arith.constant 1408 : i32
    %dma_start3A_300 = tpu.memref_slice %arg3[%add3A, %dma_start3A_299] : memref<32x4096xf32, #tpu.memory_space<hbm>> -> memref<1x128xf32, #tpu.memory_space<hbm>>
    %dma_start3A_301 = tpu.memref_squeeze %dma_start3A_300 : memref<1x128xf32, #tpu.memory_space<hbm>> -> memref<128xf32, #tpu.memory_space<hbm>>
    %dma_start3A_302 = arith.constant 1536 : i32
    %dma_start3A_303 = tpu.memref_slice %arg5[%dma_start3A_302] : memref<4352xf32, #tpu.memory_space<vmem>> -> memref<128xf32, #tpu.memory_space<vmem>>
    tpu.enqueue_dma source(%dma_start3A_303 : memref<128xf32, #tpu.memory_space<vmem>>) target(%dma_start3A_301 : memref<128xf32, #tpu.memory_space<hbm>>) target_semaphore(%arg8 : memref<!tpu.dma_semaphore, #tpu.memory_space<semaphore_mem>>)
    %dma_start3A_304 = arith.constant 1664 : i32
    %dma_start3A_305 = tpu.memref_slice %arg5[%dma_start3A_304] : memref<4352xf32, #tpu.memory_space<vmem>> -> memref<128xf32, #tpu.memory_space<vmem>>
    %dma_start3A_306 = arith.constant 1536 : i32
    %dma_start3A_307 = tpu.memref_slice %arg3[%add3A, %dma_start3A_306] : memref<32x4096xf32, #tpu.memory_space<hbm>> -> memref<1x128xf32, #tpu.memory_space<hbm>>
    %dma_start3A_308 = tpu.memref_squeeze %dma_start3A_307 : memref<1x128xf32, #tpu.memory_space<hbm>> -> memref<128xf32, #tpu.memory_space<hbm>>
    %dma_start3A_309 = arith.constant 1536 : i32
    %dma_start3A_310 = tpu.memref_slice %arg3[%add3A, %dma_start3A_309] : memref<32x4096xf32, #tpu.memory_space<hbm>> -> memref<1x128xf32, #tpu.memory_space<hbm>>
    %dma_start3A_311 = tpu.memref_squeeze %dma_start3A_310 : memref<1x128xf32, #tpu.memory_space<hbm>> -> memref<128xf32, #tpu.memory_space<hbm>>
    %dma_start3A_312 = arith.constant 1664 : i32
    %dma_start3A_313 = tpu.memref_slice %arg5[%dma_start3A_312] : memref<4352xf32, #tpu.memory_space<vmem>> -> memref<128xf32, #tpu.memory_space<vmem>>
    tpu.enqueue_dma source(%dma_start3A_313 : memref<128xf32, #tpu.memory_space<vmem>>) target(%dma_start3A_311 : memref<128xf32, #tpu.memory_space<hbm>>) target_semaphore(%arg8 : memref<!tpu.dma_semaphore, #tpu.memory_space<semaphore_mem>>)
    %dma_start3A_314 = arith.constant 1792 : i32
    %dma_start3A_315 = tpu.memref_slice %arg5[%dma_start3A_314] : memref<4352xf32, #tpu.memory_space<vmem>> -> memref<128xf32, #tpu.memory_space<vmem>>
    %dma_start3A_316 = arith.constant 1664 : i32
    %dma_start3A_317 = tpu.memref_slice %arg3[%add3A, %dma_start3A_316] : memref<32x4096xf32, #tpu.memory_space<hbm>> -> memref<1x128xf32, #tpu.memory_space<hbm>>
    %dma_start3A_318 = tpu.memref_squeeze %dma_start3A_317 : memref<1x128xf32, #tpu.memory_space<hbm>> -> memref<128xf32, #tpu.memory_space<hbm>>
    %dma_start3A_319 = arith.constant 1664 : i32
    %dma_start3A_320 = tpu.memref_slice %arg3[%add3A, %dma_start3A_319] : memref<32x4096xf32, #tpu.memory_space<hbm>> -> memref<1x128xf32, #tpu.memory_space<hbm>>
    %dma_start3A_321 = tpu.memref_squeeze %dma_start3A_320 : memref<1x128xf32, #tpu.memory_space<hbm>> -> memref<128xf32, #tpu.memory_space<hbm>>
    %dma_start3A_322 = arith.constant 1792 : i32
    %dma_start3A_323 = tpu.memref_slice %arg5[%dma_start3A_322] : memref<4352xf32, #tpu.memory_space<vmem>> -> memref<128xf32, #tpu.memory_space<vmem>>
    tpu.enqueue_dma source(%dma_start3A_323 : memref<128xf32, #tpu.memory_space<vmem>>) target(%dma_start3A_321 : memref<128xf32, #tpu.memory_space<hbm>>) target_semaphore(%arg8 : memref<!tpu.dma_semaphore, #tpu.memory_space<semaphore_mem>>)
    %dma_start3A_324 = arith.constant 1920 : i32
    %dma_start3A_325 = tpu.memref_slice %arg5[%dma_start3A_324] : memref<4352xf32, #tpu.memory_space<vmem>> -> memref<128xf32, #tpu.memory_space<vmem>>
    %dma_start3A_326 = arith.constant 1792 : i32
    %dma_start3A_327 = tpu.memref_slice %arg3[%add3A, %dma_start3A_326] : memref<32x4096xf32, #tpu.memory_space<hbm>> -> memref<1x128xf32, #tpu.memory_space<hbm>>
    %dma_start3A_328 = tpu.memref_squeeze %dma_start3A_327 : memref<1x128xf32, #tpu.memory_space<hbm>> -> memref<128xf32, #tpu.memory_space<hbm>>
    %dma_start3A_329 = arith.constant 1792 : i32
    %dma_start3A_330 = tpu.memref_slice %arg3[%add3A, %dma_start3A_329] : memref<32x4096xf32, #tpu.memory_space<hbm>> -> memref<1x128xf32, #tpu.memory_space<hbm>>
    %dma_start3A_331 = tpu.memref_squeeze %dma_start3A_330 : memref<1x128xf32, #tpu.memory_space<hbm>> -> memref<128xf32, #tpu.memory_space<hbm>>
    %dma_start3A_332 = arith.constant 1920 : i32
    %dma_start3A_333 = tpu.memref_slice %arg5[%dma_start3A_332] : memref<4352xf32, #tpu.memory_space<vmem>> -> memref<128xf32, #tpu.memory_space<vmem>>
    tpu.enqueue_dma source(%dma_start3A_333 : memref<128xf32, #tpu.memory_space<vmem>>) target(%dma_start3A_331 : memref<128xf32, #tpu.memory_space<hbm>>) target_semaphore(%arg8 : memref<!tpu.dma_semaphore, #tpu.memory_space<semaphore_mem>>)
    %dma_start3A_334 = arith.constant 2048 : i32
    %dma_start3A_335 = tpu.memref_slice %arg5[%dma_start3A_334] : memref<4352xf32, #tpu.memory_space<vmem>> -> memref<128xf32, #tpu.memory_space<vmem>>
    %dma_start3A_336 = arith.constant 1920 : i32
    %dma_start3A_337 = tpu.memref_slice %arg3[%add3A, %dma_start3A_336] : memref<32x4096xf32, #tpu.memory_space<hbm>> -> memref<1x128xf32, #tpu.memory_space<hbm>>
    %dma_start3A_338 = tpu.memref_squeeze %dma_start3A_337 : memref<1x128xf32, #tpu.memory_space<hbm>> -> memref<128xf32, #tpu.memory_space<hbm>>
    %dma_start3A_339 = arith.constant 1920 : i32
    %dma_start3A_340 = tpu.memref_slice %arg3[%add3A, %dma_start3A_339] : memref<32x4096xf32, #tpu.memory_space<hbm>> -> memref<1x128xf32, #tpu.memory_space<hbm>>
    %dma_start3A_341 = tpu.memref_squeeze %dma_start3A_340 : memref<1x128xf32, #tpu.memory_space<hbm>> -> memref<128xf32, #tpu.memory_space<hbm>>
    %dma_start3A_342 = arith.constant 2048 : i32
    %dma_start3A_343 = tpu.memref_slice %arg5[%dma_start3A_342] : memref<4352xf32, #tpu.memory_space<vmem>> -> memref<128xf32, #tpu.memory_space<vmem>>
    tpu.enqueue_dma source(%dma_start3A_343 : memref<128xf32, #tpu.memory_space<vmem>>) target(%dma_start3A_341 : memref<128xf32, #tpu.memory_space<hbm>>) target_semaphore(%arg8 : memref<!tpu.dma_semaphore, #tpu.memory_space<semaphore_mem>>)
    %dma_start3A_344 = arith.constant 2176 : i32
    %dma_start3A_345 = tpu.memref_slice %arg5[%dma_start3A_344] : memref<4352xf32, #tpu.memory_space<vmem>> -> memref<128xf32, #tpu.memory_space<vmem>>
    %dma_start3A_346 = arith.constant 2048 : i32
    %dma_start3A_347 = tpu.memref_slice %arg3[%add3A, %dma_start3A_346] : memref<32x4096xf32, #tpu.memory_space<hbm>> -> memref<1x128xf32, #tpu.memory_space<hbm>>
    %dma_start3A_348 = tpu.memref_squeeze %dma_start3A_347 : memref<1x128xf32, #tpu.memory_space<hbm>> -> memref<128xf32, #tpu.memory_space<hbm>>
    %dma_start3A_349 = arith.constant 2048 : i32
    %dma_start3A_350 = tpu.memref_slice %arg3[%add3A, %dma_start3A_349] : memref<32x4096xf32, #tpu.memory_space<hbm>> -> memref<1x128xf32, #tpu.memory_space<hbm>>
    %dma_start3A_351 = tpu.memref_squeeze %dma_start3A_350 : memref<1x128xf32, #tpu.memory_space<hbm>> -> memref<128xf32, #tpu.memory_space<hbm>>
    %dma_start3A_352 = arith.constant 2176 : i32
    %dma_start3A_353 = tpu.memref_slice %arg5[%dma_start3A_352] : memref<4352xf32, #tpu.memory_space<vmem>> -> memref<128xf32, #tpu.memory_space<vmem>>
    tpu.enqueue_dma source(%dma_start3A_353 : memref<128xf32, #tpu.memory_space<vmem>>) target(%dma_start3A_351 : memref<128xf32, #tpu.memory_space<hbm>>) target_semaphore(%arg8 : memref<!tpu.dma_semaphore, #tpu.memory_space<semaphore_mem>>)
    %dma_start3A_354 = arith.constant 2304 : i32
    %dma_start3A_355 = tpu.memref_slice %arg5[%dma_start3A_354] : memref<4352xf32, #tpu.memory_space<vmem>> -> memref<128xf32, #tpu.memory_space<vmem>>
    %dma_start3A_356 = arith.constant 2176 : i32
    %dma_start3A_357 = tpu.memref_slice %arg3[%add3A, %dma_start3A_356] : memref<32x4096xf32, #tpu.memory_space<hbm>> -> memref<1x128xf32, #tpu.memory_space<hbm>>
    %dma_start3A_358 = tpu.memref_squeeze %dma_start3A_357 : memref<1x128xf32, #tpu.memory_space<hbm>> -> memref<128xf32, #tpu.memory_space<hbm>>
    %dma_start3A_359 = arith.constant 2176 : i32
    %dma_start3A_360 = tpu.memref_slice %arg3[%add3A, %dma_start3A_359] : memref<32x4096xf32, #tpu.memory_space<hbm>> -> memref<1x128xf32, #tpu.memory_space<hbm>>
    %dma_start3A_361 = tpu.memref_squeeze %dma_start3A_360 : memref<1x128xf32, #tpu.memory_space<hbm>> -> memref<128xf32, #tpu.memory_space<hbm>>
    %dma_start3A_362 = arith.constant 2304 : i32
    %dma_start3A_363 = tpu.memref_slice %arg5[%dma_start3A_362] : memref<4352xf32, #tpu.memory_space<vmem>> -> memref<128xf32, #tpu.memory_space<vmem>>
    tpu.enqueue_dma source(%dma_start3A_363 : memref<128xf32, #tpu.memory_space<vmem>>) target(%dma_start3A_361 : memref<128xf32, #tpu.memory_space<hbm>>) target_semaphore(%arg8 : memref<!tpu.dma_semaphore, #tpu.memory_space<semaphore_mem>>)
    %dma_start3A_364 = arith.constant 2432 : i32
    %dma_start3A_365 = tpu.memref_slice %arg5[%dma_start3A_364] : memref<4352xf32, #tpu.memory_space<vmem>> -> memref<128xf32, #tpu.memory_space<vmem>>
    %dma_start3A_366 = arith.constant 2304 : i32
    %dma_start3A_367 = tpu.memref_slice %arg3[%add3A, %dma_start3A_366] : memref<32x4096xf32, #tpu.memory_space<hbm>> -> memref<1x128xf32, #tpu.memory_space<hbm>>
    %dma_start3A_368 = tpu.memref_squeeze %dma_start3A_367 : memref<1x128xf32, #tpu.memory_space<hbm>> -> memref<128xf32, #tpu.memory_space<hbm>>
    %dma_start3A_369 = arith.constant 2304 : i32
    %dma_start3A_370 = tpu.memref_slice %arg3[%add3A, %dma_start3A_369] : memref<32x4096xf32, #tpu.memory_space<hbm>> -> memref<1x128xf32, #tpu.memory_space<hbm>>
    %dma_start3A_371 = tpu.memref_squeeze %dma_start3A_370 : memref<1x128xf32, #tpu.memory_space<hbm>> -> memref<128xf32, #tpu.memory_space<hbm>>
    %dma_start3A_372 = arith.constant 2432 : i32
    %dma_start3A_373 = tpu.memref_slice %arg5[%dma_start3A_372] : memref<4352xf32, #tpu.memory_space<vmem>> -> memref<128xf32, #tpu.memory_space<vmem>>
    tpu.enqueue_dma source(%dma_start3A_373 : memref<128xf32, #tpu.memory_space<vmem>>) target(%dma_start3A_371 : memref<128xf32, #tpu.memory_space<hbm>>) target_semaphore(%arg8 : memref<!tpu.dma_semaphore, #tpu.memory_space<semaphore_mem>>)
    %dma_start3A_374 = arith.constant 2560 : i32
    %dma_start3A_375 = tpu.memref_slice %arg5[%dma_start3A_374] : memref<4352xf32, #tpu.memory_space<vmem>> -> memref<128xf32, #tpu.memory_space<vmem>>
    %dma_start3A_376 = arith.constant 2432 : i32
    %dma_start3A_377 = tpu.memref_slice %arg3[%add3A, %dma_start3A_376] : memref<32x4096xf32, #tpu.memory_space<hbm>> -> memref<1x128xf32, #tpu.memory_space<hbm>>
    %dma_start3A_378 = tpu.memref_squeeze %dma_start3A_377 : memref<1x128xf32, #tpu.memory_space<hbm>> -> memref<128xf32, #tpu.memory_space<hbm>>
    %dma_start3A_379 = arith.constant 2432 : i32
    %dma_start3A_380 = tpu.memref_slice %arg3[%add3A, %dma_start3A_379] : memref<32x4096xf32, #tpu.memory_space<hbm>> -> memref<1x128xf32, #tpu.memory_space<hbm>>
    %dma_start3A_381 = tpu.memref_squeeze %dma_start3A_380 : memref<1x128xf32, #tpu.memory_space<hbm>> -> memref<128xf32, #tpu.memory_space<hbm>>
    %dma_start3A_382 = arith.constant 2560 : i32
    %dma_start3A_383 = tpu.memref_slice %arg5[%dma_start3A_382] : memref<4352xf32, #tpu.memory_space<vmem>> -> memref<128xf32, #tpu.memory_space<vmem>>
    tpu.enqueue_dma source(%dma_start3A_383 : memref<128xf32, #tpu.memory_space<vmem>>) target(%dma_start3A_381 : memref<128xf32, #tpu.memory_space<hbm>>) target_semaphore(%arg8 : memref<!tpu.dma_semaphore, #tpu.memory_space<semaphore_mem>>)
    %dma_start3A_384 = arith.constant 2688 : i32
    %dma_start3A_385 = tpu.memref_slice %arg5[%dma_start3A_384] : memref<4352xf32, #tpu.memory_space<vmem>> -> memref<128xf32, #tpu.memory_space<vmem>>
    %dma_start3A_386 = arith.constant 2560 : i32
    %dma_start3A_387 = tpu.memref_slice %arg3[%add3A, %dma_start3A_386] : memref<32x4096xf32, #tpu.memory_space<hbm>> -> memref<1x128xf32, #tpu.memory_space<hbm>>
    %dma_start3A_388 = tpu.memref_squeeze %dma_start3A_387 : memref<1x128xf32, #tpu.memory_space<hbm>> -> memref<128xf32, #tpu.memory_space<hbm>>
    %dma_start3A_389 = arith.constant 2560 : i32
    %dma_start3A_390 = tpu.memref_slice %arg3[%add3A, %dma_start3A_389] : memref<32x4096xf32, #tpu.memory_space<hbm>> -> memref<1x128xf32, #tpu.memory_space<hbm>>
    %dma_start3A_391 = tpu.memref_squeeze %dma_start3A_390 : memref<1x128xf32, #tpu.memory_space<hbm>> -> memref<128xf32, #tpu.memory_space<hbm>>
    %dma_start3A_392 = arith.constant 2688 : i32
    %dma_start3A_393 = tpu.memref_slice %arg5[%dma_start3A_392] : memref<4352xf32, #tpu.memory_space<vmem>> -> memref<128xf32, #tpu.memory_space<vmem>>
    tpu.enqueue_dma source(%dma_start3A_393 : memref<128xf32, #tpu.memory_space<vmem>>) target(%dma_start3A_391 : memref<128xf32, #tpu.memory_space<hbm>>) target_semaphore(%arg8 : memref<!tpu.dma_semaphore, #tpu.memory_space<semaphore_mem>>)
    %dma_start3A_394 = arith.constant 2816 : i32
    %dma_start3A_395 = tpu.memref_slice %arg5[%dma_start3A_394] : memref<4352xf32, #tpu.memory_space<vmem>> -> memref<128xf32, #tpu.memory_space<vmem>>
    %dma_start3A_396 = arith.constant 2688 : i32
    %dma_start3A_397 = tpu.memref_slice %arg3[%add3A, %dma_start3A_396] : memref<32x4096xf32, #tpu.memory_space<hbm>> -> memref<1x128xf32, #tpu.memory_space<hbm>>
    %dma_start3A_398 = tpu.memref_squeeze %dma_start3A_397 : memref<1x128xf32, #tpu.memory_space<hbm>> -> memref<128xf32, #tpu.memory_space<hbm>>
    %dma_start3A_399 = arith.constant 2688 : i32
    %dma_start3A_400 = tpu.memref_slice %arg3[%add3A, %dma_start3A_399] : memref<32x4096xf32, #tpu.memory_space<hbm>> -> memref<1x128xf32, #tpu.memory_space<hbm>>
    %dma_start3A_401 = tpu.memref_squeeze %dma_start3A_400 : memref<1x128xf32, #tpu.memory_space<hbm>> -> memref<128xf32, #tpu.memory_space<hbm>>
    %dma_start3A_402 = arith.constant 2816 : i32
    %dma_start3A_403 = tpu.memref_slice %arg5[%dma_start3A_402] : memref<4352xf32, #tpu.memory_space<vmem>> -> memref<128xf32, #tpu.memory_space<vmem>>
    tpu.enqueue_dma source(%dma_start3A_403 : memref<128xf32, #tpu.memory_space<vmem>>) target(%dma_start3A_401 : memref<128xf32, #tpu.memory_space<hbm>>) target_semaphore(%arg8 : memref<!tpu.dma_semaphore, #tpu.memory_space<semaphore_mem>>)
    %dma_start3A_404 = arith.constant 2944 : i32
    %dma_start3A_405 = tpu.memref_slice %arg5[%dma_start3A_404] : memref<4352xf32, #tpu.memory_space<vmem>> -> memref<128xf32, #tpu.memory_space<vmem>>
    %dma_start3A_406 = arith.constant 2816 : i32
    %dma_start3A_407 = tpu.memref_slice %arg3[%add3A, %dma_start3A_406] : memref<32x4096xf32, #tpu.memory_space<hbm>> -> memref<1x128xf32, #tpu.memory_space<hbm>>
    %dma_start3A_408 = tpu.memref_squeeze %dma_start3A_407 : memref<1x128xf32, #tpu.memory_space<hbm>> -> memref<128xf32, #tpu.memory_space<hbm>>
    %dma_start3A_409 = arith.constant 2816 : i32
    %dma_start3A_410 = tpu.memref_slice %arg3[%add3A, %dma_start3A_409] : memref<32x4096xf32, #tpu.memory_space<hbm>> -> memref<1x128xf32, #tpu.memory_space<hbm>>
    %dma_start3A_411 = tpu.memref_squeeze %dma_start3A_410 : memref<1x128xf32, #tpu.memory_space<hbm>> -> memref<128xf32, #tpu.memory_space<hbm>>
    %dma_start3A_412 = arith.constant 2944 : i32
    %dma_start3A_413 = tpu.memref_slice %arg5[%dma_start3A_412] : memref<4352xf32, #tpu.memory_space<vmem>> -> memref<128xf32, #tpu.memory_space<vmem>>
    tpu.enqueue_dma source(%dma_start3A_413 : memref<128xf32, #tpu.memory_space<vmem>>) target(%dma_start3A_411 : memref<128xf32, #tpu.memory_space<hbm>>) target_semaphore(%arg8 : memref<!tpu.dma_semaphore, #tpu.memory_space<semaphore_mem>>)
    %dma_start3A_414 = arith.constant 3072 : i32
    %dma_start3A_415 = tpu.memref_slice %arg5[%dma_start3A_414] : memref<4352xf32, #tpu.memory_space<vmem>> -> memref<128xf32, #tpu.memory_space<vmem>>
    %dma_start3A_416 = arith.constant 2944 : i32
    %dma_start3A_417 = tpu.memref_slice %arg3[%add3A, %dma_start3A_416] : memref<32x4096xf32, #tpu.memory_space<hbm>> -> memref<1x128xf32, #tpu.memory_space<hbm>>
    %dma_start3A_418 = tpu.memref_squeeze %dma_start3A_417 : memref<1x128xf32, #tpu.memory_space<hbm>> -> memref<128xf32, #tpu.memory_space<hbm>>
    %dma_start3A_419 = arith.constant 2944 : i32
    %dma_start3A_420 = tpu.memref_slice %arg3[%add3A, %dma_start3A_419] : memref<32x4096xf32, #tpu.memory_space<hbm>> -> memref<1x128xf32, #tpu.memory_space<hbm>>
    %dma_start3A_421 = tpu.memref_squeeze %dma_start3A_420 : memref<1x128xf32, #tpu.memory_space<hbm>> -> memref<128xf32, #tpu.memory_space<hbm>>
    %dma_start3A_422 = arith.constant 3072 : i32
    %dma_start3A_423 = tpu.memref_slice %arg5[%dma_start3A_422] : memref<4352xf32, #tpu.memory_space<vmem>> -> memref<128xf32, #tpu.memory_space<vmem>>
    tpu.enqueue_dma source(%dma_start3A_423 : memref<128xf32, #tpu.memory_space<vmem>>) target(%dma_start3A_421 : memref<128xf32, #tpu.memory_space<hbm>>) target_semaphore(%arg8 : memref<!tpu.dma_semaphore, #tpu.memory_space<semaphore_mem>>)
    %dma_start3A_424 = arith.constant 3200 : i32
    %dma_start3A_425 = tpu.memref_slice %arg5[%dma_start3A_424] : memref<4352xf32, #tpu.memory_space<vmem>> -> memref<128xf32, #tpu.memory_space<vmem>>
    %dma_start3A_426 = arith.constant 3072 : i32
    %dma_start3A_427 = tpu.memref_slice %arg3[%add3A, %dma_start3A_426] : memref<32x4096xf32, #tpu.memory_space<hbm>> -> memref<1x128xf32, #tpu.memory_space<hbm>>
    %dma_start3A_428 = tpu.memref_squeeze %dma_start3A_427 : memref<1x128xf32, #tpu.memory_space<hbm>> -> memref<128xf32, #tpu.memory_space<hbm>>
    %dma_start3A_429 = arith.constant 3072 : i32
    %dma_start3A_430 = tpu.memref_slice %arg3[%add3A, %dma_start3A_429] : memref<32x4096xf32, #tpu.memory_space<hbm>> -> memref<1x128xf32, #tpu.memory_space<hbm>>
    %dma_start3A_431 = tpu.memref_squeeze %dma_start3A_430 : memref<1x128xf32, #tpu.memory_space<hbm>> -> memref<128xf32, #tpu.memory_space<hbm>>
    %dma_start3A_432 = arith.constant 3200 : i32
    %dma_start3A_433 = tpu.memref_slice %arg5[%dma_start3A_432] : memref<4352xf32, #tpu.memory_space<vmem>> -> memref<128xf32, #tpu.memory_space<vmem>>
    tpu.enqueue_dma source(%dma_start3A_433 : memref<128xf32, #tpu.memory_space<vmem>>) target(%dma_start3A_431 : memref<128xf32, #tpu.memory_space<hbm>>) target_semaphore(%arg8 : memref<!tpu.dma_semaphore, #tpu.memory_space<semaphore_mem>>)
    %dma_start3A_434 = arith.constant 3328 : i32
    %dma_start3A_435 = tpu.memref_slice %arg5[%dma_start3A_434] : memref<4352xf32, #tpu.memory_space<vmem>> -> memref<128xf32, #tpu.memory_space<vmem>>
    %dma_start3A_436 = arith.constant 3200 : i32
    %dma_start3A_437 = tpu.memref_slice %arg3[%add3A, %dma_start3A_436] : memref<32x4096xf32, #tpu.memory_space<hbm>> -> memref<1x128xf32, #tpu.memory_space<hbm>>
    %dma_start3A_438 = tpu.memref_squeeze %dma_start3A_437 : memref<1x128xf32, #tpu.memory_space<hbm>> -> memref<128xf32, #tpu.memory_space<hbm>>
    %dma_start3A_439 = arith.constant 3200 : i32
    %dma_start3A_440 = tpu.memref_slice %arg3[%add3A, %dma_start3A_439] : memref<32x4096xf32, #tpu.memory_space<hbm>> -> memref<1x128xf32, #tpu.memory_space<hbm>>
    %dma_start3A_441 = tpu.memref_squeeze %dma_start3A_440 : memref<1x128xf32, #tpu.memory_space<hbm>> -> memref<128xf32, #tpu.memory_space<hbm>>
    %dma_start3A_442 = arith.constant 3328 : i32
    %dma_start3A_443 = tpu.memref_slice %arg5[%dma_start3A_442] : memref<4352xf32, #tpu.memory_space<vmem>> -> memref<128xf32, #tpu.memory_space<vmem>>
    tpu.enqueue_dma source(%dma_start3A_443 : memref<128xf32, #tpu.memory_space<vmem>>) target(%dma_start3A_441 : memref<128xf32, #tpu.memory_space<hbm>>) target_semaphore(%arg8 : memref<!tpu.dma_semaphore, #tpu.memory_space<semaphore_mem>>)
    %dma_start3A_444 = arith.constant 3456 : i32
    %dma_start3A_445 = tpu.memref_slice %arg5[%dma_start3A_444] : memref<4352xf32, #tpu.memory_space<vmem>> -> memref<128xf32, #tpu.memory_space<vmem>>
    %dma_start3A_446 = arith.constant 3328 : i32
    %dma_start3A_447 = tpu.memref_slice %arg3[%add3A, %dma_start3A_446] : memref<32x4096xf32, #tpu.memory_space<hbm>> -> memref<1x128xf32, #tpu.memory_space<hbm>>
    %dma_start3A_448 = tpu.memref_squeeze %dma_start3A_447 : memref<1x128xf32, #tpu.memory_space<hbm>> -> memref<128xf32, #tpu.memory_space<hbm>>
    %dma_start3A_449 = arith.constant 3328 : i32
    %dma_start3A_450 = tpu.memref_slice %arg3[%add3A, %dma_start3A_449] : memref<32x4096xf32, #tpu.memory_space<hbm>> -> memref<1x128xf32, #tpu.memory_space<hbm>>
    %dma_start3A_451 = tpu.memref_squeeze %dma_start3A_450 : memref<1x128xf32, #tpu.memory_space<hbm>> -> memref<128xf32, #tpu.memory_space<hbm>>
    %dma_start3A_452 = arith.constant 3456 : i32
    %dma_start3A_453 = tpu.memref_slice %arg5[%dma_start3A_452] : memref<4352xf32, #tpu.memory_space<vmem>> -> memref<128xf32, #tpu.memory_space<vmem>>
    tpu.enqueue_dma source(%dma_start3A_453 : memref<128xf32, #tpu.memory_space<vmem>>) target(%dma_start3A_451 : memref<128xf32, #tpu.memory_space<hbm>>) target_semaphore(%arg8 : memref<!tpu.dma_semaphore, #tpu.memory_space<semaphore_mem>>)
    %dma_start3A_454 = arith.constant 3584 : i32
    %dma_start3A_455 = tpu.memref_slice %arg5[%dma_start3A_454] : memref<4352xf32, #tpu.memory_space<vmem>> -> memref<128xf32, #tpu.memory_space<vmem>>
    %dma_start3A_456 = arith.constant 3456 : i32
    %dma_start3A_457 = tpu.memref_slice %arg3[%add3A, %dma_start3A_456] : memref<32x4096xf32, #tpu.memory_space<hbm>> -> memref<1x128xf32, #tpu.memory_space<hbm>>
    %dma_start3A_458 = tpu.memref_squeeze %dma_start3A_457 : memref<1x128xf32, #tpu.memory_space<hbm>> -> memref<128xf32, #tpu.memory_space<hbm>>
    %dma_start3A_459 = arith.constant 3456 : i32
    %dma_start3A_460 = tpu.memref_slice %arg3[%add3A, %dma_start3A_459] : memref<32x4096xf32, #tpu.memory_space<hbm>> -> memref<1x128xf32, #tpu.memory_space<hbm>>
    %dma_start3A_461 = tpu.memref_squeeze %dma_start3A_460 : memref<1x128xf32, #tpu.memory_space<hbm>> -> memref<128xf32, #tpu.memory_space<hbm>>
    %dma_start3A_462 = arith.constant 3584 : i32
    %dma_start3A_463 = tpu.memref_slice %arg5[%dma_start3A_462] : memref<4352xf32, #tpu.memory_space<vmem>> -> memref<128xf32, #tpu.memory_space<vmem>>
    tpu.enqueue_dma source(%dma_start3A_463 : memref<128xf32, #tpu.memory_space<vmem>>) target(%dma_start3A_461 : memref<128xf32, #tpu.memory_space<hbm>>) target_semaphore(%arg8 : memref<!tpu.dma_semaphore, #tpu.memory_space<semaphore_mem>>)
    %dma_start3A_464 = arith.constant 3712 : i32
    %dma_start3A_465 = tpu.memref_slice %arg5[%dma_start3A_464] : memref<4352xf32, #tpu.memory_space<vmem>> -> memref<128xf32, #tpu.memory_space<vmem>>
    %dma_start3A_466 = arith.constant 3584 : i32
    %dma_start3A_467 = tpu.memref_slice %arg3[%add3A, %dma_start3A_466] : memref<32x4096xf32, #tpu.memory_space<hbm>> -> memref<1x128xf32, #tpu.memory_space<hbm>>
    %dma_start3A_468 = tpu.memref_squeeze %dma_start3A_467 : memref<1x128xf32, #tpu.memory_space<hbm>> -> memref<128xf32, #tpu.memory_space<hbm>>
    %dma_start3A_469 = arith.constant 3584 : i32
    %dma_start3A_470 = tpu.memref_slice %arg3[%add3A, %dma_start3A_469] : memref<32x4096xf32, #tpu.memory_space<hbm>> -> memref<1x128xf32, #tpu.memory_space<hbm>>
    %dma_start3A_471 = tpu.memref_squeeze %dma_start3A_470 : memref<1x128xf32, #tpu.memory_space<hbm>> -> memref<128xf32, #tpu.memory_space<hbm>>
    %dma_start3A_472 = arith.constant 3712 : i32
    %dma_start3A_473 = tpu.memref_slice %arg5[%dma_start3A_472] : memref<4352xf32, #tpu.memory_space<vmem>> -> memref<128xf32, #tpu.memory_space<vmem>>
    tpu.enqueue_dma source(%dma_start3A_473 : memref<128xf32, #tpu.memory_space<vmem>>) target(%dma_start3A_471 : memref<128xf32, #tpu.memory_space<hbm>>) target_semaphore(%arg8 : memref<!tpu.dma_semaphore, #tpu.memory_space<semaphore_mem>>)
    %dma_start3A_474 = arith.constant 3840 : i32
    %dma_start3A_475 = tpu.memref_slice %arg5[%dma_start3A_474] : memref<4352xf32, #tpu.memory_space<vmem>> -> memref<128xf32, #tpu.memory_space<vmem>>
    %dma_start3A_476 = arith.constant 3712 : i32
    %dma_start3A_477 = tpu.memref_slice %arg3[%add3A, %dma_start3A_476] : memref<32x4096xf32, #tpu.memory_space<hbm>> -> memref<1x128xf32, #tpu.memory_space<hbm>>
    %dma_start3A_478 = tpu.memref_squeeze %dma_start3A_477 : memref<1x128xf32, #tpu.memory_space<hbm>> -> memref<128xf32, #tpu.memory_space<hbm>>
    %dma_start3A_479 = arith.constant 3712 : i32
    %dma_start3A_480 = tpu.memref_slice %arg3[%add3A, %dma_start3A_479] : memref<32x4096xf32, #tpu.memory_space<hbm>> -> memref<1x128xf32, #tpu.memory_space<hbm>>
    %dma_start3A_481 = tpu.memref_squeeze %dma_start3A_480 : memref<1x128xf32, #tpu.memory_space<hbm>> -> memref<128xf32, #tpu.memory_space<hbm>>
    %dma_start3A_482 = arith.constant 3840 : i32
    %dma_start3A_483 = tpu.memref_slice %arg5[%dma_start3A_482] : memref<4352xf32, #tpu.memory_space<vmem>> -> memref<128xf32, #tpu.memory_space<vmem>>
    tpu.enqueue_dma source(%dma_start3A_483 : memref<128xf32, #tpu.memory_space<vmem>>) target(%dma_start3A_481 : memref<128xf32, #tpu.memory_space<hbm>>) target_semaphore(%arg8 : memref<!tpu.dma_semaphore, #tpu.memory_space<semaphore_mem>>)
    %dma_start3A_484 = arith.constant 3968 : i32
    %dma_start3A_485 = tpu.memref_slice %arg5[%dma_start3A_484] : memref<4352xf32, #tpu.memory_space<vmem>> -> memref<128xf32, #tpu.memory_space<vmem>>
    %dma_start3A_486 = arith.constant 3840 : i32
    %dma_start3A_487 = tpu.memref_slice %arg3[%add3A, %dma_start3A_486] : memref<32x4096xf32, #tpu.memory_space<hbm>> -> memref<1x128xf32, #tpu.memory_space<hbm>>
    %dma_start3A_488 = tpu.memref_squeeze %dma_start3A_487 : memref<1x128xf32, #tpu.memory_space<hbm>> -> memref<128xf32, #tpu.memory_space<hbm>>
    %dma_start3A_489 = arith.constant 3840 : i32
    %dma_start3A_490 = tpu.memref_slice %arg3[%add3A, %dma_start3A_489] : memref<32x4096xf32, #tpu.memory_space<hbm>> -> memref<1x128xf32, #tpu.memory_space<hbm>>
    %dma_start3A_491 = tpu.memref_squeeze %dma_start3A_490 : memref<1x128xf32, #tpu.memory_space<hbm>> -> memref<128xf32, #tpu.memory_space<hbm>>
    %dma_start3A_492 = arith.constant 3968 : i32
    %dma_start3A_493 = tpu.memref_slice %arg5[%dma_start3A_492] : memref<4352xf32, #tpu.memory_space<vmem>> -> memref<128xf32, #tpu.memory_space<vmem>>
    tpu.enqueue_dma source(%dma_start3A_493 : memref<128xf32, #tpu.memory_space<vmem>>) target(%dma_start3A_491 : memref<128xf32, #tpu.memory_space<hbm>>) target_semaphore(%arg8 : memref<!tpu.dma_semaphore, #tpu.memory_space<semaphore_mem>>)
    %dma_start3A_494 = arith.constant 4096 : i32
    %dma_start3A_495 = tpu.memref_slice %arg5[%dma_start3A_494] : memref<4352xf32, #tpu.memory_space<vmem>> -> memref<128xf32, #tpu.memory_space<vmem>>
    %dma_start3A_496 = arith.constant 3968 : i32
    %dma_start3A_497 = tpu.memref_slice %arg3[%add3A, %dma_start3A_496] : memref<32x4096xf32, #tpu.memory_space<hbm>> -> memref<1x128xf32, #tpu.memory_space<hbm>>
    %dma_start3A_498 = tpu.memref_squeeze %dma_start3A_497 : memref<1x128xf32, #tpu.memory_space<hbm>> -> memref<128xf32, #tpu.memory_space<hbm>>
    %dma_start3A_499 = arith.constant 3968 : i32
    %dma_start3A_500 = tpu.memref_slice %arg3[%add3A, %dma_start3A_499] : memref<32x4096xf32, #tpu.memory_space<hbm>> -> memref<1x128xf32, #tpu.memory_space<hbm>>
    %dma_start3A_501 = tpu.memref_squeeze %dma_start3A_500 : memref<1x128xf32, #tpu.memory_space<hbm>> -> memref<128xf32, #tpu.memory_space<hbm>>
    %dma_start3A_502 = arith.constant 4096 : i32
    %dma_start3A_503 = tpu.memref_slice %arg5[%dma_start3A_502] : memref<4352xf32, #tpu.memory_space<vmem>> -> memref<128xf32, #tpu.memory_space<vmem>>
    tpu.enqueue_dma source(%dma_start3A_503 : memref<128xf32, #tpu.memory_space<vmem>>) target(%dma_start3A_501 : memref<128xf32, #tpu.memory_space<hbm>>) target_semaphore(%arg8 : memref<!tpu.dma_semaphore, #tpu.memory_space<semaphore_mem>>)
    %dma_wait3A = arith.constant 128 : i32
    %dma_wait3A_504 = tpu.memref_slice %arg5[%dma_wait3A] : memref<4352xf32, #tpu.memory_space<vmem>> -> memref<128xf32, #tpu.memory_space<vmem>>
    %dma_wait3A_505 = arith.constant 0 : i32
    %dma_wait3A_506 = tpu.memref_slice %arg3[%add3A, %dma_wait3A_505] : memref<32x4096xf32, #tpu.memory_space<hbm>> -> memref<1x128xf32, #tpu.memory_space<hbm>>
    %dma_wait3A_507 = tpu.memref_squeeze %dma_wait3A_506 : memref<1x128xf32, #tpu.memory_space<hbm>> -> memref<128xf32, #tpu.memory_space<hbm>>
    %dma_wait3A_508 = arith.constant 0 : i32
    %dma_wait3A_509 = tpu.memref_slice %arg3[%add3A, %dma_wait3A_508] : memref<32x4096xf32, #tpu.memory_space<hbm>> -> memref<1x128xf32, #tpu.memory_space<hbm>>
    %dma_wait3A_510 = tpu.memref_squeeze %dma_wait3A_509 : memref<1x128xf32, #tpu.memory_space<hbm>> -> memref<128xf32, #tpu.memory_space<hbm>>
    %dma_wait3A_511 = arith.constant 128 : i32
    %dma_wait3A_512 = tpu.memref_slice %arg5[%dma_wait3A_511] : memref<4352xf32, #tpu.memory_space<vmem>> -> memref<128xf32, #tpu.memory_space<vmem>>
    tpu.wait_dma2 semaphore(%arg8 : memref<!tpu.dma_semaphore, #tpu.memory_space<semaphore_mem>>) src(%dma_wait3A_512 : memref<128xf32, #tpu.memory_space<vmem>>) dst(%dma_wait3A_510 : memref<128xf32, #tpu.memory_space<hbm>>)
    %dma_wait3A_513 = arith.constant 256 : i32
    %dma_wait3A_514 = tpu.memref_slice %arg5[%dma_wait3A_513] : memref<4352xf32, #tpu.memory_space<vmem>> -> memref<128xf32, #tpu.memory_space<vmem>>
    %dma_wait3A_515 = arith.constant 128 : i32
    %dma_wait3A_516 = tpu.memref_slice %arg3[%add3A, %dma_wait3A_515] : memref<32x4096xf32, #tpu.memory_space<hbm>> -> memref<1x128xf32, #tpu.memory_space<hbm>>
    %dma_wait3A_517 = tpu.memref_squeeze %dma_wait3A_516 : memref<1x128xf32, #tpu.memory_space<hbm>> -> memref<128xf32, #tpu.memory_space<hbm>>
    %dma_wait3A_518 = arith.constant 128 : i32
    %dma_wait3A_519 = tpu.memref_slice %arg3[%add3A, %dma_wait3A_518] : memref<32x4096xf32, #tpu.memory_space<hbm>> -> memref<1x128xf32, #tpu.memory_space<hbm>>
    %dma_wait3A_520 = tpu.memref_squeeze %dma_wait3A_519 : memref<1x128xf32, #tpu.memory_space<hbm>> -> memref<128xf32, #tpu.memory_space<hbm>>
    %dma_wait3A_521 = arith.constant 256 : i32
    %dma_wait3A_522 = tpu.memref_slice %arg5[%dma_wait3A_521] : memref<4352xf32, #tpu.memory_space<vmem>> -> memref<128xf32, #tpu.memory_space<vmem>>
    tpu.wait_dma2 semaphore(%arg8 : memref<!tpu.dma_semaphore, #tpu.memory_space<semaphore_mem>>) src(%dma_wait3A_522 : memref<128xf32, #tpu.memory_space<vmem>>) dst(%dma_wait3A_520 : memref<128xf32, #tpu.memory_space<hbm>>)
    %dma_wait3A_523 = arith.constant 384 : i32
    %dma_wait3A_524 = tpu.memref_slice %arg5[%dma_wait3A_523] : memref<4352xf32, #tpu.memory_space<vmem>> -> memref<128xf32, #tpu.memory_space<vmem>>
    %dma_wait3A_525 = arith.constant 256 : i32
    %dma_wait3A_526 = tpu.memref_slice %arg3[%add3A, %dma_wait3A_525] : memref<32x4096xf32, #tpu.memory_space<hbm>> -> memref<1x128xf32, #tpu.memory_space<hbm>>
    %dma_wait3A_527 = tpu.memref_squeeze %dma_wait3A_526 : memref<1x128xf32, #tpu.memory_space<hbm>> -> memref<128xf32, #tpu.memory_space<hbm>>
    %dma_wait3A_528 = arith.constant 256 : i32
    %dma_wait3A_529 = tpu.memref_slice %arg3[%add3A, %dma_wait3A_528] : memref<32x4096xf32, #tpu.memory_space<hbm>> -> memref<1x128xf32, #tpu.memory_space<hbm>>
    %dma_wait3A_530 = tpu.memref_squeeze %dma_wait3A_529 : memref<1x128xf32, #tpu.memory_space<hbm>> -> memref<128xf32, #tpu.memory_space<hbm>>
    %dma_wait3A_531 = arith.constant 384 : i32
    %dma_wait3A_532 = tpu.memref_slice %arg5[%dma_wait3A_531] : memref<4352xf32, #tpu.memory_space<vmem>> -> memref<128xf32, #tpu.memory_space<vmem>>
    tpu.wait_dma2 semaphore(%arg8 : memref<!tpu.dma_semaphore, #tpu.memory_space<semaphore_mem>>) src(%dma_wait3A_532 : memref<128xf32, #tpu.memory_space<vmem>>) dst(%dma_wait3A_530 : memref<128xf32, #tpu.memory_space<hbm>>)
    %dma_wait3A_533 = arith.constant 512 : i32
    %dma_wait3A_534 = tpu.memref_slice %arg5[%dma_wait3A_533] : memref<4352xf32, #tpu.memory_space<vmem>> -> memref<128xf32, #tpu.memory_space<vmem>>
    %dma_wait3A_535 = arith.constant 384 : i32
    %dma_wait3A_536 = tpu.memref_slice %arg3[%add3A, %dma_wait3A_535] : memref<32x4096xf32, #tpu.memory_space<hbm>> -> memref<1x128xf32, #tpu.memory_space<hbm>>
    %dma_wait3A_537 = tpu.memref_squeeze %dma_wait3A_536 : memref<1x128xf32, #tpu.memory_space<hbm>> -> memref<128xf32, #tpu.memory_space<hbm>>
    %dma_wait3A_538 = arith.constant 384 : i32
    %dma_wait3A_539 = tpu.memref_slice %arg3[%add3A, %dma_wait3A_538] : memref<32x4096xf32, #tpu.memory_space<hbm>> -> memref<1x128xf32, #tpu.memory_space<hbm>>
    %dma_wait3A_540 = tpu.memref_squeeze %dma_wait3A_539 : memref<1x128xf32, #tpu.memory_space<hbm>> -> memref<128xf32, #tpu.memory_space<hbm>>
    %dma_wait3A_541 = arith.constant 512 : i32
    %dma_wait3A_542 = tpu.memref_slice %arg5[%dma_wait3A_541] : memref<4352xf32, #tpu.memory_space<vmem>> -> memref<128xf32, #tpu.memory_space<vmem>>
    tpu.wait_dma2 semaphore(%arg8 : memref<!tpu.dma_semaphore, #tpu.memory_space<semaphore_mem>>) src(%dma_wait3A_542 : memref<128xf32, #tpu.memory_space<vmem>>) dst(%dma_wait3A_540 : memref<128xf32, #tpu.memory_space<hbm>>)
    %dma_wait3A_543 = arith.constant 640 : i32
    %dma_wait3A_544 = tpu.memref_slice %arg5[%dma_wait3A_543] : memref<4352xf32, #tpu.memory_space<vmem>> -> memref<128xf32, #tpu.memory_space<vmem>>
    %dma_wait3A_545 = arith.constant 512 : i32
    %dma_wait3A_546 = tpu.memref_slice %arg3[%add3A, %dma_wait3A_545] : memref<32x4096xf32, #tpu.memory_space<hbm>> -> memref<1x128xf32, #tpu.memory_space<hbm>>
    %dma_wait3A_547 = tpu.memref_squeeze %dma_wait3A_546 : memref<1x128xf32, #tpu.memory_space<hbm>> -> memref<128xf32, #tpu.memory_space<hbm>>
    %dma_wait3A_548 = arith.constant 512 : i32
    %dma_wait3A_549 = tpu.memref_slice %arg3[%add3A, %dma_wait3A_548] : memref<32x4096xf32, #tpu.memory_space<hbm>> -> memref<1x128xf32, #tpu.memory_space<hbm>>
    %dma_wait3A_550 = tpu.memref_squeeze %dma_wait3A_549 : memref<1x128xf32, #tpu.memory_space<hbm>> -> memref<128xf32, #tpu.memory_space<hbm>>
    %dma_wait3A_551 = arith.constant 640 : i32
    %dma_wait3A_552 = tpu.memref_slice %arg5[%dma_wait3A_551] : memref<4352xf32, #tpu.memory_space<vmem>> -> memref<128xf32, #tpu.memory_space<vmem>>
    tpu.wait_dma2 semaphore(%arg8 : memref<!tpu.dma_semaphore, #tpu.memory_space<semaphore_mem>>) src(%dma_wait3A_552 : memref<128xf32, #tpu.memory_space<vmem>>) dst(%dma_wait3A_550 : memref<128xf32, #tpu.memory_space<hbm>>)
    %dma_wait3A_553 = arith.constant 768 : i32
    %dma_wait3A_554 = tpu.memref_slice %arg5[%dma_wait3A_553] : memref<4352xf32, #tpu.memory_space<vmem>> -> memref<128xf32, #tpu.memory_space<vmem>>
    %dma_wait3A_555 = arith.constant 640 : i32
    %dma_wait3A_556 = tpu.memref_slice %arg3[%add3A, %dma_wait3A_555] : memref<32x4096xf32, #tpu.memory_space<hbm>> -> memref<1x128xf32, #tpu.memory_space<hbm>>
    %dma_wait3A_557 = tpu.memref_squeeze %dma_wait3A_556 : memref<1x128xf32, #tpu.memory_space<hbm>> -> memref<128xf32, #tpu.memory_space<hbm>>
    %dma_wait3A_558 = arith.constant 640 : i32
    %dma_wait3A_559 = tpu.memref_slice %arg3[%add3A, %dma_wait3A_558] : memref<32x4096xf32, #tpu.memory_space<hbm>> -> memref<1x128xf32, #tpu.memory_space<hbm>>
    %dma_wait3A_560 = tpu.memref_squeeze %dma_wait3A_559 : memref<1x128xf32, #tpu.memory_space<hbm>> -> memref<128xf32, #tpu.memory_space<hbm>>
    %dma_wait3A_561 = arith.constant 768 : i32
    %dma_wait3A_562 = tpu.memref_slice %arg5[%dma_wait3A_561] : memref<4352xf32, #tpu.memory_space<vmem>> -> memref<128xf32, #tpu.memory_space<vmem>>
    tpu.wait_dma2 semaphore(%arg8 : memref<!tpu.dma_semaphore, #tpu.memory_space<semaphore_mem>>) src(%dma_wait3A_562 : memref<128xf32, #tpu.memory_space<vmem>>) dst(%dma_wait3A_560 : memref<128xf32, #tpu.memory_space<hbm>>)
    %dma_wait3A_563 = arith.constant 896 : i32
    %dma_wait3A_564 = tpu.memref_slice %arg5[%dma_wait3A_563] : memref<4352xf32, #tpu.memory_space<vmem>> -> memref<128xf32, #tpu.memory_space<vmem>>
    %dma_wait3A_565 = arith.constant 768 : i32
    %dma_wait3A_566 = tpu.memref_slice %arg3[%add3A, %dma_wait3A_565] : memref<32x4096xf32, #tpu.memory_space<hbm>> -> memref<1x128xf32, #tpu.memory_space<hbm>>
    %dma_wait3A_567 = tpu.memref_squeeze %dma_wait3A_566 : memref<1x128xf32, #tpu.memory_space<hbm>> -> memref<128xf32, #tpu.memory_space<hbm>>
    %dma_wait3A_568 = arith.constant 768 : i32
    %dma_wait3A_569 = tpu.memref_slice %arg3[%add3A, %dma_wait3A_568] : memref<32x4096xf32, #tpu.memory_space<hbm>> -> memref<1x128xf32, #tpu.memory_space<hbm>>
    %dma_wait3A_570 = tpu.memref_squeeze %dma_wait3A_569 : memref<1x128xf32, #tpu.memory_space<hbm>> -> memref<128xf32, #tpu.memory_space<hbm>>
    %dma_wait3A_571 = arith.constant 896 : i32
    %dma_wait3A_572 = tpu.memref_slice %arg5[%dma_wait3A_571] : memref<4352xf32, #tpu.memory_space<vmem>> -> memref<128xf32, #tpu.memory_space<vmem>>
    tpu.wait_dma2 semaphore(%arg8 : memref<!tpu.dma_semaphore, #tpu.memory_space<semaphore_mem>>) src(%dma_wait3A_572 : memref<128xf32, #tpu.memory_space<vmem>>) dst(%dma_wait3A_570 : memref<128xf32, #tpu.memory_space<hbm>>)
    %dma_wait3A_573 = arith.constant 1024 : i32
    %dma_wait3A_574 = tpu.memref_slice %arg5[%dma_wait3A_573] : memref<4352xf32, #tpu.memory_space<vmem>> -> memref<128xf32, #tpu.memory_space<vmem>>
    %dma_wait3A_575 = arith.constant 896 : i32
    %dma_wait3A_576 = tpu.memref_slice %arg3[%add3A, %dma_wait3A_575] : memref<32x4096xf32, #tpu.memory_space<hbm>> -> memref<1x128xf32, #tpu.memory_space<hbm>>
    %dma_wait3A_577 = tpu.memref_squeeze %dma_wait3A_576 : memref<1x128xf32, #tpu.memory_space<hbm>> -> memref<128xf32, #tpu.memory_space<hbm>>
    %dma_wait3A_578 = arith.constant 896 : i32
    %dma_wait3A_579 = tpu.memref_slice %arg3[%add3A, %dma_wait3A_578] : memref<32x4096xf32, #tpu.memory_space<hbm>> -> memref<1x128xf32, #tpu.memory_space<hbm>>
    %dma_wait3A_580 = tpu.memref_squeeze %dma_wait3A_579 : memref<1x128xf32, #tpu.memory_space<hbm>> -> memref<128xf32, #tpu.memory_space<hbm>>
    %dma_wait3A_581 = arith.constant 1024 : i32
    %dma_wait3A_582 = tpu.memref_slice %arg5[%dma_wait3A_581] : memref<4352xf32, #tpu.memory_space<vmem>> -> memref<128xf32, #tpu.memory_space<vmem>>
    tpu.wait_dma2 semaphore(%arg8 : memref<!tpu.dma_semaphore, #tpu.memory_space<semaphore_mem>>) src(%dma_wait3A_582 : memref<128xf32, #tpu.memory_space<vmem>>) dst(%dma_wait3A_580 : memref<128xf32, #tpu.memory_space<hbm>>)
    %dma_wait3A_583 = arith.constant 1152 : i32
    %dma_wait3A_584 = tpu.memref_slice %arg5[%dma_wait3A_583] : memref<4352xf32, #tpu.memory_space<vmem>> -> memref<128xf32, #tpu.memory_space<vmem>>
    %dma_wait3A_585 = arith.constant 1024 : i32
    %dma_wait3A_586 = tpu.memref_slice %arg3[%add3A, %dma_wait3A_585] : memref<32x4096xf32, #tpu.memory_space<hbm>> -> memref<1x128xf32, #tpu.memory_space<hbm>>
    %dma_wait3A_587 = tpu.memref_squeeze %dma_wait3A_586 : memref<1x128xf32, #tpu.memory_space<hbm>> -> memref<128xf32, #tpu.memory_space<hbm>>
    %dma_wait3A_588 = arith.constant 1024 : i32
    %dma_wait3A_589 = tpu.memref_slice %arg3[%add3A, %dma_wait3A_588] : memref<32x4096xf32, #tpu.memory_space<hbm>> -> memref<1x128xf32, #tpu.memory_space<hbm>>
    %dma_wait3A_590 = tpu.memref_squeeze %dma_wait3A_589 : memref<1x128xf32, #tpu.memory_space<hbm>> -> memref<128xf32, #tpu.memory_space<hbm>>
    %dma_wait3A_591 = arith.constant 1152 : i32
    %dma_wait3A_592 = tpu.memref_slice %arg5[%dma_wait3A_591] : memref<4352xf32, #tpu.memory_space<vmem>> -> memref<128xf32, #tpu.memory_space<vmem>>
    tpu.wait_dma2 semaphore(%arg8 : memref<!tpu.dma_semaphore, #tpu.memory_space<semaphore_mem>>) src(%dma_wait3A_592 : memref<128xf32, #tpu.memory_space<vmem>>) dst(%dma_wait3A_590 : memref<128xf32, #tpu.memory_space<hbm>>)
    %dma_wait3A_593 = arith.constant 1280 : i32
    %dma_wait3A_594 = tpu.memref_slice %arg5[%dma_wait3A_593] : memref<4352xf32, #tpu.memory_space<vmem>> -> memref<128xf32, #tpu.memory_space<vmem>>
    %dma_wait3A_595 = arith.constant 1152 : i32
    %dma_wait3A_596 = tpu.memref_slice %arg3[%add3A, %dma_wait3A_595] : memref<32x4096xf32, #tpu.memory_space<hbm>> -> memref<1x128xf32, #tpu.memory_space<hbm>>
    %dma_wait3A_597 = tpu.memref_squeeze %dma_wait3A_596 : memref<1x128xf32, #tpu.memory_space<hbm>> -> memref<128xf32, #tpu.memory_space<hbm>>
    %dma_wait3A_598 = arith.constant 1152 : i32
    %dma_wait3A_599 = tpu.memref_slice %arg3[%add3A, %dma_wait3A_598] : memref<32x4096xf32, #tpu.memory_space<hbm>> -> memref<1x128xf32, #tpu.memory_space<hbm>>
    %dma_wait3A_600 = tpu.memref_squeeze %dma_wait3A_599 : memref<1x128xf32, #tpu.memory_space<hbm>> -> memref<128xf32, #tpu.memory_space<hbm>>
    %dma_wait3A_601 = arith.constant 1280 : i32
    %dma_wait3A_602 = tpu.memref_slice %arg5[%dma_wait3A_601] : memref<4352xf32, #tpu.memory_space<vmem>> -> memref<128xf32, #tpu.memory_space<vmem>>
    tpu.wait_dma2 semaphore(%arg8 : memref<!tpu.dma_semaphore, #tpu.memory_space<semaphore_mem>>) src(%dma_wait3A_602 : memref<128xf32, #tpu.memory_space<vmem>>) dst(%dma_wait3A_600 : memref<128xf32, #tpu.memory_space<hbm>>)
    %dma_wait3A_603 = arith.constant 1408 : i32
    %dma_wait3A_604 = tpu.memref_slice %arg5[%dma_wait3A_603] : memref<4352xf32, #tpu.memory_space<vmem>> -> memref<128xf32, #tpu.memory_space<vmem>>
    %dma_wait3A_605 = arith.constant 1280 : i32
    %dma_wait3A_606 = tpu.memref_slice %arg3[%add3A, %dma_wait3A_605] : memref<32x4096xf32, #tpu.memory_space<hbm>> -> memref<1x128xf32, #tpu.memory_space<hbm>>
    %dma_wait3A_607 = tpu.memref_squeeze %dma_wait3A_606 : memref<1x128xf32, #tpu.memory_space<hbm>> -> memref<128xf32, #tpu.memory_space<hbm>>
    %dma_wait3A_608 = arith.constant 1280 : i32
    %dma_wait3A_609 = tpu.memref_slice %arg3[%add3A, %dma_wait3A_608] : memref<32x4096xf32, #tpu.memory_space<hbm>> -> memref<1x128xf32, #tpu.memory_space<hbm>>
    %dma_wait3A_610 = tpu.memref_squeeze %dma_wait3A_609 : memref<1x128xf32, #tpu.memory_space<hbm>> -> memref<128xf32, #tpu.memory_space<hbm>>
    %dma_wait3A_611 = arith.constant 1408 : i32
    %dma_wait3A_612 = tpu.memref_slice %arg5[%dma_wait3A_611] : memref<4352xf32, #tpu.memory_space<vmem>> -> memref<128xf32, #tpu.memory_space<vmem>>
    tpu.wait_dma2 semaphore(%arg8 : memref<!tpu.dma_semaphore, #tpu.memory_space<semaphore_mem>>) src(%dma_wait3A_612 : memref<128xf32, #tpu.memory_space<vmem>>) dst(%dma_wait3A_610 : memref<128xf32, #tpu.memory_space<hbm>>)
    %dma_wait3A_613 = arith.constant 1536 : i32
    %dma_wait3A_614 = tpu.memref_slice %arg5[%dma_wait3A_613] : memref<4352xf32, #tpu.memory_space<vmem>> -> memref<128xf32, #tpu.memory_space<vmem>>
    %dma_wait3A_615 = arith.constant 1408 : i32
    %dma_wait3A_616 = tpu.memref_slice %arg3[%add3A, %dma_wait3A_615] : memref<32x4096xf32, #tpu.memory_space<hbm>> -> memref<1x128xf32, #tpu.memory_space<hbm>>
    %dma_wait3A_617 = tpu.memref_squeeze %dma_wait3A_616 : memref<1x128xf32, #tpu.memory_space<hbm>> -> memref<128xf32, #tpu.memory_space<hbm>>
    %dma_wait3A_618 = arith.constant 1408 : i32
    %dma_wait3A_619 = tpu.memref_slice %arg3[%add3A, %dma_wait3A_618] : memref<32x4096xf32, #tpu.memory_space<hbm>> -> memref<1x128xf32, #tpu.memory_space<hbm>>
    %dma_wait3A_620 = tpu.memref_squeeze %dma_wait3A_619 : memref<1x128xf32, #tpu.memory_space<hbm>> -> memref<128xf32, #tpu.memory_space<hbm>>
    %dma_wait3A_621 = arith.constant 1536 : i32
    %dma_wait3A_622 = tpu.memref_slice %arg5[%dma_wait3A_621] : memref<4352xf32, #tpu.memory_space<vmem>> -> memref<128xf32, #tpu.memory_space<vmem>>
    tpu.wait_dma2 semaphore(%arg8 : memref<!tpu.dma_semaphore, #tpu.memory_space<semaphore_mem>>) src(%dma_wait3A_622 : memref<128xf32, #tpu.memory_space<vmem>>) dst(%dma_wait3A_620 : memref<128xf32, #tpu.memory_space<hbm>>)
    %dma_wait3A_623 = arith.constant 1664 : i32
    %dma_wait3A_624 = tpu.memref_slice %arg5[%dma_wait3A_623] : memref<4352xf32, #tpu.memory_space<vmem>> -> memref<128xf32, #tpu.memory_space<vmem>>
    %dma_wait3A_625 = arith.constant 1536 : i32
    %dma_wait3A_626 = tpu.memref_slice %arg3[%add3A, %dma_wait3A_625] : memref<32x4096xf32, #tpu.memory_space<hbm>> -> memref<1x128xf32, #tpu.memory_space<hbm>>
    %dma_wait3A_627 = tpu.memref_squeeze %dma_wait3A_626 : memref<1x128xf32, #tpu.memory_space<hbm>> -> memref<128xf32, #tpu.memory_space<hbm>>
    %dma_wait3A_628 = arith.constant 1536 : i32
    %dma_wait3A_629 = tpu.memref_slice %arg3[%add3A, %dma_wait3A_628] : memref<32x4096xf32, #tpu.memory_space<hbm>> -> memref<1x128xf32, #tpu.memory_space<hbm>>
    %dma_wait3A_630 = tpu.memref_squeeze %dma_wait3A_629 : memref<1x128xf32, #tpu.memory_space<hbm>> -> memref<128xf32, #tpu.memory_space<hbm>>
    %dma_wait3A_631 = arith.constant 1664 : i32
    %dma_wait3A_632 = tpu.memref_slice %arg5[%dma_wait3A_631] : memref<4352xf32, #tpu.memory_space<vmem>> -> memref<128xf32, #tpu.memory_space<vmem>>
    tpu.wait_dma2 semaphore(%arg8 : memref<!tpu.dma_semaphore, #tpu.memory_space<semaphore_mem>>) src(%dma_wait3A_632 : memref<128xf32, #tpu.memory_space<vmem>>) dst(%dma_wait3A_630 : memref<128xf32, #tpu.memory_space<hbm>>)
    %dma_wait3A_633 = arith.constant 1792 : i32
    %dma_wait3A_634 = tpu.memref_slice %arg5[%dma_wait3A_633] : memref<4352xf32, #tpu.memory_space<vmem>> -> memref<128xf32, #tpu.memory_space<vmem>>
    %dma_wait3A_635 = arith.constant 1664 : i32
    %dma_wait3A_636 = tpu.memref_slice %arg3[%add3A, %dma_wait3A_635] : memref<32x4096xf32, #tpu.memory_space<hbm>> -> memref<1x128xf32, #tpu.memory_space<hbm>>
    %dma_wait3A_637 = tpu.memref_squeeze %dma_wait3A_636 : memref<1x128xf32, #tpu.memory_space<hbm>> -> memref<128xf32, #tpu.memory_space<hbm>>
    %dma_wait3A_638 = arith.constant 1664 : i32
    %dma_wait3A_639 = tpu.memref_slice %arg3[%add3A, %dma_wait3A_638] : memref<32x4096xf32, #tpu.memory_space<hbm>> -> memref<1x128xf32, #tpu.memory_space<hbm>>
    %dma_wait3A_640 = tpu.memref_squeeze %dma_wait3A_639 : memref<1x128xf32, #tpu.memory_space<hbm>> -> memref<128xf32, #tpu.memory_space<hbm>>
    %dma_wait3A_641 = arith.constant 1792 : i32
    %dma_wait3A_642 = tpu.memref_slice %arg5[%dma_wait3A_641] : memref<4352xf32, #tpu.memory_space<vmem>> -> memref<128xf32, #tpu.memory_space<vmem>>
    tpu.wait_dma2 semaphore(%arg8 : memref<!tpu.dma_semaphore, #tpu.memory_space<semaphore_mem>>) src(%dma_wait3A_642 : memref<128xf32, #tpu.memory_space<vmem>>) dst(%dma_wait3A_640 : memref<128xf32, #tpu.memory_space<hbm>>)
    %dma_wait3A_643 = arith.constant 1920 : i32
    %dma_wait3A_644 = tpu.memref_slice %arg5[%dma_wait3A_643] : memref<4352xf32, #tpu.memory_space<vmem>> -> memref<128xf32, #tpu.memory_space<vmem>>
    %dma_wait3A_645 = arith.constant 1792 : i32
    %dma_wait3A_646 = tpu.memref_slice %arg3[%add3A, %dma_wait3A_645] : memref<32x4096xf32, #tpu.memory_space<hbm>> -> memref<1x128xf32, #tpu.memory_space<hbm>>
    %dma_wait3A_647 = tpu.memref_squeeze %dma_wait3A_646 : memref<1x128xf32, #tpu.memory_space<hbm>> -> memref<128xf32, #tpu.memory_space<hbm>>
    %dma_wait3A_648 = arith.constant 1792 : i32
    %dma_wait3A_649 = tpu.memref_slice %arg3[%add3A, %dma_wait3A_648] : memref<32x4096xf32, #tpu.memory_space<hbm>> -> memref<1x128xf32, #tpu.memory_space<hbm>>
    %dma_wait3A_650 = tpu.memref_squeeze %dma_wait3A_649 : memref<1x128xf32, #tpu.memory_space<hbm>> -> memref<128xf32, #tpu.memory_space<hbm>>
    %dma_wait3A_651 = arith.constant 1920 : i32
    %dma_wait3A_652 = tpu.memref_slice %arg5[%dma_wait3A_651] : memref<4352xf32, #tpu.memory_space<vmem>> -> memref<128xf32, #tpu.memory_space<vmem>>
    tpu.wait_dma2 semaphore(%arg8 : memref<!tpu.dma_semaphore, #tpu.memory_space<semaphore_mem>>) src(%dma_wait3A_652 : memref<128xf32, #tpu.memory_space<vmem>>) dst(%dma_wait3A_650 : memref<128xf32, #tpu.memory_space<hbm>>)
    %dma_wait3A_653 = arith.constant 2048 : i32
    %dma_wait3A_654 = tpu.memref_slice %arg5[%dma_wait3A_653] : memref<4352xf32, #tpu.memory_space<vmem>> -> memref<128xf32, #tpu.memory_space<vmem>>
    %dma_wait3A_655 = arith.constant 1920 : i32
    %dma_wait3A_656 = tpu.memref_slice %arg3[%add3A, %dma_wait3A_655] : memref<32x4096xf32, #tpu.memory_space<hbm>> -> memref<1x128xf32, #tpu.memory_space<hbm>>
    %dma_wait3A_657 = tpu.memref_squeeze %dma_wait3A_656 : memref<1x128xf32, #tpu.memory_space<hbm>> -> memref<128xf32, #tpu.memory_space<hbm>>
    %dma_wait3A_658 = arith.constant 1920 : i32
    %dma_wait3A_659 = tpu.memref_slice %arg3[%add3A, %dma_wait3A_658] : memref<32x4096xf32, #tpu.memory_space<hbm>> -> memref<1x128xf32, #tpu.memory_space<hbm>>
    %dma_wait3A_660 = tpu.memref_squeeze %dma_wait3A_659 : memref<1x128xf32, #tpu.memory_space<hbm>> -> memref<128xf32, #tpu.memory_space<hbm>>
    %dma_wait3A_661 = arith.constant 2048 : i32
    %dma_wait3A_662 = tpu.memref_slice %arg5[%dma_wait3A_661] : memref<4352xf32, #tpu.memory_space<vmem>> -> memref<128xf32, #tpu.memory_space<vmem>>
    tpu.wait_dma2 semaphore(%arg8 : memref<!tpu.dma_semaphore, #tpu.memory_space<semaphore_mem>>) src(%dma_wait3A_662 : memref<128xf32, #tpu.memory_space<vmem>>) dst(%dma_wait3A_660 : memref<128xf32, #tpu.memory_space<hbm>>)
    %dma_wait3A_663 = arith.constant 2176 : i32
    %dma_wait3A_664 = tpu.memref_slice %arg5[%dma_wait3A_663] : memref<4352xf32, #tpu.memory_space<vmem>> -> memref<128xf32, #tpu.memory_space<vmem>>
    %dma_wait3A_665 = arith.constant 2048 : i32
    %dma_wait3A_666 = tpu.memref_slice %arg3[%add3A, %dma_wait3A_665] : memref<32x4096xf32, #tpu.memory_space<hbm>> -> memref<1x128xf32, #tpu.memory_space<hbm>>
    %dma_wait3A_667 = tpu.memref_squeeze %dma_wait3A_666 : memref<1x128xf32, #tpu.memory_space<hbm>> -> memref<128xf32, #tpu.memory_space<hbm>>
    %dma_wait3A_668 = arith.constant 2048 : i32
    %dma_wait3A_669 = tpu.memref_slice %arg3[%add3A, %dma_wait3A_668] : memref<32x4096xf32, #tpu.memory_space<hbm>> -> memref<1x128xf32, #tpu.memory_space<hbm>>
    %dma_wait3A_670 = tpu.memref_squeeze %dma_wait3A_669 : memref<1x128xf32, #tpu.memory_space<hbm>> -> memref<128xf32, #tpu.memory_space<hbm>>
    %dma_wait3A_671 = arith.constant 2176 : i32
    %dma_wait3A_672 = tpu.memref_slice %arg5[%dma_wait3A_671] : memref<4352xf32, #tpu.memory_space<vmem>> -> memref<128xf32, #tpu.memory_space<vmem>>
    tpu.wait_dma2 semaphore(%arg8 : memref<!tpu.dma_semaphore, #tpu.memory_space<semaphore_mem>>) src(%dma_wait3A_672 : memref<128xf32, #tpu.memory_space<vmem>>) dst(%dma_wait3A_670 : memref<128xf32, #tpu.memory_space<hbm>>)
    %dma_wait3A_673 = arith.constant 2304 : i32
    %dma_wait3A_674 = tpu.memref_slice %arg5[%dma_wait3A_673] : memref<4352xf32, #tpu.memory_space<vmem>> -> memref<128xf32, #tpu.memory_space<vmem>>
    %dma_wait3A_675 = arith.constant 2176 : i32
    %dma_wait3A_676 = tpu.memref_slice %arg3[%add3A, %dma_wait3A_675] : memref<32x4096xf32, #tpu.memory_space<hbm>> -> memref<1x128xf32, #tpu.memory_space<hbm>>
    %dma_wait3A_677 = tpu.memref_squeeze %dma_wait3A_676 : memref<1x128xf32, #tpu.memory_space<hbm>> -> memref<128xf32, #tpu.memory_space<hbm>>
    %dma_wait3A_678 = arith.constant 2176 : i32
    %dma_wait3A_679 = tpu.memref_slice %arg3[%add3A, %dma_wait3A_678] : memref<32x4096xf32, #tpu.memory_space<hbm>> -> memref<1x128xf32, #tpu.memory_space<hbm>>
    %dma_wait3A_680 = tpu.memref_squeeze %dma_wait3A_679 : memref<1x128xf32, #tpu.memory_space<hbm>> -> memref<128xf32, #tpu.memory_space<hbm>>
    %dma_wait3A_681 = arith.constant 2304 : i32
    %dma_wait3A_682 = tpu.memref_slice %arg5[%dma_wait3A_681] : memref<4352xf32, #tpu.memory_space<vmem>> -> memref<128xf32, #tpu.memory_space<vmem>>
    tpu.wait_dma2 semaphore(%arg8 : memref<!tpu.dma_semaphore, #tpu.memory_space<semaphore_mem>>) src(%dma_wait3A_682 : memref<128xf32, #tpu.memory_space<vmem>>) dst(%dma_wait3A_680 : memref<128xf32, #tpu.memory_space<hbm>>)
    %dma_wait3A_683 = arith.constant 2432 : i32
    %dma_wait3A_684 = tpu.memref_slice %arg5[%dma_wait3A_683] : memref<4352xf32, #tpu.memory_space<vmem>> -> memref<128xf32, #tpu.memory_space<vmem>>
    %dma_wait3A_685 = arith.constant 2304 : i32
    %dma_wait3A_686 = tpu.memref_slice %arg3[%add3A, %dma_wait3A_685] : memref<32x4096xf32, #tpu.memory_space<hbm>> -> memref<1x128xf32, #tpu.memory_space<hbm>>
    %dma_wait3A_687 = tpu.memref_squeeze %dma_wait3A_686 : memref<1x128xf32, #tpu.memory_space<hbm>> -> memref<128xf32, #tpu.memory_space<hbm>>
    %dma_wait3A_688 = arith.constant 2304 : i32
    %dma_wait3A_689 = tpu.memref_slice %arg3[%add3A, %dma_wait3A_688] : memref<32x4096xf32, #tpu.memory_space<hbm>> -> memref<1x128xf32, #tpu.memory_space<hbm>>
    %dma_wait3A_690 = tpu.memref_squeeze %dma_wait3A_689 : memref<1x128xf32, #tpu.memory_space<hbm>> -> memref<128xf32, #tpu.memory_space<hbm>>
    %dma_wait3A_691 = arith.constant 2432 : i32
    %dma_wait3A_692 = tpu.memref_slice %arg5[%dma_wait3A_691] : memref<4352xf32, #tpu.memory_space<vmem>> -> memref<128xf32, #tpu.memory_space<vmem>>
    tpu.wait_dma2 semaphore(%arg8 : memref<!tpu.dma_semaphore, #tpu.memory_space<semaphore_mem>>) src(%dma_wait3A_692 : memref<128xf32, #tpu.memory_space<vmem>>) dst(%dma_wait3A_690 : memref<128xf32, #tpu.memory_space<hbm>>)
    %dma_wait3A_693 = arith.constant 2560 : i32
    %dma_wait3A_694 = tpu.memref_slice %arg5[%dma_wait3A_693] : memref<4352xf32, #tpu.memory_space<vmem>> -> memref<128xf32, #tpu.memory_space<vmem>>
    %dma_wait3A_695 = arith.constant 2432 : i32
    %dma_wait3A_696 = tpu.memref_slice %arg3[%add3A, %dma_wait3A_695] : memref<32x4096xf32, #tpu.memory_space<hbm>> -> memref<1x128xf32, #tpu.memory_space<hbm>>
    %dma_wait3A_697 = tpu.memref_squeeze %dma_wait3A_696 : memref<1x128xf32, #tpu.memory_space<hbm>> -> memref<128xf32, #tpu.memory_space<hbm>>
    %dma_wait3A_698 = arith.constant 2432 : i32
    %dma_wait3A_699 = tpu.memref_slice %arg3[%add3A, %dma_wait3A_698] : memref<32x4096xf32, #tpu.memory_space<hbm>> -> memref<1x128xf32, #tpu.memory_space<hbm>>
    %dma_wait3A_700 = tpu.memref_squeeze %dma_wait3A_699 : memref<1x128xf32, #tpu.memory_space<hbm>> -> memref<128xf32, #tpu.memory_space<hbm>>
    %dma_wait3A_701 = arith.constant 2560 : i32
    %dma_wait3A_702 = tpu.memref_slice %arg5[%dma_wait3A_701] : memref<4352xf32, #tpu.memory_space<vmem>> -> memref<128xf32, #tpu.memory_space<vmem>>
    tpu.wait_dma2 semaphore(%arg8 : memref<!tpu.dma_semaphore, #tpu.memory_space<semaphore_mem>>) src(%dma_wait3A_702 : memref<128xf32, #tpu.memory_space<vmem>>) dst(%dma_wait3A_700 : memref<128xf32, #tpu.memory_space<hbm>>)
    %dma_wait3A_703 = arith.constant 2688 : i32
    %dma_wait3A_704 = tpu.memref_slice %arg5[%dma_wait3A_703] : memref<4352xf32, #tpu.memory_space<vmem>> -> memref<128xf32, #tpu.memory_space<vmem>>
    %dma_wait3A_705 = arith.constant 2560 : i32
    %dma_wait3A_706 = tpu.memref_slice %arg3[%add3A, %dma_wait3A_705] : memref<32x4096xf32, #tpu.memory_space<hbm>> -> memref<1x128xf32, #tpu.memory_space<hbm>>
    %dma_wait3A_707 = tpu.memref_squeeze %dma_wait3A_706 : memref<1x128xf32, #tpu.memory_space<hbm>> -> memref<128xf32, #tpu.memory_space<hbm>>
    %dma_wait3A_708 = arith.constant 2560 : i32
    %dma_wait3A_709 = tpu.memref_slice %arg3[%add3A, %dma_wait3A_708] : memref<32x4096xf32, #tpu.memory_space<hbm>> -> memref<1x128xf32, #tpu.memory_space<hbm>>
    %dma_wait3A_710 = tpu.memref_squeeze %dma_wait3A_709 : memref<1x128xf32, #tpu.memory_space<hbm>> -> memref<128xf32, #tpu.memory_space<hbm>>
    %dma_wait3A_711 = arith.constant 2688 : i32
    %dma_wait3A_712 = tpu.memref_slice %arg5[%dma_wait3A_711] : memref<4352xf32, #tpu.memory_space<vmem>> -> memref<128xf32, #tpu.memory_space<vmem>>
    tpu.wait_dma2 semaphore(%arg8 : memref<!tpu.dma_semaphore, #tpu.memory_space<semaphore_mem>>) src(%dma_wait3A_712 : memref<128xf32, #tpu.memory_space<vmem>>) dst(%dma_wait3A_710 : memref<128xf32, #tpu.memory_space<hbm>>)
    %dma_wait3A_713 = arith.constant 2816 : i32
    %dma_wait3A_714 = tpu.memref_slice %arg5[%dma_wait3A_713] : memref<4352xf32, #tpu.memory_space<vmem>> -> memref<128xf32, #tpu.memory_space<vmem>>
    %dma_wait3A_715 = arith.constant 2688 : i32
    %dma_wait3A_716 = tpu.memref_slice %arg3[%add3A, %dma_wait3A_715] : memref<32x4096xf32, #tpu.memory_space<hbm>> -> memref<1x128xf32, #tpu.memory_space<hbm>>
    %dma_wait3A_717 = tpu.memref_squeeze %dma_wait3A_716 : memref<1x128xf32, #tpu.memory_space<hbm>> -> memref<128xf32, #tpu.memory_space<hbm>>
    %dma_wait3A_718 = arith.constant 2688 : i32
    %dma_wait3A_719 = tpu.memref_slice %arg3[%add3A, %dma_wait3A_718] : memref<32x4096xf32, #tpu.memory_space<hbm>> -> memref<1x128xf32, #tpu.memory_space<hbm>>
    %dma_wait3A_720 = tpu.memref_squeeze %dma_wait3A_719 : memref<1x128xf32, #tpu.memory_space<hbm>> -> memref<128xf32, #tpu.memory_space<hbm>>
    %dma_wait3A_721 = arith.constant 2816 : i32
    %dma_wait3A_722 = tpu.memref_slice %arg5[%dma_wait3A_721] : memref<4352xf32, #tpu.memory_space<vmem>> -> memref<128xf32, #tpu.memory_space<vmem>>
    tpu.wait_dma2 semaphore(%arg8 : memref<!tpu.dma_semaphore, #tpu.memory_space<semaphore_mem>>) src(%dma_wait3A_722 : memref<128xf32, #tpu.memory_space<vmem>>) dst(%dma_wait3A_720 : memref<128xf32, #tpu.memory_space<hbm>>)
    %dma_wait3A_723 = arith.constant 2944 : i32
    %dma_wait3A_724 = tpu.memref_slice %arg5[%dma_wait3A_723] : memref<4352xf32, #tpu.memory_space<vmem>> -> memref<128xf32, #tpu.memory_space<vmem>>
    %dma_wait3A_725 = arith.constant 2816 : i32
    %dma_wait3A_726 = tpu.memref_slice %arg3[%add3A, %dma_wait3A_725] : memref<32x4096xf32, #tpu.memory_space<hbm>> -> memref<1x128xf32, #tpu.memory_space<hbm>>
    %dma_wait3A_727 = tpu.memref_squeeze %dma_wait3A_726 : memref<1x128xf32, #tpu.memory_space<hbm>> -> memref<128xf32, #tpu.memory_space<hbm>>
    %dma_wait3A_728 = arith.constant 2816 : i32
    %dma_wait3A_729 = tpu.memref_slice %arg3[%add3A, %dma_wait3A_728] : memref<32x4096xf32, #tpu.memory_space<hbm>> -> memref<1x128xf32, #tpu.memory_space<hbm>>
    %dma_wait3A_730 = tpu.memref_squeeze %dma_wait3A_729 : memref<1x128xf32, #tpu.memory_space<hbm>> -> memref<128xf32, #tpu.memory_space<hbm>>
    %dma_wait3A_731 = arith.constant 2944 : i32
    %dma_wait3A_732 = tpu.memref_slice %arg5[%dma_wait3A_731] : memref<4352xf32, #tpu.memory_space<vmem>> -> memref<128xf32, #tpu.memory_space<vmem>>
    tpu.wait_dma2 semaphore(%arg8 : memref<!tpu.dma_semaphore, #tpu.memory_space<semaphore_mem>>) src(%dma_wait3A_732 : memref<128xf32, #tpu.memory_space<vmem>>) dst(%dma_wait3A_730 : memref<128xf32, #tpu.memory_space<hbm>>)
    %dma_wait3A_733 = arith.constant 3072 : i32
    %dma_wait3A_734 = tpu.memref_slice %arg5[%dma_wait3A_733] : memref<4352xf32, #tpu.memory_space<vmem>> -> memref<128xf32, #tpu.memory_space<vmem>>
    %dma_wait3A_735 = arith.constant 2944 : i32
    %dma_wait3A_736 = tpu.memref_slice %arg3[%add3A, %dma_wait3A_735] : memref<32x4096xf32, #tpu.memory_space<hbm>> -> memref<1x128xf32, #tpu.memory_space<hbm>>
    %dma_wait3A_737 = tpu.memref_squeeze %dma_wait3A_736 : memref<1x128xf32, #tpu.memory_space<hbm>> -> memref<128xf32, #tpu.memory_space<hbm>>
    %dma_wait3A_738 = arith.constant 2944 : i32
    %dma_wait3A_739 = tpu.memref_slice %arg3[%add3A, %dma_wait3A_738] : memref<32x4096xf32, #tpu.memory_space<hbm>> -> memref<1x128xf32, #tpu.memory_space<hbm>>
    %dma_wait3A_740 = tpu.memref_squeeze %dma_wait3A_739 : memref<1x128xf32, #tpu.memory_space<hbm>> -> memref<128xf32, #tpu.memory_space<hbm>>
    %dma_wait3A_741 = arith.constant 3072 : i32
    %dma_wait3A_742 = tpu.memref_slice %arg5[%dma_wait3A_741] : memref<4352xf32, #tpu.memory_space<vmem>> -> memref<128xf32, #tpu.memory_space<vmem>>
    tpu.wait_dma2 semaphore(%arg8 : memref<!tpu.dma_semaphore, #tpu.memory_space<semaphore_mem>>) src(%dma_wait3A_742 : memref<128xf32, #tpu.memory_space<vmem>>) dst(%dma_wait3A_740 : memref<128xf32, #tpu.memory_space<hbm>>)
    %dma_wait3A_743 = arith.constant 3200 : i32
    %dma_wait3A_744 = tpu.memref_slice %arg5[%dma_wait3A_743] : memref<4352xf32, #tpu.memory_space<vmem>> -> memref<128xf32, #tpu.memory_space<vmem>>
    %dma_wait3A_745 = arith.constant 3072 : i32
    %dma_wait3A_746 = tpu.memref_slice %arg3[%add3A, %dma_wait3A_745] : memref<32x4096xf32, #tpu.memory_space<hbm>> -> memref<1x128xf32, #tpu.memory_space<hbm>>
    %dma_wait3A_747 = tpu.memref_squeeze %dma_wait3A_746 : memref<1x128xf32, #tpu.memory_space<hbm>> -> memref<128xf32, #tpu.memory_space<hbm>>
    %dma_wait3A_748 = arith.constant 3072 : i32
    %dma_wait3A_749 = tpu.memref_slice %arg3[%add3A, %dma_wait3A_748] : memref<32x4096xf32, #tpu.memory_space<hbm>> -> memref<1x128xf32, #tpu.memory_space<hbm>>
    %dma_wait3A_750 = tpu.memref_squeeze %dma_wait3A_749 : memref<1x128xf32, #tpu.memory_space<hbm>> -> memref<128xf32, #tpu.memory_space<hbm>>
    %dma_wait3A_751 = arith.constant 3200 : i32
    %dma_wait3A_752 = tpu.memref_slice %arg5[%dma_wait3A_751] : memref<4352xf32, #tpu.memory_space<vmem>> -> memref<128xf32, #tpu.memory_space<vmem>>
    tpu.wait_dma2 semaphore(%arg8 : memref<!tpu.dma_semaphore, #tpu.memory_space<semaphore_mem>>) src(%dma_wait3A_752 : memref<128xf32, #tpu.memory_space<vmem>>) dst(%dma_wait3A_750 : memref<128xf32, #tpu.memory_space<hbm>>)
    %dma_wait3A_753 = arith.constant 3328 : i32
    %dma_wait3A_754 = tpu.memref_slice %arg5[%dma_wait3A_753] : memref<4352xf32, #tpu.memory_space<vmem>> -> memref<128xf32, #tpu.memory_space<vmem>>
    %dma_wait3A_755 = arith.constant 3200 : i32
    %dma_wait3A_756 = tpu.memref_slice %arg3[%add3A, %dma_wait3A_755] : memref<32x4096xf32, #tpu.memory_space<hbm>> -> memref<1x128xf32, #tpu.memory_space<hbm>>
    %dma_wait3A_757 = tpu.memref_squeeze %dma_wait3A_756 : memref<1x128xf32, #tpu.memory_space<hbm>> -> memref<128xf32, #tpu.memory_space<hbm>>
    %dma_wait3A_758 = arith.constant 3200 : i32
    %dma_wait3A_759 = tpu.memref_slice %arg3[%add3A, %dma_wait3A_758] : memref<32x4096xf32, #tpu.memory_space<hbm>> -> memref<1x128xf32, #tpu.memory_space<hbm>>
    %dma_wait3A_760 = tpu.memref_squeeze %dma_wait3A_759 : memref<1x128xf32, #tpu.memory_space<hbm>> -> memref<128xf32, #tpu.memory_space<hbm>>
    %dma_wait3A_761 = arith.constant 3328 : i32
    %dma_wait3A_762 = tpu.memref_slice %arg5[%dma_wait3A_761] : memref<4352xf32, #tpu.memory_space<vmem>> -> memref<128xf32, #tpu.memory_space<vmem>>
    tpu.wait_dma2 semaphore(%arg8 : memref<!tpu.dma_semaphore, #tpu.memory_space<semaphore_mem>>) src(%dma_wait3A_762 : memref<128xf32, #tpu.memory_space<vmem>>) dst(%dma_wait3A_760 : memref<128xf32, #tpu.memory_space<hbm>>)
    %dma_wait3A_763 = arith.constant 3456 : i32
    %dma_wait3A_764 = tpu.memref_slice %arg5[%dma_wait3A_763] : memref<4352xf32, #tpu.memory_space<vmem>> -> memref<128xf32, #tpu.memory_space<vmem>>
    %dma_wait3A_765 = arith.constant 3328 : i32
    %dma_wait3A_766 = tpu.memref_slice %arg3[%add3A, %dma_wait3A_765] : memref<32x4096xf32, #tpu.memory_space<hbm>> -> memref<1x128xf32, #tpu.memory_space<hbm>>
    %dma_wait3A_767 = tpu.memref_squeeze %dma_wait3A_766 : memref<1x128xf32, #tpu.memory_space<hbm>> -> memref<128xf32, #tpu.memory_space<hbm>>
    %dma_wait3A_768 = arith.constant 3328 : i32
    %dma_wait3A_769 = tpu.memref_slice %arg3[%add3A, %dma_wait3A_768] : memref<32x4096xf32, #tpu.memory_space<hbm>> -> memref<1x128xf32, #tpu.memory_space<hbm>>
    %dma_wait3A_770 = tpu.memref_squeeze %dma_wait3A_769 : memref<1x128xf32, #tpu.memory_space<hbm>> -> memref<128xf32, #tpu.memory_space<hbm>>
    %dma_wait3A_771 = arith.constant 3456 : i32
    %dma_wait3A_772 = tpu.memref_slice %arg5[%dma_wait3A_771] : memref<4352xf32, #tpu.memory_space<vmem>> -> memref<128xf32, #tpu.memory_space<vmem>>
    tpu.wait_dma2 semaphore(%arg8 : memref<!tpu.dma_semaphore, #tpu.memory_space<semaphore_mem>>) src(%dma_wait3A_772 : memref<128xf32, #tpu.memory_space<vmem>>) dst(%dma_wait3A_770 : memref<128xf32, #tpu.memory_space<hbm>>)
    %dma_wait3A_773 = arith.constant 3584 : i32
    %dma_wait3A_774 = tpu.memref_slice %arg5[%dma_wait3A_773] : memref<4352xf32, #tpu.memory_space<vmem>> -> memref<128xf32, #tpu.memory_space<vmem>>
    %dma_wait3A_775 = arith.constant 3456 : i32
    %dma_wait3A_776 = tpu.memref_slice %arg3[%add3A, %dma_wait3A_775] : memref<32x4096xf32, #tpu.memory_space<hbm>> -> memref<1x128xf32, #tpu.memory_space<hbm>>
    %dma_wait3A_777 = tpu.memref_squeeze %dma_wait3A_776 : memref<1x128xf32, #tpu.memory_space<hbm>> -> memref<128xf32, #tpu.memory_space<hbm>>
    %dma_wait3A_778 = arith.constant 3456 : i32
    %dma_wait3A_779 = tpu.memref_slice %arg3[%add3A, %dma_wait3A_778] : memref<32x4096xf32, #tpu.memory_space<hbm>> -> memref<1x128xf32, #tpu.memory_space<hbm>>
    %dma_wait3A_780 = tpu.memref_squeeze %dma_wait3A_779 : memref<1x128xf32, #tpu.memory_space<hbm>> -> memref<128xf32, #tpu.memory_space<hbm>>
    %dma_wait3A_781 = arith.constant 3584 : i32
    %dma_wait3A_782 = tpu.memref_slice %arg5[%dma_wait3A_781] : memref<4352xf32, #tpu.memory_space<vmem>> -> memref<128xf32, #tpu.memory_space<vmem>>
    tpu.wait_dma2 semaphore(%arg8 : memref<!tpu.dma_semaphore, #tpu.memory_space<semaphore_mem>>) src(%dma_wait3A_782 : memref<128xf32, #tpu.memory_space<vmem>>) dst(%dma_wait3A_780 : memref<128xf32, #tpu.memory_space<hbm>>)
    %dma_wait3A_783 = arith.constant 3712 : i32
    %dma_wait3A_784 = tpu.memref_slice %arg5[%dma_wait3A_783] : memref<4352xf32, #tpu.memory_space<vmem>> -> memref<128xf32, #tpu.memory_space<vmem>>
    %dma_wait3A_785 = arith.constant 3584 : i32
    %dma_wait3A_786 = tpu.memref_slice %arg3[%add3A, %dma_wait3A_785] : memref<32x4096xf32, #tpu.memory_space<hbm>> -> memref<1x128xf32, #tpu.memory_space<hbm>>
    %dma_wait3A_787 = tpu.memref_squeeze %dma_wait3A_786 : memref<1x128xf32, #tpu.memory_space<hbm>> -> memref<128xf32, #tpu.memory_space<hbm>>
    %dma_wait3A_788 = arith.constant 3584 : i32
    %dma_wait3A_789 = tpu.memref_slice %arg3[%add3A, %dma_wait3A_788] : memref<32x4096xf32, #tpu.memory_space<hbm>> -> memref<1x128xf32, #tpu.memory_space<hbm>>
    %dma_wait3A_790 = tpu.memref_squeeze %dma_wait3A_789 : memref<1x128xf32, #tpu.memory_space<hbm>> -> memref<128xf32, #tpu.memory_space<hbm>>
    %dma_wait3A_791 = arith.constant 3712 : i32
    %dma_wait3A_792 = tpu.memref_slice %arg5[%dma_wait3A_791] : memref<4352xf32, #tpu.memory_space<vmem>> -> memref<128xf32, #tpu.memory_space<vmem>>
    tpu.wait_dma2 semaphore(%arg8 : memref<!tpu.dma_semaphore, #tpu.memory_space<semaphore_mem>>) src(%dma_wait3A_792 : memref<128xf32, #tpu.memory_space<vmem>>) dst(%dma_wait3A_790 : memref<128xf32, #tpu.memory_space<hbm>>)
    %dma_wait3A_793 = arith.constant 3840 : i32
    %dma_wait3A_794 = tpu.memref_slice %arg5[%dma_wait3A_793] : memref<4352xf32, #tpu.memory_space<vmem>> -> memref<128xf32, #tpu.memory_space<vmem>>
    %dma_wait3A_795 = arith.constant 3712 : i32
    %dma_wait3A_796 = tpu.memref_slice %arg3[%add3A, %dma_wait3A_795] : memref<32x4096xf32, #tpu.memory_space<hbm>> -> memref<1x128xf32, #tpu.memory_space<hbm>>
    %dma_wait3A_797 = tpu.memref_squeeze %dma_wait3A_796 : memref<1x128xf32, #tpu.memory_space<hbm>> -> memref<128xf32, #tpu.memory_space<hbm>>
    %dma_wait3A_798 = arith.constant 3712 : i32
    %dma_wait3A_799 = tpu.memref_slice %arg3[%add3A, %dma_wait3A_798] : memref<32x4096xf32, #tpu.memory_space<hbm>> -> memref<1x128xf32, #tpu.memory_space<hbm>>
    %dma_wait3A_800 = tpu.memref_squeeze %dma_wait3A_799 : memref<1x128xf32, #tpu.memory_space<hbm>> -> memref<128xf32, #tpu.memory_space<hbm>>
    %dma_wait3A_801 = arith.constant 3840 : i32
    %dma_wait3A_802 = tpu.memref_slice %arg5[%dma_wait3A_801] : memref<4352xf32, #tpu.memory_space<vmem>> -> memref<128xf32, #tpu.memory_space<vmem>>
    tpu.wait_dma2 semaphore(%arg8 : memref<!tpu.dma_semaphore, #tpu.memory_space<semaphore_mem>>) src(%dma_wait3A_802 : memref<128xf32, #tpu.memory_space<vmem>>) dst(%dma_wait3A_800 : memref<128xf32, #tpu.memory_space<hbm>>)
    %dma_wait3A_803 = arith.constant 3968 : i32
    %dma_wait3A_804 = tpu.memref_slice %arg5[%dma_wait3A_803] : memref<4352xf32, #tpu.memory_space<vmem>> -> memref<128xf32, #tpu.memory_space<vmem>>
    %dma_wait3A_805 = arith.constant 3840 : i32
    %dma_wait3A_806 = tpu.memref_slice %arg3[%add3A, %dma_wait3A_805] : memref<32x4096xf32, #tpu.memory_space<hbm>> -> memref<1x128xf32, #tpu.memory_space<hbm>>
    %dma_wait3A_807 = tpu.memref_squeeze %dma_wait3A_806 : memref<1x128xf32, #tpu.memory_space<hbm>> -> memref<128xf32, #tpu.memory_space<hbm>>
    %dma_wait3A_808 = arith.constant 3840 : i32
    %dma_wait3A_809 = tpu.memref_slice %arg3[%add3A, %dma_wait3A_808] : memref<32x4096xf32, #tpu.memory_space<hbm>> -> memref<1x128xf32, #tpu.memory_space<hbm>>
    %dma_wait3A_810 = tpu.memref_squeeze %dma_wait3A_809 : memref<1x128xf32, #tpu.memory_space<hbm>> -> memref<128xf32, #tpu.memory_space<hbm>>
    %dma_wait3A_811 = arith.constant 3968 : i32
    %dma_wait3A_812 = tpu.memref_slice %arg5[%dma_wait3A_811] : memref<4352xf32, #tpu.memory_space<vmem>> -> memref<128xf32, #tpu.memory_space<vmem>>
    tpu.wait_dma2 semaphore(%arg8 : memref<!tpu.dma_semaphore, #tpu.memory_space<semaphore_mem>>) src(%dma_wait3A_812 : memref<128xf32, #tpu.memory_space<vmem>>) dst(%dma_wait3A_810 : memref<128xf32, #tpu.memory_space<hbm>>)
    %dma_wait3A_813 = arith.constant 4096 : i32
    %dma_wait3A_814 = tpu.memref_slice %arg5[%dma_wait3A_813] : memref<4352xf32, #tpu.memory_space<vmem>> -> memref<128xf32, #tpu.memory_space<vmem>>
    %dma_wait3A_815 = arith.constant 3968 : i32
    %dma_wait3A_816 = tpu.memref_slice %arg3[%add3A, %dma_wait3A_815] : memref<32x4096xf32, #tpu.memory_space<hbm>> -> memref<1x128xf32, #tpu.memory_space<hbm>>
    %dma_wait3A_817 = tpu.memref_squeeze %dma_wait3A_816 : memref<1x128xf32, #tpu.memory_space<hbm>> -> memref<128xf32, #tpu.memory_space<hbm>>
    %dma_wait3A_818 = arith.constant 3968 : i32
    %dma_wait3A_819 = tpu.memref_slice %arg3[%add3A, %dma_wait3A_818] : memref<32x4096xf32, #tpu.memory_space<hbm>> -> memref<1x128xf32, #tpu.memory_space<hbm>>
    %dma_wait3A_820 = tpu.memref_squeeze %dma_wait3A_819 : memref<1x128xf32, #tpu.memory_space<hbm>> -> memref<128xf32, #tpu.memory_space<hbm>>
    %dma_wait3A_821 = arith.constant 4096 : i32
    %dma_wait3A_822 = tpu.memref_slice %arg5[%dma_wait3A_821] : memref<4352xf32, #tpu.memory_space<vmem>> -> memref<128xf32, #tpu.memory_space<vmem>>
    tpu.wait_dma2 semaphore(%arg8 : memref<!tpu.dma_semaphore, #tpu.memory_space<semaphore_mem>>) src(%dma_wait3A_822 : memref<128xf32, #tpu.memory_space<vmem>>) dst(%dma_wait3A_820 : memref<128xf32, #tpu.memory_space<hbm>>)
    return
  }
}

</mosaic_0001>

<sc_bundles>
// kernel: kernel.3.cloned.1.call-start
scs
__scs_entry_jumppad:
0x0: {  	(pc) =	sbr.rel $0x88, $3  }
0x1: {  	(tag) =	ssettag $0x0;
	lr =	simm.s32 $0x1  }
0x2: {  	[smem:$0x3FA0] =	sst lr;
	_ =	strace $0xD0000000  }
0x3: {  	_ = 	snop  }
0x4: {  	_ = 	snop  }
0x5: {  	_ = 	snop  }
0x6: {  	_ = 	snop  }
0x7: {  	_ = 	snop  }
__scs_overlays_trampoline_lowered:
0x8: {  	[smem:$0x3FAF] =	sst s0  }
0x9: {  	[smem:$0x3FB0] =	sst s1  }
0xa: {  	[smem:$0x3FB1] =	sst s2  }
0xb: {  	[smem:$0x3FB2] =	sst s3  }
0xc: {  	[smem:$0x3FB3] =	sst s4  }
0xd: {  	[smem:$0x3FB4] =	sst s5  }
0xe: {  	[smem:$0x3FB5] =	sst s6  }
0xf: {  	[smem:$0x3FB6] =	sst s7  }
0x10: {  	[smem:$0x3FB7] =	sst s8  }
0x11: {  	[smem:$0x3FB8] =	sst s9;
	s0 =	simm.s32 @!p0 $0x0  }
0x12: {  	s1 =	sld [smem:$0x3F9E];
	s0 =	simm.s32 @p0 $0x1  }
0x13: {  	[smem:$0x3FB9] =	sst s0;
	s0 =	simm.s32 @!p1 $0x0  }
0x14: {  	s2 =	sld [smem:$0x3F9D];
	s0 =	simm.s32 @p1 $0x1  }
0x15: {  	[smem:$0x3FBA] =	sst s0;
	s0 =	simm.s32 @!p2 $0x0  }
0x16: {  	s3 =	sld [smem:$0x3FDB];
	s0 =	simm.s32 @p2 $0x1  }
0x17: {  	s4 =	simm.s32 $0x1BF5;
	[smem:$0x3FBC] =	sst s0  }
0x18: {  	s0 =	sld [smem:$0x3F9F];
	_ =	swait.ge [sflag:s4], $0x0  }
0x19: {  	s7 =	sld [smem:$0x3FA0]  }
0x1a: {  	s8 =	sadd.s32 $0xFFFFE003, lr  }
0x1b: {  	s9 =	sadd.s32 $0xFFFFFEF7, lr;
	s5 =	simm.s32 $0xFFFFFFFF;
	p2 =	slt.u32 s8, $0xFFFFF086  }
0x1c: {  	p1 =	slt.u32 s9, $0xF7A;
	s5 =	simm.s32 @!p2 $0x0  }
0x1d: {  	s5 =	simm.s32 @p1 $0x1;
	p0 =	seq.s32 s7, s2  }
0x1e: {  	s7 =	smul.u32 @!p0 $0xF7A, s2;
	p2 =	seq.s32 @!p0 s5, $0x0  }
0x1f: {  	s9 =	smul.u32 $0xF7A, s1;
	s8 =	simm.s32 @!p0 $0x1BF5;
	p2 =	por !p2, p0  }
0x20: {  	[sflag:s8] =	ssyncset.s32 @!p0 $0xFFFFF086;
	s6 =	sadd.s32 @!p0 s3, s7;
	s7 =	simm.s32 @!p0 $0x108  }
0x21: {  	s3 =	sadd.s32 s3, s9;
	s6 =	sadd.s32 @!p0 $0x88, s6;
	s7 =	simm.s32 @p2 $0x1082  }
0x22: {  	[simem:s7], [sflag:s8] =	dma.local @!p0 [hbm:s6], $0xF7A  }
0x23: {  	s9 =	sor.u32 $0xD0000000, s2;
	s6 =	simm.s32 $0x108;
	_ =	swait.ge @!p0 [sflag:s8], $0x0  }
0x24: {  	s3 =	sadd.s32 $0x88, s3;
	s6 =	simm.s32 @!p1 $0x1082;
	[sflag:s4] =	ssyncset.s32 $0xFFFFF086  }
0x25: {  	[simem:s6], [sflag:s4] =	dma.local [hbm:s3], $0xF7A  }
0x26: {  	[smem:$0x3FA0] =	sst s1;
	(tag) =	ssettag s2;
	_ =	strace s9  }
0x27: {  	s1 =	sld [smem:$0x3FB0]  }
0x28: {  	s2 =	sld [smem:$0x3FB1]  }
0x29: {  	s4 =	sld [smem:$0x3FB3]  }
0x2a: {  	p0 =	seq.s32 s5, $0x0;
	s5 =	sld [smem:$0x3FB4]  }
0x2b: {  	s6 =	sld [smem:$0x3FB5]  }
0x2c: {  	s7 =	sld [smem:$0x3FB6]  }
0x2d: {  	s3 =	simm.s32 $0x108;
	s8 =	sld [smem:$0x3FB7]  }
0x2e: {  	s3 =	simm.s32 @!p0 $0x1082;
	s9 =	sld [smem:$0x3FB8]  }
0x2f: {  	lr =	sadd.s32 s0, s3;
	s0 =	sld [smem:$0x3FAF]  }
0x30: {  	s3 =	sld [smem:$0x3FB2]  }
0x31: {  	[smem:$0x3FBB] =	sst s10  }
0x32: {  	s10 =	sld [smem:$0x3FB9];
	_ =	sdelay $0x3  }
0x33: {  	p0 =	seq.s32 s10, $0x1;
	s10 =	sld [smem:$0x3FBB];
	_ =	sdelay $0x3  }
0x34: {  	[smem:$0x3FBB] =	sst s10  }
0x35: {  	s10 =	sld [smem:$0x3FBA];
	_ =	sdelay $0x3  }
0x36: {  	p1 =	seq.s32 s10, $0x1;
	s10 =	sld [smem:$0x3FBB];
	_ =	sdelay $0x3  }
0x37: {  	[smem:$0x3FBB] =	sst s10  }
0x38: {  	s10 =	sld [smem:$0x3FBC]  }
0x39: {  	_ = 	snop;
	(pc) =	sbr.ind lr, $3  }
0x3a: {  	_ = 	snop  }
0x3b: {  	_ = 	snop  }
0x3c: {  	p2 =	seq.s32 s10, $0x1;
	s10 =	sld [smem:$0x3FBB]  }
0x3d: {  	_ =	shalt  }
0x3e: {  	_ =	shalt  }
0x3f: {  	_ =	shalt  }
0x40: {  	_ =	shalt  }
0x41: {  	_ =	shalt  }
0x42: {  	_ =	shalt  }
0x43: {  	_ =	shalt  }
0x44: {  	_ =	shalt  }
0x45: {  	_ =	shalt  }
0x46: {  	_ =	shalt  }
0x47: {  	_ =	shalt  }
0x48: {  	_ =	shalt  }
0x49: {  	_ =	shalt  }
0x4a: {  	_ =	shalt  }
0x4b: {  	_ =	shalt  }
0x4c: {  	_ =	shalt  }
0x4d: {  	_ =	shalt  }
0x4e: {  	_ =	shalt  }
0x4f: {  	_ =	shalt  }
0x50: {  	_ =	shalt  }
0x51: {  	_ =	shalt  }
0x52: {  	_ =	shalt  }
0x53: {  	_ =	shalt  }
0x54: {  	_ =	shalt  }
0x55: {  	_ =	shalt  }
0x56: {  	_ =	shalt  }
0x57: {  	_ =	shalt  }
0x58: {  	_ =	shalt  }
0x59: {  	_ =	shalt  }
0x5a: {  	_ =	shalt  }
0x5b: {  	_ =	shalt  }
0x5c: {  	_ =	shalt  }
0x5d: {  	_ =	shalt  }
0x5e: {  	_ =	shalt  }
0x5f: {  	_ =	shalt  }
0x60: {  	_ =	shalt  }
0x61: {  	_ =	shalt  }
0x62: {  	_ =	shalt  }
0x63: {  	_ =	shalt  }
0x64: {  	_ =	shalt  }
0x65: {  	_ =	shalt  }
0x66: {  	_ =	shalt  }
0x67: {  	_ =	shalt  }
0x68: {  	_ =	shalt  }
0x69: {  	_ =	shalt  }
0x6a: {  	_ =	shalt  }
0x6b: {  	_ =	shalt  }
0x6c: {  	_ =	shalt  }
0x6d: {  	_ =	shalt  }
0x6e: {  	_ =	shalt  }
0x6f: {  	_ =	shalt  }
0x70: {  	_ =	shalt  }
0x71: {  	_ =	shalt  }
0x72: {  	_ =	shalt  }
0x73: {  	_ =	shalt  }
0x74: {  	_ =	shalt  }
0x75: {  	_ =	shalt  }
0x76: {  	_ =	shalt  }
0x77: {  	_ =	shalt  }
0x78: {  	_ =	shalt  }
0x79: {  	_ =	shalt  }
0x7a: {  	_ =	shalt  }
0x7b: {  	_ =	shalt  }
0x7c: {  	_ =	shalt  }
0x7d: {  	_ =	shalt  }
0x7e: {  	_ =	shalt  }
0x7f: {  	_ =	shalt  }
0x80: {  	_ =	shalt  }
0x81: {  	_ =	shalt  }
0x82: {  	_ =	shalt  }
0x83: {  	_ =	shalt  }
0x84: {  	_ =	shalt  }
0x85: {  	_ =	shalt  }
0x86: {  	_ =	shalt  }
0x87: {  	_ =	shalt  }
.Lfunc_end0:
.L_simem_size_0:
called_computation_lowered:
.L_overlay_start_0:
0x88: {  	s2 =	sld [smem:$0x3FD9]  }
0x89: {  	s3 =	sld [smem:$0x3FFE];
	_ =	sdelay $0x1  }
0x8a: {  	s1 =	srdreg.scid  }
0x8b: {  	s0 =	sand.u32 $0x1, s1  }
0x8c: {  	s18 =	sshll.u32 s0, $0xA;
	s2 =	sadd.s32 s3, s2  }
0x8d: {  	s2 =	sadd.s32 s2, s18  }
0x8e: {  	[smem:$0x3FC7] =	sst s2  }
0x8f: {  	_ = 	snop  }
0x90: {  	s2 =	sld [smem:$0x3FC9]  }
0x91: {  	s19 =	sld [smem:$0x3FD0];
	(tm) =	ssettm $0x1  }
0x92: {  	s4 =	sld [smem:$0x3FFB];
	_ =	sdelay $0x3  }
0x93: {  	_ =	strace s4  }
0x94: {  	s4 =	sld [smem:$0x3FFC];
	_ =	sdelay $0x3  }
0x95: {  	_ =	strace s4  }
0x96: {  	s4 =	sld [smem:$0x3FFD];
	_ =	sdelay $0x3  }
0x97: {  	_ =	strace s4  }
0x98: {  	_ =	strace $0x8FFFFFFF  }
0x99: {  	s20 =	sld [smem:$0x3FDB];
	_ =	sdelay $0x1  }
0x9a: {  	s5 =	simm.s32 $_scs_section_size  }
0x9b: {  	s6 =	simm.s32 $_size__tile_overlayer_lowered;
	s7 =	simm.s32 $_tile_overlayer_lowered  }
0x9c: {  	s23 =	simm.s32 $0x1BFF;
	s22 =	sshll.u32 s7, $0x1;
	s4 =	sadd.s32 s5, s20  }
0x9d: {  	s8 =	simm.s32 $0x0;
	s21 =	sshll.u32 s6, $0x1;
	s6 =	sadd.s32 s22, s4  }
0x9e: {  	[timem:s8], [sflag:s23] =	dma.local [hbm:s6], s21  }
0x9f: {  	_ =	swait.ge [sflag:s23], s21  }
0xa0: {  	s5 =	ssub.s32 $0x0, s21;
	[sflag:s23] =	ssyncset.done $0x0  }
0xa1: {  	[sflag:s23] =	ssyncadd.s32 s5;
	_ =	sdelay $0x1  }
0xa2: {  	s24 =	simm.s32 $0x1B8B  }
0xa3: {  	_ =	swait.ge [sflag:s24], $0x1  }
0xa4: {  	[sflag:s24] =	ssyncset.done $0x0  }
0xa5: {  	s25 =	simm.s32 $0x1B8E;
	[sflag:s24] =	ssyncadd.s32 $0xFFFFFFFF  }
0xa6: {  	s26 =	simm.s32 $execute0_lowered;
	[smem:$0x3FD2] =	sst s25  }
0xa7: {  	s5 =	sshll.u32 s26, $0x1;
	_ =	strace $0x80000046;
	[dreg:$0x1] =	wrdreg $0xFFFFFFFF  }
0xa8: {  	s28 =	simm.s32 $_size_execute0_lowered;
	s4 =	sadd.s32 s4, s5;
	[dreg:$0x0] =	wrdreg $0x0  }
0xa9: {  	s5 =	sshll.u32 s28, $0x1;
	[dreg:$0x2] =	wrdreg s4  }
0xaa: {  	[dreg:$0x3] =	wrdreg s5  }
0xab: {  	[dreg:$0x4] =	wrdreg $0xC0  }
0xac: {  	_ =	task [dreg:s8], $0x5FFFF  }
0xad: {  	[dreg:$0x1] =	wrdreg $0xFFFFFFFF  }
0xae: {  	[dreg:$0x0] =	wrdreg $0x60  }
0xaf: {  	[dreg:$0x2] =	wrdreg s2  }
0xb0: {  	[dreg:$0x3] =	wrdreg s19  }
0xb1: {  	[dreg:$0x4] =	wrdreg $0x9  }
0xb2: {  	_ =	task.clear_ibuf [dreg:s8], $0x5FFFF;
	_ =	strace $0x90000046  }
0xb3: {  	s29 =	simm.s32 $0x9;
	_ =	strace $0x80000048  }
0xb4: {  	_ =	swait.ge [sflag:s29], $0x1  }
0xb5: {  	[sflag:s29] =	ssyncadd.s32 $0xFFFFFFFF  }
0xb6: {  	_ =	strace $0x90000048  }
0xb7: {  	_ =	sfence  }
0xb8: {  	s30 =	sld [smem:$0x0];
	_ =	sdelay $0x2  }
0xb9: {  	s31 =	sshll.u32 s1, $0xD;
	s1 =	sshrl.u32 s1, $0x2  }
0xba: {  	s3 =	sand.u32 $0x4000, s31;
	s1 =	sadd.s32 s1, s30  }
0xbb: {  	s0 =	sor.u32 s3, s0;
	s1 =	sshll.u32 s1, $0x11  }
0xbc: {  	s0 =	sor.u32 s1, s0  }
0xbd: {  	s0 =	sadd.s32 $0x8F2B, s0  }
0xbe: {  	[sflag:s0] =	ssyncadd.remote.s32 $0x1  }
0xbf: {  	_ =	sfence.sel $0xFFFF  }
0xc0: {  	[dreg:$0x0] =	wrdreg $0xFFFFFFFF;
	(pc) =	sbr.abs _section_cstart, $3  }
0xc1: {  	[dreg:$0x1] =	wrdreg $0xFFFFFFFF  }
0xc2: {  	_ =	task.clear_ibuf [dreg:s8], $0x2FFFF;
	_ =	strace $0x9FFFFFFF  }
0xc3: {  	(tm) =	ssettm $0x7FFFFFFF  }
tec
execute0_lowered:
.L_overlay_start_1:
0x0: {  	(tag) =	ssettag $0x1  }
0x1: {  	vm14 =	vcmask $0x300  }
0x2: {  	v0 =	vimm.f32 $-4.616624070e+01;
	vm12 =	vcmask $0x704;
	v2 =	vimm.f32 $-0.0e+00  }
0x3: {  	vm11 =	vcmask $0xB08;
	vm10 =	vcmask $0xF0C;
	vm8 =	vcmask $0x1310;
	s1 =	rddreg [dreg:$0x0]  }
0x4: {  	s0 =	srdreg.scid;
	s24 =	rddreg [dreg:$0x1];
	s3 =	simm.s32 $0x0;
	v3 =	vimm.f32 $-1.846649630e+02;
	v1 =	vsel vm14, $0xC32D4DC2, v0;
	v2 =	vsel vm14, $0xC2224D9E, v2  }
0x5: {  	vm4 =	vcmask $0x1714;
	s7 =	stileid.u32;
	s4 =	simm.s32 $0x1;
	[smem:$0x7FF] =	sst s3;
	v0 =	vsel vm14, $0xBE38AA3B, v0;
	v3 =	vsel vm14, $0xC250782D, v3  }
0x6: {  	s2 =	sand.u32 $0x1, s0;
	s23 =	sshll.u32 s7, $0x1;
	v1 =	vsel vm12, $0xC3224D9E, v1;
	v2 =	vsel vm12, $0xC20D6255, v2;
	_ =	strace $0x80000047  }
0x7: {  	s6 =	sor.u32 s2, s23;
	p1 =	seq.s32 s2, $0x1;
	s5 =	ssub.s32 $0x2, s2;
	v0 =	vsel vm12, $0xBF38AA3B, v0;
	v3 =	vsel vm12, $0xC269B773, v3;
	v1 =	vsel vm11, $0xC317A9CF, v1  }
0x8: {  	vm0 =	vcmask $0x1B18;
	v2 =	vsel vm11, $0xC1F3D0C2, v2;
	p0 =	seq.s32 s6, $0x0;
	s8 =	sshrl.u32 s5, $0x1;
	v0 =	vsel vm11, $0xBFCFBF82, v0;
	s11 =	sshll.u32 s6, $0xC  }
0x9: {  	s6 =	sshll.u32 s6, $0x7;
	v3 =	vsel vm11, $0xC2823407, v3;
	v1 =	vsel vm10, $0xC30D6255, v1;
	v2 =	vsel vm10, $0xC1CFBF82, v2;
	p0 =	por !p0, !p1;
	s25 =	ssub.s32 s5, s8  }
0xa: {  	vm1 =	vcmask $0x1F1C;
	v0 =	vsel vm10, $0xC038AA3B, v0;
	s12 =	sor.u32 s6, s11;
	v3 =	vsel vm10, $0xC29044FE, v3;
	s6 =	sand.u32 $0x380, s6;
	p0 =	por !p0, !p0  }
0xb: {  	vm2 =	vcmask $0x2320;
	v1 =	vsel vm8, $0xC3037731, v1;
	v2 =	vsel vm8, $0xC1AE90EC, v2;
	s28 =	sand.u32 $0x18380, s12;
	s6 =	sor.u32 s11, s6;
	s23 =	smax.u32 s25, $0x1  }
0xc: {  	v0 =	vsel vm8, $0xC09044FE, v0;
	v3 =	vsel vm8, $0xC29F0EA0, v3;
	v1 =	vsel vm4, $0xC2F3D0C2, v1;
	s4 =	simm.s32 @!p0 $0x0;
	s29 =	sshrl.u32 s28, $0x3;
	s6 =	sshrl.u32 s6, $0x3  }
0xd: {  	vm3 =	vcmask $0x2724;
	v2 =	vsel vm4, $0xC19044FE, v2;
	v0 =	vsel vm4, $0xC0CFBF82, v0;
	[dreg:$0x13] =	wrdreg s23;
	s7 =	ssub.s32 s7, s4;
	s4 =	sshll.u32 s2, $0x14  }
0xe: {  	vm5 =	vcmask $0x2B28;
	v3 =	vsel vm4, $0xC2AE90EC, v3;
	s18 =	sor.u32 $0xE00, s6;
	s19 =	sor.u32 $0xE80, s6;
	s9 =	sshll.u32 s7, $0xC  }
0xf: {  	v1 =	vsel vm0, $0xC2E16BCD, v1;
	v2 =	vsel vm0, $0xC169B773, v2;
	s20 =	sor.u32 $0xF00, s6;
	s7 =	sshll.u32 s7, $0x7;
	s26 =	sand.u32 $0xFFFF8000, s9  }
0x10: {  	v0 =	vsel vm0, $0xC10D6255, v0;
	v3 =	vsel vm0, $0xC2BECBE2, v3;
	s6 =	sor.u32 $0xF80, s6;
	s7 =	sand.u32 $0x380, s7;
	s9 =	sadd.s32 s4, s26  }
0x11: {  	v1 =	vsel vm1, $0xC2CFBF82, v1;
	v2 =	vsel vm1, $0xC138AA3B, v2;
	v0 =	vsel vm1, $0xC138AA3B, v0;
	s21 =	sadd.s32 s24, s20;
	s0 =	sadd.s32 s24, s6;
	s9 =	sor.u32 s7, s9  }
0x12: {  	vm6 =	vcmask $0x2F2C;
	v3 =	vsel vm1, $0xC2CFBF82, v3;
	v1 =	vsel vm2, $0xC2BECBE2, v1;
	[dreg:$0x10] =	wrdreg s21;
	s10 =	sshrl.u32 s9, $0x3;
	s9 =	sadd.s32 $0x10000, s9  }
0x13: {  	v2 =	vsel vm2, $0xC10D6255, v2;
	v0 =	vsel vm2, $0xC169B773, v0;
	v3 =	vsel vm2, $0xC2E16BCD, v3;
	[dreg:$0x11] =	wrdreg s0;
	s10 =	sadd.s32 s1, s10;
	s9 =	sshrl.u32 s9, $0x3  }
0x14: {  	v1 =	vsel vm3, $0xC2AE90EC, v1;
	v2 =	vsel vm3, $0xC0CFBF82, v2;
	v0 =	vsel vm3, $0xC19044FE, v0;
	[dreg:$0x3] =	wrdreg s10;
	s9 =	sadd.s32 s1, s9;
	s10 =	sadd.s32 s24, s29  }
0x15: {  	s8 =	sor.u32 s7, s26;
	v3 =	vsel vm3, $0xC2F3D0C2, v3;
	v1 =	vsel vm5, $0xC29F0EA0, v1;
	v2 =	vsel vm5, $0xC09044FE, v2;
	[dreg:$0x4] =	wrdreg s9;
	s7 =	sadd.s32 $0x80, s10  }
0x16: {  	v0 =	vsel vm5, $0xC1AE90EC, v0;
	v3 =	vsel vm5, $0xC3037731, v3;
	v1 =	vsel vm6, $0xC29044FE, v1;
	s30 =	sadd.s32 $0x100, s10;
	[dreg:$0x5] =	wrdreg s7  }
0x17: {  	vm7 =	vcmask $0x3330;
	v2 =	vsel vm6, $0xC038AA3B, v2;
	v0 =	vsel vm6, $0xC1CFBF82, v0;
	s31 =	sadd.s32 $0x180, s10;
	[dreg:$0x6] =	wrdreg s30  }
0x18: {  	v3 =	vsel vm6, $0xC30D6255, v3;
	v1 =	vsel vm7, $0xC2823407, v1;
	s12 =	sadd.s32 $0x200, s10;
	[dreg:$0x7] =	wrdreg s31  }
0x19: {  	vm9 =	vcmask $0x3734;
	v2 =	vsel vm7, $0xBFCFBF82, v2;
	v0 =	vsel vm7, $0xC1F3D0C2, v0;
	s13 =	sadd.s32 $0x280, s10;
	[dreg:$0x8] =	wrdreg s12  }
0x1a: {  	vm13 =	vcmask $0x3B38;
	v1 =	vsel vm9, $0xC269B773, v1;
	v2 =	vsel vm9, $0xBF38AA3B, v2;
	s14 =	sadd.s32 $0x300, s10;
	[dreg:$0x9] =	wrdreg s13  }
0x1b: {  	v0 =	vsel vm9, $0xC20D6255, v0;
	v1 =	vsel vm13, $0xC250782D, v1;
	s15 =	sadd.s32 $0x380, s10;
	[dreg:$0xa] =	wrdreg s14  }
0x1c: {  	v2 =	vsel vm13, $0xBE38AA3B, v2;
	s16 =	sadd.s32 $0x400, s10;
	[dreg:$0xb] =	wrdreg s15;
	(erf) = vpow2.f32 v1;
	v1 =	vsel vm7, $0xC317A9CF, v3  }
0x1d: {  	s17 =	sadd.s32 $0x480, s10;
	v0 =	vsel vm13, $0xC2224D9E, v0;
	[dreg:$0xc] =	wrdreg s16;
	(erf) = vpow2.f32 v2;
	v1 =	vsel vm9, $0xC3224D9E, v1  }
0x1e: {  	s5 =	simm.s32 $0x1;
	s22 =	sadd.s32 $0x500, s10;
	[dreg:$0xd] =	wrdreg s17;
	(erf) = vpow2.f32 v0;
	v0 =	vsel vm13, $0xC32D4DC2, v1  }
0x1f: {  	s21 =	simm.s32 $0x4000;
	s25 =	sadd.s32 $0x600, s10;
	[dreg:$0x12] =	wrdreg s22;
	(erf) = vpow2.f32 v0  }
0x20: {  	s9 =	sadd.s32 $0x10000, s8;
	s26 =	sadd.s32 $0x680, s10;
	[dreg:$0x15] =	wrdreg s25  }
0x21: {  	s28 =	sadd.s32 $0x700, s10;
	s29 =	sadd.s32 $0x780, s10;
	[dreg:$0x16] =	wrdreg s26  }
0x22: {  	v5 =	vlaneseq.u32;
	s6 =	sadd.s32 $0x900, s10;
	s11 =	sadd.s32 $0xA00, s10;
	[dreg:$0x17] =	wrdreg s28  }
0x23: {  	v4 =	vimm.f32 $0.0e+00;
	v6 =	vor.u32 $0x10, v5;
	s7 =	sadd.s32 s24, s18;
	[dreg:$0x18] =	wrdreg s29;
	s30 =	sadd.s32 $0x800, s10  }
0x24: {  	v7 =	vor.u32 $0x20, v5;
	v8 =	vor.u32 $0x30, v5;
	v9 =	vor.u32 $0x40, v5;
	s31 =	sadd.s32 $0x880, s10;
	s12 =	sadd.s32 $0xA80, s10;
	s13 =	sadd.s32 $0xB00, s10  }
.Ltmp0:
0x25: {  	v10 =	vor.u32 $0x50, v5;
	v11 =	vor.u32 $0x60, v5;
	v12 =	vor.u32 $0x70, v5;
	s14 =	sadd.s32 $0xB80, s10;
	[dreg:$0xe] =	wrdreg s7;
	v0 =	vpop (erf);
	(pc) =	sbr.rel .LBB2_1-.Ltmp0, $4  }
0x26: {  	v13 =	vor.u32 $0x80, v5;
	v14 =	vor.u32 $0x90, v5;
	v15 =	vor.u32 $0xA0, v5;
	s15 =	sadd.s32 $0xC00, s10;
	s16 =	sadd.s32 $0xC80, s10;
	[dreg:$0x19] =	wrdreg s30;
	v1 =	vpop (erf)  }
0x27: {  	v16 =	vor.u32 $0xB0, v5;
	v17 =	vor.u32 $0xC0, v5;
	v18 =	vor.u32 $0xD0, v5;
	s17 =	sadd.s32 $0xD00, s10;
	s7 =	sadd.s32 s24, s19;
	[dreg:$0x1a] =	wrdreg s31;
	v2 =	vpop (erf)  }
0x28: {  	v19 =	vor.u32 $0xE0, v5;
	s18 =	sadd.s32 $0xD80, s10;
	s24 =	sadd.s32 $0x580, s10;
	[dreg:$0xf] =	wrdreg s7;
	v0 =	vmul.f32 $1.994711460e-01, v0;
	v1 =	vmul.f32 $1.994711460e-01, v1;
	v3 =	vpop (erf)  }
0x29: {  	v20 =	vor.u32 $0xF0, v5;
	s22 =	simm.s32 $0x0;
	[dreg:$0x14] =	wrdreg s24;
	s7 =	sadd.s32 $0x980, s10;
	v2 =	vmul.f32 $1.994711460e-01, v2;
	v3 =	vmul.f32 $1.994711460e-01, v3  }
.LBB2_29:
0x2a: {  	s0 =	simm.s32 $0x4080  }
0x2b: {  	[hbm4b:s10+s3] =	stream.linear.scatter [tilespmem:s0], [sflag:$0x1], $0x80, $0x38;
	[tilespmem:$0x7200] =	vst v63  }
0x2c: {  	s31 =	rddreg [dreg:$0x5];
	s2 =	simm.s32 $0x4100  }
0x2d: {  	[hbm4b:s31+s3] =	stream.linear.scatter [tilespmem:s2], [sflag:$0x1], $0x80, $0x38;
	[tilespmem:$0x7200] =	vst v63  }
0x2e: {  	s19 =	rddreg [dreg:$0x6];
	s20 =	simm.s32 $0x4180  }
0x2f: {  	[hbm4b:s19+s3] =	stream.linear.scatter [tilespmem:s20], [sflag:$0x1], $0x80, $0x38;
	[tilespmem:$0x7200] =	vst v63  }
0x30: {  	s23 =	rddreg [dreg:$0x7];
	s24 =	simm.s32 $0x4200  }
0x31: {  	[hbm4b:s23+s3] =	stream.linear.scatter [tilespmem:s24], [sflag:$0x1], $0x80, $0x38;
	[tilespmem:$0x7200] =	vst v63  }
0x32: {  	s25 =	rddreg [dreg:$0x8];
	s26 =	simm.s32 $0x4280  }
0x33: {  	[hbm4b:s25+s3] =	stream.linear.scatter [tilespmem:s26], [sflag:$0x1], $0x80, $0x38;
	[tilespmem:$0x7200] =	vst v63  }
0x34: {  	s28 =	rddreg [dreg:$0x9];
	s29 =	simm.s32 $0x4300  }
0x35: {  	[hbm4b:s28+s3] =	stream.linear.scatter [tilespmem:s29], [sflag:$0x1], $0x80, $0x38;
	[tilespmem:$0x7200] =	vst v63  }
0x36: {  	s30 =	rddreg [dreg:$0xa];
	s31 =	simm.s32 $0x4380  }
0x37: {  	[hbm4b:s30+s3] =	stream.linear.scatter [tilespmem:s31], [sflag:$0x1], $0x80, $0x38;
	[tilespmem:$0x7200] =	vst v63  }
0x38: {  	s19 =	rddreg [dreg:$0xb];
	s20 =	simm.s32 $0x4400  }
0x39: {  	[hbm4b:s19+s3] =	stream.linear.scatter [tilespmem:s20], [sflag:$0x1], $0x80, $0x38;
	[tilespmem:$0x7200] =	vst v63  }
0x3a: {  	s23 =	rddreg [dreg:$0xc];
	s24 =	simm.s32 $0x4480  }
0x3b: {  	[hbm4b:s23+s3] =	stream.linear.scatter [tilespmem:s24], [sflag:$0x1], $0x80, $0x38;
	[tilespmem:$0x7200] =	vst v63  }
0x3c: {  	s25 =	rddreg [dreg:$0xd];
	s26 =	simm.s32 $0x4500  }
0x3d: {  	[hbm4b:s25+s3] =	stream.linear.scatter [tilespmem:s26], [sflag:$0x1], $0x80, $0x38;
	[tilespmem:$0x7200] =	vst v63  }
0x3e: {  	s28 =	rddreg [dreg:$0x12];
	s29 =	simm.s32 $0x4580  }
0x3f: {  	[hbm4b:s28+s3] =	stream.linear.scatter [tilespmem:s29], [sflag:$0x1], $0x80, $0x38;
	[tilespmem:$0x7200] =	vst v63  }
0x40: {  	s30 =	rddreg [dreg:$0x14];
	s31 =	simm.s32 $0x4600  }
0x41: {  	[hbm4b:s30+s3] =	stream.linear.scatter [tilespmem:s31], [sflag:$0x1], $0x80, $0x38;
	[tilespmem:$0x7200] =	vst v63  }
0x42: {  	s19 =	rddreg [dreg:$0x15];
	s20 =	simm.s32 $0x4680  }
0x43: {  	[hbm4b:s19+s3] =	stream.linear.scatter [tilespmem:s20], [sflag:$0x1], $0x80, $0x38;
	[tilespmem:$0x7200] =	vst v63  }
0x44: {  	s23 =	rddreg [dreg:$0x16];
	s24 =	simm.s32 $0x4700  }
0x45: {  	[hbm4b:s23+s3] =	stream.linear.scatter [tilespmem:s24], [sflag:$0x1], $0x80, $0x38;
	[tilespmem:$0x7200] =	vst v63  }
0x46: {  	s25 =	rddreg [dreg:$0x17];
	s26 =	simm.s32 $0x4780  }
0x47: {  	[hbm4b:s25+s3] =	stream.linear.scatter [tilespmem:s26], [sflag:$0x1], $0x80, $0x38;
	[tilespmem:$0x7200] =	vst v63  }
0x48: {  	s28 =	rddreg [dreg:$0x18];
	s29 =	simm.s32 $0x4800  }
0x49: {  	[hbm4b:s28+s3] =	stream.linear.scatter [tilespmem:s29], [sflag:$0x1], $0x80, $0x38;
	[tilespmem:$0x7200] =	vst v63  }
0x4a: {  	s30 =	rddreg [dreg:$0x19];
	s31 =	simm.s32 $0x4880  }
0x4b: {  	[hbm4b:s30+s3] =	stream.linear.scatter [tilespmem:s31], [sflag:$0x1], $0x80, $0x38;
	[tilespmem:$0x7200] =	vst v63  }
0x4c: {  	s19 =	rddreg [dreg:$0x1a];
	s20 =	simm.s32 $0x4900  }
0x4d: {  	[hbm4b:s19+s3] =	stream.linear.scatter [tilespmem:s20], [sflag:$0x1], $0x80, $0x38;
	[tilespmem:$0x7200] =	vst v63  }
0x4e: {  	s23 =	simm.s32 $0x4980  }
0x4f: {  	[hbm4b:s6+s3] =	stream.linear.scatter [tilespmem:s23], [sflag:$0x1], $0x80, $0x38;
	[tilespmem:$0x7200] =	vst v63  }
0x50: {  	s24 =	simm.s32 $0x4A00  }
0x51: {  	[hbm4b:s7+s3] =	stream.linear.scatter [tilespmem:s24], [sflag:$0x1], $0x80, $0x38;
	[tilespmem:$0x7200] =	vst v63  }
0x52: {  	s25 =	simm.s32 $0x4A80  }
0x53: {  	[hbm4b:s11+s3] =	stream.linear.scatter [tilespmem:s25], [sflag:$0x1], $0x80, $0x38;
	[tilespmem:$0x7200] =	vst v63  }
0x54: {  	s26 =	simm.s32 $0x4B00  }
0x55: {  	[hbm4b:s12+s3] =	stream.linear.scatter [tilespmem:s26], [sflag:$0x1], $0x80, $0x38;
	[tilespmem:$0x7200] =	vst v63  }
0x56: {  	s28 =	simm.s32 $0x4B80  }
0x57: {  	[hbm4b:s13+s3] =	stream.linear.scatter [tilespmem:s28], [sflag:$0x1], $0x80, $0x38;
	[tilespmem:$0x7200] =	vst v63  }
0x58: {  	s29 =	simm.s32 $0x4C00  }
0x59: {  	[hbm4b:s14+s3] =	stream.linear.scatter [tilespmem:s29], [sflag:$0x1], $0x80, $0x38;
	[tilespmem:$0x7200] =	vst v63  }
0x5a: {  	s30 =	simm.s32 $0x4C80  }
0x5b: {  	[hbm4b:s15+s3] =	stream.linear.scatter [tilespmem:s30], [sflag:$0x1], $0x80, $0x38;
	[tilespmem:$0x7200] =	vst v63  }
0x5c: {  	s31 =	simm.s32 $0x4D00  }
0x5d: {  	[hbm4b:s16+s3] =	stream.linear.scatter [tilespmem:s31], [sflag:$0x1], $0x80, $0x38;
	[tilespmem:$0x7200] =	vst v63  }
0x5e: {  	s2 =	simm.s32 $0x4D80  }
0x5f: {  	[hbm4b:s17+s3] =	stream.linear.scatter [tilespmem:s2], [sflag:$0x1], $0x80, $0x38;
	[tilespmem:$0x7200] =	vst v63  }
0x60: {  	s19 =	simm.s32 $0x4E00  }
0x61: {  	[hbm4b:s18+s3] =	stream.linear.scatter [tilespmem:s19], [sflag:$0x1], $0x80, $0x38;
	[tilespmem:$0x7200] =	vst v63  }
0x62: {  	s20 =	rddreg [dreg:$0xe];
	s23 =	simm.s32 $0x4E80  }
0x63: {  	[hbm4b:s20+s3] =	stream.linear.scatter [tilespmem:s23], [sflag:$0x1], $0x80, $0x38;
	[tilespmem:$0x7200] =	vst v63  }
0x64: {  	s24 =	rddreg [dreg:$0xf];
	s25 =	simm.s32 $0x4F00  }
0x65: {  	[hbm4b:s24+s3] =	stream.linear.scatter [tilespmem:s25], [sflag:$0x1], $0x80, $0x38;
	[tilespmem:$0x7200] =	vst v63  }
0x66: {  	s26 =	rddreg [dreg:$0x10];
	s28 =	simm.s32 $0x4F80  }
0x67: {  	[hbm4b:s26+s3] =	stream.linear.scatter [tilespmem:s28], [sflag:$0x1], $0x80, $0x38;
	[tilespmem:$0x7200] =	vst v63  }
0x68: {  	s29 =	rddreg [dreg:$0x11];
	s30 =	simm.s32 $0x5000  }
0x69: {  	[hbm4b:s29+s3] =	stream.linear.scatter [tilespmem:s30], [sflag:$0x1], $0x80, $0x38;
	[tilespmem:$0x7200] =	vst v63  }
0x6a: {  	_ =	swait.ge [sflag:s5], $0x80  }
0x6b: {  	[sflag:s5] =	ssyncset.done $0x0  }
0x6c: {  	[sflag:s5] =	ssyncadd.s32 $0xFFFFFF80  }
0x6d: {  	_ =	swait.ge [sflag:s5], $0x80  }
0x6e: {  	[sflag:s5] =	ssyncset.done $0x0  }
0x6f: {  	[sflag:s5] =	ssyncadd.s32 $0xFFFFFF80  }
0x70: {  	_ =	swait.ge [sflag:s5], $0x80  }
0x71: {  	[sflag:s5] =	ssyncset.done $0x0  }
0x72: {  	[sflag:s5] =	ssyncadd.s32 $0xFFFFFF80  }
0x73: {  	_ =	swait.ge [sflag:s5], $0x80  }
0x74: {  	[sflag:s5] =	ssyncset.done $0x0  }
0x75: {  	[sflag:s5] =	ssyncadd.s32 $0xFFFFFF80  }
0x76: {  	_ =	swait.ge [sflag:s5], $0x80  }
0x77: {  	[sflag:s5] =	ssyncset.done $0x0  }
0x78: {  	[sflag:s5] =	ssyncadd.s32 $0xFFFFFF80  }
0x79: {  	_ =	swait.ge [sflag:s5], $0x80  }
0x7a: {  	[sflag:s5] =	ssyncset.done $0x0  }
0x7b: {  	[sflag:s5] =	ssyncadd.s32 $0xFFFFFF80  }
0x7c: {  	_ =	swait.ge [sflag:s5], $0x80  }
0x7d: {  	[sflag:s5] =	ssyncset.done $0x0  }
0x7e: {  	[sflag:s5] =	ssyncadd.s32 $0xFFFFFF80  }
0x7f: {  	_ =	swait.ge [sflag:s5], $0x80  }
0x80: {  	[sflag:s5] =	ssyncset.done $0x0  }
0x81: {  	[sflag:s5] =	ssyncadd.s32 $0xFFFFFF80  }
0x82: {  	_ =	swait.ge [sflag:s5], $0x80  }
0x83: {  	[sflag:s5] =	ssyncset.done $0x0  }
0x84: {  	[sflag:s5] =	ssyncadd.s32 $0xFFFFFF80  }
0x85: {  	_ =	swait.ge [sflag:s5], $0x80  }
0x86: {  	[sflag:s5] =	ssyncset.done $0x0  }
0x87: {  	[sflag:s5] =	ssyncadd.s32 $0xFFFFFF80  }
0x88: {  	_ =	swait.ge [sflag:s5], $0x80  }
0x89: {  	[sflag:s5] =	ssyncset.done $0x0  }
0x8a: {  	[sflag:s5] =	ssyncadd.s32 $0xFFFFFF80  }
0x8b: {  	_ =	swait.ge [sflag:s5], $0x80  }
0x8c: {  	[sflag:s5] =	ssyncset.done $0x0  }
0x8d: {  	[sflag:s5] =	ssyncadd.s32 $0xFFFFFF80  }
0x8e: {  	_ =	swait.ge [sflag:s5], $0x80  }
0x8f: {  	[sflag:s5] =	ssyncset.done $0x0  }
0x90: {  	[sflag:s5] =	ssyncadd.s32 $0xFFFFFF80  }
0x91: {  	_ =	swait.ge [sflag:s5], $0x80  }
0x92: {  	[sflag:s5] =	ssyncset.done $0x0  }
0x93: {  	[sflag:s5] =	ssyncadd.s32 $0xFFFFFF80  }
0x94: {  	_ =	swait.ge [sflag:s5], $0x80  }
0x95: {  	[sflag:s5] =	ssyncset.done $0x0  }
0x96: {  	[sflag:s5] =	ssyncadd.s32 $0xFFFFFF80  }
0x97: {  	_ =	swait.ge [sflag:s5], $0x80  }
0x98: {  	[sflag:s5] =	ssyncset.done $0x0  }
0x99: {  	[sflag:s5] =	ssyncadd.s32 $0xFFFFFF80  }
0x9a: {  	_ =	swait.ge [sflag:s5], $0x80  }
0x9b: {  	[sflag:s5] =	ssyncset.done $0x0  }
0x9c: {  	[sflag:s5] =	ssyncadd.s32 $0xFFFFFF80  }
0x9d: {  	_ =	swait.ge [sflag:s5], $0x80  }
0x9e: {  	[sflag:s5] =	ssyncset.done $0x0  }
0x9f: {  	[sflag:s5] =	ssyncadd.s32 $0xFFFFFF80  }
0xa0: {  	_ =	swait.ge [sflag:s5], $0x80  }
0xa1: {  	[sflag:s5] =	ssyncset.done $0x0  }
0xa2: {  	[sflag:s5] =	ssyncadd.s32 $0xFFFFFF80  }
0xa3: {  	_ =	swait.ge [sflag:s5], $0x80  }
0xa4: {  	[sflag:s5] =	ssyncset.done $0x0  }
0xa5: {  	[sflag:s5] =	ssyncadd.s32 $0xFFFFFF80  }
0xa6: {  	_ =	swait.ge [sflag:s5], $0x80  }
0xa7: {  	[sflag:s5] =	ssyncset.done $0x0  }
0xa8: {  	[sflag:s5] =	ssyncadd.s32 $0xFFFFFF80  }
0xa9: {  	_ =	swait.ge [sflag:s5], $0x80  }
0xaa: {  	[sflag:s5] =	ssyncset.done $0x0  }
0xab: {  	[sflag:s5] =	ssyncadd.s32 $0xFFFFFF80  }
0xac: {  	_ =	swait.ge [sflag:s5], $0x80  }
0xad: {  	[sflag:s5] =	ssyncset.done $0x0  }
0xae: {  	[sflag:s5] =	ssyncadd.s32 $0xFFFFFF80  }
0xaf: {  	_ =	swait.ge [sflag:s5], $0x80  }
0xb0: {  	[sflag:s5] =	ssyncset.done $0x0  }
0xb1: {  	[sflag:s5] =	ssyncadd.s32 $0xFFFFFF80  }
0xb2: {  	_ =	swait.ge [sflag:s5], $0x80  }
0xb3: {  	[sflag:s5] =	ssyncset.done $0x0  }
0xb4: {  	[sflag:s5] =	ssyncadd.s32 $0xFFFFFF80  }
0xb5: {  	_ =	swait.ge [sflag:s5], $0x80  }
0xb6: {  	[sflag:s5] =	ssyncset.done $0x0  }
0xb7: {  	[sflag:s5] =	ssyncadd.s32 $0xFFFFFF80  }
0xb8: {  	_ =	swait.ge [sflag:s5], $0x80  }
0xb9: {  	[sflag:s5] =	ssyncset.done $0x0  }
0xba: {  	[sflag:s5] =	ssyncadd.s32 $0xFFFFFF80  }
0xbb: {  	_ =	swait.ge [sflag:s5], $0x80  }
0xbc: {  	[sflag:s5] =	ssyncset.done $0x0  }
0xbd: {  	[sflag:s5] =	ssyncadd.s32 $0xFFFFFF80  }
0xbe: {  	_ =	swait.ge [sflag:s5], $0x80  }
0xbf: {  	[sflag:s5] =	ssyncset.done $0x0  }
0xc0: {  	[sflag:s5] =	ssyncadd.s32 $0xFFFFFF80  }
0xc1: {  	_ =	swait.ge [sflag:s5], $0x80  }
0xc2: {  	[sflag:s5] =	ssyncset.done $0x0  }
0xc3: {  	[sflag:s5] =	ssyncadd.s32 $0xFFFFFF80  }
0xc4: {  	_ =	swait.ge [sflag:s5], $0x80  }
0xc5: {  	[sflag:s5] =	ssyncset.done $0x0  }
0xc6: {  	[sflag:s5] =	ssyncadd.s32 $0xFFFFFF80  }
0xc7: {  	_ =	swait.ge [sflag:s5], $0x80  }
0xc8: {  	s22 =	sadd.s32 $0x1, s22;
	s31 =	rddreg [dreg:$0x13]  }
0xc9: {  	p0 =	sne.s32 s22, s31  }
.Ltmp1:
0xca: {  	_ = 	snop;
	(pc) =	sbr.rel @!p0 .LBB2_30-.Ltmp1, $3  }
0xcb: {  	_ =	sdelay $0x1  }
0xcc: {  	[sflag:s5] =	ssyncset.done $0x0  }
0xcd: {  	[sflag:s5] =	ssyncadd.s32 $0xFFFFFF80  }
.LBB2_1:
0xce: {  	s0 =	rddreg [dreg:$0x3];
	s2 =	simm.s32 $0x80;
	s19 =	simm.s32 $0x400  }
0xcf: {  	[tilespmem:s3], [sflag:$0x1] =	stream.strided.gather [hbm4b:s0+s2], $0x1000, s19, s2, $0x38;
	[tilespmem:$0x7200] =	vst v63  }
0xd0: {  	s31 =	rddreg [dreg:$0x4];
	s20 =	simm.s32 $0x1000  }
0xd1: {  	[tilespmem:s20], [sflag:$0x1] =	stream.strided.gather [hbm4b:s31+s2], $0x1000, s19, s2, $0x38;
	[tilespmem:$0x7200] =	vst v63  }
0xd2: {  	s2 =	simm.s32 $0x0  }
.LBB2_2:
0xd3: {  	p0 =	sne.s32 s2, $0x43C0  }
.Ltmp2:
0xd4: {  	_ = 	snop;
	(pc) =	sbr.rel @p0 .LBB2_2-.Ltmp2, $3  }
0xd5: {  	_ =	sdelay $0x1  }
0xd6: {  	s19 =	sshra.s32 s2, $0x2  }
0xd7: {  	s2 =	sadd.s32 $0x40, s2;
	[tilespmem:s19+$0x4000] =	vst v4  }
.Ltmp3:
0xd8: {  	(pc) =	sbr.rel .LBB2_4-.Ltmp3, $2  }
0xd9: {  	_ =	sdelay $0x2  }
0xda: {  	s19 =	simm.s32 $0x0;
	p0 =	por $0x0, $0x0  }
.LBB2_20:
0xdb: {  	v41 =	vimm.s32 $0x7FFFFFFF  }
0xdc: {  	v45 =	vimm.f32 $-Inf;
	v22 =	vimm.f32 $-Inf;
	v46 =	vimm.s32 $0x7FFFFFFF  }
0xdd: {  	v49 =	vimm.s32 $0x7FFFFFFF;
	v35 =	vimm.s32 $0x7FFFFFFF;
	v36 =	vimm.f32 $-Inf  }
0xde: {  	v42 =	vimm.f32 $-Inf;
	v43 =	vimm.s32 $0x7FFFFFFF;
	v44 =	vimm.f32 $-Inf  }
.LBB2_27:
0xdf: {  	v37 =	vsel @p2 vm3, v52, v41;
	v38 =	vsel @p2 vm3, v41, v52;
	v41 =	vsel @p2 vm4, v54, v45  }
0xe0: {  	v22 =	vsel @p1 vm1, v48, v22;
	v45 =	vsel @p2 vm2, v47, v46;
	v52 =	vnsel vm0, $0x7FFFFFFF, v23  }
0xe1: {  	v23 =	vsel @p1 vm1, v53, v35;
	vm2 =	vgt.f32 @p1 v40, v36;
	vm10 =	vmmov vm0  }
0xe2: {  	v35 =	vsel @p1 vm1, v51, v53;
	v38 =	vsel @p2 vm4, v38, v49;
	v47 =	vsel @p1 vm2, v36, v40  }
0xe3: {  	v53 =	vpsel p1, v23, v33;
	v45 =	vpsel p2, v45, v33;
	v23 =	vsel @p1 vm2, v40, v36  }
0xe4: {  	v22 =	vpsel p1, v22, v34;
	v41 =	vpsel p2, v41, v34;
	v37 =	vpsel p2, v37, v33  }
0xe5: {  	v39 =	vld.idx.msk [tilespmem:v39+s3+$0x0], $0xffff;
	vm1 =	vgt.f32 @p1 v47, v42;
	v36 =	vsel @p1 vm2, v45, v35;
	vm2 =	vmmov @p1 vm2  }
0xe6: {  	v35 =	vpsel p1, v35, v0;
	v38 =	vpsel p2, v38, v33;
	v55 =	vpsel p1, v23, v34  }
0xe7: {  	v40 =	vsel @p1 vm1, v47, v42;
	v42 =	vsel @p1 vm1, v42, v47;
	v47 =	vsel @p1 vm1, v43, v36  }
0xe8: {  	v36 =	vsel @p1 vm1, v36, v43;
	v35 =	vsel @p1 vm2, v35, v45;
	vm0 =	vgt.f32 @p1 v42, v44  }
0xe9: {  	v40 =	vpsel p1, v40, v34;
	v36 =	vpsel p1, v36, v33;
	v45 =	vpsel p1, v35, v33  }
0xea: {  	v39 =	vnsel vm10, $0xFF800000, v39;
	v43 =	vsel @p1 vm0, v44, v42;
	v42 =	vsel @p1 vm0, v42, v44  }
0xeb: {  	vm0 =	vmmov @p1 vm0;
	v44 =	vpsel p1, v47, v0;
	vm11 =	vgt.f32 v39, v22  }
0xec: {  	vm1 =	vgt.f32 @p1 v43, v41;
	v43 =	vpsel p1, v43, v0;
	v42 =	vpsel p1, v42, v34  }
0xed: {  	v50 =	vsel @p1 vm0, v44, v37;
	v37 =	vsel @p1 vm0, v37, v44;
	v54 =	vsel vm11, v22, v39  }
0xee: {  	vm1 =	vmmov @p1 vm1;
	v23 =	vsel vm11, v39, v22;
	v22 =	vsel vm11, v52, v53  }
0xef: {  	v57 =	vsel vm11, v53, v52;
	v62 =	vpsel p1, v50, v33;
	vm12 =	vgt.f32 v54, v55  }
0xf0: {  	v41 =	vsel @p1 vm1, v43, v41;
	v43 =	vsel @p1 vm1, v37, v38;
	v56 =	vsel vm12, v55, v54  }
0xf1: {  	v39 =	vsel vm12, v54, v55;
	v35 =	vsel vm12, v45, v57;
	vm13 =	vgt.f32 v56, v40  }
0xf2: {  	v61 =	vpsel p1, v41, v34;
	v63 =	vpsel p1, v43, v33;
	v58 =	vsel vm13, v40, v56  }
0xf3: {  	v37 =	vsel vm13, v56, v40;
	v59 =	vsel vm13, v36, v35;
	vm14 =	vgt.f32 v58, v42  }
0xf4: {  	v38 =	vsel vm13, v35, v36;
	v40 =	vsel vm12, v57, v45;
	v60 =	vsel vm14, v42, v58  }
0xf5: {  	v35 =	vsel vm14, v58, v42;
	v41 =	vsel vm14, v62, v59;
	vm15 =	vgt.f32 v60, v61  }
0xf6: {  	v33 =	vsel vm14, v59, v62;
	v36 =	vsel vm15, v60, v61;
	v34 =	vsel vm15, v41, v63  }
.LBB2_28:
0xf7: {  	(xrf0) =	vmax.scan.msk.f32 $0xffff, v29;
	_ =	sdelay $0x5  }
0xf8: {  	v41, _, _ =	vpop (xrf0)  }
0xf9: {  	v41 =	vbroadcast v41, $0xF;
	_ =	sdelay $0x1  }
0xfa: {  	v63 =	vxor.u32 $0x80000000, v31;
	vm0 =	veq.f32 v29, v41  }
0xfb: {  	v41 =	vnsel vm0, $0xFFFFFFFF, v63  }
0xfc: {  	(xrf0) =	vmin.scan.msk.u32 $0xffff, v41;
	_ =	sdelay $0x5  }
0xfd: {  	v41, _, _ =	vpop (xrf0)  }
0xfe: {  	(v2sf) =	vpush v41, $0xF;
	_ =	sdelay $0xe  }
0xff: {  	s20 =	spop (v2sf)  }
0x100: {  	s0 =	sxor.u32 $0x80000000, s20  }
0x101: {  	vm12 =	veq.s32 v31, s0  }
0x102: {  	v44 =	vsel vm12, v30, v29  }
0x103: {  	(xrf0) =	vmax.scan.msk.f32 $0xffff, v44;
	_ =	sdelay $0x5  }
0x104: {  	v45, _, _ =	vpop (xrf0)  }
0x105: {  	v41 =	vbroadcast v45, $0xF  }
0x106: {  	v31 =	vsel vm12, v32, v31  }
0x107: {  	v46 =	vxor.u32 $0x80000000, v31;
	vm1 =	veq.f32 v44, v41  }
0x108: {  	v41 =	vnsel vm1, $0xFFFFFFFF, v46  }
0x109: {  	(xrf0) =	vmin.scan.msk.u32 $0xffff, v41;
	_ =	sdelay $0x5  }
0x10a: {  	v41, _, _ =	vpop (xrf0)  }
0x10b: {  	(v2sf) =	vpush v41, $0xF;
	_ =	sdelay $0xe  }
0x10c: {  	s24 =	spop (v2sf)  }
0x10d: {  	s23 =	sxor.u32 $0x80000000, s24  }
0x10e: {  	v47 =	vsel vm12, v25, v30;
	vm13 =	veq.s32 v31, s23  }
0x10f: {  	v29 =	vsel vm13, v47, v44  }
0x110: {  	(xrf0) =	vmax.scan.msk.f32 $0xffff, v29;
	_ =	sdelay $0x5  }
0x111: {  	v48, _, _ =	vpop (xrf0)  }
0x112: {  	v49 =	vsel vm12, v28, v32;
	v41 =	vbroadcast v48, $0xF  }
0x113: {  	v31 =	vsel vm13, v49, v31  }
0x114: {  	v50 =	vxor.u32 $0x80000000, v31;
	vm2 =	veq.f32 v29, v41  }
0x115: {  	v41 =	vnsel vm2, $0xFFFFFFFF, v50  }
0x116: {  	(xrf0) =	vmin.scan.msk.u32 $0xffff, v41;
	_ =	sdelay $0x5  }
0x117: {  	v41, _, _ =	vpop (xrf0)  }
0x118: {  	(v2sf) =	vpush v41, $0xF;
	_ =	sdelay $0xe  }
0x119: {  	s23 =	spop (v2sf)  }
0x11a: {  	v51 =	vsel vm12, v24, v25;
	s25 =	sxor.u32 $0x80000000, s23  }
0x11b: {  	v30 =	vsel vm13, v51, v47;
	vm14 =	veq.s32 v31, s25  }
0x11c: {  	v29 =	vsel vm14, v30, v29  }
0x11d: {  	(xrf0) =	vmax.scan.msk.f32 $0xffff, v29;
	_ =	sdelay $0x5  }
0x11e: {  	v52 =	vsel vm12, v21, v28;
	v53, _, _ =	vpop (xrf0)  }
0x11f: {  	v32 =	vsel vm13, v52, v49;
	v41 =	vbroadcast v53, $0xF  }
0x120: {  	v31 =	vsel vm14, v32, v31  }
0x121: {  	v54 =	vxor.u32 $0x80000000, v31;
	vm3 =	veq.f32 v29, v41  }
0x122: {  	v41 =	vnsel vm3, $0xFFFFFFFF, v54  }
0x123: {  	(xrf0) =	vmin.scan.msk.u32 $0xffff, v41;
	_ =	sdelay $0x5  }
0x124: {  	v41, _, _ =	vpop (xrf0)  }
0x125: {  	(v2sf) =	vpush v41, $0xF;
	_ =	sdelay $0xe  }
0x126: {  	v55 =	vsel vm12, v26, v24;
	s25 =	spop (v2sf)  }
0x127: {  	v24 =	vsel vm13, v55, v51;
	s26 =	sxor.u32 $0x80000000, s25  }
0x128: {  	v24 =	vsel vm14, v24, v30;
	vm15 =	veq.s32 v31, s26  }
0x129: {  	v24 =	vsel vm15, v24, v29  }
0x12a: {  	(xrf0) =	vmax.scan.msk.f32 $0xffff, v24;
	_ =	sdelay $0x4  }
0x12b: {  	v21 =	vsel vm12, v27, v21  }
0x12c: {  	v21 =	vsel vm13, v21, v52;
	v56, _, _ =	vpop (xrf0)  }
0x12d: {  	v21 =	vsel vm14, v21, v32;
	v25 =	vbroadcast v56, $0xF  }
0x12e: {  	v21 =	vsel vm15, v21, v31  }
0x12f: {  	v21 =	vxor.u32 $0x80000000, v21;
	vm6 =	veq.f32 v24, v25  }
0x130: {  	v21 =	vnsel vm6, $0xFFFFFFFF, v21  }
0x131: {  	(xrf0) =	vmin.scan.msk.u32 $0xffff, v21  }
0x132: {  	(xrf0) =	vmax.scan.msk.f32 $0xffff, v23;
	_ =	sdelay $0x4  }
0x133: {  	v21, _, _ =	vpop (xrf0)  }
0x134: {  	v57, _, _ =	vpop (xrf0)  }
0x135: {  	v24 =	vbroadcast v57, $0xF;
	_ =	sdelay $0x1  }
0x136: {  	v58 =	vxor.u32 $0x80000000, v22;
	vm7 =	veq.f32 v23, v24  }
0x137: {  	v24 =	vnsel vm7, $0xFFFFFFFF, v58  }
0x138: {  	(xrf0) =	vmin.scan.msk.u32 $0xffff, v24;
	_ =	sdelay $0x5  }
0x139: {  	(v2sf) =	vpush v21, $0xF;
	v21, _, _ =	vpop (xrf0)  }
0x13a: {  	(v2sf) =	vpush v21, $0xF;
	_ =	sdelay $0xd  }
0x13b: {  	s30 =	spop (v2sf)  }
0x13c: {  	s26 =	spop (v2sf)  }
0x13d: {  	s28 =	sxor.u32 $0x80000000, s26  }
0x13e: {  	vm8 =	veq.s32 v22, s28  }
0x13f: {  	v21 =	vsel vm8, v39, v23  }
0x140: {  	(xrf0) =	vmax.scan.msk.f32 $0xffff, v21;
	_ =	sdelay $0x5  }
0x141: {  	v23, _, _ =	vpop (xrf0)  }
0x142: {  	v23 =	vbroadcast v23, $0xF  }
0x143: {  	v22 =	vsel vm8, v40, v22  }
0x144: {  	vm9 =	veq.f32 v21, v23;
	v23 =	vxor.u32 $0x80000000, v22  }
0x145: {  	v23 =	vnsel vm9, $0xFFFFFFFF, v23  }
0x146: {  	(xrf0) =	vmin.scan.msk.u32 $0xffff, v23;
	_ =	sdelay $0x5  }
0x147: {  	v23, _, _ =	vpop (xrf0)  }
0x148: {  	(v2sf) =	vpush v23, $0xF;
	_ =	sdelay $0xe  }
0x149: {  	s28 =	spop (v2sf)  }
0x14a: {  	s29 =	sxor.u32 $0x80000000, s28  }
0x14b: {  	v23 =	vsel vm8, v37, v39;
	vm10 =	veq.s32 v22, s29  }
0x14c: {  	v21 =	vsel vm10, v23, v21  }
0x14d: {  	(xrf0) =	vmax.scan.msk.f32 $0xffff, v21;
	_ =	sdelay $0x5  }
0x14e: {  	v59, _, _ =	vpop (xrf0)  }
0x14f: {  	v60 =	vsel vm8, v38, v40;
	v24 =	vbroadcast v59, $0xF  }
0x150: {  	v22 =	vsel vm10, v60, v22  }
0x151: {  	v61 =	vxor.u32 $0x80000000, v22;
	vm11 =	veq.f32 v21, v24  }
0x152: {  	v24 =	vnsel vm11, $0xFFFFFFFF, v61  }
0x153: {  	(xrf0) =	vmin.scan.msk.u32 $0xffff, v24;
	_ =	sdelay $0x5  }
0x154: {  	v24, _, _ =	vpop (xrf0)  }
0x155: {  	(v2sf) =	vpush v24, $0xF;
	_ =	sdelay $0xe  }
0x156: {  	s29 =	spop (v2sf)  }
0x157: {  	v62 =	vsel vm8, v35, v37;
	s31 =	sxor.u32 $0x80000000, s29  }
0x158: {  	v23 =	vsel vm10, v62, v23;
	vm12 =	veq.s32 v22, s31  }
0x159: {  	v21 =	vsel vm12, v23, v21  }
0x15a: {  	(xrf0) =	vmax.scan.msk.f32 $0xffff, v21;
	_ =	sdelay $0x5  }
0x15b: {  	v63 =	vsel vm8, v33, v38;
	v37, _, _ =	vpop (xrf0)  }
0x15c: {  	v25 =	vsel vm10, v63, v60;
	v27 =	vbroadcast v37, $0xF  }
0x15d: {  	v22 =	vsel vm12, v25, v22  }
0x15e: {  	v38 =	vxor.u32 $0x80000000, v22;
	vm13 =	veq.f32 v21, v27  }
0x15f: {  	v27 =	vnsel vm13, $0xFFFFFFFF, v38  }
0x160: {  	(xrf0) =	vmin.scan.msk.u32 $0xffff, v27;
	_ =	sdelay $0x5  }
0x161: {  	v27, _, _ =	vpop (xrf0)  }
0x162: {  	(v2sf) =	vpush v27, $0xF;
	_ =	sdelay $0xe  }
0x163: {  	v39 =	vsel vm8, v36, v35;
	s31 =	spop (v2sf)  }
0x164: {  	v24 =	vsel vm10, v39, v62;
	s2 =	sxor.u32 $0x80000000, s31  }
0x165: {  	v23 =	vsel vm12, v24, v23;
	vm14 =	veq.s32 v22, s2;
	s2 =	sadd.s32 $0x80000061, s20  }
0x166: {  	v40 =	vadd.s32 s2, v5;
	s2 =	sadd.s32 $0x80000071, s20;
	v21 =	vsel vm14, v23, v21  }
0x167: {  	v23 =	vadd.s32 s2, v5;
	s2 =	sadd.s32 $0x80000081, s20;
	(xrf0) =	vmax.scan.msk.f32 $0xffff, v21  }
0x168: {  	v41 =	vadd.s32 s2, v5;
	s2 =	sadd.s32 $0x80000091, s20  }
0x169: {  	s20 =	sadd.s32 $0x80000061, s24;
	v42 =	vadd.s32 s2, v5  }
0x16a: {  	v43 =	vadd.s32 s20, v5;
	s2 =	sadd.s32 $0x80000071, s24  }
0x16b: {  	s20 =	sadd.s32 $0x80000081, s24;
	v44 =	vadd.s32 s2, v5;
	[tilespmem:v40+s21+$0x0] =	vst.idx.add.f32.msk $0xffff, v0  }
0x16c: {  	v46 =	vsel vm8, v34, v33;
	s24 =	sadd.s32 $0x80000091, s24;
	v45 =	vadd.s32 s20, v5;
	[tilespmem:v23+s21+$0x0] =	vst.idx.add.f32.msk $0xffff, v1  }
0x16d: {  	v47 =	vadd.s32 s24, v5;
	s2 =	sadd.s32 $0x80000061, s23;
	v23 =	vsel vm10, v46, v63;
	[tilespmem:v41+s21+$0x0] =	vst.idx.add.f32.msk $0xffff, v2;
	v48, _, _ =	vpop (xrf0)  }
0x16e: {  	s20 =	sadd.s32 $0x80000071, s23;
	v49 =	vadd.s32 s2, v5;
	v23 =	vsel vm12, v23, v25;
	[tilespmem:v42+s21+$0x0] =	vst.idx.add.f32.msk $0xffff, v3;
	v27 =	vbroadcast v48, $0xF  }
0x16f: {  	s24 =	sadd.s32 $0x80000081, s23;
	v50 =	vadd.s32 s20, v5;
	v22 =	vsel vm14, v23, v22;
	[tilespmem:v43+s21+$0x0] =	vst.idx.add.f32.msk $0xffff, v0  }
0x170: {  	s2 =	sadd.s32 $0x80000091, s23;
	v23 =	vadd.s32 s24, v5;
	[tilespmem:v44+s21+$0x0] =	vst.idx.add.f32.msk $0xffff, v1;
	vm15 =	veq.f32 v21, v27;
	v21 =	vxor.u32 $0x80000000, v22  }
0x171: {  	s20 =	sadd.s32 $0x80000061, s25;
	v22 =	vadd.s32 s2, v5;
	[tilespmem:v45+s21+$0x0] =	vst.idx.add.f32.msk $0xffff, v2;
	v21 =	vnsel vm15, $0xFFFFFFFF, v21  }
0x172: {  	s23 =	sadd.s32 $0x80000071, s25;
	v51 =	vadd.s32 s20, v5;
	[tilespmem:v47+s21+$0x0] =	vst.idx.add.f32.msk $0xffff, v3;
	(xrf0) =	vmin.scan.msk.u32 $0xffff, v21  }
0x173: {  	s24 =	sadd.s32 $0x80000081, s25;
	v21 =	vadd.s32 s23, v5;
	[tilespmem:v49+s21+$0x0] =	vst.idx.add.f32.msk $0xffff, v0  }
0x174: {  	s25 =	sadd.s32 $0x80000091, s25;
	v52 =	vadd.s32 s24, v5;
	[tilespmem:v50+s21+$0x0] =	vst.idx.add.f32.msk $0xffff, v1  }
0x175: {  	s2 =	sadd.s32 $0x80000061, s30;
	[tilespmem:v23+s21+$0x0] =	vst.idx.add.f32.msk $0xffff, v2;
	v23 =	vadd.s32 s25, v5  }
0x176: {  	s20 =	sadd.s32 $0x80000071, s30;
	[tilespmem:v22+s21+$0x0] =	vst.idx.add.f32.msk $0xffff, v3;
	v22 =	vadd.s32 s2, v5  }
0x177: {  	v53 =	vadd.s32 s20, v5;
	s23 =	sadd.s32 $0x80000081, s30;
	[tilespmem:v51+s21+$0x0] =	vst.idx.add.f32.msk $0xffff, v0  }
0x178: {  	s24 =	sadd.s32 $0x80000091, s30;
	v54 =	vadd.s32 s23, v5;
	[tilespmem:v21+s21+$0x0] =	vst.idx.add.f32.msk $0xffff, v1;
	v21, _, _ =	vpop (xrf0)  }
0x179: {  	v55 =	vadd.s32 s24, v5;
	s25 =	sadd.s32 $0x80000061, s26;
	[tilespmem:v52+s21+$0x0] =	vst.idx.add.f32.msk $0xffff, v2;
	(v2sf) =	vpush v21, $0xF  }
0x17a: {  	s30 =	sadd.s32 $0x80000071, s26;
	v21 =	vadd.s32 s25, v5;
	[tilespmem:v23+s21+$0x0] =	vst.idx.add.f32.msk $0xffff, v3  }
0x17b: {  	s2 =	sadd.s32 $0x80000081, s26;
	[tilespmem:v22+s21+$0x0] =	vst.idx.add.f32.msk $0xffff, v0;
	v22 =	vadd.s32 s30, v5  }
0x17c: {  	s20 =	sadd.s32 $0x80000091, s26;
	v23 =	vadd.s32 s2, v5;
	[tilespmem:v53+s21+$0x0] =	vst.idx.add.f32.msk $0xffff, v1  }
0x17d: {  	v56 =	vadd.s32 s20, v5;
	s23 =	sadd.s32 $0x80000061, s28;
	[tilespmem:v54+s21+$0x0] =	vst.idx.add.f32.msk $0xffff, v2  }
0x17e: {  	s24 =	sadd.s32 $0x80000071, s28;
	v57 =	vadd.s32 s23, v5;
	[tilespmem:v55+s21+$0x0] =	vst.idx.add.f32.msk $0xffff, v3  }
0x17f: {  	s25 =	sadd.s32 $0x80000081, s28;
	[tilespmem:v21+s21+$0x0] =	vst.idx.add.f32.msk $0xffff, v0;
	v21 =	vadd.s32 s24, v5  }
0x180: {  	s26 =	sadd.s32 $0x80000091, s28;
	v58 =	vadd.s32 s25, v5;
	[tilespmem:v22+s21+$0x0] =	vst.idx.add.f32.msk $0xffff, v1  }
0x181: {  	s28 =	sadd.s32 $0x80000061, s29;
	v22 =	vadd.s32 s26, v5;
	[tilespmem:v23+s21+$0x0] =	vst.idx.add.f32.msk $0xffff, v2  }
0x182: {  	s30 =	sadd.s32 $0x80000071, s29;
	v23 =	vadd.s32 s28, v5;
	[tilespmem:v56+s21+$0x0] =	vst.idx.add.f32.msk $0xffff, v3  }
0x183: {  	s2 =	sadd.s32 $0x80000081, s29;
	v59 =	vadd.s32 s30, v5;
	[tilespmem:v57+s21+$0x0] =	vst.idx.add.f32.msk $0xffff, v0  }
0x184: {  	s20 =	sadd.s32 $0x80000091, s29;
	[tilespmem:v21+s21+$0x0] =	vst.idx.add.f32.msk $0xffff, v1;
	v21 =	vadd.s32 s2, v5  }
0x185: {  	v60 =	vadd.s32 s20, v5;
	s23 =	sadd.s32 $0x80000061, s31;
	[tilespmem:v58+s21+$0x0] =	vst.idx.add.f32.msk $0xffff, v2  }
0x186: {  	s24 =	sadd.s32 $0x80000071, s31;
	[tilespmem:v22+s21+$0x0] =	vst.idx.add.f32.msk $0xffff, v3;
	v22 =	vadd.s32 s23, v5  }
0x187: {  	s25 =	sadd.s32 $0x80000081, s31;
	[tilespmem:v23+s21+$0x0] =	vst.idx.add.f32.msk $0xffff, v0;
	v23 =	vadd.s32 s24, v5  }
0x188: {  	v61 =	vadd.s32 s25, v5;
	s26 =	sadd.s32 $0x80000091, s31;
	[tilespmem:v59+s21+$0x0] =	vst.idx.add.f32.msk $0xffff, v1;
	s2 =	spop (v2sf)  }
0x189: {  	[tilespmem:v21+s21+$0x0] =	vst.idx.add.f32.msk $0xffff, v2;
	v21 =	vadd.s32 s26, v5;
	s28 =	sadd.s32 $0x80000061, s2  }
0x18a: {  	s29 =	sadd.s32 $0x80000071, s2;
	[tilespmem:v60+s21+$0x0] =	vst.idx.add.f32.msk $0xffff, v3;
	v62 =	vadd.s32 s28, v5  }
0x18b: {  	s30 =	sadd.s32 $0x80000081, s2;
	[tilespmem:v22+s21+$0x0] =	vst.idx.add.f32.msk $0xffff, v0;
	v22 =	vadd.s32 s29, v5  }
0x18c: {  	s19 =	sadd.s32 $0x1, s19;
	s31 =	sadd.s32 $0x80000091, s2;
	[tilespmem:v23+s21+$0x0] =	vst.idx.add.f32.msk $0xffff, v1;
	v23 =	vadd.s32 s30, v5  }
0x18d: {  	p1 =	sne.s32 s19, $0x8;
	v63 =	vadd.s32 s31, v5;
	[tilespmem:v61+s21+$0x0] =	vst.idx.add.f32.msk $0xffff, v2  }
.Ltmp4:
0x18e: {  	[tilespmem:v21+s21+$0x0] =	vst.idx.add.f32.msk $0xffff, v3;
	(pc) =	sbr.rel @!p1 .LBB2_29-.Ltmp4, $4  }
0x18f: {  	[tilespmem:v62+s21+$0x0] =	vst.idx.add.f32.msk $0xffff, v0  }
0x190: {  	[tilespmem:v22+s21+$0x0] =	vst.idx.add.f32.msk $0xffff, v1  }
0x191: {  	[tilespmem:v23+s21+$0x0] =	vst.idx.add.f32.msk $0xffff, v2  }
0x192: {  	p0 =	por !p0, !p0;
	[tilespmem:v63+s21+$0x0] =	vst.idx.add.f32.msk $0xffff, v3  }
.LBB2_4:
0x193: {  	s2 =	simm.s32 $0x1;
	_ =	swait.ge [sflag:s5], $0x1000  }
0x194: {  	p1 =	seq.s32 s19, $0x7;
	s2 =	simm.s32 @!p0 $0x0;
	[sflag:s5] =	ssyncset.done $0x0  }
0x195: {  	s20 =	sadd.s32 @!p1 $0x1, s19;
	s26 =	simm.s32 @!p1 $0x80;
	s28 =	simm.s32 @!p1 $0x400  }
0x196: {  	s2 =	sshll.u32 s2, $0xD;
	[sflag:s5] =	ssyncadd.s32 $0xFFFFF000;
	s23 =	sshll.u32 @!p1 s20, $0x11  }
0x197: {  	s20 =	sshll.u32 @!p1 s20, $0xD;
	s24 =	sor.u32 $0x10F0, s2;
	s23 =	sadd.s32 @!p1 s4, s23  }
0x198: {  	_ =	swait.ge [sflag:s5], $0x1000;
	s20 =	sand.u32 @!p1 $0x2000, s20;
	s25 =	sadd.s32 @!p1 s8, s23  }
0x199: {  	[sflag:s5] =	ssyncset.done $0x0;
	s23 =	sadd.s32 @!p1 s23, s9;
	v21 =	vmov s24;
	s25 =	sshrl.u32 @!p1 s25, $0x3  }
0x19a: {  	[sflag:s5] =	ssyncadd.s32 $0xFFFFF000;
	s23 =	sshrl.u32 @!p1 s23, $0x3;
	s25 =	sadd.s32 @!p1 s1, s25  }
0x19b: {  	[tilespmem:s20], [sflag:$0x1] =	stream.strided.gather @!p1 [hbm4b:s25+s26], $0x1000, s28, s26, $0x38;
	[tilespmem:$0x7200] =	vst v63  }
0x19c: {  	s23 =	sadd.s32 @!p1 s1, s23;
	s20 =	sor.u32 @!p1 $0x1000, s20;
	s25 =	simm.s32 $0xFFFFF000  }
0x19d: {  	[tilespmem:s20], [sflag:$0x1] =	stream.strided.gather @!p1 [hbm4b:s23+s26], $0x1000, s28, s26, $0x38;
	[tilespmem:$0x7200] =	vst v63  }
0x19e: {  	v22 =	vld.idx.msk [tilespmem:v21+s25+$0x0 ss:$0x1], $0xffff  }
0x19f: {  	v24 =	vld.idx.msk [tilespmem:v21+s25+$0xFFFFFFF0 ss:$0x1], $0xffff  }
0x1a0: {  	v26 =	vld.idx.msk [tilespmem:v21+s25+$0xFFFFFFE0 ss:$0x1], $0xffff  }
0x1a1: {  	v23 =	vld.idx.msk [tilespmem:v21+s25+$0xFFFFFFD0 ss:$0x1], $0xffff  }
0x1a2: {  	v25 =	vld.idx.msk [tilespmem:v21+s25+$0xFFFFFFC0 ss:$0x1], $0xffff  }
0x1a3: {  	v27 =	vld.idx.msk [tilespmem:v21+s25+$0xFFFFFFB0 ss:$0x1], $0xffff  }
0x1a4: {  	v28 =	vld.idx.msk [tilespmem:v21+s25+$0xFFFFFFA0 ss:$0x1], $0xffff  }
0x1a5: {  	v29 =	vld.idx.msk [tilespmem:v21+s25+$0xFFFFFF90 ss:$0x1], $0xffff  }
0x1a6: {  	v30 =	vld.idx.msk [tilespmem:v21+s25+$0xFFFFFF80 ss:$0x1], $0xffff  }
0x1a7: {  	v31 =	vld.idx.msk [tilespmem:v21+s25+$0xFFFFFF70 ss:$0x1], $0xffff  }
0x1a8: {  	v33 =	vld.idx.msk [tilespmem:v21+s25+$0xFFFFFF60 ss:$0x1], $0xffff  }
0x1a9: {  	v34 =	vld.idx.msk [tilespmem:v21+s25+$0xFFFFFF50 ss:$0x1], $0xffff  }
0x1aa: {  	v35 =	vld.idx.msk [tilespmem:v21+s25+$0xFFFFFF40 ss:$0x1], $0xffff  }
0x1ab: {  	s31 =	sshll.u32 s19, $0xD;
	v37 =	vld.idx.msk [tilespmem:v21+s25+$0xFFFFFF30 ss:$0x1], $0xffff  }
0x1ac: {  	s23 =	sand.u32 $0x2000, s31;
	v38 =	vld.idx.msk [tilespmem:v21+s25+$0xFFFFFF20 ss:$0x1], $0xffff  }
0x1ad: {  	v36 =	vimm.f32 $-Inf;
	v32 =	vimm.f32 $-Inf;
	s24 =	sor.u32 $0x1000, s2;
	s26 =	simm.s32 $0xFFFFC400;
	s20 =	sor.u32 $0x1000, s23;
	v39 =	vld.idx.msk [tilespmem:v21+s25+$0xFFFFFF10 ss:$0x1], $0xffff  }
.LBB2_5:
0x1ae: {  	p1 =	sne.s32 s26, $0xFFFFFC00;
	v40 =	vld.idx.msk [tilespmem:v21+s25+$0xF10 ss:$0x1], $0xffff  }
0x1af: {  	v41 =	vld.idx.msk [tilespmem:v21+s25+$0xF20 ss:$0x1], $0xffff  }
0x1b0: {  	v42 =	vld.idx.msk [tilespmem:v21+s25+$0xF30 ss:$0x1], $0xffff  }
0x1b1: {  	v43 =	vld.idx.msk [tilespmem:v21+s25+$0xF40 ss:$0x1], $0xffff  }
0x1b2: {  	v44 =	vld.idx.msk [tilespmem:v21+s25+$0xF50 ss:$0x1], $0xffff  }
0x1b3: {  	v45 =	vld.idx.msk [tilespmem:v21+s25+$0xF60 ss:$0x1], $0xffff  }
0x1b4: {  	v36 =	vmax.f32 v36, v39;
	v32 =	vmax.f32 v32, v40;
	v39 =	vld.idx.msk [tilespmem:v21+s25+$0xF70 ss:$0x1], $0xffff  }
0x1b5: {  	v36 =	vmax.f32 v36, v38;
	v32 =	vmax.f32 v32, v41;
	v38 =	vld.idx.msk [tilespmem:v21+s25+$0xF80 ss:$0x1], $0xffff  }
0x1b6: {  	v36 =	vmax.f32 v36, v37;
	v32 =	vmax.f32 v32, v42;
	v37 =	vld.idx.msk [tilespmem:v21+s25+$0xF90 ss:$0x1], $0xffff  }
0x1b7: {  	v35 =	vmax.f32 v36, v35;
	v32 =	vmax.f32 v32, v43;
	v36 =	vld.idx.msk [tilespmem:v21+s25+$0xFA0 ss:$0x1], $0xffff  }
0x1b8: {  	v34 =	vmax.f32 v35, v34;
	v32 =	vmax.f32 v32, v44;
	v35 =	vld.idx.msk [tilespmem:v21+s25+$0xFB0 ss:$0x1], $0xffff  }
0x1b9: {  	v33 =	vmax.f32 v34, v33;
	v32 =	vmax.f32 v32, v45;
	v34 =	vld.idx.msk [tilespmem:v21+s25+$0xFC0 ss:$0x1], $0xffff  }
0x1ba: {  	v31 =	vmax.f32 v33, v31;
	v32 =	vmax.f32 v32, v39;
	v33 =	vld.idx.msk [tilespmem:v21+s25+$0xFD0 ss:$0x1], $0xffff  }
0x1bb: {  	v30 =	vmax.f32 v31, v30;
	v31 =	vmax.f32 v32, v38;
	v32 =	vld.idx.msk [tilespmem:v21+s25+$0xFE0 ss:$0x1], $0xffff  }
0x1bc: {  	v29 =	vmax.f32 v30, v29;
	v30 =	vmax.f32 v31, v37;
	v31 =	vld.idx.msk [tilespmem:v21+s25+$0xFF0 ss:$0x1], $0xffff  }
0x1bd: {  	v28 =	vmax.f32 v29, v28;
	v29 =	vmax.f32 v30, v36;
	v30 =	vld.idx.msk [tilespmem:v21+s25+$0x1000 ss:$0x1], $0xffff;
	s25 =	sshra.s32 s26, $0x2  }
0x1be: {  	v27 =	vmax.f32 v28, v27;
	v28 =	vmax.f32 v29, v35;
	v37 =	vld.idx.msk [tilespmem:v21+s25+$0x0 ss:$0x1], $0xffff  }
0x1bf: {  	v25 =	vmax.f32 v27, v25;
	v27 =	vmax.f32 v28, v34;
	v35 =	vld.idx.msk [tilespmem:v21+s25+$0xFFFFFFF0 ss:$0x1], $0xffff  }
0x1c0: {  	v25 =	vmax.f32 v25, v23;
	v27 =	vmax.f32 v27, v33;
	v34 =	vld.idx.msk [tilespmem:v21+s25+$0xFFFFFFE0 ss:$0x1], $0xffff  }
0x1c1: {  	v26 =	vmax.f32 v25, v26;
	v27 =	vmax.f32 v27, v32;
	v23 =	vld.idx.msk [tilespmem:v21+s25+$0xFFFFFFD0 ss:$0x1], $0xffff  }
0x1c2: {  	v24 =	vmax.f32 v26, v24;
	v26 =	vmax.f32 v27, v31;
	v25 =	vld.idx.msk [tilespmem:v21+s25+$0xFFFFFFC0 ss:$0x1], $0xffff  }
0x1c3: {  	v36 =	vmax.f32 v24, v22;
	v32 =	vmax.f32 v26, v30;
	v27 =	vld.idx.msk [tilespmem:v21+s25+$0xFFFFFFB0 ss:$0x1], $0xffff  }
0x1c4: {  	v22 =	vmov v37;
	v28 =	vld.idx.msk [tilespmem:v21+s25+$0xFFFFFFA0 ss:$0x1], $0xffff  }
0x1c5: {  	v24 =	vmov v35;
	v29 =	vld.idx.msk [tilespmem:v21+s25+$0xFFFFFF90 ss:$0x1], $0xffff  }
0x1c6: {  	v26 =	vmov v34;
	v30 =	vld.idx.msk [tilespmem:v21+s25+$0xFFFFFF80 ss:$0x1], $0xffff  }
0x1c7: {  	v31 =	vld.idx.msk [tilespmem:v21+s25+$0xFFFFFF70 ss:$0x1], $0xffff  }
0x1c8: {  	v33 =	vld.idx.msk [tilespmem:v21+s25+$0xFFFFFF60 ss:$0x1], $0xffff  }
.Ltmp5:
0x1c9: {  	v34 =	vld.idx.msk [tilespmem:v21+s25+$0xFFFFFF50 ss:$0x1], $0xffff;
	(pc) =	sbr.rel @p1 .LBB2_5-.Ltmp5, $4  }
0x1ca: {  	v35 =	vld.idx.msk [tilespmem:v21+s25+$0xFFFFFF40 ss:$0x1], $0xffff  }
0x1cb: {  	v37 =	vld.idx.msk [tilespmem:v21+s25+$0xFFFFFF30 ss:$0x1], $0xffff  }
0x1cc: {  	v38 =	vld.idx.msk [tilespmem:v21+s25+$0xFFFFFF20 ss:$0x1], $0xffff  }
0x1cd: {  	s26 =	sadd.s32 $0x400, s26;
	v39 =	vld.idx.msk [tilespmem:v21+s25+$0xFFFFFF10 ss:$0x1], $0xffff  }
0x1ce: {  	_ =	sdelay $0x3  }
0x1cf: {  	v36 =	vmax.f32 v36, v39  }
0x1d0: {  	v36 =	vmax.f32 v36, v38  }
0x1d1: {  	v36 =	vmax.f32 v36, v37  }
0x1d2: {  	v35 =	vmax.f32 v36, v35  }
0x1d3: {  	v34 =	vmax.f32 v35, v34  }
0x1d4: {  	v33 =	vmax.f32 v34, v33  }
0x1d5: {  	v31 =	vmax.f32 v33, v31  }
0x1d6: {  	v30 =	vmax.f32 v31, v30  }
0x1d7: {  	v29 =	vmax.f32 v30, v29  }
0x1d8: {  	v28 =	vmax.f32 v29, v28  }
0x1d9: {  	v27 =	vmax.f32 v28, v27  }
0x1da: {  	v25 =	vmax.f32 v27, v25  }
0x1db: {  	v23 =	vmax.f32 v25, v23  }
0x1dc: {  	v23 =	vmax.f32 v23, v26  }
0x1dd: {  	v23 =	vmax.f32 v23, v24  }
0x1de: {  	v60 =	vld [tilespmem:s24+$0xFFFFF020];
	v22 =	vmax.f32 v23, v22  }
0x1df: {  	v61 =	vld [tilespmem:s24+$0xFFFFF080];
	(xrf1) =	vsort.ascd.msk.f32 $0xffff, v22, v22  }
0x1e0: {  	v31 =	vld.idx.msk [tilespmem:v21+s25+$0xFA0 ss:$0x1], $0xffff  }
0x1e1: {  	v25 =	vld.idx.msk [tilespmem:v21+s25+$0xF10 ss:$0x1], $0xffff  }
0x1e2: {  	v24 =	vld.idx.msk [tilespmem:v21+s25+$0xF20 ss:$0x1], $0xffff  }
0x1e3: {  	v23 =	vld.idx.msk [tilespmem:v21+s25+$0xF30 ss:$0x1], $0xffff  }
0x1e4: {  	v22 =	vld.idx.msk [tilespmem:v21+s25+$0xF40 ss:$0x1], $0xffff  }
0x1e5: {  	v26 =	vld.idx.msk [tilespmem:v21+s25+$0xF50 ss:$0x1], $0xffff  }
0x1e6: {  	v27 =	vld.idx.msk [tilespmem:v21+s25+$0xF60 ss:$0x1], $0xffff;
	v25 =	vmax.f32 v32, v25  }
0x1e7: {  	v28 =	vld.idx.msk [tilespmem:v21+s25+$0xF70 ss:$0x1], $0xffff;
	v24 =	vmax.f32 v25, v24  }
0x1e8: {  	v29 =	vld.idx.msk [tilespmem:v21+s25+$0xF80 ss:$0x1], $0xffff;
	v23 =	vmax.f32 v24, v23  }
0x1e9: {  	v30 =	vld.idx.msk [tilespmem:v21+s25+$0xF90 ss:$0x1], $0xffff;
	v22 =	vmax.f32 v23, v22  }
0x1ea: {  	v25 =	vld.idx.msk [tilespmem:v21+s25+$0xFB0 ss:$0x1], $0xffff;
	v22 =	vmax.f32 v22, v26  }
0x1eb: {  	v22 =	vmax.f32 v22, v27;
	v27 =	vld [tilespmem:s24+$0xFFFFF000]  }
0x1ec: {  	v22 =	vmax.f32 v22, v28;
	v28 =	vld [tilespmem:s24+$0xFFFFF010]  }
0x1ed: {  	v24 =	vld.idx.msk [tilespmem:v21+s25+$0xFC0 ss:$0x1], $0xffff;
	v22 =	vmax.f32 v22, v29;
	v29, _, _ =	vpop (xrf1)  }
0x1ee: {  	v30 =	vmax.f32 v22, v30;
	v22 =	vbroadcast v29, $0xB;
	v29 =	vld [tilespmem:s24+$0xFFFFF030]  }
0x1ef: {  	v23 =	vld.idx.msk [tilespmem:v21+s25+$0xFD0 ss:$0x1], $0xffff  }
0x1f0: {  	v26 =	vld.idx.msk [tilespmem:v21+s25+$0xFE0 ss:$0x1], $0xffff;
	v30 =	vmax.f32 v30, v31;
	vm13 =	vge.f32 v27, v22  }
0x1f1: {  	v31 =	vld [tilespmem:s24+$0xFFFFF040];
	v25 =	vmax.f32 v30, v25;
	vm11 =	vge.f32 v28, v22;
	v27 =	vmpcnt.ones.xlane vm13  }
0x1f2: {  	v30 =	vld [tilespmem:s24+$0xFFFFF050];
	v24 =	vmax.f32 v25, v24;
	vm12 =	vge.f32 v60, v22;
	v28 =	vmpcnt.ones.xlane vm11  }
0x1f3: {  	v25 =	vld [tilespmem:s24+$0xFFFFF060];
	vm1 =	vge.f32 v29, v22;
	v29 =	vmpcnt.ones.xlane vm12;
	(v2sf) =	vpush v27, $0x0  }
0x1f4: {  	v23 =	vmax.f32 v24, v23;
	v24 =	vld [tilespmem:s24+$0xFFFFF070];
	(v2sf) =	vpush v28, $0x0  }
0x1f5: {  	v27 =	vld [tilespmem:s24+$0xFFFFF090];
	(v2sf) =	vpush v29, $0x0  }
0x1f6: {  	vm7 =	vge.f32 v31, v22;
	v31 =	vmpcnt.ones.xlane vm1;
	v28 =	vld [tilespmem:s24+$0xFFFFF0A0]  }
0x1f7: {  	vm8 =	vge.f32 v30, v22;
	v30 =	vmpcnt.ones.xlane vm7;
	v29 =	vld [tilespmem:s24+$0xFFFFF0B0]  }
0x1f8: {  	v23 =	vmax.f32 v23, v26;
	vm9 =	vge.f32 v25, v22;
	(v2sf) =	vpush v31, $0x0;
	v31 =	vld [tilespmem:s24+$0xFFFFF0C0]  }
0x1f9: {  	v25 =	vmpcnt.ones.xlane vm8;
	vm10 =	vge.f32 v24, v22;
	(v2sf) =	vpush v30, $0x0;
	v30 =	vld.idx.msk [tilespmem:v21+s25+$0xFF0 ss:$0x1], $0xffff  }
0x1fa: {  	vm2 =	vge.f32 v61, v22;
	v24 =	vmpcnt.ones.xlane vm9;
	v62 =	vmpcnt.ones.xlane vm10;
	v21 =	vld.idx.msk [tilespmem:v21+s25+$0x1000 ss:$0x1], $0xffff  }
0x1fb: {  	(v2sf) =	vpush v25, $0x0;
	v25 =	vld [tilespmem:s24+$0xFFFFF0D0];
	vm6 =	vge.f32 v27, v22;
	v27 =	vmpcnt.ones.xlane vm2  }
0x1fc: {  	(v2sf) =	vpush v24, $0x0;
	vm5 =	vge.f32 v28, v22;
	v24 =	vmpcnt.ones.xlane vm6  }
0x1fd: {  	(v2sf) =	vpush v62, $0x0;
	vm4 =	vge.f32 v29, v22;
	v28 =	vmpcnt.ones.xlane vm5  }
0x1fe: {  	(v2sf) =	vpush v27, $0x0;
	vm3 =	vge.f32 v31, v22;
	v27 =	vmpcnt.ones.xlane vm4  }
0x1ff: {  	(v2sf) =	vpush v24, $0x0;
	v24 =	vmpcnt.ones.xlane vm3;
	v23 =	vmax.f32 v23, v30  }
0x200: {  	(v2sf) =	vpush v28, $0x0;
	vm0 =	vge.f32 v25, v22;
	v21 =	vmax.f32 v23, v21  }
0x201: {  	s25 =	simm.s32 $0x0;
	(v2sf) =	vpush v27, $0x0;
	v23 =	vmpcnt.ones.xlane vm0;
	(xrf1) =	vsort.ascd.msk.f32 $0xffff, v21, v21;
	v21 =	vld [tilespmem:s24+$0xFFFFF0E0]  }
0x202: {  	v35 =	vor.u32 s25, v5;
	(v2sf) =	vpush v24, $0x0;
	s2 =	spop (v2sf)  }
0x203: {  	v24 =	vor.u32 s25, v6;
	(v2sf) =	vpush v23, $0x0;
	v23 =	vld [tilespmem:s24+$0xFFFFF0F0];
	[tilespmem:s25+$0x5100] =	vst.msk vm13, v35;
	s2 =	sadd.s32 $0x0, s2;
	s26 =	spop (v2sf)  }
0x204: {  	v25 =	vor.u32 s25, v7;
	s26 =	sadd.s32 s2, s26;
	s28 =	spop (v2sf);
	[tilespmem:s2+$0x5100] =	vst.msk vm11, v24  }
0x205: {  	v26 =	vor.u32 s25, v8;
	s0 =	sadd.s32 s26, s28;
	[tilespmem:s26+$0x5100] =	vst.msk vm12, v25  }
0x206: {  	[tilespmem:s0+$0x5100] =	vst.msk vm1, v26;
	vm1 =	vge.f32 v21, v22  }
0x207: {  	v21 =	vmpcnt.ones.xlane vm1;
	_ =	sdelay $0x1  }
0x208: {  	s28 =	spop (v2sf);
	(v2sf) =	vpush v21, $0x0  }
0x209: {  	v27 =	vor.u32 s25, v9;
	s29 =	sadd.s32 s0, s28;
	s28 =	spop (v2sf)  }
0x20a: {  	v28 =	vor.u32 s25, v10;
	s0 =	sadd.s32 s29, s28;
	s28 =	spop (v2sf);
	[tilespmem:s29+$0x5100] =	vst.msk vm7, v27  }
0x20b: {  	v29 =	vor.u32 s25, v11;
	s29 =	sadd.s32 s0, s28;
	s28 =	spop (v2sf);
	[tilespmem:s0+$0x5100] =	vst.msk vm8, v28  }
0x20c: {  	v30 =	vor.u32 s25, v12;
	s0 =	sadd.s32 s29, s28;
	s28 =	spop (v2sf);
	[tilespmem:s29+$0x5100] =	vst.msk vm9, v29  }
0x20d: {  	v31 =	vor.u32 s25, v13;
	s29 =	sadd.s32 s0, s28;
	[tilespmem:s0+$0x5100] =	vst.msk vm10, v30  }
0x20e: {  	[tilespmem:s29+$0x5100] =	vst.msk vm2, v31;
	vm2 =	vge.f32 v23, v22  }
0x20f: {  	v63 =	vmpcnt.ones.xlane vm2  }
0x210: {  	s28 =	spop (v2sf)  }
0x211: {  	v32 =	vor.u32 s25, v14;
	s0 =	sadd.s32 s29, s28;
	s28 =	spop (v2sf);
	(v2sf) =	vpush v63, $0x0  }
0x212: {  	v33 =	vor.u32 s25, v15;
	s29 =	sadd.s32 s0, s28;
	s28 =	spop (v2sf);
	[tilespmem:s0+$0x5100] =	vst.msk vm6, v32  }
0x213: {  	s30 =	simm.s32 $0x100;
	v34 =	vor.u32 s25, v16;
	s0 =	sadd.s32 s29, s28;
	s28 =	spop (v2sf);
	[tilespmem:s29+$0x5100] =	vst.msk vm5, v33  }
0x214: {  	v37 =	vor.u32 s25, v17;
	s26 =	simm.s32 $0x0;
	v23, _, _ =	vpop (xrf1);
	s29 =	sadd.s32 s0, s28;
	s28 =	spop (v2sf);
	[tilespmem:s0+$0x5100] =	vst.msk vm4, v34  }
0x215: {  	v36 =	vor.u32 s25, v18;
	v21 =	vor.u32 s25, v19;
	v23 =	vbroadcast v23, $0xB;
	s31 =	sadd.s32 s29, s28;
	[tilespmem:s29+$0x5100] =	vst.msk vm3, v37;
	s28 =	sadd.s32 $0x100, s24;
	s2 =	spop (v2sf)  }
.LBB2_7:
0x216: {  	s2 =	sadd.s32 s31, s2  }
0x217: {  	v38 =	vor.u32 s30, v19;
	[tilespmem:s31+$0x5100] =	vst.msk vm0, v36;
	s31 =	spop (v2sf);
	s0 =	smov.u32 s30;
	s29 =	sadd.s32 $0x100, s30  }
0x218: {  	p1 =	sne.s32 s30, $0xF00;
	v39 =	vor.u32 s25, v20;
	[tilespmem:s2+$0x5100] =	vst.msk vm1, v21;
	s2 =	sadd.s32 s2, s31;
	s25 =	smov.u32 s0  }
0x219: {  	[tilespmem:s2+$0x5100] =	vst.msk vm2, v39  }
0x21a: {  	v40 =	vld [tilespmem:s24+$0x0]  }
0x21b: {  	v41 =	vld [tilespmem:s24+$0x10]  }
0x21c: {  	v42 =	vld [tilespmem:s24+$0x20]  }
0x21d: {  	v43 =	vld [tilespmem:s24+$0x30]  }
0x21e: {  	v44 =	vld [tilespmem:s24+$0x40]  }
0x21f: {  	v45 =	vld [tilespmem:s24+$0x50];
	vm11 =	vge.f32 v40, v23  }
0x220: {  	v40 =	vld [tilespmem:s24+$0x60];
	vm0 =	vge.f32 v41, v23;
	v41 =	vmpcnt.ones.xlane vm11;
	s0 =	spop (v2sf)  }
0x221: {  	s30 =	sadd.s32 s2, s0;
	v46 =	vld [tilespmem:s24+$0x70];
	vm1 =	vge.f32 v42, v23;
	v42 =	vmpcnt.ones.xlane vm0  }
0x222: {  	v47 =	vld [tilespmem:s24+$0x80];
	vm2 =	vge.f32 v43, v23;
	v43 =	vmpcnt.ones.xlane vm1;
	(v2sf) =	vpush v41, $0x0  }
0x223: {  	v41 =	vld [tilespmem:s24+$0x90];
	vm3 =	vge.f32 v44, v23;
	v44 =	vmpcnt.ones.xlane vm2;
	(v2sf) =	vpush v42, $0x0  }
0x224: {  	v42 =	vld [tilespmem:s24+$0xA0];
	vm4 =	vge.f32 v45, v23;
	v45 =	vmpcnt.ones.xlane vm3;
	(v2sf) =	vpush v43, $0x0  }
0x225: {  	v43 =	vld [tilespmem:s24+$0xB0];
	vm5 =	vge.f32 v40, v23;
	v40 =	vmpcnt.ones.xlane vm4;
	(v2sf) =	vpush v44, $0x0  }
0x226: {  	v44 =	vld [tilespmem:s24+$0xC0];
	vm6 =	vge.f32 v46, v23;
	v46 =	vmpcnt.ones.xlane vm5;
	(v2sf) =	vpush v45, $0x0  }
0x227: {  	v45 =	vld [tilespmem:s24+$0xD0];
	vm7 =	vge.f32 v47, v23;
	v47 =	vmpcnt.ones.xlane vm6;
	(v2sf) =	vpush v40, $0x0  }
0x228: {  	v40 =	vld [tilespmem:s24+$0xE0];
	vm8 =	vge.f32 v41, v23;
	v41 =	vmpcnt.ones.xlane vm7;
	(v2sf) =	vpush v46, $0x0  }
0x229: {  	v46 =	vld [tilespmem:s24+$0xF0];
	vm9 =	vge.f32 v42, v23;
	v42 =	vmpcnt.ones.xlane vm8;
	(v2sf) =	vpush v47, $0x0;
	s24 =	smov.u32 s28  }
0x22a: {  	vm10 =	vge.f32 v43, v23;
	[tilespmem:s26+$0x6180] =	vst.msk vm11, v35;
	v35 =	vmpcnt.ones.xlane vm9;
	(v2sf) =	vpush v41, $0x0  }
0x22b: {  	vm12 =	vge.f32 v44, v23;
	v41 =	vmpcnt.ones.xlane vm10;
	(v2sf) =	vpush v42, $0x0  }
0x22c: {  	vm13 =	vge.f32 v45, v23;
	v42 =	vmpcnt.ones.xlane vm12;
	(v2sf) =	vpush v35, $0x0  }
0x22d: {  	vm14 =	vge.f32 v40, v23;
	v35 =	vmpcnt.ones.xlane vm13;
	(v2sf) =	vpush v41, $0x0  }
0x22e: {  	vm11 =	vge.f32 v46, v23;
	v40 =	vmpcnt.ones.xlane vm14;
	(v2sf) =	vpush v42, $0x0  }
0x22f: {  	v41 =	vmpcnt.ones.xlane vm11;
	(v2sf) =	vpush v35, $0x0  }
0x230: {  	(v2sf) =	vpush v40, $0x0  }
0x231: {  	s0 =	spop (v2sf);
	(v2sf) =	vpush v41, $0x0  }
0x232: {  	s0 =	sadd.s32 s26, s0;
	s2 =	spop (v2sf)  }
0x233: {  	[tilespmem:s0+$0x6180] =	vst.msk vm0, v24;
	s0 =	sadd.s32 s0, s2;
	s2 =	spop (v2sf)  }
0x234: {  	[tilespmem:s0+$0x6180] =	vst.msk vm1, v25;
	s0 =	sadd.s32 s0, s2;
	s2 =	spop (v2sf)  }
0x235: {  	[tilespmem:s0+$0x6180] =	vst.msk vm2, v26;
	s0 =	sadd.s32 s0, s2;
	s2 =	spop (v2sf)  }
0x236: {  	[tilespmem:s0+$0x6180] =	vst.msk vm3, v27;
	s0 =	sadd.s32 s0, s2;
	s2 =	spop (v2sf)  }
0x237: {  	[tilespmem:s0+$0x6180] =	vst.msk vm4, v28;
	s0 =	sadd.s32 s0, s2;
	s2 =	spop (v2sf)  }
0x238: {  	[tilespmem:s0+$0x6180] =	vst.msk vm5, v29;
	s0 =	sadd.s32 s0, s2;
	s2 =	spop (v2sf)  }
0x239: {  	[tilespmem:s0+$0x6180] =	vst.msk vm6, v30;
	s0 =	sadd.s32 s0, s2;
	s2 =	spop (v2sf)  }
0x23a: {  	[tilespmem:s0+$0x6180] =	vst.msk vm7, v31;
	s0 =	sadd.s32 s0, s2;
	s2 =	spop (v2sf)  }
0x23b: {  	[tilespmem:s0+$0x6180] =	vst.msk vm8, v32;
	s0 =	sadd.s32 s0, s2;
	s2 =	spop (v2sf)  }
0x23c: {  	[tilespmem:s0+$0x6180] =	vst.msk vm9, v33;
	s0 =	sadd.s32 s0, s2;
	s2 =	spop (v2sf)  }
0x23d: {  	[tilespmem:s0+$0x6180] =	vst.msk vm10, v34;
	s0 =	sadd.s32 s0, s2;
	s2 =	spop (v2sf)  }
0x23e: {  	[tilespmem:s0+$0x6180] =	vst.msk vm12, v37;
	s0 =	sadd.s32 s0, s2;
	s2 =	spop (v2sf)  }
0x23f: {  	[tilespmem:s0+$0x6180] =	vst.msk vm13, v36;
	s0 =	sadd.s32 s0, s2;
	s2 =	spop (v2sf)  }
0x240: {  	[tilespmem:s0+$0x6180] =	vst.msk vm14, v21;
	s0 =	sadd.s32 s0, s2;
	s2 =	spop (v2sf);
	v21 =	vmov v38  }
0x241: {  	[tilespmem:s0+$0x6180] =	vst.msk vm11, v39;
	s26 =	sadd.s32 s0, s2  }
0x242: {  	v24 =	vld [tilespmem:s28+$0xFFFFF030]  }
0x243: {  	v25 =	vld [tilespmem:s28+$0xFFFFF020]  }
0x244: {  	v26 =	vld [tilespmem:s28+$0xFFFFF010]  }
0x245: {  	v27 =	vld [tilespmem:s28+$0xFFFFF000]  }
0x246: {  	v28 =	vld [tilespmem:s28+$0xFFFFF0D0]  }
0x247: {  	v29 =	vld [tilespmem:s28+$0xFFFFF0E0];
	_ =	sdelay $0x1  }
0x248: {  	v30 =	vld [tilespmem:s28+$0xFFFFF040]  }
0x249: {  	v31 =	vld [tilespmem:s28+$0xFFFFF050];
	vm14 =	vge.f32 v27, v22  }
0x24a: {  	vm13 =	vge.f32 v26, v22;
	v27 =	vld [tilespmem:s28+$0xFFFFF060];
	v26 =	vmpcnt.ones.xlane vm14  }
0x24b: {  	vm12 =	vge.f32 v25, v22;
	v25 =	vmpcnt.ones.xlane vm13;
	v32 =	vld [tilespmem:s28+$0xFFFFF070]  }
0x24c: {  	vm2 =	vge.f32 v24, v22;
	v24 =	vmpcnt.ones.xlane vm12;
	v33 =	vld [tilespmem:s28+$0xFFFFF080];
	(v2sf) =	vpush v26, $0x0  }
0x24d: {  	v26 =	vld [tilespmem:s28+$0xFFFFF090];
	vm10 =	vge.f32 v30, v22;
	v30 =	vmpcnt.ones.xlane vm2;
	(v2sf) =	vpush v25, $0x0  }
0x24e: {  	v25 =	vld [tilespmem:s28+$0xFFFFF0A0];
	vm11 =	vge.f32 v31, v22;
	v31 =	vmpcnt.ones.xlane vm10;
	(v2sf) =	vpush v24, $0x0  }
0x24f: {  	v24 =	vld [tilespmem:s28+$0xFFFFF0B0];
	vm8 =	vge.f32 v27, v22;
	v27 =	vmpcnt.ones.xlane vm11;
	(v2sf) =	vpush v30, $0x0  }
0x250: {  	v30 =	vld [tilespmem:s28+$0xFFFFF0C0];
	vm9 =	vge.f32 v32, v22;
	v32 =	vmpcnt.ones.xlane vm8;
	(v2sf) =	vpush v31, $0x0  }
0x251: {  	vm7 =	vge.f32 v33, v22;
	v31 =	vmpcnt.ones.xlane vm9;
	(v2sf) =	vpush v27, $0x0  }
0x252: {  	vm6 =	vge.f32 v26, v22;
	v26 =	vmpcnt.ones.xlane vm7;
	(v2sf) =	vpush v32, $0x0  }
0x253: {  	vm5 =	vge.f32 v25, v22;
	v25 =	vmpcnt.ones.xlane vm6;
	(v2sf) =	vpush v31, $0x0  }
0x254: {  	vm4 =	vge.f32 v24, v22;
	v24 =	vmpcnt.ones.xlane vm5;
	(v2sf) =	vpush v26, $0x0  }
0x255: {  	vm3 =	vge.f32 v30, v22;
	v26 =	vmpcnt.ones.xlane vm4;
	(v2sf) =	vpush v25, $0x0  }
0x256: {  	vm0 =	vge.f32 v28, v22;
	v25 =	vmpcnt.ones.xlane vm3;
	(v2sf) =	vpush v24, $0x0  }
0x257: {  	vm1 =	vge.f32 v29, v22;
	v24 =	vmpcnt.ones.xlane vm0;
	(v2sf) =	vpush v26, $0x0  }
0x258: {  	v26 =	vmpcnt.ones.xlane vm1;
	(v2sf) =	vpush v25, $0x0  }
0x259: {  	(v2sf) =	vpush v24, $0x0  }
0x25a: {  	(v2sf) =	vpush v26, $0x0  }
0x25b: {  	v35 =	vor.u32 s25, v5;
	v28 =	vld [tilespmem:s28+$0xFFFFF0F0];
	s0 =	spop (v2sf)  }
0x25c: {  	v24 =	vor.u32 s25, v6;
	[tilespmem:s30+$0x5100] =	vst.msk vm14, v35;
	s0 =	sadd.s32 s30, s0;
	s2 =	spop (v2sf)  }
0x25d: {  	v25 =	vor.u32 s25, v7;
	[tilespmem:s0+$0x5100] =	vst.msk vm13, v24;
	s0 =	sadd.s32 s0, s2;
	s2 =	spop (v2sf)  }
0x25e: {  	v26 =	vor.u32 s25, v8;
	[tilespmem:s0+$0x5100] =	vst.msk vm12, v25;
	s0 =	sadd.s32 s0, s2;
	s2 =	spop (v2sf)  }
0x25f: {  	v27 =	vor.u32 s25, v9;
	[tilespmem:s0+$0x5100] =	vst.msk vm2, v26;
	s0 =	sadd.s32 s0, s2;
	s2 =	spop (v2sf)  }
0x260: {  	vm2 =	vge.f32 v28, v22;
	[tilespmem:s0+$0x5100] =	vst.msk vm10, v27;
	s0 =	sadd.s32 s0, s2;
	v28 =	vor.u32 s25, v10;
	s2 =	spop (v2sf)  }
0x261: {  	v29 =	vor.u32 s25, v11;
	[tilespmem:s0+$0x5100] =	vst.msk vm11, v28;
	s0 =	sadd.s32 s0, s2;
	v32 =	vmpcnt.ones.xlane vm2;
	s2 =	spop (v2sf)  }
0x262: {  	v30 =	vor.u32 s25, v12;
	[tilespmem:s0+$0x5100] =	vst.msk vm8, v29;
	s0 =	sadd.s32 s0, s2;
	s2 =	spop (v2sf)  }
0x263: {  	v31 =	vor.u32 s25, v13;
	[tilespmem:s0+$0x5100] =	vst.msk vm9, v30;
	s0 =	sadd.s32 s0, s2;
	s2 =	spop (v2sf);
	(v2sf) =	vpush v32, $0x0  }
.Ltmp6:
0x264: {  	v32 =	vor.u32 s25, v14;
	[tilespmem:s0+$0x5100] =	vst.msk vm7, v31;
	s0 =	sadd.s32 s0, s2;
	s2 =	spop (v2sf);
	(pc) =	sbr.rel @p1 .LBB2_7-.Ltmp6, $4  }
0x265: {  	v33 =	vor.u32 s25, v15;
	[tilespmem:s0+$0x5100] =	vst.msk vm6, v32;
	s0 =	sadd.s32 s0, s2;
	s2 =	spop (v2sf)  }
0x266: {  	v34 =	vor.u32 s25, v16;
	[tilespmem:s0+$0x5100] =	vst.msk vm5, v33;
	s0 =	sadd.s32 s0, s2;
	s2 =	spop (v2sf)  }
0x267: {  	v37 =	vor.u32 s25, v17;
	s28 =	sadd.s32 $0x100, s28;
	[tilespmem:s0+$0x5100] =	vst.msk vm4, v34;
	s0 =	sadd.s32 s0, s2;
	s2 =	spop (v2sf)  }
0x268: {  	v36 =	vor.u32 s25, v18;
	s30 =	smov.u32 s29;
	[tilespmem:s0+$0x5100] =	vst.msk vm3, v37;
	s31 =	sadd.s32 s0, s2;
	s2 =	spop (v2sf)  }
0x269: {  	[tilespmem:s31+$0x5100] =	vst.msk vm0, v36;
	s0 =	sadd.s32 s31, s2;
	s31 =	spop (v2sf)  }
0x26a: {  	v38 =	vor.u32 s25, v20;
	[tilespmem:s0+$0x5100] =	vst.msk vm1, v21;
	s28 =	sadd.s32 s0, s31  }
0x26b: {  	[tilespmem:s28+$0x5100] =	vst.msk vm2, v38  }
0x26c: {  	v22 =	vld [tilespmem:s24+$0x0]  }
0x26d: {  	v39 =	vld [tilespmem:s24+$0x10]  }
0x26e: {  	v40 =	vld [tilespmem:s24+$0x20]  }
0x26f: {  	v41 =	vld [tilespmem:s24+$0x30]  }
0x270: {  	v42 =	vld [tilespmem:s24+$0x40]  }
0x271: {  	v43 =	vld [tilespmem:s24+$0x50];
	vm8 =	vge.f32 v22, v23  }
0x272: {  	v22 =	vld [tilespmem:s24+$0x60];
	vm2 =	vge.f32 v39, v23;
	v48 =	vmpcnt.ones.xlane vm8  }
0x273: {  	v44 =	vld [tilespmem:s24+$0x70];
	vm3 =	vge.f32 v40, v23;
	v49 =	vmpcnt.ones.xlane vm2  }
0x274: {  	v45 =	vld [tilespmem:s24+$0x80];
	vm4 =	vge.f32 v41, v23;
	v50 =	vmpcnt.ones.xlane vm3;
	(v2sf) =	vpush v48, $0x0  }
0x275: {  	vm9 =	vge.f32 v42, v23;
	v52 =	vmpcnt.ones.xlane vm4;
	(v2sf) =	vpush v49, $0x0  }
0x276: {  	v51 =	vld [tilespmem:s24+$0x90];
	vm12 =	vge.f32 v43, v23;
	v54 =	vmpcnt.ones.xlane vm9;
	(v2sf) =	vpush v50, $0x0  }
0x277: {  	v53 =	vld [tilespmem:s24+$0xA0];
	vm13 =	vge.f32 v22, v23;
	v22 =	vmpcnt.ones.xlane vm12;
	(v2sf) =	vpush v52, $0x0  }
0x278: {  	v55 =	vld [tilespmem:s24+$0xB0];
	vm15 =	vge.f32 v44, v23;
	v57 =	vmpcnt.ones.xlane vm13;
	(v2sf) =	vpush v54, $0x0  }
0x279: {  	vm14 =	vge.f32 v45, v23;
	v58 =	vmpcnt.ones.xlane vm15;
	(v2sf) =	vpush v22, $0x0  }
0x27a: {  	v22 =	vmpcnt.ones.xlane vm14;
	(v2sf) =	vpush v57, $0x0  }
0x27b: {  	v56 =	vld [tilespmem:s24+$0xC0];
	vm10 =	vge.f32 v51, v23;
	(v2sf) =	vpush v58, $0x0  }
0x27c: {  	vm5 =	vge.f32 v53, v23;
	v39 =	vmpcnt.ones.xlane vm10;
	(v2sf) =	vpush v22, $0x0  }
0x27d: {  	vm6 =	vge.f32 v55, v23;
	v60 =	vmpcnt.ones.xlane vm5  }
0x27e: {  	v61 =	vmpcnt.ones.xlane vm6;
	(v2sf) =	vpush v39, $0x0  }
0x27f: {  	v59 =	vld [tilespmem:s24+$0xD0];
	(v2sf) =	vpush v60, $0x0  }
0x280: {  	vm7 =	vge.f32 v56, v23;
	v22 =	vld [tilespmem:s24+$0xE0];
	(v2sf) =	vpush v61, $0x0  }
0x281: {  	v62 =	vld [tilespmem:s24+$0xF0];
	v63 =	vmpcnt.ones.xlane vm7  }
0x282: {  	s0 =	spop (v2sf)  }
0x283: {  	(v2sf) =	vpush v63, $0x0;
	s25 =	spop (v2sf)  }
0x284: {  	vm11 =	vge.f32 v59, v23;
	s2 =	sadd.s32 s26, s25;
	s29 =	spop (v2sf)  }
0x285: {  	[tilespmem:s26+$0x6180] =	vst.msk vm8, v35;
	vm1 =	vge.f32 v22, v23;
	v22 =	vmpcnt.ones.xlane vm11;
	s24 =	sadd.s32 s2, s29;
	s30 =	spop (v2sf)  }
0x286: {  	vm0 =	vge.f32 v62, v23;
	v23 =	vmpcnt.ones.xlane vm1;
	[tilespmem:s2+$0x6180] =	vst.msk vm2, v24;
	s25 =	sadd.s32 s24, s30;
	s29 =	spop (v2sf)  }
0x287: {  	v39 =	vmpcnt.ones.xlane vm0;
	(v2sf) =	vpush v22, $0x0;
	[tilespmem:s24+$0x6180] =	vst.msk vm3, v25;
	s26 =	sadd.s32 s25, s29;
	s31 =	spop (v2sf)  }
0x288: {  	(v2sf) =	vpush v23, $0x0;
	[tilespmem:s25+$0x6180] =	vst.msk vm4, v26;
	s2 =	sadd.s32 s26, s31;
	s30 =	spop (v2sf)  }
0x289: {  	(v2sf) =	vpush v39, $0x0;
	[tilespmem:s26+$0x6180] =	vst.msk vm9, v27;
	s24 =	sadd.s32 s2, s30;
	s31 =	spop (v2sf)  }
0x28a: {  	[tilespmem:s2+$0x6180] =	vst.msk vm12, v28;
	s29 =	sadd.s32 s24, s31;
	s30 =	spop (v2sf)  }
0x28b: {  	s25 =	sadd.s32 s28, s0;
	[tilespmem:s24+$0x6180] =	vst.msk vm13, v29;
	s26 =	sadd.s32 s29, s30;
	s31 =	spop (v2sf)  }
0x28c: {  	[tilespmem:s29+$0x6180] =	vst.msk vm15, v30;
	s29 =	sadd.s32 $0xF, s25;
	s2 =	sadd.s32 s26, s31  }
0x28d: {  	s30 =	spop (v2sf);
	s31 =	sand.u32 $0xF, s29;
	p2 =	slt.s32 s29, $0x1  }
0x28e: {  	[tilespmem:s26+$0x6180] =	vst.msk vm14, v31;
	s0 =	sadd.s32 s2, s30;
	s28 =	spop (v2sf);
	p1 =	sne.s32 s31, $0x0  }
0x28f: {  	[tilespmem:s2+$0x6180] =	vst.msk vm10, v32;
	s31 =	sshra.s32 s29, $0x1F;
	s24 =	sadd.s32 s0, s28;
	s30 =	spop (v2sf)  }
0x290: {  	[tilespmem:s0+$0x6180] =	vst.msk vm5, v33;
	s2 =	sshrl.u32 s31, $0x1C;
	p1 =	por !p2, !p1;
	s26 =	sadd.s32 s24, s30  }
0x291: {  	[tilespmem:s24+$0x6180] =	vst.msk vm6, v34;
	s2 =	sadd.s32 s2, s29;
	p1 =	por !p1, !p1;
	s24 =	simm.s32 $0x1  }
0x292: {  	s28 =	spop (v2sf);
	s2 =	sshra.s32 s2, $0x4;
	s24 =	simm.s32 @!p1 $0x0  }
0x293: {  	s28 =	sadd.s32 s26, s28;
	[tilespmem:s26+$0x6180] =	vst.msk vm7, v37;
	s26 =	ssub.s32 s2, s24  }
0x294: {  	p1 =	slt.s32 s26, $0x1  }
.Ltmp7:
0x295: {  	_ = 	snop;
	(pc) =	sbr.rel @p1 .LBB2_18-.Ltmp7, $4  }
0x296: {  	v22 =	vimm.s32 $0x7FFFFFFF;
	v23 =	vimm.f32 $-Inf;
	v24 =	vimm.f32 $-Inf;
	s29 =	spop (v2sf)  }
0x297: {  	v25 =	vimm.f32 $-Inf;
	v26 =	vimm.f32 $-Inf;
	v27 =	vimm.s32 $0x7FFFFFFF;
	[tilespmem:s28+$0x6180] =	vst.msk vm11, v36;
	s0 =	sadd.s32 s28, s29;
	s30 =	spop (v2sf)  }
0x298: {  	v28 =	vimm.s32 $0x7FFFFFFF;
	v29 =	vimm.f32 $-Inf;
	v30 =	vimm.f32 $-Inf;
	[tilespmem:s0+$0x6180] =	vst.msk vm1, v21;
	s0 =	sadd.s32 s0, s30;
	s31 =	spop (v2sf)  }
0x299: {  	v31 =	vimm.s32 $0x7FFFFFFF;
	v32 =	vimm.s32 $0x7FFFFFFF;
	v21 =	vimm.s32 $0x7FFFFFFF;
	[tilespmem:s0+$0x6180] =	vst.msk vm0, v38;
	s24 =	sadd.s32 s0, s31  }
0x29a: {  	s0 =	simm.s32 $0x5100  }
0x29b: {  	v26 =	vld [tilespmem:s0+$0x0]  }
0x29c: {  	p3 =	sne.s32 s26, $0x1  }
.Ltmp8:
0x29d: {  	s31 =	simm.s32 $0x0;
	(pc) =	sbr.rel @!p3 .LBB2_10-.Ltmp8, $4  }
0x29e: {  	v29 =	vmov s25;
	v21 =	vor.u32 s31, v5  }
0x29f: {  	vm0 =	vlt.s32 v21, v29  }
0x2a0: {  	v30 =	vmov s23;
	s23 =	sadd.s32 $0xFFFFFFFF, s26;
	v25 =	vnsel vm0, $0x0, v26  }
0x2a1: {  	v24 =	vimm.f32 $-Inf;
	s2 =	simm.s32 $0x5110;
	p1 =	por $0x0, $0x0;
	p2 =	por $0x0, $0x0;
	v21 =	vimm.s32 $0x7FFFFFFF;
	v31 =	vadd.s32 v30, v25  }
0x2a2: {  	_ =	sdelay $0x3  }
0x2a3: {  	v25 =	vld.idx.msk [tilespmem:v31+s3+$0x0], $0xffff  }
0x2a4: {  	v34 =	vld [tilespmem:s2+$0x0]  }
0x2a5: {  	p3 =	sne.s32 s23, $0x1  }
.Ltmp9:
0x2a6: {  	s0 =	simm.s32 $0x10;
	(pc) =	sbr.rel @!p3 .LBB2_12-.Ltmp9, $4  }
0x2a7: {  	v45 =	vnsel vm0, $0x7FFFFFFF, v26;
	vm1 =	vmmov vm0;
	v26 =	vor.u32 s0, v5  }
0x2a8: {  	vm0 =	vlt.s32 v26, v29;
	v40 =	vnsel vm1, $0xFF800000, v25  }
0x2a9: {  	v25 =	vnsel vm0, $0x0, v34;
	vm1 =	vgt.f32 v40, v24  }
0x2aa: {  	s25 =	sadd.s32 $0xFFFFFFFF, s23;
	s2 =	simm.s32 $0x5120;
	p1 =	por $0x1, $0x1;
	v31 =	vadd.s32 v30, v25;
	v32 =	vsel vm1, v24, v40  }
0x2ab: {  	_ =	sdelay $0x1  }
0x2ac: {  	v26 =	vld [tilespmem:s2+$0x0];
	v25 =	vsel vm1, v40, v24;
	v42 =	vnsel vm0, $0x7FFFFFFF, v34  }
0x2ad: {  	v27 =	vsel vm1, v45, v21;
	vm3 =	vmmov vm0;
	v39 =	vsel vm1, v21, v45  }
0x2ae: {  	v33 =	vld.idx.msk [tilespmem:v31+s3+$0x0], $0xffff;
	s23 =	simm.s32 $0x20;
	vm2 =	vgt.f32 v32, v24;
	v37 =	vimm.f32 $-Inf;
	v38 =	vimm.s32 $0x7FFFFFFF  }
0x2af: {  	v41 =	vimm.s32 $0x7FFFFFFF;
	v28 =	vor.u32 s23, v5;
	v63 =	vsel vm2, v24, v32  }
0x2b0: {  	p3 =	sne.s32 s25, $0x1;
	v35 =	vsel vm2, v21, v39;
	vm0 =	vlt.s32 v28, v29;
	vm4 =	vgt.f32 v63, v24  }
.Ltmp10:
0x2b1: {  	v28 =	vsel vm2, v32, v24;
	v34 =	vsel vm4, v63, v24;
	v31 =	vnsel vm0, $0x0, v26;
	(pc) =	sbr.rel @!p3 .LBB2_14-.Ltmp10, $4  }
0x2b2: {  	v36 =	vsel vm4, v24, v63;
	v44 =	vsel vm4, v21, v35;
	v31 =	vadd.s32 v30, v31  }
0x2b3: {  	v35 =	vsel vm4, v35, v21;
	v40 =	vnsel vm3, $0xFF800000, v33;
	vm3 =	vgt.f32 v36, v24  }
0x2b4: {  	v33 =	vimm.s32 $0x7FFFFFFF;
	vm1 =	vgt.f32 v40, v25;
	v46 =	vsel vm3, v24, v36  }
0x2b5: {  	s25 =	sadd.s32 $0xFFFFFFFF, s25;
	s26 =	simm.s32 $0x5130;
	p2 =	por $0x1, $0x1;
	v43 =	vmovc v27;
	v36 =	vsel vm3, v36, v24;
	v32 =	vsel vm1, v25, v40;
	vm4 =	vgt.f32 v46, v24  }
.LBB2_15:
0x2b6: {  	v45 =	vld [tilespmem:s26+$0x0];
	p3 =	sne.s32 s25, $0x1;
	s25 =	sadd.s32 $0xFFFFFFFF, s25;
	v47 =	vsel vm3, v33, v44;
	v33 =	vsel vm3, v44, v33;
	v37 =	vsel vm4, v46, v37  }
0x2b7: {  	v25 =	vsel vm1, v40, v25;
	v38 =	vsel vm2, v39, v38;
	v44 =	vld.idx.msk [tilespmem:v31+s3+$0x0], $0xffff;
	v41 =	vsel vm4, v47, v41  }
0x2b8: {  	v26 =	vnsel vm0, $0x7FFFFFFF, v26;
	s23 =	sadd.s32 $0x10, s23;
	v27 =	vsel vm1, v42, v27;
	vm3 =	vmmov vm0  }
0x2b9: {  	v39 =	vsel vm1, v43, v42;
	vm2 =	vgt.f32 v32, v28;
	v31 =	vor.u32 s23, v5;
	v42 =	vmovc v26;
	v43 =	vmovc v27  }
0x2ba: {  	v40 =	vsel vm2, v28, v32;
	v28 =	vsel vm2, v32, v28;
	vm0 =	vlt.s32 v31, v29  }
.Ltmp11:
0x2bb: {  	v32 =	vsel vm2, v38, v39;
	vm4 =	vgt.f32 v40, v34;
	v31 =	vnsel vm0, $0x0, v45;
	v26 =	vmovc v45;
	(pc) =	sbr.rel @p3 .LBB2_15-.Ltmp11, $4  }
0x2bc: {  	v45 =	vsel vm4, v34, v40;
	v34 =	vsel vm4, v40, v34;
	v31 =	vadd.s32 v30, v31  }
0x2bd: {  	v40 =	vnsel vm3, $0xFF800000, v44;
	v44 =	vsel vm4, v35, v32;
	vm3 =	vgt.f32 v45, v36  }
0x2be: {  	v35 =	vsel vm4, v32, v35;
	vm1 =	vgt.f32 v40, v25;
	v46 =	vsel vm3, v36, v45  }
0x2bf: {  	s26 =	sadd.s32 $0x10, s26;
	v36 =	vsel vm3, v45, v36;
	v32 =	vsel vm1, v25, v40;
	vm4 =	vgt.f32 v46, v37  }
0x2c0: {  	v45 =	vmov v42  }
.LBB2_17:
0x2c1: {  	v29 =	vsel @p2 vm3, v44, v33;
	v30 =	vsel @p2 vm3, v33, v44;
	v33 =	vsel @p2 vm4, v46, v37  }
0x2c2: {  	v25 =	vsel @p1 vm1, v40, v25;
	v37 =	vsel @p2 vm2, v39, v38;
	v26 =	vnsel vm0, $0x7FFFFFFF, v26  }
0x2c3: {  	v27 =	vsel @p1 vm1, v45, v27;
	vm2 =	vgt.f32 @p1 v32, v28;
	vm10 =	vmmov vm0  }
0x2c4: {  	v38 =	vsel @p1 vm1, v43, v45;
	v30 =	vsel @p2 vm4, v30, v41;
	v39 =	vsel @p1 vm2, v28, v32  }
0x2c5: {  	v27 =	vpsel p1, v27, v21;
	v37 =	vpsel p2, v37, v21;
	v28 =	vsel @p1 vm2, v32, v28  }
0x2c6: {  	v31 =	vld.idx.msk [tilespmem:v31+s3+$0x0], $0xffff;
	v25 =	vpsel p1, v25, v24;
	v33 =	vpsel p2, v33, v24;
	v29 =	vpsel p2, v29, v21  }
0x2c7: {  	vm1 =	vgt.f32 @p1 v39, v34;
	v32 =	vsel @p1 vm2, v37, v38;
	vm2 =	vmmov @p1 vm2  }
0x2c8: {  	v38 =	vpsel p1, v38, v0;
	v30 =	vpsel p2, v30, v21;
	v28 =	vpsel p1, v28, v24  }
0x2c9: {  	v40 =	vsel @p1 vm1, v39, v34;
	v34 =	vsel @p1 vm1, v34, v39;
	v39 =	vsel @p1 vm1, v35, v32  }
0x2ca: {  	v32 =	vsel @p1 vm1, v32, v35;
	vm0 =	vgt.f32 @p1 v34, v36;
	v57 =	vpsel p1, v40, v24  }
0x2cb: {  	v32 =	vpsel p1, v32, v21;
	v31 =	vnsel vm10, $0xFF800000, v31;
	v35 =	vsel @p1 vm0, v36, v34  }
0x2cc: {  	v34 =	vsel @p1 vm0, v34, v36;
	vm0 =	vmmov @p1 vm0;
	v36 =	vpsel p1, v39, v0  }
0x2cd: {  	vm11 =	vgt.f32 v31, v25;
	vm1 =	vgt.f32 @p1 v35, v33;
	v35 =	vpsel p1, v35, v0  }
0x2ce: {  	v34 =	vpsel p1, v34, v24;
	v40 =	vsel @p1 vm0, v36, v29;
	v36 =	vsel @p1 vm0, v29, v36  }
0x2cf: {  	v56 =	vsel vm11, v25, v31;
	vm1 =	vmmov @p1 vm1;
	v29 =	vsel vm11, v31, v25  }
0x2d0: {  	v25 =	vsel @p1 vm2, v38, v37;
	v31 =	vsel vm11, v26, v27;
	v27 =	vsel vm11, v27, v26  }
0x2d1: {  	v62 =	vpsel p1, v40, v21;
	v33 =	vsel @p1 vm1, v35, v33;
	vm12 =	vgt.f32 v56, v28  }
0x2d2: {  	v35 =	vsel @p1 vm1, v36, v30;
	v37 =	vpsel p1, v25, v21;
	v58 =	vsel vm12, v28, v56  }
0x2d3: {  	v30 =	vsel vm12, v56, v28;
	v26 =	vsel vm12, v37, v27;
	vm13 =	vgt.f32 v58, v57  }
0x2d4: {  	v61 =	vpsel p1, v33, v24;
	v63 =	vpsel p1, v35, v21;
	v59 =	vsel vm13, v57, v58  }
0x2d5: {  	v25 =	vsel vm13, v58, v57;
	v60 =	vsel vm13, v32, v26;
	vm14 =	vgt.f32 v59, v34  }
0x2d6: {  	v28 =	vsel vm13, v26, v32;
	v32 =	vsel vm12, v27, v37;
	v26 =	vsel vm14, v34, v59  }
0x2d7: {  	v24 =	vsel vm14, v59, v34;
	v33 =	vsel vm14, v62, v60;
	vm15 =	vgt.f32 v26, v61  }
0x2d8: {  	v21 =	vsel vm14, v60, v62;
	v26 =	vsel vm15, v26, v61;
	v27 =	vsel vm15, v33, v63  }
.LBB2_18:
0x2d9: {  	s0 =	sadd.s32 $0xF, s24  }
0x2da: {  	s2 =	sand.u32 $0xF, s0  }
0x2db: {  	s31 =	sshra.s32 s0, $0x1F;
	p2 =	slt.s32 s0, $0x1;
	p1 =	sne.s32 s2, $0x0  }
0x2dc: {  	s2 =	sshrl.u32 s31, $0x1C;
	p1 =	por !p2, !p1  }
0x2dd: {  	s0 =	sadd.s32 s2, s0;
	s2 =	simm.s32 $0x1;
	p1 =	por !p1, !p1  }
0x2de: {  	s0 =	sshra.s32 s0, $0x4;
	s2 =	simm.s32 @!p1 $0x0  }
0x2df: {  	s23 =	ssub.s32 s0, s2  }
0x2e0: {  	p1 =	slt.s32 s23, $0x1  }
.Ltmp12:
0x2e1: {  	_ = 	snop;
	(pc) =	sbr.rel @p1 .LBB2_28-.Ltmp12, $4  }
0x2e2: {  	_ = 	snop  }
0x2e3: {  	v39 =	vimm.f32 $-Inf;
	v37 =	vimm.f32 $-Inf  }
0x2e4: {  	v35 =	vimm.f32 $-Inf;
	v36 =	vimm.f32 $-Inf;
	v40 =	vimm.s32 $0x7FFFFFFF  }
0x2e5: {  	v38 =	vimm.s32 $0x7FFFFFFF;
	v33 =	vimm.s32 $0x7FFFFFFF;
	v34 =	vimm.s32 $0x7FFFFFFF  }
0x2e6: {  	s0 =	simm.s32 $0x6180  }
0x2e7: {  	v23 =	vld [tilespmem:s0+$0x0]  }
0x2e8: {  	p3 =	sne.s32 s23, $0x1  }
.Ltmp13:
0x2e9: {  	s31 =	simm.s32 $0x0;
	(pc) =	sbr.rel @!p3 .LBB2_20-.Ltmp13, $4  }
0x2ea: {  	v37 =	vmov s24;
	v22 =	vor.u32 s31, v5  }
0x2eb: {  	vm0 =	vlt.s32 v22, v37  }
0x2ec: {  	v38 =	vmov s20;
	s20 =	sadd.s32 $0xFFFFFFFF, s23;
	v22 =	vnsel vm0, $0x0, v23  }
0x2ed: {  	v34 =	vimm.f32 $-Inf;
	v33 =	vimm.s32 $0x7FFFFFFF;
	s2 =	simm.s32 $0x6190;
	p1 =	por $0x0, $0x0;
	p2 =	por $0x0, $0x0;
	v39 =	vadd.s32 v38, v22  }
0x2ee: {  	_ =	sdelay $0x3  }
0x2ef: {  	v22 =	vld.idx.msk [tilespmem:v39+s3+$0x0], $0xffff  }
0x2f0: {  	v42 =	vld [tilespmem:s2+$0x0]  }
0x2f1: {  	p3 =	sne.s32 s20, $0x1  }
.Ltmp14:
0x2f2: {  	s0 =	simm.s32 $0x10;
	(pc) =	sbr.rel @!p3 .LBB2_22-.Ltmp14, $4  }
0x2f3: {  	v53 =	vnsel vm0, $0x7FFFFFFF, v23;
	vm1 =	vmmov vm0;
	v23 =	vor.u32 s0, v5  }
0x2f4: {  	vm0 =	vlt.s32 v23, v37;
	v48 =	vnsel vm1, $0xFF800000, v22  }
0x2f5: {  	v22 =	vnsel vm0, $0x0, v42;
	vm1 =	vgt.f32 v48, v34  }
0x2f6: {  	s23 =	sadd.s32 $0xFFFFFFFF, s20;
	s2 =	simm.s32 $0x61A0;
	p1 =	por $0x1, $0x1;
	v39 =	vadd.s32 v38, v22;
	v40 =	vsel vm1, v34, v48  }
0x2f7: {  	_ =	sdelay $0x1  }
0x2f8: {  	v23 =	vld [tilespmem:s2+$0x0];
	v22 =	vsel vm1, v48, v34;
	v50 =	vnsel vm0, $0x7FFFFFFF, v42  }
0x2f9: {  	v35 =	vsel vm1, v53, v33;
	vm3 =	vmmov vm0;
	v47 =	vsel vm1, v33, v53  }
0x2fa: {  	v41 =	vld.idx.msk [tilespmem:v39+s3+$0x0], $0xffff;
	s20 =	simm.s32 $0x20;
	vm2 =	vgt.f32 v40, v34;
	v45 =	vimm.f32 $-Inf;
	v46 =	vimm.s32 $0x7FFFFFFF  }
0x2fb: {  	v49 =	vimm.s32 $0x7FFFFFFF;
	v36 =	vor.u32 s20, v5;
	v62 =	vsel vm2, v34, v40  }
0x2fc: {  	p3 =	sne.s32 s23, $0x1;
	v43 =	vsel vm2, v33, v47;
	vm0 =	vlt.s32 v36, v37;
	vm4 =	vgt.f32 v62, v34  }
.Ltmp15:
0x2fd: {  	v36 =	vsel vm2, v40, v34;
	v42 =	vsel vm4, v62, v34;
	v63 =	vnsel vm0, $0x0, v23;
	(pc) =	sbr.rel @!p3 .LBB2_24-.Ltmp15, $4  }
0x2fe: {  	v44 =	vsel vm4, v34, v62;
	v52 =	vsel vm4, v33, v43;
	v39 =	vadd.s32 v38, v63  }
0x2ff: {  	v43 =	vsel vm4, v43, v33;
	v48 =	vnsel vm3, $0xFF800000, v41;
	vm3 =	vgt.f32 v44, v34  }
0x300: {  	v41 =	vimm.s32 $0x7FFFFFFF;
	vm1 =	vgt.f32 v48, v22;
	v54 =	vsel vm3, v34, v44  }
0x301: {  	s23 =	sadd.s32 $0xFFFFFFFF, s23;
	s24 =	simm.s32 $0x61B0;
	p2 =	por $0x1, $0x1;
	v51 =	vmovc v35;
	v44 =	vsel vm3, v44, v34;
	v40 =	vsel vm1, v22, v48;
	vm4 =	vgt.f32 v54, v34  }
.LBB2_25:
0x302: {  	v53 =	vld [tilespmem:s24+$0x0];
	p3 =	sne.s32 s23, $0x1;
	s23 =	sadd.s32 $0xFFFFFFFF, s23;
	v55 =	vsel vm3, v41, v52;
	v41 =	vsel vm3, v52, v41;
	v45 =	vsel vm4, v54, v45  }
0x303: {  	v22 =	vsel vm1, v48, v22;
	v46 =	vsel vm2, v47, v46;
	v52 =	vld.idx.msk [tilespmem:v39+s3+$0x0], $0xffff;
	v49 =	vsel vm4, v55, v49  }
0x304: {  	v23 =	vnsel vm0, $0x7FFFFFFF, v23;
	s20 =	sadd.s32 $0x10, s20;
	v35 =	vsel vm1, v50, v35;
	vm3 =	vmmov vm0  }
0x305: {  	v47 =	vsel vm1, v51, v50;
	vm2 =	vgt.f32 v40, v36;
	v39 =	vor.u32 s20, v5;
	v50 =	vmovc v23;
	v51 =	vmovc v35  }
0x306: {  	v48 =	vsel vm2, v36, v40;
	v36 =	vsel vm2, v40, v36;
	vm0 =	vlt.s32 v39, v37  }
.Ltmp16:
0x307: {  	v40 =	vsel vm2, v46, v47;
	vm4 =	vgt.f32 v48, v42;
	v39 =	vnsel vm0, $0x0, v53;
	v23 =	vmovc v53;
	(pc) =	sbr.rel @p3 .LBB2_25-.Ltmp16, $4  }
0x308: {  	v53 =	vsel vm4, v42, v48;
	v42 =	vsel vm4, v48, v42;
	v39 =	vadd.s32 v38, v39  }
0x309: {  	v48 =	vnsel vm3, $0xFF800000, v52;
	v52 =	vsel vm4, v43, v40;
	vm3 =	vgt.f32 v53, v44  }
0x30a: {  	v43 =	vsel vm4, v40, v43;
	vm1 =	vgt.f32 v48, v22;
	v54 =	vsel vm3, v44, v53  }
0x30b: {  	s24 =	sadd.s32 $0x10, s24;
	v44 =	vsel vm3, v53, v44;
	v40 =	vsel vm1, v22, v48;
	vm4 =	vgt.f32 v54, v45  }
.Ltmp17:
0x30c: {  	(pc) =	sbr.rel .LBB2_27-.Ltmp17, $2  }
0x30d: {  	_ =	sdelay $0x2  }
0x30e: {  	v53 =	vmov v50  }
.LBB2_10:
.Ltmp18:
0x30f: {  	(pc) =	sbr.rel .LBB2_17-.Ltmp18, $4  }
0x310: {  	v33 =	vimm.s32 $0x7FFFFFFF  }
0x311: {  	v37 =	vimm.f32 $-Inf;
	v25 =	vimm.f32 $-Inf;
	v38 =	vimm.s32 $0x7FFFFFFF  }
0x312: {  	v41 =	vimm.s32 $0x7FFFFFFF;
	v27 =	vimm.s32 $0x7FFFFFFF;
	v28 =	vimm.f32 $-Inf  }
0x313: {  	v34 =	vimm.f32 $-Inf;
	v35 =	vimm.s32 $0x7FFFFFFF;
	v36 =	vimm.f32 $-Inf  }
.LBB2_12:
.Ltmp19:
0x314: {  	(pc) =	sbr.rel .LBB2_17-.Ltmp19, $4  }
0x315: {  	v33 =	vimm.s32 $0x7FFFFFFF;
	v37 =	vimm.f32 $-Inf  }
0x316: {  	v25 =	vimm.f32 $-Inf;
	v38 =	vimm.s32 $0x7FFFFFFF;
	v41 =	vimm.s32 $0x7FFFFFFF  }
0x317: {  	v27 =	vimm.s32 $0x7FFFFFFF;
	v43 =	vimm.s32 $0x7FFFFFFF;
	v28 =	vimm.f32 $-Inf  }
0x318: {  	v26 =	vmovc v34;
	v34 =	vimm.f32 $-Inf;
	v35 =	vimm.s32 $0x7FFFFFFF;
	v36 =	vimm.f32 $-Inf  }
.LBB2_22:
.Ltmp20:
0x319: {  	(pc) =	sbr.rel .LBB2_27-.Ltmp20, $4  }
0x31a: {  	v41 =	vimm.s32 $0x7FFFFFFF;
	v45 =	vimm.f32 $-Inf  }
0x31b: {  	v22 =	vimm.f32 $-Inf;
	v46 =	vimm.s32 $0x7FFFFFFF;
	v49 =	vimm.s32 $0x7FFFFFFF  }
0x31c: {  	v35 =	vimm.s32 $0x7FFFFFFF;
	v51 =	vimm.s32 $0x7FFFFFFF;
	v36 =	vimm.f32 $-Inf  }
0x31d: {  	v23 =	vmovc v42;
	v42 =	vimm.f32 $-Inf;
	v43 =	vimm.s32 $0x7FFFFFFF;
	v44 =	vimm.f32 $-Inf  }
.LBB2_14:
.Ltmp21:
0x31e: {  	(pc) =	sbr.rel .LBB2_17-.Ltmp21, $3  }
0x31f: {  	_ =	sdelay $0x1  }
0x320: {  	v33 =	vimm.s32 $0x7FFFFFFF  }
0x321: {  	v37 =	vimm.f32 $-Inf;
	v38 =	vimm.s32 $0x7FFFFFFF;
	v41 =	vimm.s32 $0x7FFFFFFF;
	v45 =	vmovc v42;
	v43 =	vmovc v27  }
.LBB2_24:
.Ltmp22:
0x322: {  	(pc) =	sbr.rel .LBB2_27-.Ltmp22, $3  }
0x323: {  	_ =	sdelay $0x1  }
0x324: {  	v41 =	vimm.s32 $0x7FFFFFFF  }
0x325: {  	v45 =	vimm.f32 $-Inf;
	v46 =	vimm.s32 $0x7FFFFFFF;
	v49 =	vimm.s32 $0x7FFFFFFF;
	v53 =	vmovc v50;
	v51 =	vmovc v35  }
.LBB2_30:
0x326: {  	_ =	sfence.sel $0x180000  }
0x327: {  	[bflag:$0x0] =	sbarrier.arrive $0xFFFF  }
0x328: {  	_ =	strace $0x90000047  }
0x329: {  	s0 =	stileid.u32;
	[bflag:$0x2] =	sbarrier.arrive $0xFFFF  }
0x32a: {  	p0 =	sne.s32 s0, $0x0;
	s0 =	rddreg [dreg:$0x2]  }
0x32b: {  	s0 =	sadd.s32 @!p0 $0x100000, s0  }
0x32c: {  	[sflag:s0] =	ssyncadd.tile.s32 @!p0 $0x1;
	_ =	shalt  }
.Lfunc_end2:
_tile_overlayer_lowered:
.L_overlay_start_2:
0x32d: {  	(tag) =	ssettag $0x2  }
0x32e: {  	s0 =	rddreg [dreg:$0x0];
	s2 =	stileid.u32  }
0x32f: {  	s1 =	rddreg [dreg:$0x1];
	p0 =	sne.s32 s2, $0x0  }
0x330: {  	s3 =	rddreg [dreg:$0x2];
	[bflag:$0x3] =	sbarrier.arrive $0xFFFF;
	s2 =	simm.s32 @!p0 $0x1C02  }
0x331: {  	[timem:s3], [sflag:s2] =	dma.local @!p0 [hbm:s0], s1  }
0x332: {  	s0 =	simm.s32 @!p0 $0x2  }
0x333: {  	_ =	swait.ge @!p0 [sflag:s0], s1  }
0x334: {  	s1 =	ssub.s32 @!p0 $0x0, s1;
	[sflag:s0] =	ssyncset.done @!p0 $0x0  }
0x335: {  	[sflag:s0] =	ssyncadd.s32 @!p0 s1  }
0x336: {  	[bflag:$0x3] =	sbarrier.arrive $0xFFFF  }
0x337: {  	_ =	shalt  }

</sc_bundles>
